<compile_context>
chip_gen: v7x
topology: tpu7x:2x2x1
jax: 0.10.2.dev20260603
libtpu: 0.0.44.dev20260713+nightly
codegen_flags: <defaults>
</compile_context>

<pallas_src>
import functools

import jax
import jax.numpy as jnp
from jax import lax
from jax.experimental import pallas as pl
from jax.experimental.pallas import tpu as pltpu
from jax.experimental.pallas import tpu_sc as plsc

N = 10000
D = 128
E = 320000
CH = 80
NC = 2
NS = 16
NW = NC * NS
EPT = E // NW
CPT = 125
PADE = CPT * CH - EPT
IB = 25
NPAD = 10240
DUMP = NPAD
RPT = NPAD // NS
L = 16


def _agg_body(x_hbm, ei_hbm, p_hbm, cnt_hbm, srcA, dstA, srcB, dstB,
              buf0, buf1, buf2, cnt_v, acc_sh, g0, g1, g2, gI):
    c = lax.axis_index("c")
    s = lax.axis_index("s")
    wid = c * NS + s

    def zrow(i, carry):
        buf0[i // 8, pl.ds((i % 8) * L, L)] = jnp.zeros((L,), jnp.float32)
        return carry
    lax.fori_loop(0, CH * 8, zrow, 0)
    for j in range(RPT // CH):
        off = pl.multiple_of(s * RPT + j * CH, 8)
        pltpu.async_copy(buf0, acc_sh.at[pl.ds(off, CH)], g0)

    def zc(i, carry):
        cnt_v[pl.ds(i * L, L)] = jnp.zeros((L,), jnp.float32)
        return carry
    lax.fori_loop(0, (NPAD + L) // L, zc, 0)
    pltpu.async_copy(ei_hbm.at[0, wid, pl.ds(0, IB)], srcA, gI)
    pltpu.async_copy(ei_hbm.at[1, wid, pl.ds(0, IB)], dstA, gI)
    for j in range(RPT // CH):
        pltpu.make_async_copy(buf0, acc_sh.at[pl.ds(0, CH)], g0).wait()
    pltpu.make_async_copy(ei_hbm.at[0, wid, pl.ds(0, IB)], srcA, gI).wait()
    pltpu.make_async_copy(ei_hbm.at[1, wid, pl.ds(0, IB)], dstA, gI).wait()
    plsc.subcore_barrier()

    ones = jnp.ones((L,), jnp.float32)
    bufs = (buf0, buf1, buf2)
    sems = (g0, g1, g2)

    def wait(sem):
        pltpu.make_async_copy(x_hbm.at[pl.ds(0, CH)], buf0, sem).wait()

    for blk in range(CPT // IB):
        src_v, dst_v = (srcA, dstA) if blk % 2 == 0 else (srcB, dstB)
        if blk + 1 < CPT // IB:
            nsrc, ndst = (srcB, dstB) if blk % 2 == 0 else (srcA, dstA)
            pltpu.async_copy(ei_hbm.at[0, wid, pl.ds((blk + 1) * IB, IB)],
                             nsrc, gI)
            pltpu.async_copy(ei_hbm.at[1, wid, pl.ds((blk + 1) * IB, IB)],
                             ndst, gI)

        def counts(k):
            for i in range(CH // L):
                plsc.addupdate_scatter(cnt_v, [dst_v[k, pl.ds(i * L, L)]],
                                       ones)

        def gissue(k, buf, sem):
            pltpu.async_copy(x_hbm.at[src_v.at[k]], buf, sem)

        def consume(j, t):
            wait(sems[t])
            counts(j)
            pltpu.sync_copy(bufs[t], acc_sh.at[dst_v.at[j]], add=True)

        gissue(0, buf0, g0)
        gissue(1, buf1, g1)
        gissue(2, buf2, g2)

        def triple(i, carry):
            for t in range(3):
                j = 3 * i + t
                consume(j, t)
                gissue(j + 3, bufs[t], sems[t])
            return carry
        lax.fori_loop(0, IB // 3 - 1, triple, 0)

        consume(IB - 4, 0)
        gissue(IB - 1, buf0, g0)
        consume(IB - 3, 1)
        consume(IB - 2, 2)
        consume(IB - 1, 0)
        if blk + 1 < CPT // IB:
            pltpu.make_async_copy(ei_hbm.at[0, wid, pl.ds(0, IB)], nsrc,
                                  gI).wait()
            pltpu.make_async_copy(ei_hbm.at[1, wid, pl.ds(0, IB)], ndst,
                                  gI).wait()

    plsc.subcore_barrier()
    def roff(j):
        return pl.multiple_of(s * RPT + j * CH, 8)
    pltpu.async_copy(acc_sh.at[pl.ds(roff(0), CH)], buf0, g0)
    for j in range(RPT // CH):
        b, sem = (buf0, g0) if j % 2 == 0 else (buf1, g1)
        pltpu.make_async_copy(acc_sh.at[pl.ds(roff(j), CH)], b, sem).wait()
        if j + 1 < RPT // CH:
            nb, nsem = (buf1, g1) if j % 2 == 0 else (buf0, g0)
            pltpu.async_copy(acc_sh.at[pl.ds(roff(j + 1), CH)], nb, nsem)
        pltpu.sync_copy(b, p_hbm.at[c, pl.ds(roff(j), CH)])
    pltpu.sync_copy(cnt_v.at[pl.ds(0, NPAD)], cnt_hbm.at[wid])


_AGG_CNT = pl.kernel(
    _agg_body,
    out_type=[
        jax.ShapeDtypeStruct((NC, NPAD, D), jnp.float32),
        jax.ShapeDtypeStruct((NW, NPAD), jnp.float32),
    ],
    mesh=plsc.VectorSubcoreMesh(core_axis_name="c", subcore_axis_name="s"),
    scratch_types=[
        pltpu.VMEM((IB, CH), jnp.int32),
        pltpu.VMEM((IB, CH), jnp.int32),
        pltpu.VMEM((IB, CH), jnp.int32),
        pltpu.VMEM((IB, CH), jnp.int32),
        pltpu.VMEM((CH, D), jnp.float32),
        pltpu.VMEM((CH, D), jnp.float32),
        pltpu.VMEM((CH, D), jnp.float32),
        pltpu.VMEM((NPAD + L,), jnp.float32),
        pltpu.VMEM_SHARED((NPAD + 8, D), jnp.float32),
        pltpu.SemaphoreType.DMA,
        pltpu.SemaphoreType.DMA,
        pltpu.SemaphoreType.DMA,
        pltpu.SemaphoreType.DMA,
    ],
    compiler_params=pltpu.CompilerParams(
        use_tc_tiling_on_sc=False, needs_layout_passes=False),
)

BN = 2048


def _layer_body(p_ref, c_ref, x_ref, wl_ref, wr_ref, b_ref, f_ref, o_ref):
    psum = p_ref[0] + p_ref[1]
    cnt_col = lax.dot_general(
        c_ref[...], jnp.ones((NW, 1), jnp.float32),
        (((0,), (0,)), ((), ())),
        preferred_element_type=jnp.float32,
        precision=lax.Precision.HIGHEST,
    )
    mean = psum / jnp.maximum(cnt_col, 1.0)
    acc = (
        jnp.dot(mean, wl_ref[...], preferred_element_type=jnp.float32)
        + jnp.dot(x_ref[...], wr_ref[...], preferred_element_type=jnp.float32)
        + b_ref[...]
    )
    o_ref[...] = jnp.maximum(acc, acc * f_ref[...])


_LAYER = pl.pallas_call(
    _layer_body,
    grid=(NPAD // BN,),
    in_specs=[
        pl.BlockSpec((NC, BN, D), lambda i: (0, i, 0)),
        pl.BlockSpec((NW, BN), lambda i: (0, i)),
        pl.BlockSpec((BN, D), lambda i: (i, 0)),
        pl.BlockSpec((D, D), lambda i: (0, 0)),
        pl.BlockSpec((D, D), lambda i: (0, 0)),
        pl.BlockSpec((1, D), lambda i: (0, 0)),
        pl.BlockSpec((1, D), lambda i: (0, 0)),
    ],
    out_specs=pl.BlockSpec((BN, D), lambda i: (i, 0)),
    out_shape=jax.ShapeDtypeStruct((N, D), jnp.float32),
)


def kernel(x, edge_index, Wl1, Wr1, b1, Wl2, Wr2, b2):
    ei4 = edge_index.reshape(2, NW, CPT, CH)
    Wl = jnp.stack([Wl1, Wl2])
    Wr = jnp.stack([Wr1, Wr2])
    bb = jnp.stack([b1.reshape(1, D), b2.reshape(1, D)])
    ff = jnp.stack([jnp.zeros((1, D), jnp.float32),
                    jnp.ones((1, D), jnp.float32)])

    def step(feat, ws):
        wl, wr, b, f = ws
        p, cnt = _AGG_CNT(feat, ei4)
        return _LAYER(p, cnt, feat, wl, wr, b, f), 0.0

    out, _ = lax.scan(step, x, (Wl, Wr, bb, ff))
    return out

# --- scband reference (transcript-rebuilt; emitter-appended) ---
"""Pipeline reference for scband-graph-sage-gnn-609885356389 (READ-ONLY COPY).

The authoritative reference and input builder live on the scoring server;
editing this copy changes nothing except your own understanding.
"""

import jax, jax.numpy as jnp
import numpy as np

N = 10000
E = 320000
D = 128
H = 128
O = 128


def setup_inputs(seed: int = 0) -> dict:
    key = jax.random.key(seed)
    ks = jax.random.split(key, 9)
    x = jax.random.normal(ks[0], (N, D), dtype=jnp.float32)
    edge_index = jax.random.randint(ks[1], (2, E), 0, N, dtype=jnp.int32)
    Wl1 = jax.random.normal(ks[2], (D, H), dtype=jnp.float32) * (1.0 / np.sqrt(D))
    Wr1 = jax.random.normal(ks[3], (D, H), dtype=jnp.float32) * (1.0 / np.sqrt(D))
    b1 = jnp.zeros((H,), dtype=jnp.float32)
    Wl2 = jax.random.normal(ks[4], (H, O), dtype=jnp.float32) * (1.0 / np.sqrt(H))
    Wr2 = jax.random.normal(ks[5], (H, O), dtype=jnp.float32) * (1.0 / np.sqrt(H))
    b2 = jnp.zeros((O,), dtype=jnp.float32)
    return {"x": x, "edge_index": edge_index, "Wl1": Wl1, "Wr1": Wr1, "b1": b1, "Wl2": Wl2, "Wr2": Wr2, "b2": b2}


def sage_layer(x, edge_index, Wl, Wr, b):
    # PyG SAGEConv (aggr='mean', root_weight=True, project=False):
    #   out = lin_l(mean_{j in N(i)} x_j) + lin_r(x_i) + bias
    src = edge_index[0]
    dst = edge_index[1]
    num_nodes = x.shape[0]
    msgs = jnp.take(x, src, axis=0)                       # gather x_j
    agg = jax.ops.segment_sum(msgs, dst, num_segments=num_nodes)  # scatter-add
    cnt = jax.ops.segment_sum(jnp.ones((edge_index.shape[1],), dtype=x.dtype), dst, num_segments=num_nodes)
    mean = agg / jnp.clip(cnt, 1.0, None)[:, None]
    return mean @ Wl + x @ Wr + b


def reference(x, edge_index, Wl1, Wr1, b1, Wl2, Wr2, b2):
    h = jax.nn.relu(sage_layer(x, edge_index, Wl1, Wr1, b1))
    out = sage_layer(h, edge_index, Wl2, Wr2, b2)
    return out

if __name__ == "__main__":
    import jax
    _d = setup_inputs()
    print(jax.jit(kernel)(*tuple(_d.values())))

</pallas_src>

<mosaic_0001>
#map = affine_map<(d0, d1) -> (0, 0)>
#map1 = affine_map<(d0, d1) -> (0, 0, 0, 0)>
#map2 = affine_map<(d0, d1) -> (0, 0, 0)>
module attributes {stable_mosaic.version = 14 : i64} {
  func.func @_agg_body(%arg0: i32, %arg1: i32, %arg2: memref<10000x128xf32, #tpu.memory_space<hbm>>, %arg3: memref<2x32x125x80xi32, #tpu.memory_space<hbm>>, %arg4: memref<2x10240x128xf32, #tpu.memory_space<hbm>>, %arg5: memref<32x10240xf32, #tpu.memory_space<hbm>>, %arg6: memref<25x80xi32, #tpu.memory_space<vmem>>, %arg7: memref<25x80xi32, #tpu.memory_space<vmem>>, %arg8: memref<25x80xi32, #tpu.memory_space<vmem>>, %arg9: memref<25x80xi32, #tpu.memory_space<vmem>>, %arg10: memref<80x128xf32, #tpu.memory_space<vmem>>, %arg11: memref<80x128xf32, #tpu.memory_space<vmem>>, %arg12: memref<80x128xf32, #tpu.memory_space<vmem>>, %arg13: memref<10256xf32, #tpu.memory_space<vmem>>, %arg14: memref<10248x128xf32, #tpu.memory_space<vmem_shared>>, %arg15: memref<!tpu.dma_semaphore, #tpu.memory_space<semaphore_mem>>, %arg16: memref<!tpu.dma_semaphore, #tpu.memory_space<semaphore_mem>>, %arg17: memref<!tpu.dma_semaphore, #tpu.memory_space<semaphore_mem>>, %arg18: memref<!tpu.dma_semaphore, #tpu.memory_space<semaphore_mem>>) attributes {dimension_semantics = [#tpu.dimension_semantics<core_parallel>, #tpu.dimension_semantics<subcore_parallel>], iteration_bounds = array<i64: 2, 16>, scalar_prefetch = 0 : i64, scratch_operands = 13 : i64, tpu.core_type = #tpu.core_type<sc_vector_subcore>, window_params = [{transform_indices = #map}, {transform_indices = #map1}, {transform_indices = #map2}, {transform_indices = #map}]} {
    %mul3A = arith.constant 16 : i32
    %mul3A_0 = arith.muli %arg0, %mul3A : i32
    %add3A = arith.addi %mul3A_0, %arg1 : i32
    %scan3A = arith.constant 0 : i32
    %scan3A_1 = arith.constant 0 : i32
    %scan3A_2 = arith.constant 640 : i32
    %scan3A_3 = arith.addi %scan3A_1, %scan3A_2 : i32
    %scan3A_4 = arith.constant 1 : i32
    scf.for %scan3A_1203 = %scan3A_1 to %scan3A_3 step %scan3A_4  : i32 {
      %broadcast_in_dim3A_1204 = arith.constant 0.000000e+00 : f32
      %broadcast_in_dim3A_1205 = vector.broadcast %broadcast_in_dim3A_1204 : f32 to vector<16xf32>
      %jit3A = arith.constant 8 : i32
      %div3A = arith.divsi %scan3A_1203, %jit3A : i32
      %sign3A = arith.constant 0 : i32
      %sign3A_1206 = arith.cmpi sgt, %scan3A_1203, %sign3A : i32
      %sign3A_1207 = arith.extui %sign3A_1206 : i1 to i32
      %sign3A_1208 = arith.constant 0 : i32
      %sign3A_1209 = arith.cmpi slt, %scan3A_1203, %sign3A_1208 : i32
      %sign3A_1210 = arith.extui %sign3A_1209 : i1 to i32
      %sign3A_1211 = arith.subi %sign3A_1207, %sign3A_1210 : i32
      %sign3A_1212 = arith.constant 0 : i32
      %sign3A_1213 = arith.cmpi sgt, %jit3A, %sign3A_1212 : i32
      %sign3A_1214 = arith.extui %sign3A_1213 : i1 to i32
      %sign3A_1215 = arith.constant 0 : i32
      %sign3A_1216 = arith.cmpi slt, %jit3A, %sign3A_1215 : i32
      %sign3A_1217 = arith.extui %sign3A_1216 : i1 to i32
      %sign3A_1218 = arith.subi %sign3A_1214, %sign3A_1217 : i32
      %ne3A = arith.cmpi ne, %sign3A_1211, %sign3A_1218 : i32
      %rem3A = arith.remsi %scan3A_1203, %jit3A : i32
      %ne3A_1219 = arith.constant 0 : i32
      %ne3A_1220 = arith.cmpi ne, %rem3A, %ne3A_1219 : i32
      %and3A = arith.andi %ne3A, %ne3A_1220 : i1
      %sub3A = arith.constant 1 : i32
      %sub3A_1221 = arith.subi %div3A, %sub3A : i32
      %select_n3A = arith.select %and3A, %sub3A_1221, %div3A : i32
      %jit3A_1222 = arith.constant 8 : i32
      %eq3A = arith.constant 0 : i32
      %eq3A_1223 = arith.cmpi eq, %jit3A_1222, %eq3A : i32
      %jit3A_1224 = arith.constant 1 : i32
      %select_n3A_1225 = arith.select %eq3A_1223, %jit3A_1224, %jit3A_1222 : i32
      %rem3A_1226 = arith.remsi %scan3A_1203, %select_n3A_1225 : i32
      %ne3A_1227 = arith.constant 0 : i32
      %ne3A_1228 = arith.cmpi ne, %rem3A_1226, %ne3A_1227 : i32
      %lt3A = arith.constant 0 : i32
      %lt3A_1229 = arith.cmpi slt, %rem3A_1226, %lt3A : i32
      %lt3A_1230 = arith.constant 0 : i32
      %lt3A_1231 = arith.cmpi slt, %select_n3A_1225, %lt3A_1230 : i32
      %ne3A_1232 = arith.xori %lt3A_1229, %lt3A_1231 : i1
      %and3A_1233 = arith.andi %ne3A_1232, %ne3A_1228 : i1
      %add3A_1234 = arith.addi %rem3A_1226, %select_n3A_1225 : i32
      %select_n3A_1235 = arith.select %and3A_1233, %add3A_1234, %rem3A_1226 : i32
      %mul3A_1236 = arith.constant 16 : i32
      %mul3A_1237 = arith.muli %select_n3A_1235, %mul3A_1236 : i32
      %swap3A = arith.index_cast %select_n3A : i32 to index
      %swap3A_1238 = arith.index_cast %mul3A_1237 : i32 to index
      %swap3A_1239 = tpu.vector_load %arg10[%swap3A, %swap3A_1238] {strides = array<i32>} : memref<80x128xf32, #tpu.memory_space<vmem>>, vector<16xf32>,
      tpu.vector_store %arg10[%swap3A, %swap3A_1238], %broadcast_in_dim3A_1205 {strides = array<i32>} : memref<80x128xf32, #tpu.memory_space<vmem>>, vector<16xf32>,
    }
    %scan3A_5 = arith.constant 640 : i32
    %mul3A_6 = arith.constant 640 : i32
    %mul3A_7 = arith.muli %arg1, %mul3A_6 : i32
    %add3A_8 = arith.constant 0 : i32
    %add3A_9 = arith.addi %mul3A_7, %add3A_8 : i32
    %multiple_of3A = tpu.assume_multiple %add3A_9, 8 : i32
    %dma_start3A = arith.constant 0 : i32
    %dma_start3A_10 = tpu.memref_slice %arg14[%multiple_of3A, %dma_start3A] : memref<10248x128xf32, #tpu.memory_space<vmem_shared>> -> memref<80x128xf32, #tpu.memory_space<vmem_shared>>
    %dma_start3A_11 = arith.constant 0 : i32
    %dma_start3A_12 = tpu.memref_slice %arg14[%multiple_of3A, %dma_start3A_11] : memref<10248x128xf32, #tpu.memory_space<vmem_shared>> -> memref<80x128xf32, #tpu.memory_space<vmem_shared>>
    tpu.enqueue_dma source(%arg10 : memref<80x128xf32, #tpu.memory_space<vmem>>) target(%dma_start3A_12 : memref<80x128xf32, #tpu.memory_space<vmem_shared>>) target_semaphore(%arg15 : memref<!tpu.dma_semaphore, #tpu.memory_space<semaphore_mem>>)
    %mul3A_13 = arith.constant 640 : i32
    %mul3A_14 = arith.muli %arg1, %mul3A_13 : i32
    %add3A_15 = arith.constant 80 : i32
    %add3A_16 = arith.addi %mul3A_14, %add3A_15 : i32
    %multiple_of3A_17 = tpu.assume_multiple %add3A_16, 8 : i32
    %dma_start3A_18 = arith.constant 0 : i32
    %dma_start3A_19 = tpu.memref_slice %arg14[%multiple_of3A_17, %dma_start3A_18] : memref<10248x128xf32, #tpu.memory_space<vmem_shared>> -> memref<80x128xf32, #tpu.memory_space<vmem_shared>>
    %dma_start3A_20 = arith.constant 0 : i32
    %dma_start3A_21 = tpu.memref_slice %arg14[%multiple_of3A_17, %dma_start3A_20] : memref<10248x128xf32, #tpu.memory_space<vmem_shared>> -> memref<80x128xf32, #tpu.memory_space<vmem_shared>>
    tpu.enqueue_dma source(%arg10 : memref<80x128xf32, #tpu.memory_space<vmem>>) target(%dma_start3A_21 : memref<80x128xf32, #tpu.memory_space<vmem_shared>>) target_semaphore(%arg15 : memref<!tpu.dma_semaphore, #tpu.memory_space<semaphore_mem>>)
    %mul3A_22 = arith.constant 640 : i32
    %mul3A_23 = arith.muli %arg1, %mul3A_22 : i32
    %add3A_24 = arith.constant 160 : i32
    %add3A_25 = arith.addi %mul3A_23, %add3A_24 : i32
    %multiple_of3A_26 = tpu.assume_multiple %add3A_25, 8 : i32
    %dma_start3A_27 = arith.constant 0 : i32
    %dma_start3A_28 = tpu.memref_slice %arg14[%multiple_of3A_26, %dma_start3A_27] : memref<10248x128xf32, #tpu.memory_space<vmem_shared>> -> memref<80x128xf32, #tpu.memory_space<vmem_shared>>
    %dma_start3A_29 = arith.constant 0 : i32
    %dma_start3A_30 = tpu.memref_slice %arg14[%multiple_of3A_26, %dma_start3A_29] : memref<10248x128xf32, #tpu.memory_space<vmem_shared>> -> memref<80x128xf32, #tpu.memory_space<vmem_shared>>
    tpu.enqueue_dma source(%arg10 : memref<80x128xf32, #tpu.memory_space<vmem>>) target(%dma_start3A_30 : memref<80x128xf32, #tpu.memory_space<vmem_shared>>) target_semaphore(%arg15 : memref<!tpu.dma_semaphore, #tpu.memory_space<semaphore_mem>>)
    %mul3A_31 = arith.constant 640 : i32
    %mul3A_32 = arith.muli %arg1, %mul3A_31 : i32
    %add3A_33 = arith.constant 240 : i32
    %add3A_34 = arith.addi %mul3A_32, %add3A_33 : i32
    %multiple_of3A_35 = tpu.assume_multiple %add3A_34, 8 : i32
    %dma_start3A_36 = arith.constant 0 : i32
    %dma_start3A_37 = tpu.memref_slice %arg14[%multiple_of3A_35, %dma_start3A_36] : memref<10248x128xf32, #tpu.memory_space<vmem_shared>> -> memref<80x128xf32, #tpu.memory_space<vmem_shared>>
    %dma_start3A_38 = arith.constant 0 : i32
    %dma_start3A_39 = tpu.memref_slice %arg14[%multiple_of3A_35, %dma_start3A_38] : memref<10248x128xf32, #tpu.memory_space<vmem_shared>> -> memref<80x128xf32, #tpu.memory_space<vmem_shared>>
    tpu.enqueue_dma source(%arg10 : memref<80x128xf32, #tpu.memory_space<vmem>>) target(%dma_start3A_39 : memref<80x128xf32, #tpu.memory_space<vmem_shared>>) target_semaphore(%arg15 : memref<!tpu.dma_semaphore, #tpu.memory_space<semaphore_mem>>)
    %mul3A_40 = arith.constant 640 : i32
    %mul3A_41 = arith.muli %arg1, %mul3A_40 : i32
    %add3A_42 = arith.constant 320 : i32
    %add3A_43 = arith.addi %mul3A_41, %add3A_42 : i32
    %multiple_of3A_44 = tpu.assume_multiple %add3A_43, 8 : i32
    %dma_start3A_45 = arith.constant 0 : i32
    %dma_start3A_46 = tpu.memref_slice %arg14[%multiple_of3A_44, %dma_start3A_45] : memref<10248x128xf32, #tpu.memory_space<vmem_shared>> -> memref<80x128xf32, #tpu.memory_space<vmem_shared>>
    %dma_start3A_47 = arith.constant 0 : i32
    %dma_start3A_48 = tpu.memref_slice %arg14[%multiple_of3A_44, %dma_start3A_47] : memref<10248x128xf32, #tpu.memory_space<vmem_shared>> -> memref<80x128xf32, #tpu.memory_space<vmem_shared>>
    tpu.enqueue_dma source(%arg10 : memref<80x128xf32, #tpu.memory_space<vmem>>) target(%dma_start3A_48 : memref<80x128xf32, #tpu.memory_space<vmem_shared>>) target_semaphore(%arg15 : memref<!tpu.dma_semaphore, #tpu.memory_space<semaphore_mem>>)
    %mul3A_49 = arith.constant 640 : i32
    %mul3A_50 = arith.muli %arg1, %mul3A_49 : i32
    %add3A_51 = arith.constant 400 : i32
    %add3A_52 = arith.addi %mul3A_50, %add3A_51 : i32
    %multiple_of3A_53 = tpu.assume_multiple %add3A_52, 8 : i32
    %dma_start3A_54 = arith.constant 0 : i32
    %dma_start3A_55 = tpu.memref_slice %arg14[%multiple_of3A_53, %dma_start3A_54] : memref<10248x128xf32, #tpu.memory_space<vmem_shared>> -> memref<80x128xf32, #tpu.memory_space<vmem_shared>>
    %dma_start3A_56 = arith.constant 0 : i32
    %dma_start3A_57 = tpu.memref_slice %arg14[%multiple_of3A_53, %dma_start3A_56] : memref<10248x128xf32, #tpu.memory_space<vmem_shared>> -> memref<80x128xf32, #tpu.memory_space<vmem_shared>>
    tpu.enqueue_dma source(%arg10 : memref<80x128xf32, #tpu.memory_space<vmem>>) target(%dma_start3A_57 : memref<80x128xf32, #tpu.memory_space<vmem_shared>>) target_semaphore(%arg15 : memref<!tpu.dma_semaphore, #tpu.memory_space<semaphore_mem>>)
    %mul3A_58 = arith.constant 640 : i32
    %mul3A_59 = arith.muli %arg1, %mul3A_58 : i32
    %add3A_60 = arith.constant 480 : i32
    %add3A_61 = arith.addi %mul3A_59, %add3A_60 : i32
    %multiple_of3A_62 = tpu.assume_multiple %add3A_61, 8 : i32
    %dma_start3A_63 = arith.constant 0 : i32
    %dma_start3A_64 = tpu.memref_slice %arg14[%multiple_of3A_62, %dma_start3A_63] : memref<10248x128xf32, #tpu.memory_space<vmem_shared>> -> memref<80x128xf32, #tpu.memory_space<vmem_shared>>
    %dma_start3A_65 = arith.constant 0 : i32
    %dma_start3A_66 = tpu.memref_slice %arg14[%multiple_of3A_62, %dma_start3A_65] : memref<10248x128xf32, #tpu.memory_space<vmem_shared>> -> memref<80x128xf32, #tpu.memory_space<vmem_shared>>
    tpu.enqueue_dma source(%arg10 : memref<80x128xf32, #tpu.memory_space<vmem>>) target(%dma_start3A_66 : memref<80x128xf32, #tpu.memory_space<vmem_shared>>) target_semaphore(%arg15 : memref<!tpu.dma_semaphore, #tpu.memory_space<semaphore_mem>>)
    %mul3A_67 = arith.constant 640 : i32
    %mul3A_68 = arith.muli %arg1, %mul3A_67 : i32
    %add3A_69 = arith.constant 560 : i32
    %add3A_70 = arith.addi %mul3A_68, %add3A_69 : i32
    %multiple_of3A_71 = tpu.assume_multiple %add3A_70, 8 : i32
    %dma_start3A_72 = arith.constant 0 : i32
    %dma_start3A_73 = tpu.memref_slice %arg14[%multiple_of3A_71, %dma_start3A_72] : memref<10248x128xf32, #tpu.memory_space<vmem_shared>> -> memref<80x128xf32, #tpu.memory_space<vmem_shared>>
    %dma_start3A_74 = arith.constant 0 : i32
    %dma_start3A_75 = tpu.memref_slice %arg14[%multiple_of3A_71, %dma_start3A_74] : memref<10248x128xf32, #tpu.memory_space<vmem_shared>> -> memref<80x128xf32, #tpu.memory_space<vmem_shared>>
    tpu.enqueue_dma source(%arg10 : memref<80x128xf32, #tpu.memory_space<vmem>>) target(%dma_start3A_75 : memref<80x128xf32, #tpu.memory_space<vmem_shared>>) target_semaphore(%arg15 : memref<!tpu.dma_semaphore, #tpu.memory_space<semaphore_mem>>)
    %scan3A_76 = arith.constant 0 : i32
    %scan3A_77 = arith.constant 0 : i32
    %scan3A_78 = arith.constant 641 : i32
    %scan3A_79 = arith.addi %scan3A_77, %scan3A_78 : i32
    %scan3A_80 = arith.constant 1 : i32
    scf.for %scan3A_1203 = %scan3A_77 to %scan3A_79 step %scan3A_80  : i32 {
      %broadcast_in_dim3A_1204 = arith.constant 0.000000e+00 : f32
      %broadcast_in_dim3A_1205 = vector.broadcast %broadcast_in_dim3A_1204 : f32 to vector<16xf32>
      %mul3A_1206 = arith.constant 16 : i32
      %mul3A_1207 = arith.muli %scan3A_1203, %mul3A_1206 : i32
      %swap3A = arith.index_cast %mul3A_1207 : i32 to index
      %swap3A_1208 = tpu.vector_load %arg13[%swap3A] {strides = array<i32>} : memref<10256xf32, #tpu.memory_space<vmem>>, vector<16xf32>,
      tpu.vector_store %arg13[%swap3A], %broadcast_in_dim3A_1205 {strides = array<i32>} : memref<10256xf32, #tpu.memory_space<vmem>>, vector<16xf32>,
    }
    %scan3A_81 = arith.constant 641 : i32
    %dma_start3A_82 = arith.constant 0 : i32
    %dma_start3A_83 = arith.constant 0 : i32
    %dma_start3A_84 = arith.constant 0 : i32
    %dma_start3A_85 = tpu.memref_slice %arg3[%dma_start3A_82, %add3A, %dma_start3A_83, %dma_start3A_84] : memref<2x32x125x80xi32, #tpu.memory_space<hbm>> -> memref<1x1x25x80xi32, #tpu.memory_space<hbm>>
    %dma_start3A_86 = tpu.memref_squeeze %dma_start3A_85 : memref<1x1x25x80xi32, #tpu.memory_space<hbm>> -> memref<25x80xi32, #tpu.memory_space<hbm>>
    %dma_start3A_87 = arith.constant 0 : i32
    %dma_start3A_88 = arith.constant 0 : i32
    %dma_start3A_89 = tpu.memref_slice %arg3[%dma_start3A_82, %add3A, %dma_start3A_87, %dma_start3A_88] : memref<2x32x125x80xi32, #tpu.memory_space<hbm>> -> memref<1x1x25x80xi32, #tpu.memory_space<hbm>>
    %dma_start3A_90 = tpu.memref_squeeze %dma_start3A_89 : memref<1x1x25x80xi32, #tpu.memory_space<hbm>> -> memref<25x80xi32, #tpu.memory_space<hbm>>
    tpu.enqueue_dma source(%dma_start3A_90 : memref<25x80xi32, #tpu.memory_space<hbm>>) target(%arg6 : memref<25x80xi32, #tpu.memory_space<vmem>>) target_semaphore(%arg18 : memref<!tpu.dma_semaphore, #tpu.memory_space<semaphore_mem>>)
    %dma_start3A_91 = arith.constant 1 : i32
    %dma_start3A_92 = arith.constant 0 : i32
    %dma_start3A_93 = arith.constant 0 : i32
    %dma_start3A_94 = tpu.memref_slice %arg3[%dma_start3A_91, %add3A, %dma_start3A_92, %dma_start3A_93] : memref<2x32x125x80xi32, #tpu.memory_space<hbm>> -> memref<1x1x25x80xi32, #tpu.memory_space<hbm>>
    %dma_start3A_95 = tpu.memref_squeeze %dma_start3A_94 : memref<1x1x25x80xi32, #tpu.memory_space<hbm>> -> memref<25x80xi32, #tpu.memory_space<hbm>>
    %dma_start3A_96 = arith.constant 0 : i32
    %dma_start3A_97 = arith.constant 0 : i32
    %dma_start3A_98 = tpu.memref_slice %arg3[%dma_start3A_91, %add3A, %dma_start3A_96, %dma_start3A_97] : memref<2x32x125x80xi32, #tpu.memory_space<hbm>> -> memref<1x1x25x80xi32, #tpu.memory_space<hbm>>
    %dma_start3A_99 = tpu.memref_squeeze %dma_start3A_98 : memref<1x1x25x80xi32, #tpu.memory_space<hbm>> -> memref<25x80xi32, #tpu.memory_space<hbm>>
    tpu.enqueue_dma source(%dma_start3A_99 : memref<25x80xi32, #tpu.memory_space<hbm>>) target(%arg7 : memref<25x80xi32, #tpu.memory_space<vmem>>) target_semaphore(%arg18 : memref<!tpu.dma_semaphore, #tpu.memory_space<semaphore_mem>>)
    %dma_wait3A = arith.constant 0 : i32
    %dma_wait3A_100 = arith.constant 0 : i32
    %dma_wait3A_101 = tpu.memref_slice %arg14[%dma_wait3A, %dma_wait3A_100] : memref<10248x128xf32, #tpu.memory_space<vmem_shared>> -> memref<80x128xf32, #tpu.memory_space<vmem_shared>>
    %dma_wait3A_102 = arith.constant 0 : i32
    %dma_wait3A_103 = arith.constant 0 : i32
    %dma_wait3A_104 = tpu.memref_slice %arg14[%dma_wait3A_102, %dma_wait3A_103] : memref<10248x128xf32, #tpu.memory_space<vmem_shared>> -> memref<80x128xf32, #tpu.memory_space<vmem_shared>>
    tpu.wait_dma2 semaphore(%arg15 : memref<!tpu.dma_semaphore, #tpu.memory_space<semaphore_mem>>) src(%arg10 : memref<80x128xf32, #tpu.memory_space<vmem>>) dst(%dma_wait3A_104 : memref<80x128xf32, #tpu.memory_space<vmem_shared>>)
    %dma_wait3A_105 = arith.constant 0 : i32
    %dma_wait3A_106 = arith.constant 0 : i32
    %dma_wait3A_107 = tpu.memref_slice %arg14[%dma_wait3A_105, %dma_wait3A_106] : memref<10248x128xf32, #tpu.memory_space<vmem_shared>> -> memref<80x128xf32, #tpu.memory_space<vmem_shared>>
    %dma_wait3A_108 = arith.constant 0 : i32
    %dma_wait3A_109 = arith.constant 0 : i32
    %dma_wait3A_110 = tpu.memref_slice %arg14[%dma_wait3A_108, %dma_wait3A_109] : memref<10248x128xf32, #tpu.memory_space<vmem_shared>> -> memref<80x128xf32, #tpu.memory_space<vmem_shared>>
    tpu.wait_dma2 semaphore(%arg15 : memref<!tpu.dma_semaphore, #tpu.memory_space<semaphore_mem>>) src(%arg10 : memref<80x128xf32, #tpu.memory_space<vmem>>) dst(%dma_wait3A_110 : memref<80x128xf32, #tpu.memory_space<vmem_shared>>)
    %dma_wait3A_111 = arith.constant 0 : i32
    %dma_wait3A_112 = arith.constant 0 : i32
    %dma_wait3A_113 = tpu.memref_slice %arg14[%dma_wait3A_111, %dma_wait3A_112] : memref<10248x128xf32, #tpu.memory_space<vmem_shared>> -> memref<80x128xf32, #tpu.memory_space<vmem_shared>>
    %dma_wait3A_114 = arith.constant 0 : i32
    %dma_wait3A_115 = arith.constant 0 : i32
    %dma_wait3A_116 = tpu.memref_slice %arg14[%dma_wait3A_114, %dma_wait3A_115] : memref<10248x128xf32, #tpu.memory_space<vmem_shared>> -> memref<80x128xf32, #tpu.memory_space<vmem_shared>>
    tpu.wait_dma2 semaphore(%arg15 : memref<!tpu.dma_semaphore, #tpu.memory_space<semaphore_mem>>) src(%arg10 : memref<80x128xf32, #tpu.memory_space<vmem>>) dst(%dma_wait3A_116 : memref<80x128xf32, #tpu.memory_space<vmem_shared>>)
    %dma_wait3A_117 = arith.constant 0 : i32
    %dma_wait3A_118 = arith.constant 0 : i32
    %dma_wait3A_119 = tpu.memref_slice %arg14[%dma_wait3A_117, %dma_wait3A_118] : memref<10248x128xf32, #tpu.memory_space<vmem_shared>> -> memref<80x128xf32, #tpu.memory_space<vmem_shared>>
    %dma_wait3A_120 = arith.constant 0 : i32
    %dma_wait3A_121 = arith.constant 0 : i32
    %dma_wait3A_122 = tpu.memref_slice %arg14[%dma_wait3A_120, %dma_wait3A_121] : memref<10248x128xf32, #tpu.memory_space<vmem_shared>> -> memref<80x128xf32, #tpu.memory_space<vmem_shared>>
    tpu.wait_dma2 semaphore(%arg15 : memref<!tpu.dma_semaphore, #tpu.memory_space<semaphore_mem>>) src(%arg10 : memref<80x128xf32, #tpu.memory_space<vmem>>) dst(%dma_wait3A_122 : memref<80x128xf32, #tpu.memory_space<vmem_shared>>)
    %dma_wait3A_123 = arith.constant 0 : i32
    %dma_wait3A_124 = arith.constant 0 : i32
    %dma_wait3A_125 = tpu.memref_slice %arg14[%dma_wait3A_123, %dma_wait3A_124] : memref<10248x128xf32, #tpu.memory_space<vmem_shared>> -> memref<80x128xf32, #tpu.memory_space<vmem_shared>>
    %dma_wait3A_126 = arith.constant 0 : i32
    %dma_wait3A_127 = arith.constant 0 : i32
    %dma_wait3A_128 = tpu.memref_slice %arg14[%dma_wait3A_126, %dma_wait3A_127] : memref<10248x128xf32, #tpu.memory_space<vmem_shared>> -> memref<80x128xf32, #tpu.memory_space<vmem_shared>>
    tpu.wait_dma2 semaphore(%arg15 : memref<!tpu.dma_semaphore, #tpu.memory_space<semaphore_mem>>) src(%arg10 : memref<80x128xf32, #tpu.memory_space<vmem>>) dst(%dma_wait3A_128 : memref<80x128xf32, #tpu.memory_space<vmem_shared>>)
    %dma_wait3A_129 = arith.constant 0 : i32
    %dma_wait3A_130 = arith.constant 0 : i32
    %dma_wait3A_131 = tpu.memref_slice %arg14[%dma_wait3A_129, %dma_wait3A_130] : memref<10248x128xf32, #tpu.memory_space<vmem_shared>> -> memref<80x128xf32, #tpu.memory_space<vmem_shared>>
    %dma_wait3A_132 = arith.constant 0 : i32
    %dma_wait3A_133 = arith.constant 0 : i32
    %dma_wait3A_134 = tpu.memref_slice %arg14[%dma_wait3A_132, %dma_wait3A_133] : memref<10248x128xf32, #tpu.memory_space<vmem_shared>> -> memref<80x128xf32, #tpu.memory_space<vmem_shared>>
    tpu.wait_dma2 semaphore(%arg15 : memref<!tpu.dma_semaphore, #tpu.memory_space<semaphore_mem>>) src(%arg10 : memref<80x128xf32, #tpu.memory_space<vmem>>) dst(%dma_wait3A_134 : memref<80x128xf32, #tpu.memory_space<vmem_shared>>)
    %dma_wait3A_135 = arith.constant 0 : i32
    %dma_wait3A_136 = arith.constant 0 : i32
    %dma_wait3A_137 = tpu.memref_slice %arg14[%dma_wait3A_135, %dma_wait3A_136] : memref<10248x128xf32, #tpu.memory_space<vmem_shared>> -> memref<80x128xf32, #tpu.memory_space<vmem_shared>>
    %dma_wait3A_138 = arith.constant 0 : i32
    %dma_wait3A_139 = arith.constant 0 : i32
    %dma_wait3A_140 = tpu.memref_slice %arg14[%dma_wait3A_138, %dma_wait3A_139] : memref<10248x128xf32, #tpu.memory_space<vmem_shared>> -> memref<80x128xf32, #tpu.memory_space<vmem_shared>>
    tpu.wait_dma2 semaphore(%arg15 : memref<!tpu.dma_semaphore, #tpu.memory_space<semaphore_mem>>) src(%arg10 : memref<80x128xf32, #tpu.memory_space<vmem>>) dst(%dma_wait3A_140 : memref<80x128xf32, #tpu.memory_space<vmem_shared>>)
    %dma_wait3A_141 = arith.constant 0 : i32
    %dma_wait3A_142 = arith.constant 0 : i32
    %dma_wait3A_143 = tpu.memref_slice %arg14[%dma_wait3A_141, %dma_wait3A_142] : memref<10248x128xf32, #tpu.memory_space<vmem_shared>> -> memref<80x128xf32, #tpu.memory_space<vmem_shared>>
    %dma_wait3A_144 = arith.constant 0 : i32
    %dma_wait3A_145 = arith.constant 0 : i32
    %dma_wait3A_146 = tpu.memref_slice %arg14[%dma_wait3A_144, %dma_wait3A_145] : memref<10248x128xf32, #tpu.memory_space<vmem_shared>> -> memref<80x128xf32, #tpu.memory_space<vmem_shared>>
    tpu.wait_dma2 semaphore(%arg15 : memref<!tpu.dma_semaphore, #tpu.memory_space<semaphore_mem>>) src(%arg10 : memref<80x128xf32, #tpu.memory_space<vmem>>) dst(%dma_wait3A_146 : memref<80x128xf32, #tpu.memory_space<vmem_shared>>)
    %dma_wait3A_147 = arith.constant 0 : i32
    %dma_wait3A_148 = arith.constant 0 : i32
    %dma_wait3A_149 = arith.constant 0 : i32
    %dma_wait3A_150 = tpu.memref_slice %arg3[%dma_wait3A_147, %add3A, %dma_wait3A_148, %dma_wait3A_149] : memref<2x32x125x80xi32, #tpu.memory_space<hbm>> -> memref<1x1x25x80xi32, #tpu.memory_space<hbm>>
    %dma_wait3A_151 = tpu.memref_squeeze %dma_wait3A_150 : memref<1x1x25x80xi32, #tpu.memory_space<hbm>> -> memref<25x80xi32, #tpu.memory_space<hbm>>
    %dma_wait3A_152 = arith.constant 0 : i32
    %dma_wait3A_153 = arith.constant 0 : i32
    %dma_wait3A_154 = tpu.memref_slice %arg3[%dma_wait3A_147, %add3A, %dma_wait3A_152, %dma_wait3A_153] : memref<2x32x125x80xi32, #tpu.memory_space<hbm>> -> memref<1x1x25x80xi32, #tpu.memory_space<hbm>>
    %dma_wait3A_155 = tpu.memref_squeeze %dma_wait3A_154 : memref<1x1x25x80xi32, #tpu.memory_space<hbm>> -> memref<25x80xi32, #tpu.memory_space<hbm>>
    tpu.wait_dma2 semaphore(%arg18 : memref<!tpu.dma_semaphore, #tpu.memory_space<semaphore_mem>>) src(%dma_wait3A_155 : memref<25x80xi32, #tpu.memory_space<hbm>>) dst(%arg6 : memref<25x80xi32, #tpu.memory_space<vmem>>)
    %dma_wait3A_156 = arith.constant 1 : i32
    %dma_wait3A_157 = arith.constant 0 : i32
    %dma_wait3A_158 = arith.constant 0 : i32
    %dma_wait3A_159 = tpu.memref_slice %arg3[%dma_wait3A_156, %add3A, %dma_wait3A_157, %dma_wait3A_158] : memref<2x32x125x80xi32, #tpu.memory_space<hbm>> -> memref<1x1x25x80xi32, #tpu.memory_space<hbm>>
    %dma_wait3A_160 = tpu.memref_squeeze %dma_wait3A_159 : memref<1x1x25x80xi32, #tpu.memory_space<hbm>> -> memref<25x80xi32, #tpu.memory_space<hbm>>
    %dma_wait3A_161 = arith.constant 0 : i32
    %dma_wait3A_162 = arith.constant 0 : i32
    %dma_wait3A_163 = tpu.memref_slice %arg3[%dma_wait3A_156, %add3A, %dma_wait3A_161, %dma_wait3A_162] : memref<2x32x125x80xi32, #tpu.memory_space<hbm>> -> memref<1x1x25x80xi32, #tpu.memory_space<hbm>>
    %dma_wait3A_164 = tpu.memref_squeeze %dma_wait3A_163 : memref<1x1x25x80xi32, #tpu.memory_space<hbm>> -> memref<25x80xi32, #tpu.memory_space<hbm>>
    tpu.wait_dma2 semaphore(%arg18 : memref<!tpu.dma_semaphore, #tpu.memory_space<semaphore_mem>>) src(%dma_wait3A_164 : memref<25x80xi32, #tpu.memory_space<hbm>>) dst(%arg7 : memref<25x80xi32, #tpu.memory_space<vmem>>)
    %barrier3A = arith.constant 0 : index
    tpu.barrier barrier_id(%barrier3A)
    %broadcast_in_dim3A = arith.constant 1.000000e+00 : f32
    %broadcast_in_dim3A_165 = vector.broadcast %broadcast_in_dim3A : f32 to vector<16xf32>
    %dma_start3A_166 = arith.constant 0 : i32
    %dma_start3A_167 = arith.constant 25 : i32
    %dma_start3A_168 = arith.constant 0 : i32
    %dma_start3A_169 = tpu.memref_slice %arg3[%dma_start3A_166, %add3A, %dma_start3A_167, %dma_start3A_168] : memref<2x32x125x80xi32, #tpu.memory_space<hbm>> -> memref<1x1x25x80xi32, #tpu.memory_space<hbm>>
    %dma_start3A_170 = tpu.memref_squeeze %dma_start3A_169 : memref<1x1x25x80xi32, #tpu.memory_space<hbm>> -> memref<25x80xi32, #tpu.memory_space<hbm>>
    %dma_start3A_171 = arith.constant 25 : i32
    %dma_start3A_172 = arith.constant 0 : i32
    %dma_start3A_173 = tpu.memref_slice %arg3[%dma_start3A_166, %add3A, %dma_start3A_171, %dma_start3A_172] : memref<2x32x125x80xi32, #tpu.memory_space<hbm>> -> memref<1x1x25x80xi32, #tpu.memory_space<hbm>>
    %dma_start3A_174 = tpu.memref_squeeze %dma_start3A_173 : memref<1x1x25x80xi32, #tpu.memory_space<hbm>> -> memref<25x80xi32, #tpu.memory_space<hbm>>
    tpu.enqueue_dma source(%dma_start3A_174 : memref<25x80xi32, #tpu.memory_space<hbm>>) target(%arg8 : memref<25x80xi32, #tpu.memory_space<vmem>>) target_semaphore(%arg18 : memref<!tpu.dma_semaphore, #tpu.memory_space<semaphore_mem>>)
    %dma_start3A_175 = arith.constant 1 : i32
    %dma_start3A_176 = arith.constant 25 : i32
    %dma_start3A_177 = arith.constant 0 : i32
    %dma_start3A_178 = tpu.memref_slice %arg3[%dma_start3A_175, %add3A, %dma_start3A_176, %dma_start3A_177] : memref<2x32x125x80xi32, #tpu.memory_space<hbm>> -> memref<1x1x25x80xi32, #tpu.memory_space<hbm>>
    %dma_start3A_179 = tpu.memref_squeeze %dma_start3A_178 : memref<1x1x25x80xi32, #tpu.memory_space<hbm>> -> memref<25x80xi32, #tpu.memory_space<hbm>>
    %dma_start3A_180 = arith.constant 25 : i32
    %dma_start3A_181 = arith.constant 0 : i32
    %dma_start3A_182 = tpu.memref_slice %arg3[%dma_start3A_175, %add3A, %dma_start3A_180, %dma_start3A_181] : memref<2x32x125x80xi32, #tpu.memory_space<hbm>> -> memref<1x1x25x80xi32, #tpu.memory_space<hbm>>
    %dma_start3A_183 = tpu.memref_squeeze %dma_start3A_182 : memref<1x1x25x80xi32, #tpu.memory_space<hbm>> -> memref<25x80xi32, #tpu.memory_space<hbm>>
    tpu.enqueue_dma source(%dma_start3A_183 : memref<25x80xi32, #tpu.memory_space<hbm>>) target(%arg9 : memref<25x80xi32, #tpu.memory_space<vmem>>) target_semaphore(%arg18 : memref<!tpu.dma_semaphore, #tpu.memory_space<semaphore_mem>>)
    %dma_start3A_184 = arith.constant 0 : i32
    %dma_start3A_185 = arith.constant 0 : i32
    %dma_start3A_186 = tpu.memref_slice %arg6[%dma_start3A_184, %dma_start3A_185] : memref<25x80xi32, #tpu.memory_space<vmem>> -> memref<1x80xi32, #tpu.memory_space<vmem>>
    %dma_start3A_187 = tpu.memref_squeeze %dma_start3A_186 : memref<1x80xi32, #tpu.memory_space<vmem>> -> memref<80xi32, #tpu.memory_space<vmem>>
    %dma_start3A_188 = arith.constant 0 : i32
    %dma_start3A_189 = arith.constant 0 : i32
    %dma_start3A_190 = tpu.memref_slice %arg2[%dma_start3A_188, %dma_start3A_189] : memref<10000x128xf32, #tpu.memory_space<hbm>> -> memref<10000x128xf32, #tpu.memory_space<hbm>>
    tpu.enqueue_indirect_dma source(%dma_start3A_190 : memref<10000x128xf32, #tpu.memory_space<hbm>>) target(%arg10 : memref<80x128xf32, #tpu.memory_space<vmem>>) offsets(%dma_start3A_187 : memref<80xi32, #tpu.memory_space<vmem>>) semaphore(%arg15 : memref<!tpu.dma_semaphore, #tpu.memory_space<semaphore_mem>>)
    %dma_start3A_191 = arith.constant 1 : i32
    %dma_start3A_192 = arith.constant 0 : i32
    %dma_start3A_193 = tpu.memref_slice %arg6[%dma_start3A_191, %dma_start3A_192] : memref<25x80xi32, #tpu.memory_space<vmem>> -> memref<1x80xi32, #tpu.memory_space<vmem>>
    %dma_start3A_194 = tpu.memref_squeeze %dma_start3A_193 : memref<1x80xi32, #tpu.memory_space<vmem>> -> memref<80xi32, #tpu.memory_space<vmem>>
    %dma_start3A_195 = arith.constant 0 : i32
    %dma_start3A_196 = arith.constant 0 : i32
    %dma_start3A_197 = tpu.memref_slice %arg2[%dma_start3A_195, %dma_start3A_196] : memref<10000x128xf32, #tpu.memory_space<hbm>> -> memref<10000x128xf32, #tpu.memory_space<hbm>>
    tpu.enqueue_indirect_dma source(%dma_start3A_197 : memref<10000x128xf32, #tpu.memory_space<hbm>>) target(%arg11 : memref<80x128xf32, #tpu.memory_space<vmem>>) offsets(%dma_start3A_194 : memref<80xi32, #tpu.memory_space<vmem>>) semaphore(%arg16 : memref<!tpu.dma_semaphore, #tpu.memory_space<semaphore_mem>>)
    %dma_start3A_198 = arith.constant 2 : i32
    %dma_start3A_199 = arith.constant 0 : i32
    %dma_start3A_200 = tpu.memref_slice %arg6[%dma_start3A_198, %dma_start3A_199] : memref<25x80xi32, #tpu.memory_space<vmem>> -> memref<1x80xi32, #tpu.memory_space<vmem>>
    %dma_start3A_201 = tpu.memref_squeeze %dma_start3A_200 : memref<1x80xi32, #tpu.memory_space<vmem>> -> memref<80xi32, #tpu.memory_space<vmem>>
    %dma_start3A_202 = arith.constant 0 : i32
    %dma_start3A_203 = arith.constant 0 : i32
    %dma_start3A_204 = tpu.memref_slice %arg2[%dma_start3A_202, %dma_start3A_203] : memref<10000x128xf32, #tpu.memory_space<hbm>> -> memref<10000x128xf32, #tpu.memory_space<hbm>>
    tpu.enqueue_indirect_dma source(%dma_start3A_204 : memref<10000x128xf32, #tpu.memory_space<hbm>>) target(%arg12 : memref<80x128xf32, #tpu.memory_space<vmem>>) offsets(%dma_start3A_201 : memref<80xi32, #tpu.memory_space<vmem>>) semaphore(%arg17 : memref<!tpu.dma_semaphore, #tpu.memory_space<semaphore_mem>>)
    %scan3A_205 = arith.constant 0 : i32
    %scan3A_206 = arith.constant 0 : i32
    %scan3A_207 = arith.constant 7 : i32
    %scan3A_208 = arith.addi %scan3A_206, %scan3A_207 : i32
    %scan3A_209 = arith.constant 1 : i32
    scf.for %scan3A_1203 = %scan3A_206 to %scan3A_208 step %scan3A_209  : i32 {
      %mul3A_1204 = arith.constant 3 : i32
      %mul3A_1205 = arith.muli %mul3A_1204, %scan3A_1203 : i32
      %add3A_1206 = arith.constant 0 : i32
      %add3A_1207 = arith.addi %mul3A_1205, %add3A_1206 : i32
      %dma_wait3A_1208 = arith.constant 0 : i32
      %dma_wait3A_1209 = arith.constant 0 : i32
      %dma_wait3A_1210 = tpu.memref_slice %arg2[%dma_wait3A_1208, %dma_wait3A_1209] : memref<10000x128xf32, #tpu.memory_space<hbm>> -> memref<80x128xf32, #tpu.memory_space<hbm>>
      %dma_wait3A_1211 = arith.constant 0 : i32
      %dma_wait3A_1212 = arith.constant 0 : i32
      %dma_wait3A_1213 = tpu.memref_slice %arg2[%dma_wait3A_1211, %dma_wait3A_1212] : memref<10000x128xf32, #tpu.memory_space<hbm>> -> memref<80x128xf32, #tpu.memory_space<hbm>>
      tpu.wait_dma2 semaphore(%arg15 : memref<!tpu.dma_semaphore, #tpu.memory_space<semaphore_mem>>) src(%dma_wait3A_1213 : memref<80x128xf32, #tpu.memory_space<hbm>>) dst(%arg10 : memref<80x128xf32, #tpu.memory_space<vmem>>)
      %get3A_1214 = arith.index_cast %add3A_1207 : i32 to index
      %get3A_1215 = arith.constant 0 : index
      %get3A_1216 = tpu.vector_load %arg7[%get3A_1214, %get3A_1215] {strides = array<i32>} : memref<25x80xi32, #tpu.memory_space<vmem>>, vector<16xi32>,
      tpu.vector_store_idx %arg13[%get3A_1216], %broadcast_in_dim3A_165 {add = true} : memref<10256xf32, #tpu.memory_space<vmem>>[vector<16xi32>], vector<16xf32>,
      %get3A_1217 = arith.index_cast %add3A_1207 : i32 to index
      %get3A_1218 = arith.constant 16 : index
      %get3A_1219 = tpu.vector_load %arg7[%get3A_1217, %get3A_1218] {strides = array<i32>} : memref<25x80xi32, #tpu.memory_space<vmem>>, vector<16xi32>,
      tpu.vector_store_idx %arg13[%get3A_1219], %broadcast_in_dim3A_165 {add = true} : memref<10256xf32, #tpu.memory_space<vmem>>[vector<16xi32>], vector<16xf32>,
      %get3A_1220 = arith.index_cast %add3A_1207 : i32 to index
      %get3A_1221 = arith.constant 32 : index
      %get3A_1222 = tpu.vector_load %arg7[%get3A_1220, %get3A_1221] {strides = array<i32>} : memref<25x80xi32, #tpu.memory_space<vmem>>, vector<16xi32>,
      tpu.vector_store_idx %arg13[%get3A_1222], %broadcast_in_dim3A_165 {add = true} : memref<10256xf32, #tpu.memory_space<vmem>>[vector<16xi32>], vector<16xf32>,
      %get3A_1223 = arith.index_cast %add3A_1207 : i32 to index
      %get3A_1224 = arith.constant 48 : index
      %get3A_1225 = tpu.vector_load %arg7[%get3A_1223, %get3A_1224] {strides = array<i32>} : memref<25x80xi32, #tpu.memory_space<vmem>>, vector<16xi32>,
      tpu.vector_store_idx %arg13[%get3A_1225], %broadcast_in_dim3A_165 {add = true} : memref<10256xf32, #tpu.memory_space<vmem>>[vector<16xi32>], vector<16xf32>,
      %get3A_1226 = arith.index_cast %add3A_1207 : i32 to index
      %get3A_1227 = arith.constant 64 : index
      %get3A_1228 = tpu.vector_load %arg7[%get3A_1226, %get3A_1227] {strides = array<i32>} : memref<25x80xi32, #tpu.memory_space<vmem>>, vector<16xi32>,
      tpu.vector_store_idx %arg13[%get3A_1228], %broadcast_in_dim3A_165 {add = true} : memref<10256xf32, #tpu.memory_space<vmem>>[vector<16xi32>], vector<16xf32>,
      "tpu.region"() ({
        %run_scoped3A_1303 = tpu.sem_alloc : memref<!tpu.dma_semaphore, #tpu.memory_space<semaphore_mem>>
        %dma_start3A_1304 = arith.constant 0 : i32
        %dma_start3A_1305 = tpu.memref_slice %arg7[%add3A_1207, %dma_start3A_1304] : memref<25x80xi32, #tpu.memory_space<vmem>> -> memref<1x80xi32, #tpu.memory_space<vmem>>
        %dma_start3A_1306 = tpu.memref_squeeze %dma_start3A_1305 : memref<1x80xi32, #tpu.memory_space<vmem>> -> memref<80xi32, #tpu.memory_space<vmem>>
        %dma_start3A_1307 = arith.constant 0 : i32
        %dma_start3A_1308 = arith.constant 0 : i32
        %dma_start3A_1309 = tpu.memref_slice %arg14[%dma_start3A_1307, %dma_start3A_1308] : memref<10248x128xf32, #tpu.memory_space<vmem_shared>> -> memref<10248x128xf32, #tpu.memory_space<vmem_shared>>
        tpu.enqueue_indirect_dma source(%arg10 : memref<80x128xf32, #tpu.memory_space<vmem>>) target(%dma_start3A_1309 : memref<10248x128xf32, #tpu.memory_space<vmem_shared>>) offsets(%dma_start3A_1306 : memref<80xi32, #tpu.memory_space<vmem>>) semaphore(%run_scoped3A_1303 : memref<!tpu.dma_semaphore, #tpu.memory_space<semaphore_mem>>) {add = true}
        %dma_wait3A_1310 = arith.constant 0 : i32
        %dma_wait3A_1311 = tpu.memref_slice %arg7[%add3A_1207, %dma_wait3A_1310] : memref<25x80xi32, #tpu.memory_space<vmem>> -> memref<1x80xi32, #tpu.memory_space<vmem>>
        %dma_wait3A_1312 = tpu.memref_squeeze %dma_wait3A_1311 : memref<1x80xi32, #tpu.memory_space<vmem>> -> memref<80xi32, #tpu.memory_space<vmem>>
        %dma_wait3A_1313 = arith.constant 0 : i32
        %dma_wait3A_1314 = arith.constant 0 : i32
        %dma_wait3A_1315 = tpu.memref_slice %arg14[%dma_wait3A_1313, %dma_wait3A_1314] : memref<10248x128xf32, #tpu.memory_space<vmem_shared>> -> memref<10248x128xf32, #tpu.memory_space<vmem_shared>>
        tpu.wait_indirect_dma semaphore(%run_scoped3A_1303 : memref<!tpu.dma_semaphore, #tpu.memory_space<semaphore_mem>>) src(%arg10 : memref<80x128xf32, #tpu.memory_space<vmem>>) dst(%dma_wait3A_1315 : memref<10248x128xf32, #tpu.memory_space<vmem_shared>>)
        tpu.yield
      }) : () -> ()
      %add3A_1229 = arith.constant 3 : i32
      %add3A_1230 = arith.addi %add3A_1207, %add3A_1229 : i32
      %dma_start3A_1231 = arith.constant 0 : i32
      %dma_start3A_1232 = tpu.memref_slice %arg6[%add3A_1230, %dma_start3A_1231] : memref<25x80xi32, #tpu.memory_space<vmem>> -> memref<1x80xi32, #tpu.memory_space<vmem>>
      %dma_start3A_1233 = tpu.memref_squeeze %dma_start3A_1232 : memref<1x80xi32, #tpu.memory_space<vmem>> -> memref<80xi32, #tpu.memory_space<vmem>>
      %dma_start3A_1234 = arith.constant 0 : i32
      %dma_start3A_1235 = arith.constant 0 : i32
      %dma_start3A_1236 = tpu.memref_slice %arg2[%dma_start3A_1234, %dma_start3A_1235] : memref<10000x128xf32, #tpu.memory_space<hbm>> -> memref<10000x128xf32, #tpu.memory_space<hbm>>
      tpu.enqueue_indirect_dma source(%dma_start3A_1236 : memref<10000x128xf32, #tpu.memory_space<hbm>>) target(%arg10 : memref<80x128xf32, #tpu.memory_space<vmem>>) offsets(%dma_start3A_1233 : memref<80xi32, #tpu.memory_space<vmem>>) semaphore(%arg15 : memref<!tpu.dma_semaphore, #tpu.memory_space<semaphore_mem>>)
      %mul3A_1237 = arith.constant 3 : i32
      %mul3A_1238 = arith.muli %mul3A_1237, %scan3A_1203 : i32
      %add3A_1239 = arith.constant 1 : i32
      %add3A_1240 = arith.addi %mul3A_1238, %add3A_1239 : i32
      %dma_wait3A_1241 = arith.constant 0 : i32
      %dma_wait3A_1242 = arith.constant 0 : i32
      %dma_wait3A_1243 = tpu.memref_slice %arg2[%dma_wait3A_1241, %dma_wait3A_1242] : memref<10000x128xf32, #tpu.memory_space<hbm>> -> memref<80x128xf32, #tpu.memory_space<hbm>>
      %dma_wait3A_1244 = arith.constant 0 : i32
      %dma_wait3A_1245 = arith.constant 0 : i32
      %dma_wait3A_1246 = tpu.memref_slice %arg2[%dma_wait3A_1244, %dma_wait3A_1245] : memref<10000x128xf32, #tpu.memory_space<hbm>> -> memref<80x128xf32, #tpu.memory_space<hbm>>
      tpu.wait_dma2 semaphore(%arg16 : memref<!tpu.dma_semaphore, #tpu.memory_space<semaphore_mem>>) src(%dma_wait3A_1246 : memref<80x128xf32, #tpu.memory_space<hbm>>) dst(%arg10 : memref<80x128xf32, #tpu.memory_space<vmem>>)
      %get3A_1247 = arith.index_cast %add3A_1240 : i32 to index
      %get3A_1248 = arith.constant 0 : index
      %get3A_1249 = tpu.vector_load %arg7[%get3A_1247, %get3A_1248] {strides = array<i32>} : memref<25x80xi32, #tpu.memory_space<vmem>>, vector<16xi32>,
      tpu.vector_store_idx %arg13[%get3A_1249], %broadcast_in_dim3A_165 {add = true} : memref<10256xf32, #tpu.memory_space<vmem>>[vector<16xi32>], vector<16xf32>,
      %get3A_1250 = arith.index_cast %add3A_1240 : i32 to index
      %get3A_1251 = arith.constant 16 : index
      %get3A_1252 = tpu.vector_load %arg7[%get3A_1250, %get3A_1251] {strides = array<i32>} : memref<25x80xi32, #tpu.memory_space<vmem>>, vector<16xi32>,
      tpu.vector_store_idx %arg13[%get3A_1252], %broadcast_in_dim3A_165 {add = true} : memref<10256xf32, #tpu.memory_space<vmem>>[vector<16xi32>], vector<16xf32>,
      %get3A_1253 = arith.index_cast %add3A_1240 : i32 to index
      %get3A_1254 = arith.constant 32 : index
      %get3A_1255 = tpu.vector_load %arg7[%get3A_1253, %get3A_1254] {strides = array<i32>} : memref<25x80xi32, #tpu.memory_space<vmem>>, vector<16xi32>,
      tpu.vector_store_idx %arg13[%get3A_1255], %broadcast_in_dim3A_165 {add = true} : memref<10256xf32, #tpu.memory_space<vmem>>[vector<16xi32>], vector<16xf32>,
      %get3A_1256 = arith.index_cast %add3A_1240 : i32 to index
      %get3A_1257 = arith.constant 48 : index
      %get3A_1258 = tpu.vector_load %arg7[%get3A_1256, %get3A_1257] {strides = array<i32>} : memref<25x80xi32, #tpu.memory_space<vmem>>, vector<16xi32>,
      tpu.vector_store_idx %arg13[%get3A_1258], %broadcast_in_dim3A_165 {add = true} : memref<10256xf32, #tpu.memory_space<vmem>>[vector<16xi32>], vector<16xf32>,
      %get3A_1259 = arith.index_cast %add3A_1240 : i32 to index
      %get3A_1260 = arith.constant 64 : index
      %get3A_1261 = tpu.vector_load %arg7[%get3A_1259, %get3A_1260] {strides = array<i32>} : memref<25x80xi32, #tpu.memory_space<vmem>>, vector<16xi32>,
      tpu.vector_store_idx %arg13[%get3A_1261], %broadcast_in_dim3A_165 {add = true} : memref<10256xf32, #tpu.memory_space<vmem>>[vector<16xi32>], vector<16xf32>,
      "tpu.region"() ({
        %run_scoped3A_1303 = tpu.sem_alloc : memref<!tpu.dma_semaphore, #tpu.memory_space<semaphore_mem>>
        %dma_start3A_1304 = arith.constant 0 : i32
        %dma_start3A_1305 = tpu.memref_slice %arg7[%add3A_1240, %dma_start3A_1304] : memref<25x80xi32, #tpu.memory_space<vmem>> -> memref<1x80xi32, #tpu.memory_space<vmem>>
        %dma_start3A_1306 = tpu.memref_squeeze %dma_start3A_1305 : memref<1x80xi32, #tpu.memory_space<vmem>> -> memref<80xi32, #tpu.memory_space<vmem>>
        %dma_start3A_1307 = arith.constant 0 : i32
        %dma_start3A_1308 = arith.constant 0 : i32
        %dma_start3A_1309 = tpu.memref_slice %arg14[%dma_start3A_1307, %dma_start3A_1308] : memref<10248x128xf32, #tpu.memory_space<vmem_shared>> -> memref<10248x128xf32, #tpu.memory_space<vmem_shared>>
        tpu.enqueue_indirect_dma source(%arg11 : memref<80x128xf32, #tpu.memory_space<vmem>>) target(%dma_start3A_1309 : memref<10248x128xf32, #tpu.memory_space<vmem_shared>>) offsets(%dma_start3A_1306 : memref<80xi32, #tpu.memory_space<vmem>>) semaphore(%run_scoped3A_1303 : memref<!tpu.dma_semaphore, #tpu.memory_space<semaphore_mem>>) {add = true}
        %dma_wait3A_1310 = arith.constant 0 : i32
        %dma_wait3A_1311 = tpu.memref_slice %arg7[%add3A_1240, %dma_wait3A_1310] : memref<25x80xi32, #tpu.memory_space<vmem>> -> memref<1x80xi32, #tpu.memory_space<vmem>>
        %dma_wait3A_1312 = tpu.memref_squeeze %dma_wait3A_1311 : memref<1x80xi32, #tpu.memory_space<vmem>> -> memref<80xi32, #tpu.memory_space<vmem>>
        %dma_wait3A_1313 = arith.constant 0 : i32
        %dma_wait3A_1314 = arith.constant 0 : i32
        %dma_wait3A_1315 = tpu.memref_slice %arg14[%dma_wait3A_1313, %dma_wait3A_1314] : memref<10248x128xf32, #tpu.memory_space<vmem_shared>> -> memref<10248x128xf32, #tpu.memory_space<vmem_shared>>
        tpu.wait_indirect_dma semaphore(%run_scoped3A_1303 : memref<!tpu.dma_semaphore, #tpu.memory_space<semaphore_mem>>) src(%arg11 : memref<80x128xf32, #tpu.memory_space<vmem>>) dst(%dma_wait3A_1315 : memref<10248x128xf32, #tpu.memory_space<vmem_shared>>)
        tpu.yield
      }) : () -> ()
      %add3A_1262 = arith.constant 3 : i32
      %add3A_1263 = arith.addi %add3A_1240, %add3A_1262 : i32
      %dma_start3A_1264 = arith.constant 0 : i32
      %dma_start3A_1265 = tpu.memref_slice %arg6[%add3A_1263, %dma_start3A_1264] : memref<25x80xi32, #tpu.memory_space<vmem>> -> memref<1x80xi32, #tpu.memory_space<vmem>>
      %dma_start3A_1266 = tpu.memref_squeeze %dma_start3A_1265 : memref<1x80xi32, #tpu.memory_space<vmem>> -> memref<80xi32, #tpu.memory_space<vmem>>
      %dma_start3A_1267 = arith.constant 0 : i32
      %dma_start3A_1268 = arith.constant 0 : i32
      %dma_start3A_1269 = tpu.memref_slice %arg2[%dma_start3A_1267, %dma_start3A_1268] : memref<10000x128xf32, #tpu.memory_space<hbm>> -> memref<10000x128xf32, #tpu.memory_space<hbm>>
      tpu.enqueue_indirect_dma source(%dma_start3A_1269 : memref<10000x128xf32, #tpu.memory_space<hbm>>) target(%arg11 : memref<80x128xf32, #tpu.memory_space<vmem>>) offsets(%dma_start3A_1266 : memref<80xi32, #tpu.memory_space<vmem>>) semaphore(%arg16 : memref<!tpu.dma_semaphore, #tpu.memory_space<semaphore_mem>>)
      %mul3A_1270 = arith.constant 3 : i32
      %mul3A_1271 = arith.muli %mul3A_1270, %scan3A_1203 : i32
      %add3A_1272 = arith.constant 2 : i32
      %add3A_1273 = arith.addi %mul3A_1271, %add3A_1272 : i32
      %dma_wait3A_1274 = arith.constant 0 : i32
      %dma_wait3A_1275 = arith.constant 0 : i32
      %dma_wait3A_1276 = tpu.memref_slice %arg2[%dma_wait3A_1274, %dma_wait3A_1275] : memref<10000x128xf32, #tpu.memory_space<hbm>> -> memref<80x128xf32, #tpu.memory_space<hbm>>
      %dma_wait3A_1277 = arith.constant 0 : i32
      %dma_wait3A_1278 = arith.constant 0 : i32
      %dma_wait3A_1279 = tpu.memref_slice %arg2[%dma_wait3A_1277, %dma_wait3A_1278] : memref<10000x128xf32, #tpu.memory_space<hbm>> -> memref<80x128xf32, #tpu.memory_space<hbm>>
      tpu.wait_dma2 semaphore(%arg17 : memref<!tpu.dma_semaphore, #tpu.memory_space<semaphore_mem>>) src(%dma_wait3A_1279 : memref<80x128xf32, #tpu.memory_space<hbm>>) dst(%arg10 : memref<80x128xf32, #tpu.memory_space<vmem>>)
      %get3A_1280 = arith.index_cast %add3A_1273 : i32 to index
      %get3A_1281 = arith.constant 0 : index
      %get3A_1282 = tpu.vector_load %arg7[%get3A_1280, %get3A_1281] {strides = array<i32>} : memref<25x80xi32, #tpu.memory_space<vmem>>, vector<16xi32>,
      tpu.vector_store_idx %arg13[%get3A_1282], %broadcast_in_dim3A_165 {add = true} : memref<10256xf32, #tpu.memory_space<vmem>>[vector<16xi32>], vector<16xf32>,
      %get3A_1283 = arith.index_cast %add3A_1273 : i32 to index
      %get3A_1284 = arith.constant 16 : index
      %get3A_1285 = tpu.vector_load %arg7[%get3A_1283, %get3A_1284] {strides = array<i32>} : memref<25x80xi32, #tpu.memory_space<vmem>>, vector<16xi32>,
      tpu.vector_store_idx %arg13[%get3A_1285], %broadcast_in_dim3A_165 {add = true} : memref<10256xf32, #tpu.memory_space<vmem>>[vector<16xi32>], vector<16xf32>,
      %get3A_1286 = arith.index_cast %add3A_1273 : i32 to index
      %get3A_1287 = arith.constant 32 : index
      %get3A_1288 = tpu.vector_load %arg7[%get3A_1286, %get3A_1287] {strides = array<i32>} : memref<25x80xi32, #tpu.memory_space<vmem>>, vector<16xi32>,
      tpu.vector_store_idx %arg13[%get3A_1288], %broadcast_in_dim3A_165 {add = true} : memref<10256xf32, #tpu.memory_space<vmem>>[vector<16xi32>], vector<16xf32>,
      %get3A_1289 = arith.index_cast %add3A_1273 : i32 to index
      %get3A_1290 = arith.constant 48 : index
      %get3A_1291 = tpu.vector_load %arg7[%get3A_1289, %get3A_1290] {strides = array<i32>} : memref<25x80xi32, #tpu.memory_space<vmem>>, vector<16xi32>,
      tpu.vector_store_idx %arg13[%get3A_1291], %broadcast_in_dim3A_165 {add = true} : memref<10256xf32, #tpu.memory_space<vmem>>[vector<16xi32>], vector<16xf32>,
      %get3A_1292 = arith.index_cast %add3A_1273 : i32 to index
      %get3A_1293 = arith.constant 64 : index
      %get3A_1294 = tpu.vector_load %arg7[%get3A_1292, %get3A_1293] {strides = array<i32>} : memref<25x80xi32, #tpu.memory_space<vmem>>, vector<16xi32>,
      tpu.vector_store_idx %arg13[%get3A_1294], %broadcast_in_dim3A_165 {add = true} : memref<10256xf32, #tpu.memory_space<vmem>>[vector<16xi32>], vector<16xf32>,
      "tpu.region"() ({
        %run_scoped3A_1303 = tpu.sem_alloc : memref<!tpu.dma_semaphore, #tpu.memory_space<semaphore_mem>>
        %dma_start3A_1304 = arith.constant 0 : i32
        %dma_start3A_1305 = tpu.memref_slice %arg7[%add3A_1273, %dma_start3A_1304] : memref<25x80xi32, #tpu.memory_space<vmem>> -> memref<1x80xi32, #tpu.memory_space<vmem>>
        %dma_start3A_1306 = tpu.memref_squeeze %dma_start3A_1305 : memref<1x80xi32, #tpu.memory_space<vmem>> -> memref<80xi32, #tpu.memory_space<vmem>>
        %dma_start3A_1307 = arith.constant 0 : i32
        %dma_start3A_1308 = arith.constant 0 : i32
        %dma_start3A_1309 = tpu.memref_slice %arg14[%dma_start3A_1307, %dma_start3A_1308] : memref<10248x128xf32, #tpu.memory_space<vmem_shared>> -> memref<10248x128xf32, #tpu.memory_space<vmem_shared>>
        tpu.enqueue_indirect_dma source(%arg12 : memref<80x128xf32, #tpu.memory_space<vmem>>) target(%dma_start3A_1309 : memref<10248x128xf32, #tpu.memory_space<vmem_shared>>) offsets(%dma_start3A_1306 : memref<80xi32, #tpu.memory_space<vmem>>) semaphore(%run_scoped3A_1303 : memref<!tpu.dma_semaphore, #tpu.memory_space<semaphore_mem>>) {add = true}
        %dma_wait3A_1310 = arith.constant 0 : i32
        %dma_wait3A_1311 = tpu.memref_slice %arg7[%add3A_1273, %dma_wait3A_1310] : memref<25x80xi32, #tpu.memory_space<vmem>> -> memref<1x80xi32, #tpu.memory_space<vmem>>
        %dma_wait3A_1312 = tpu.memref_squeeze %dma_wait3A_1311 : memref<1x80xi32, #tpu.memory_space<vmem>> -> memref<80xi32, #tpu.memory_space<vmem>>
        %dma_wait3A_1313 = arith.constant 0 : i32
        %dma_wait3A_1314 = arith.constant 0 : i32
        %dma_wait3A_1315 = tpu.memref_slice %arg14[%dma_wait3A_1313, %dma_wait3A_1314] : memref<10248x128xf32, #tpu.memory_space<vmem_shared>> -> memref<10248x128xf32, #tpu.memory_space<vmem_shared>>
        tpu.wait_indirect_dma semaphore(%run_scoped3A_1303 : memref<!tpu.dma_semaphore, #tpu.memory_space<semaphore_mem>>) src(%arg12 : memref<80x128xf32, #tpu.memory_space<vmem>>) dst(%dma_wait3A_1315 : memref<10248x128xf32, #tpu.memory_space<vmem_shared>>)
        tpu.yield
      }) : () -> ()
      %add3A_1295 = arith.constant 3 : i32
      %add3A_1296 = arith.addi %add3A_1273, %add3A_1295 : i32
      %dma_start3A_1297 = arith.constant 0 : i32
      %dma_start3A_1298 = tpu.memref_slice %arg6[%add3A_1296, %dma_start3A_1297] : memref<25x80xi32, #tpu.memory_space<vmem>> -> memref<1x80xi32, #tpu.memory_space<vmem>>
      %dma_start3A_1299 = tpu.memref_squeeze %dma_start3A_1298 : memref<1x80xi32, #tpu.memory_space<vmem>> -> memref<80xi32, #tpu.memory_space<vmem>>
      %dma_start3A_1300 = arith.constant 0 : i32
      %dma_start3A_1301 = arith.constant 0 : i32
      %dma_start3A_1302 = tpu.memref_slice %arg2[%dma_start3A_1300, %dma_start3A_1301] : memref<10000x128xf32, #tpu.memory_space<hbm>> -> memref<10000x128xf32, #tpu.memory_space<hbm>>
      tpu.enqueue_indirect_dma source(%dma_start3A_1302 : memref<10000x128xf32, #tpu.memory_space<hbm>>) target(%arg12 : memref<80x128xf32, #tpu.memory_space<vmem>>) offsets(%dma_start3A_1299 : memref<80xi32, #tpu.memory_space<vmem>>) semaphore(%arg17 : memref<!tpu.dma_semaphore, #tpu.memory_space<semaphore_mem>>)
    }
    %scan3A_210 = arith.constant 7 : i32
    %dma_wait3A_211 = arith.constant 0 : i32
    %dma_wait3A_212 = arith.constant 0 : i32
    %dma_wait3A_213 = tpu.memref_slice %arg2[%dma_wait3A_211, %dma_wait3A_212] : memref<10000x128xf32, #tpu.memory_space<hbm>> -> memref<80x128xf32, #tpu.memory_space<hbm>>
    %dma_wait3A_214 = arith.constant 0 : i32
    %dma_wait3A_215 = arith.constant 0 : i32
    %dma_wait3A_216 = tpu.memref_slice %arg2[%dma_wait3A_214, %dma_wait3A_215] : memref<10000x128xf32, #tpu.memory_space<hbm>> -> memref<80x128xf32, #tpu.memory_space<hbm>>
    tpu.wait_dma2 semaphore(%arg15 : memref<!tpu.dma_semaphore, #tpu.memory_space<semaphore_mem>>) src(%dma_wait3A_216 : memref<80x128xf32, #tpu.memory_space<hbm>>) dst(%arg10 : memref<80x128xf32, #tpu.memory_space<vmem>>)
    %get3A = arith.constant 21 : i32
    %get3A_217 = arith.index_cast %get3A : i32 to index
    %get3A_218 = arith.constant 0 : index
    %get3A_219 = tpu.vector_load %arg7[%get3A_217, %get3A_218] {strides = array<i32>} : memref<25x80xi32, #tpu.memory_space<vmem>>, vector<16xi32>,
    tpu.vector_store_idx %arg13[%get3A_219], %broadcast_in_dim3A_165 {add = true} : memref<10256xf32, #tpu.memory_space<vmem>>[vector<16xi32>], vector<16xf32>,
    %get3A_220 = arith.constant 21 : i32
    %get3A_221 = arith.index_cast %get3A_220 : i32 to index
    %get3A_222 = arith.constant 16 : index
    %get3A_223 = tpu.vector_load %arg7[%get3A_221, %get3A_222] {strides = array<i32>} : memref<25x80xi32, #tpu.memory_space<vmem>>, vector<16xi32>,
    tpu.vector_store_idx %arg13[%get3A_223], %broadcast_in_dim3A_165 {add = true} : memref<10256xf32, #tpu.memory_space<vmem>>[vector<16xi32>], vector<16xf32>,
    %get3A_224 = arith.constant 21 : i32
    %get3A_225 = arith.index_cast %get3A_224 : i32 to index
    %get3A_226 = arith.constant 32 : index
    %get3A_227 = tpu.vector_load %arg7[%get3A_225, %get3A_226] {strides = array<i32>} : memref<25x80xi32, #tpu.memory_space<vmem>>, vector<16xi32>,
    tpu.vector_store_idx %arg13[%get3A_227], %broadcast_in_dim3A_165 {add = true} : memref<10256xf32, #tpu.memory_space<vmem>>[vector<16xi32>], vector<16xf32>,
    %get3A_228 = arith.constant 21 : i32
    %get3A_229 = arith.index_cast %get3A_228 : i32 to index
    %get3A_230 = arith.constant 48 : index
    %get3A_231 = tpu.vector_load %arg7[%get3A_229, %get3A_230] {strides = array<i32>} : memref<25x80xi32, #tpu.memory_space<vmem>>, vector<16xi32>,
    tpu.vector_store_idx %arg13[%get3A_231], %broadcast_in_dim3A_165 {add = true} : memref<10256xf32, #tpu.memory_space<vmem>>[vector<16xi32>], vector<16xf32>,
    %get3A_232 = arith.constant 21 : i32
    %get3A_233 = arith.index_cast %get3A_232 : i32 to index
    %get3A_234 = arith.constant 64 : index
    %get3A_235 = tpu.vector_load %arg7[%get3A_233, %get3A_234] {strides = array<i32>} : memref<25x80xi32, #tpu.memory_space<vmem>>, vector<16xi32>,
    tpu.vector_store_idx %arg13[%get3A_235], %broadcast_in_dim3A_165 {add = true} : memref<10256xf32, #tpu.memory_space<vmem>>[vector<16xi32>], vector<16xf32>,
    %run_scoped3A = arith.constant 21 : i32
    "tpu.region"() ({
      %run_scoped3A_1203 = tpu.sem_alloc : memref<!tpu.dma_semaphore, #tpu.memory_space<semaphore_mem>>
      %dma_start3A_1204 = arith.constant 0 : i32
      %dma_start3A_1205 = tpu.memref_slice %arg7[%run_scoped3A, %dma_start3A_1204] : memref<25x80xi32, #tpu.memory_space<vmem>> -> memref<1x80xi32, #tpu.memory_space<vmem>>
      %dma_start3A_1206 = tpu.memref_squeeze %dma_start3A_1205 : memref<1x80xi32, #tpu.memory_space<vmem>> -> memref<80xi32, #tpu.memory_space<vmem>>
      %dma_start3A_1207 = arith.constant 0 : i32
      %dma_start3A_1208 = arith.constant 0 : i32
      %dma_start3A_1209 = tpu.memref_slice %arg14[%dma_start3A_1207, %dma_start3A_1208] : memref<10248x128xf32, #tpu.memory_space<vmem_shared>> -> memref<10248x128xf32, #tpu.memory_space<vmem_shared>>
      tpu.enqueue_indirect_dma source(%arg10 : memref<80x128xf32, #tpu.memory_space<vmem>>) target(%dma_start3A_1209 : memref<10248x128xf32, #tpu.memory_space<vmem_shared>>) offsets(%dma_start3A_1206 : memref<80xi32, #tpu.memory_space<vmem>>) semaphore(%run_scoped3A_1203 : memref<!tpu.dma_semaphore, #tpu.memory_space<semaphore_mem>>) {add = true}
      %dma_wait3A_1210 = arith.constant 0 : i32
      %dma_wait3A_1211 = tpu.memref_slice %arg7[%run_scoped3A, %dma_wait3A_1210] : memref<25x80xi32, #tpu.memory_space<vmem>> -> memref<1x80xi32, #tpu.memory_space<vmem>>
      %dma_wait3A_1212 = tpu.memref_squeeze %dma_wait3A_1211 : memref<1x80xi32, #tpu.memory_space<vmem>> -> memref<80xi32, #tpu.memory_space<vmem>>
      %dma_wait3A_1213 = arith.constant 0 : i32
      %dma_wait3A_1214 = arith.constant 0 : i32
      %dma_wait3A_1215 = tpu.memref_slice %arg14[%dma_wait3A_1213, %dma_wait3A_1214] : memref<10248x128xf32, #tpu.memory_space<vmem_shared>> -> memref<10248x128xf32, #tpu.memory_space<vmem_shared>>
      tpu.wait_indirect_dma semaphore(%run_scoped3A_1203 : memref<!tpu.dma_semaphore, #tpu.memory_space<semaphore_mem>>) src(%arg10 : memref<80x128xf32, #tpu.memory_space<vmem>>) dst(%dma_wait3A_1215 : memref<10248x128xf32, #tpu.memory_space<vmem_shared>>)
      tpu.yield
    }) : () -> ()
    %dma_start3A_236 = arith.constant 24 : i32
    %dma_start3A_237 = arith.constant 0 : i32
    %dma_start3A_238 = tpu.memref_slice %arg6[%dma_start3A_236, %dma_start3A_237] : memref<25x80xi32, #tpu.memory_space<vmem>> -> memref<1x80xi32, #tpu.memory_space<vmem>>
    %dma_start3A_239 = tpu.memref_squeeze %dma_start3A_238 : memref<1x80xi32, #tpu.memory_space<vmem>> -> memref<80xi32, #tpu.memory_space<vmem>>
    %dma_start3A_240 = arith.constant 0 : i32
    %dma_start3A_241 = arith.constant 0 : i32
    %dma_start3A_242 = tpu.memref_slice %arg2[%dma_start3A_240, %dma_start3A_241] : memref<10000x128xf32, #tpu.memory_space<hbm>> -> memref<10000x128xf32, #tpu.memory_space<hbm>>
    tpu.enqueue_indirect_dma source(%dma_start3A_242 : memref<10000x128xf32, #tpu.memory_space<hbm>>) target(%arg10 : memref<80x128xf32, #tpu.memory_space<vmem>>) offsets(%dma_start3A_239 : memref<80xi32, #tpu.memory_space<vmem>>) semaphore(%arg15 : memref<!tpu.dma_semaphore, #tpu.memory_space<semaphore_mem>>)
    %dma_wait3A_243 = arith.constant 0 : i32
    %dma_wait3A_244 = arith.constant 0 : i32
    %dma_wait3A_245 = tpu.memref_slice %arg2[%dma_wait3A_243, %dma_wait3A_244] : memref<10000x128xf32, #tpu.memory_space<hbm>> -> memref<80x128xf32, #tpu.memory_space<hbm>>
    %dma_wait3A_246 = arith.constant 0 : i32
    %dma_wait3A_247 = arith.constant 0 : i32
    %dma_wait3A_248 = tpu.memref_slice %arg2[%dma_wait3A_246, %dma_wait3A_247] : memref<10000x128xf32, #tpu.memory_space<hbm>> -> memref<80x128xf32, #tpu.memory_space<hbm>>
    tpu.wait_dma2 semaphore(%arg16 : memref<!tpu.dma_semaphore, #tpu.memory_space<semaphore_mem>>) src(%dma_wait3A_248 : memref<80x128xf32, #tpu.memory_space<hbm>>) dst(%arg10 : memref<80x128xf32, #tpu.memory_space<vmem>>)
    %get3A_249 = arith.constant 22 : i32
    %get3A_250 = arith.index_cast %get3A_249 : i32 to index
    %get3A_251 = arith.constant 0 : index
    %get3A_252 = tpu.vector_load %arg7[%get3A_250, %get3A_251] {strides = array<i32>} : memref<25x80xi32, #tpu.memory_space<vmem>>, vector<16xi32>,
    tpu.vector_store_idx %arg13[%get3A_252], %broadcast_in_dim3A_165 {add = true} : memref<10256xf32, #tpu.memory_space<vmem>>[vector<16xi32>], vector<16xf32>,
    %get3A_253 = arith.constant 22 : i32
    %get3A_254 = arith.index_cast %get3A_253 : i32 to index
    %get3A_255 = arith.constant 16 : index
    %get3A_256 = tpu.vector_load %arg7[%get3A_254, %get3A_255] {strides = array<i32>} : memref<25x80xi32, #tpu.memory_space<vmem>>, vector<16xi32>,
    tpu.vector_store_idx %arg13[%get3A_256], %broadcast_in_dim3A_165 {add = true} : memref<10256xf32, #tpu.memory_space<vmem>>[vector<16xi32>], vector<16xf32>,
    %get3A_257 = arith.constant 22 : i32
    %get3A_258 = arith.index_cast %get3A_257 : i32 to index
    %get3A_259 = arith.constant 32 : index
    %get3A_260 = tpu.vector_load %arg7[%get3A_258, %get3A_259] {strides = array<i32>} : memref<25x80xi32, #tpu.memory_space<vmem>>, vector<16xi32>,
    tpu.vector_store_idx %arg13[%get3A_260], %broadcast_in_dim3A_165 {add = true} : memref<10256xf32, #tpu.memory_space<vmem>>[vector<16xi32>], vector<16xf32>,
    %get3A_261 = arith.constant 22 : i32
    %get3A_262 = arith.index_cast %get3A_261 : i32 to index
    %get3A_263 = arith.constant 48 : index
    %get3A_264 = tpu.vector_load %arg7[%get3A_262, %get3A_263] {strides = array<i32>} : memref<25x80xi32, #tpu.memory_space<vmem>>, vector<16xi32>,
    tpu.vector_store_idx %arg13[%get3A_264], %broadcast_in_dim3A_165 {add = true} : memref<10256xf32, #tpu.memory_space<vmem>>[vector<16xi32>], vector<16xf32>,
    %get3A_265 = arith.constant 22 : i32
    %get3A_266 = arith.index_cast %get3A_265 : i32 to index
    %get3A_267 = arith.constant 64 : index
    %get3A_268 = tpu.vector_load %arg7[%get3A_266, %get3A_267] {strides = array<i32>} : memref<25x80xi32, #tpu.memory_space<vmem>>, vector<16xi32>,
    tpu.vector_store_idx %arg13[%get3A_268], %broadcast_in_dim3A_165 {add = true} : memref<10256xf32, #tpu.memory_space<vmem>>[vector<16xi32>], vector<16xf32>,
    %run_scoped3A_269 = arith.constant 22 : i32
    "tpu.region"() ({
      %run_scoped3A_1203 = tpu.sem_alloc : memref<!tpu.dma_semaphore, #tpu.memory_space<semaphore_mem>>
      %dma_start3A_1204 = arith.constant 0 : i32
      %dma_start3A_1205 = tpu.memref_slice %arg7[%run_scoped3A_269, %dma_start3A_1204] : memref<25x80xi32, #tpu.memory_space<vmem>> -> memref<1x80xi32, #tpu.memory_space<vmem>>
      %dma_start3A_1206 = tpu.memref_squeeze %dma_start3A_1205 : memref<1x80xi32, #tpu.memory_space<vmem>> -> memref<80xi32, #tpu.memory_space<vmem>>
      %dma_start3A_1207 = arith.constant 0 : i32
      %dma_start3A_1208 = arith.constant 0 : i32
      %dma_start3A_1209 = tpu.memref_slice %arg14[%dma_start3A_1207, %dma_start3A_1208] : memref<10248x128xf32, #tpu.memory_space<vmem_shared>> -> memref<10248x128xf32, #tpu.memory_space<vmem_shared>>
      tpu.enqueue_indirect_dma source(%arg11 : memref<80x128xf32, #tpu.memory_space<vmem>>) target(%dma_start3A_1209 : memref<10248x128xf32, #tpu.memory_space<vmem_shared>>) offsets(%dma_start3A_1206 : memref<80xi32, #tpu.memory_space<vmem>>) semaphore(%run_scoped3A_1203 : memref<!tpu.dma_semaphore, #tpu.memory_space<semaphore_mem>>) {add = true}
      %dma_wait3A_1210 = arith.constant 0 : i32
      %dma_wait3A_1211 = tpu.memref_slice %arg7[%run_scoped3A_269, %dma_wait3A_1210] : memref<25x80xi32, #tpu.memory_space<vmem>> -> memref<1x80xi32, #tpu.memory_space<vmem>>
      %dma_wait3A_1212 = tpu.memref_squeeze %dma_wait3A_1211 : memref<1x80xi32, #tpu.memory_space<vmem>> -> memref<80xi32, #tpu.memory_space<vmem>>
      %dma_wait3A_1213 = arith.constant 0 : i32
      %dma_wait3A_1214 = arith.constant 0 : i32
      %dma_wait3A_1215 = tpu.memref_slice %arg14[%dma_wait3A_1213, %dma_wait3A_1214] : memref<10248x128xf32, #tpu.memory_space<vmem_shared>> -> memref<10248x128xf32, #tpu.memory_space<vmem_shared>>
      tpu.wait_indirect_dma semaphore(%run_scoped3A_1203 : memref<!tpu.dma_semaphore, #tpu.memory_space<semaphore_mem>>) src(%arg11 : memref<80x128xf32, #tpu.memory_space<vmem>>) dst(%dma_wait3A_1215 : memref<10248x128xf32, #tpu.memory_space<vmem_shared>>)
      tpu.yield
    }) : () -> ()
    %dma_wait3A_270 = arith.constant 0 : i32
    %dma_wait3A_271 = arith.constant 0 : i32
    %dma_wait3A_272 = tpu.memref_slice %arg2[%dma_wait3A_270, %dma_wait3A_271] : memref<10000x128xf32, #tpu.memory_space<hbm>> -> memref<80x128xf32, #tpu.memory_space<hbm>>
    %dma_wait3A_273 = arith.constant 0 : i32
    %dma_wait3A_274 = arith.constant 0 : i32
    %dma_wait3A_275 = tpu.memref_slice %arg2[%dma_wait3A_273, %dma_wait3A_274] : memref<10000x128xf32, #tpu.memory_space<hbm>> -> memref<80x128xf32, #tpu.memory_space<hbm>>
    tpu.wait_dma2 semaphore(%arg17 : memref<!tpu.dma_semaphore, #tpu.memory_space<semaphore_mem>>) src(%dma_wait3A_275 : memref<80x128xf32, #tpu.memory_space<hbm>>) dst(%arg10 : memref<80x128xf32, #tpu.memory_space<vmem>>)
    %get3A_276 = arith.constant 23 : i32
    %get3A_277 = arith.index_cast %get3A_276 : i32 to index
    %get3A_278 = arith.constant 0 : index
    %get3A_279 = tpu.vector_load %arg7[%get3A_277, %get3A_278] {strides = array<i32>} : memref<25x80xi32, #tpu.memory_space<vmem>>, vector<16xi32>,
    tpu.vector_store_idx %arg13[%get3A_279], %broadcast_in_dim3A_165 {add = true} : memref<10256xf32, #tpu.memory_space<vmem>>[vector<16xi32>], vector<16xf32>,
    %get3A_280 = arith.constant 23 : i32
    %get3A_281 = arith.index_cast %get3A_280 : i32 to index
    %get3A_282 = arith.constant 16 : index
    %get3A_283 = tpu.vector_load %arg7[%get3A_281, %get3A_282] {strides = array<i32>} : memref<25x80xi32, #tpu.memory_space<vmem>>, vector<16xi32>,
    tpu.vector_store_idx %arg13[%get3A_283], %broadcast_in_dim3A_165 {add = true} : memref<10256xf32, #tpu.memory_space<vmem>>[vector<16xi32>], vector<16xf32>,
    %get3A_284 = arith.constant 23 : i32
    %get3A_285 = arith.index_cast %get3A_284 : i32 to index
    %get3A_286 = arith.constant 32 : index
    %get3A_287 = tpu.vector_load %arg7[%get3A_285, %get3A_286] {strides = array<i32>} : memref<25x80xi32, #tpu.memory_space<vmem>>, vector<16xi32>,
    tpu.vector_store_idx %arg13[%get3A_287], %broadcast_in_dim3A_165 {add = true} : memref<10256xf32, #tpu.memory_space<vmem>>[vector<16xi32>], vector<16xf32>,
    %get3A_288 = arith.constant 23 : i32
    %get3A_289 = arith.index_cast %get3A_288 : i32 to index
    %get3A_290 = arith.constant 48 : index
    %get3A_291 = tpu.vector_load %arg7[%get3A_289, %get3A_290] {strides = array<i32>} : memref<25x80xi32, #tpu.memory_space<vmem>>, vector<16xi32>,
    tpu.vector_store_idx %arg13[%get3A_291], %broadcast_in_dim3A_165 {add = true} : memref<10256xf32, #tpu.memory_space<vmem>>[vector<16xi32>], vector<16xf32>,
    %get3A_292 = arith.constant 23 : i32
    %get3A_293 = arith.index_cast %get3A_292 : i32 to index
    %get3A_294 = arith.constant 64 : index
    %get3A_295 = tpu.vector_load %arg7[%get3A_293, %get3A_294] {strides = array<i32>} : memref<25x80xi32, #tpu.memory_space<vmem>>, vector<16xi32>,
    tpu.vector_store_idx %arg13[%get3A_295], %broadcast_in_dim3A_165 {add = true} : memref<10256xf32, #tpu.memory_space<vmem>>[vector<16xi32>], vector<16xf32>,
    %run_scoped3A_296 = arith.constant 23 : i32
    "tpu.region"() ({
      %run_scoped3A_1203 = tpu.sem_alloc : memref<!tpu.dma_semaphore, #tpu.memory_space<semaphore_mem>>
      %dma_start3A_1204 = arith.constant 0 : i32
      %dma_start3A_1205 = tpu.memref_slice %arg7[%run_scoped3A_296, %dma_start3A_1204] : memref<25x80xi32, #tpu.memory_space<vmem>> -> memref<1x80xi32, #tpu.memory_space<vmem>>
      %dma_start3A_1206 = tpu.memref_squeeze %dma_start3A_1205 : memref<1x80xi32, #tpu.memory_space<vmem>> -> memref<80xi32, #tpu.memory_space<vmem>>
      %dma_start3A_1207 = arith.constant 0 : i32
      %dma_start3A_1208 = arith.constant 0 : i32
      %dma_start3A_1209 = tpu.memref_slice %arg14[%dma_start3A_1207, %dma_start3A_1208] : memref<10248x128xf32, #tpu.memory_space<vmem_shared>> -> memref<10248x128xf32, #tpu.memory_space<vmem_shared>>
      tpu.enqueue_indirect_dma source(%arg12 : memref<80x128xf32, #tpu.memory_space<vmem>>) target(%dma_start3A_1209 : memref<10248x128xf32, #tpu.memory_space<vmem_shared>>) offsets(%dma_start3A_1206 : memref<80xi32, #tpu.memory_space<vmem>>) semaphore(%run_scoped3A_1203 : memref<!tpu.dma_semaphore, #tpu.memory_space<semaphore_mem>>) {add = true}
      %dma_wait3A_1210 = arith.constant 0 : i32
      %dma_wait3A_1211 = tpu.memref_slice %arg7[%run_scoped3A_296, %dma_wait3A_1210] : memref<25x80xi32, #tpu.memory_space<vmem>> -> memref<1x80xi32, #tpu.memory_space<vmem>>
      %dma_wait3A_1212 = tpu.memref_squeeze %dma_wait3A_1211 : memref<1x80xi32, #tpu.memory_space<vmem>> -> memref<80xi32, #tpu.memory_space<vmem>>
      %dma_wait3A_1213 = arith.constant 0 : i32
      %dma_wait3A_1214 = arith.constant 0 : i32
      %dma_wait3A_1215 = tpu.memref_slice %arg14[%dma_wait3A_1213, %dma_wait3A_1214] : memref<10248x128xf32, #tpu.memory_space<vmem_shared>> -> memref<10248x128xf32, #tpu.memory_space<vmem_shared>>
      tpu.wait_indirect_dma semaphore(%run_scoped3A_1203 : memref<!tpu.dma_semaphore, #tpu.memory_space<semaphore_mem>>) src(%arg12 : memref<80x128xf32, #tpu.memory_space<vmem>>) dst(%dma_wait3A_1215 : memref<10248x128xf32, #tpu.memory_space<vmem_shared>>)
      tpu.yield
    }) : () -> ()
    %dma_wait3A_297 = arith.constant 0 : i32
    %dma_wait3A_298 = arith.constant 0 : i32
    %dma_wait3A_299 = tpu.memref_slice %arg2[%dma_wait3A_297, %dma_wait3A_298] : memref<10000x128xf32, #tpu.memory_space<hbm>> -> memref<80x128xf32, #tpu.memory_space<hbm>>
    %dma_wait3A_300 = arith.constant 0 : i32
    %dma_wait3A_301 = arith.constant 0 : i32
    %dma_wait3A_302 = tpu.memref_slice %arg2[%dma_wait3A_300, %dma_wait3A_301] : memref<10000x128xf32, #tpu.memory_space<hbm>> -> memref<80x128xf32, #tpu.memory_space<hbm>>
    tpu.wait_dma2 semaphore(%arg15 : memref<!tpu.dma_semaphore, #tpu.memory_space<semaphore_mem>>) src(%dma_wait3A_302 : memref<80x128xf32, #tpu.memory_space<hbm>>) dst(%arg10 : memref<80x128xf32, #tpu.memory_space<vmem>>)
    %get3A_303 = arith.constant 24 : i32
    %get3A_304 = arith.index_cast %get3A_303 : i32 to index
    %get3A_305 = arith.constant 0 : index
    %get3A_306 = tpu.vector_load %arg7[%get3A_304, %get3A_305] {strides = array<i32>} : memref<25x80xi32, #tpu.memory_space<vmem>>, vector<16xi32>,
    tpu.vector_store_idx %arg13[%get3A_306], %broadcast_in_dim3A_165 {add = true} : memref<10256xf32, #tpu.memory_space<vmem>>[vector<16xi32>], vector<16xf32>,
    %get3A_307 = arith.constant 24 : i32
    %get3A_308 = arith.index_cast %get3A_307 : i32 to index
    %get3A_309 = arith.constant 16 : index
    %get3A_310 = tpu.vector_load %arg7[%get3A_308, %get3A_309] {strides = array<i32>} : memref<25x80xi32, #tpu.memory_space<vmem>>, vector<16xi32>,
    tpu.vector_store_idx %arg13[%get3A_310], %broadcast_in_dim3A_165 {add = true} : memref<10256xf32, #tpu.memory_space<vmem>>[vector<16xi32>], vector<16xf32>,
    %get3A_311 = arith.constant 24 : i32
    %get3A_312 = arith.index_cast %get3A_311 : i32 to index
    %get3A_313 = arith.constant 32 : index
    %get3A_314 = tpu.vector_load %arg7[%get3A_312, %get3A_313] {strides = array<i32>} : memref<25x80xi32, #tpu.memory_space<vmem>>, vector<16xi32>,
    tpu.vector_store_idx %arg13[%get3A_314], %broadcast_in_dim3A_165 {add = true} : memref<10256xf32, #tpu.memory_space<vmem>>[vector<16xi32>], vector<16xf32>,
    %get3A_315 = arith.constant 24 : i32
    %get3A_316 = arith.index_cast %get3A_315 : i32 to index
    %get3A_317 = arith.constant 48 : index
    %get3A_318 = tpu.vector_load %arg7[%get3A_316, %get3A_317] {strides = array<i32>} : memref<25x80xi32, #tpu.memory_space<vmem>>, vector<16xi32>,
    tpu.vector_store_idx %arg13[%get3A_318], %broadcast_in_dim3A_165 {add = true} : memref<10256xf32, #tpu.memory_space<vmem>>[vector<16xi32>], vector<16xf32>,
    %get3A_319 = arith.constant 24 : i32
    %get3A_320 = arith.index_cast %get3A_319 : i32 to index
    %get3A_321 = arith.constant 64 : index
    %get3A_322 = tpu.vector_load %arg7[%get3A_320, %get3A_321] {strides = array<i32>} : memref<25x80xi32, #tpu.memory_space<vmem>>, vector<16xi32>,
    tpu.vector_store_idx %arg13[%get3A_322], %broadcast_in_dim3A_165 {add = true} : memref<10256xf32, #tpu.memory_space<vmem>>[vector<16xi32>], vector<16xf32>,
    %run_scoped3A_323 = arith.constant 24 : i32
    "tpu.region"() ({
      %run_scoped3A_1203 = tpu.sem_alloc : memref<!tpu.dma_semaphore, #tpu.memory_space<semaphore_mem>>
      %dma_start3A_1204 = arith.constant 0 : i32
      %dma_start3A_1205 = tpu.memref_slice %arg7[%run_scoped3A_323, %dma_start3A_1204] : memref<25x80xi32, #tpu.memory_space<vmem>> -> memref<1x80xi32, #tpu.memory_space<vmem>>
      %dma_start3A_1206 = tpu.memref_squeeze %dma_start3A_1205 : memref<1x80xi32, #tpu.memory_space<vmem>> -> memref<80xi32, #tpu.memory_space<vmem>>
      %dma_start3A_1207 = arith.constant 0 : i32
      %dma_start3A_1208 = arith.constant 0 : i32
      %dma_start3A_1209 = tpu.memref_slice %arg14[%dma_start3A_1207, %dma_start3A_1208] : memref<10248x128xf32, #tpu.memory_space<vmem_shared>> -> memref<10248x128xf32, #tpu.memory_space<vmem_shared>>
      tpu.enqueue_indirect_dma source(%arg10 : memref<80x128xf32, #tpu.memory_space<vmem>>) target(%dma_start3A_1209 : memref<10248x128xf32, #tpu.memory_space<vmem_shared>>) offsets(%dma_start3A_1206 : memref<80xi32, #tpu.memory_space<vmem>>) semaphore(%run_scoped3A_1203 : memref<!tpu.dma_semaphore, #tpu.memory_space<semaphore_mem>>) {add = true}
      %dma_wait3A_1210 = arith.constant 0 : i32
      %dma_wait3A_1211 = tpu.memref_slice %arg7[%run_scoped3A_323, %dma_wait3A_1210] : memref<25x80xi32, #tpu.memory_space<vmem>> -> memref<1x80xi32, #tpu.memory_space<vmem>>
      %dma_wait3A_1212 = tpu.memref_squeeze %dma_wait3A_1211 : memref<1x80xi32, #tpu.memory_space<vmem>> -> memref<80xi32, #tpu.memory_space<vmem>>
      %dma_wait3A_1213 = arith.constant 0 : i32
      %dma_wait3A_1214 = arith.constant 0 : i32
      %dma_wait3A_1215 = tpu.memref_slice %arg14[%dma_wait3A_1213, %dma_wait3A_1214] : memref<10248x128xf32, #tpu.memory_space<vmem_shared>> -> memref<10248x128xf32, #tpu.memory_space<vmem_shared>>
      tpu.wait_indirect_dma semaphore(%run_scoped3A_1203 : memref<!tpu.dma_semaphore, #tpu.memory_space<semaphore_mem>>) src(%arg10 : memref<80x128xf32, #tpu.memory_space<vmem>>) dst(%dma_wait3A_1215 : memref<10248x128xf32, #tpu.memory_space<vmem_shared>>)
      tpu.yield
    }) : () -> ()
    %dma_wait3A_324 = arith.constant 0 : i32
    %dma_wait3A_325 = arith.constant 0 : i32
    %dma_wait3A_326 = arith.constant 0 : i32
    %dma_wait3A_327 = tpu.memref_slice %arg3[%dma_wait3A_324, %add3A, %dma_wait3A_325, %dma_wait3A_326] : memref<2x32x125x80xi32, #tpu.memory_space<hbm>> -> memref<1x1x25x80xi32, #tpu.memory_space<hbm>>
    %dma_wait3A_328 = tpu.memref_squeeze %dma_wait3A_327 : memref<1x1x25x80xi32, #tpu.memory_space<hbm>> -> memref<25x80xi32, #tpu.memory_space<hbm>>
    %dma_wait3A_329 = arith.constant 0 : i32
    %dma_wait3A_330 = arith.constant 0 : i32
    %dma_wait3A_331 = tpu.memref_slice %arg3[%dma_wait3A_324, %add3A, %dma_wait3A_329, %dma_wait3A_330] : memref<2x32x125x80xi32, #tpu.memory_space<hbm>> -> memref<1x1x25x80xi32, #tpu.memory_space<hbm>>
    %dma_wait3A_332 = tpu.memref_squeeze %dma_wait3A_331 : memref<1x1x25x80xi32, #tpu.memory_space<hbm>> -> memref<25x80xi32, #tpu.memory_space<hbm>>
    tpu.wait_dma2 semaphore(%arg18 : memref<!tpu.dma_semaphore, #tpu.memory_space<semaphore_mem>>) src(%dma_wait3A_332 : memref<25x80xi32, #tpu.memory_space<hbm>>) dst(%arg8 : memref<25x80xi32, #tpu.memory_space<vmem>>)
    %dma_wait3A_333 = arith.constant 1 : i32
    %dma_wait3A_334 = arith.constant 0 : i32
    %dma_wait3A_335 = arith.constant 0 : i32
    %dma_wait3A_336 = tpu.memref_slice %arg3[%dma_wait3A_333, %add3A, %dma_wait3A_334, %dma_wait3A_335] : memref<2x32x125x80xi32, #tpu.memory_space<hbm>> -> memref<1x1x25x80xi32, #tpu.memory_space<hbm>>
    %dma_wait3A_337 = tpu.memref_squeeze %dma_wait3A_336 : memref<1x1x25x80xi32, #tpu.memory_space<hbm>> -> memref<25x80xi32, #tpu.memory_space<hbm>>
    %dma_wait3A_338 = arith.constant 0 : i32
    %dma_wait3A_339 = arith.constant 0 : i32
    %dma_wait3A_340 = tpu.memref_slice %arg3[%dma_wait3A_333, %add3A, %dma_wait3A_338, %dma_wait3A_339] : memref<2x32x125x80xi32, #tpu.memory_space<hbm>> -> memref<1x1x25x80xi32, #tpu.memory_space<hbm>>
    %dma_wait3A_341 = tpu.memref_squeeze %dma_wait3A_340 : memref<1x1x25x80xi32, #tpu.memory_space<hbm>> -> memref<25x80xi32, #tpu.memory_space<hbm>>
    tpu.wait_dma2 semaphore(%arg18 : memref<!tpu.dma_semaphore, #tpu.memory_space<semaphore_mem>>) src(%dma_wait3A_341 : memref<25x80xi32, #tpu.memory_space<hbm>>) dst(%arg9 : memref<25x80xi32, #tpu.memory_space<vmem>>)
    %dma_start3A_342 = arith.constant 0 : i32
    %dma_start3A_343 = arith.constant 50 : i32
    %dma_start3A_344 = arith.constant 0 : i32
    %dma_start3A_345 = tpu.memref_slice %arg3[%dma_start3A_342, %add3A, %dma_start3A_343, %dma_start3A_344] : memref<2x32x125x80xi32, #tpu.memory_space<hbm>> -> memref<1x1x25x80xi32, #tpu.memory_space<hbm>>
    %dma_start3A_346 = tpu.memref_squeeze %dma_start3A_345 : memref<1x1x25x80xi32, #tpu.memory_space<hbm>> -> memref<25x80xi32, #tpu.memory_space<hbm>>
    %dma_start3A_347 = arith.constant 50 : i32
    %dma_start3A_348 = arith.constant 0 : i32
    %dma_start3A_349 = tpu.memref_slice %arg3[%dma_start3A_342, %add3A, %dma_start3A_347, %dma_start3A_348] : memref<2x32x125x80xi32, #tpu.memory_space<hbm>> -> memref<1x1x25x80xi32, #tpu.memory_space<hbm>>
    %dma_start3A_350 = tpu.memref_squeeze %dma_start3A_349 : memref<1x1x25x80xi32, #tpu.memory_space<hbm>> -> memref<25x80xi32, #tpu.memory_space<hbm>>
    tpu.enqueue_dma source(%dma_start3A_350 : memref<25x80xi32, #tpu.memory_space<hbm>>) target(%arg6 : memref<25x80xi32, #tpu.memory_space<vmem>>) target_semaphore(%arg18 : memref<!tpu.dma_semaphore, #tpu.memory_space<semaphore_mem>>)
    %dma_start3A_351 = arith.constant 1 : i32
    %dma_start3A_352 = arith.constant 50 : i32
    %dma_start3A_353 = arith.constant 0 : i32
    %dma_start3A_354 = tpu.memref_slice %arg3[%dma_start3A_351, %add3A, %dma_start3A_352, %dma_start3A_353] : memref<2x32x125x80xi32, #tpu.memory_space<hbm>> -> memref<1x1x25x80xi32, #tpu.memory_space<hbm>>
    %dma_start3A_355 = tpu.memref_squeeze %dma_start3A_354 : memref<1x1x25x80xi32, #tpu.memory_space<hbm>> -> memref<25x80xi32, #tpu.memory_space<hbm>>
    %dma_start3A_356 = arith.constant 50 : i32
    %dma_start3A_357 = arith.constant 0 : i32
    %dma_start3A_358 = tpu.memref_slice %arg3[%dma_start3A_351, %add3A, %dma_start3A_356, %dma_start3A_357] : memref<2x32x125x80xi32, #tpu.memory_space<hbm>> -> memref<1x1x25x80xi32, #tpu.memory_space<hbm>>
    %dma_start3A_359 = tpu.memref_squeeze %dma_start3A_358 : memref<1x1x25x80xi32, #tpu.memory_space<hbm>> -> memref<25x80xi32, #tpu.memory_space<hbm>>
    tpu.enqueue_dma source(%dma_start3A_359 : memref<25x80xi32, #tpu.memory_space<hbm>>) target(%arg7 : memref<25x80xi32, #tpu.memory_space<vmem>>) target_semaphore(%arg18 : memref<!tpu.dma_semaphore, #tpu.memory_space<semaphore_mem>>)
    %dma_start3A_360 = arith.constant 0 : i32
    %dma_start3A_361 = arith.constant 0 : i32
    %dma_start3A_362 = tpu.memref_slice %arg8[%dma_start3A_360, %dma_start3A_361] : memref<25x80xi32, #tpu.memory_space<vmem>> -> memref<1x80xi32, #tpu.memory_space<vmem>>
    %dma_start3A_363 = tpu.memref_squeeze %dma_start3A_362 : memref<1x80xi32, #tpu.memory_space<vmem>> -> memref<80xi32, #tpu.memory_space<vmem>>
    %dma_start3A_364 = arith.constant 0 : i32
    %dma_start3A_365 = arith.constant 0 : i32
    %dma_start3A_366 = tpu.memref_slice %arg2[%dma_start3A_364, %dma_start3A_365] : memref<10000x128xf32, #tpu.memory_space<hbm>> -> memref<10000x128xf32, #tpu.memory_space<hbm>>
    tpu.enqueue_indirect_dma source(%dma_start3A_366 : memref<10000x128xf32, #tpu.memory_space<hbm>>) target(%arg10 : memref<80x128xf32, #tpu.memory_space<vmem>>) offsets(%dma_start3A_363 : memref<80xi32, #tpu.memory_space<vmem>>) semaphore(%arg15 : memref<!tpu.dma_semaphore, #tpu.memory_space<semaphore_mem>>)
    %dma_start3A_367 = arith.constant 1 : i32
    %dma_start3A_368 = arith.constant 0 : i32
    %dma_start3A_369 = tpu.memref_slice %arg8[%dma_start3A_367, %dma_start3A_368] : memref<25x80xi32, #tpu.memory_space<vmem>> -> memref<1x80xi32, #tpu.memory_space<vmem>>
    %dma_start3A_370 = tpu.memref_squeeze %dma_start3A_369 : memref<1x80xi32, #tpu.memory_space<vmem>> -> memref<80xi32, #tpu.memory_space<vmem>>
    %dma_start3A_371 = arith.constant 0 : i32
    %dma_start3A_372 = arith.constant 0 : i32
    %dma_start3A_373 = tpu.memref_slice %arg2[%dma_start3A_371, %dma_start3A_372] : memref<10000x128xf32, #tpu.memory_space<hbm>> -> memref<10000x128xf32, #tpu.memory_space<hbm>>
    tpu.enqueue_indirect_dma source(%dma_start3A_373 : memref<10000x128xf32, #tpu.memory_space<hbm>>) target(%arg11 : memref<80x128xf32, #tpu.memory_space<vmem>>) offsets(%dma_start3A_370 : memref<80xi32, #tpu.memory_space<vmem>>) semaphore(%arg16 : memref<!tpu.dma_semaphore, #tpu.memory_space<semaphore_mem>>)
    %dma_start3A_374 = arith.constant 2 : i32
    %dma_start3A_375 = arith.constant 0 : i32
    %dma_start3A_376 = tpu.memref_slice %arg8[%dma_start3A_374, %dma_start3A_375] : memref<25x80xi32, #tpu.memory_space<vmem>> -> memref<1x80xi32, #tpu.memory_space<vmem>>
    %dma_start3A_377 = tpu.memref_squeeze %dma_start3A_376 : memref<1x80xi32, #tpu.memory_space<vmem>> -> memref<80xi32, #tpu.memory_space<vmem>>
    %dma_start3A_378 = arith.constant 0 : i32
    %dma_start3A_379 = arith.constant 0 : i32
    %dma_start3A_380 = tpu.memref_slice %arg2[%dma_start3A_378, %dma_start3A_379] : memref<10000x128xf32, #tpu.memory_space<hbm>> -> memref<10000x128xf32, #tpu.memory_space<hbm>>
    tpu.enqueue_indirect_dma source(%dma_start3A_380 : memref<10000x128xf32, #tpu.memory_space<hbm>>) target(%arg12 : memref<80x128xf32, #tpu.memory_space<vmem>>) offsets(%dma_start3A_377 : memref<80xi32, #tpu.memory_space<vmem>>) semaphore(%arg17 : memref<!tpu.dma_semaphore, #tpu.memory_space<semaphore_mem>>)
    %scan3A_381 = arith.constant 0 : i32
    %scan3A_382 = arith.constant 0 : i32
    %scan3A_383 = arith.constant 7 : i32
    %scan3A_384 = arith.addi %scan3A_382, %scan3A_383 : i32
    %scan3A_385 = arith.constant 1 : i32
    scf.for %scan3A_1203 = %scan3A_382 to %scan3A_384 step %scan3A_385  : i32 {
      %mul3A_1204 = arith.constant 3 : i32
      %mul3A_1205 = arith.muli %mul3A_1204, %scan3A_1203 : i32
      %add3A_1206 = arith.constant 0 : i32
      %add3A_1207 = arith.addi %mul3A_1205, %add3A_1206 : i32
      %dma_wait3A_1208 = arith.constant 0 : i32
      %dma_wait3A_1209 = arith.constant 0 : i32
      %dma_wait3A_1210 = tpu.memref_slice %arg2[%dma_wait3A_1208, %dma_wait3A_1209] : memref<10000x128xf32, #tpu.memory_space<hbm>> -> memref<80x128xf32, #tpu.memory_space<hbm>>
      %dma_wait3A_1211 = arith.constant 0 : i32
      %dma_wait3A_1212 = arith.constant 0 : i32
      %dma_wait3A_1213 = tpu.memref_slice %arg2[%dma_wait3A_1211, %dma_wait3A_1212] : memref<10000x128xf32, #tpu.memory_space<hbm>> -> memref<80x128xf32, #tpu.memory_space<hbm>>
      tpu.wait_dma2 semaphore(%arg15 : memref<!tpu.dma_semaphore, #tpu.memory_space<semaphore_mem>>) src(%dma_wait3A_1213 : memref<80x128xf32, #tpu.memory_space<hbm>>) dst(%arg10 : memref<80x128xf32, #tpu.memory_space<vmem>>)
      %get3A_1214 = arith.index_cast %add3A_1207 : i32 to index
      %get3A_1215 = arith.constant 0 : index
      %get3A_1216 = tpu.vector_load %arg9[%get3A_1214, %get3A_1215] {strides = array<i32>} : memref<25x80xi32, #tpu.memory_space<vmem>>, vector<16xi32>,
      tpu.vector_store_idx %arg13[%get3A_1216], %broadcast_in_dim3A_165 {add = true} : memref<10256xf32, #tpu.memory_space<vmem>>[vector<16xi32>], vector<16xf32>,
      %get3A_1217 = arith.index_cast %add3A_1207 : i32 to index
      %get3A_1218 = arith.constant 16 : index
      %get3A_1219 = tpu.vector_load %arg9[%get3A_1217, %get3A_1218] {strides = array<i32>} : memref<25x80xi32, #tpu.memory_space<vmem>>, vector<16xi32>,
      tpu.vector_store_idx %arg13[%get3A_1219], %broadcast_in_dim3A_165 {add = true} : memref<10256xf32, #tpu.memory_space<vmem>>[vector<16xi32>], vector<16xf32>,
      %get3A_1220 = arith.index_cast %add3A_1207 : i32 to index
      %get3A_1221 = arith.constant 32 : index
      %get3A_1222 = tpu.vector_load %arg9[%get3A_1220, %get3A_1221] {strides = array<i32>} : memref<25x80xi32, #tpu.memory_space<vmem>>, vector<16xi32>,
      tpu.vector_store_idx %arg13[%get3A_1222], %broadcast_in_dim3A_165 {add = true} : memref<10256xf32, #tpu.memory_space<vmem>>[vector<16xi32>], vector<16xf32>,
      %get3A_1223 = arith.index_cast %add3A_1207 : i32 to index
      %get3A_1224 = arith.constant 48 : index
      %get3A_1225 = tpu.vector_load %arg9[%get3A_1223, %get3A_1224] {strides = array<i32>} : memref<25x80xi32, #tpu.memory_space<vmem>>, vector<16xi32>,
      tpu.vector_store_idx %arg13[%get3A_1225], %broadcast_in_dim3A_165 {add = true} : memref<10256xf32, #tpu.memory_space<vmem>>[vector<16xi32>], vector<16xf32>,
      %get3A_1226 = arith.index_cast %add3A_1207 : i32 to index
      %get3A_1227 = arith.constant 64 : index
      %get3A_1228 = tpu.vector_load %arg9[%get3A_1226, %get3A_1227] {strides = array<i32>} : memref<25x80xi32, #tpu.memory_space<vmem>>, vector<16xi32>,
      tpu.vector_store_idx %arg13[%get3A_1228], %broadcast_in_dim3A_165 {add = true} : memref<10256xf32, #tpu.memory_space<vmem>>[vector<16xi32>], vector<16xf32>,
      "tpu.region"() ({
        %run_scoped3A_1303 = tpu.sem_alloc : memref<!tpu.dma_semaphore, #tpu.memory_space<semaphore_mem>>
        %dma_start3A_1304 = arith.constant 0 : i32
        %dma_start3A_1305 = tpu.memref_slice %arg9[%add3A_1207, %dma_start3A_1304] : memref<25x80xi32, #tpu.memory_space<vmem>> -> memref<1x80xi32, #tpu.memory_space<vmem>>
        %dma_start3A_1306 = tpu.memref_squeeze %dma_start3A_1305 : memref<1x80xi32, #tpu.memory_space<vmem>> -> memref<80xi32, #tpu.memory_space<vmem>>
        %dma_start3A_1307 = arith.constant 0 : i32
        %dma_start3A_1308 = arith.constant 0 : i32
        %dma_start3A_1309 = tpu.memref_slice %arg14[%dma_start3A_1307, %dma_start3A_1308] : memref<10248x128xf32, #tpu.memory_space<vmem_shared>> -> memref<10248x128xf32, #tpu.memory_space<vmem_shared>>
        tpu.enqueue_indirect_dma source(%arg10 : memref<80x128xf32, #tpu.memory_space<vmem>>) target(%dma_start3A_1309 : memref<10248x128xf32, #tpu.memory_space<vmem_shared>>) offsets(%dma_start3A_1306 : memref<80xi32, #tpu.memory_space<vmem>>) semaphore(%run_scoped3A_1303 : memref<!tpu.dma_semaphore, #tpu.memory_space<semaphore_mem>>) {add = true}
        %dma_wait3A_1310 = arith.constant 0 : i32
        %dma_wait3A_1311 = tpu.memref_slice %arg9[%add3A_1207, %dma_wait3A_1310] : memref<25x80xi32, #tpu.memory_space<vmem>> -> memref<1x80xi32, #tpu.memory_space<vmem>>
        %dma_wait3A_1312 = tpu.memref_squeeze %dma_wait3A_1311 : memref<1x80xi32, #tpu.memory_space<vmem>> -> memref<80xi32, #tpu.memory_space<vmem>>
        %dma_wait3A_1313 = arith.constant 0 : i32
        %dma_wait3A_1314 = arith.constant 0 : i32
        %dma_wait3A_1315 = tpu.memref_slice %arg14[%dma_wait3A_1313, %dma_wait3A_1314] : memref<10248x128xf32, #tpu.memory_space<vmem_shared>> -> memref<10248x128xf32, #tpu.memory_space<vmem_shared>>
        tpu.wait_indirect_dma semaphore(%run_scoped3A_1303 : memref<!tpu.dma_semaphore, #tpu.memory_space<semaphore_mem>>) src(%arg10 : memref<80x128xf32, #tpu.memory_space<vmem>>) dst(%dma_wait3A_1315 : memref<10248x128xf32, #tpu.memory_space<vmem_shared>>)
        tpu.yield
      }) : () -> ()
      %add3A_1229 = arith.constant 3 : i32
      %add3A_1230 = arith.addi %add3A_1207, %add3A_1229 : i32
      %dma_start3A_1231 = arith.constant 0 : i32
      %dma_start3A_1232 = tpu.memref_slice %arg8[%add3A_1230, %dma_start3A_1231] : memref<25x80xi32, #tpu.memory_space<vmem>> -> memref<1x80xi32, #tpu.memory_space<vmem>>
      %dma_start3A_1233 = tpu.memref_squeeze %dma_start3A_1232 : memref<1x80xi32, #tpu.memory_space<vmem>> -> memref<80xi32, #tpu.memory_space<vmem>>
      %dma_start3A_1234 = arith.constant 0 : i32
      %dma_start3A_1235 = arith.constant 0 : i32
      %dma_start3A_1236 = tpu.memref_slice %arg2[%dma_start3A_1234, %dma_start3A_1235] : memref<10000x128xf32, #tpu.memory_space<hbm>> -> memref<10000x128xf32, #tpu.memory_space<hbm>>
      tpu.enqueue_indirect_dma source(%dma_start3A_1236 : memref<10000x128xf32, #tpu.memory_space<hbm>>) target(%arg10 : memref<80x128xf32, #tpu.memory_space<vmem>>) offsets(%dma_start3A_1233 : memref<80xi32, #tpu.memory_space<vmem>>) semaphore(%arg15 : memref<!tpu.dma_semaphore, #tpu.memory_space<semaphore_mem>>)
      %mul3A_1237 = arith.constant 3 : i32
      %mul3A_1238 = arith.muli %mul3A_1237, %scan3A_1203 : i32
      %add3A_1239 = arith.constant 1 : i32
      %add3A_1240 = arith.addi %mul3A_1238, %add3A_1239 : i32
      %dma_wait3A_1241 = arith.constant 0 : i32
      %dma_wait3A_1242 = arith.constant 0 : i32
      %dma_wait3A_1243 = tpu.memref_slice %arg2[%dma_wait3A_1241, %dma_wait3A_1242] : memref<10000x128xf32, #tpu.memory_space<hbm>> -> memref<80x128xf32, #tpu.memory_space<hbm>>
      %dma_wait3A_1244 = arith.constant 0 : i32
      %dma_wait3A_1245 = arith.constant 0 : i32
      %dma_wait3A_1246 = tpu.memref_slice %arg2[%dma_wait3A_1244, %dma_wait3A_1245] : memref<10000x128xf32, #tpu.memory_space<hbm>> -> memref<80x128xf32, #tpu.memory_space<hbm>>
      tpu.wait_dma2 semaphore(%arg16 : memref<!tpu.dma_semaphore, #tpu.memory_space<semaphore_mem>>) src(%dma_wait3A_1246 : memref<80x128xf32, #tpu.memory_space<hbm>>) dst(%arg10 : memref<80x128xf32, #tpu.memory_space<vmem>>)
      %get3A_1247 = arith.index_cast %add3A_1240 : i32 to index
      %get3A_1248 = arith.constant 0 : index
      %get3A_1249 = tpu.vector_load %arg9[%get3A_1247, %get3A_1248] {strides = array<i32>} : memref<25x80xi32, #tpu.memory_space<vmem>>, vector<16xi32>,
      tpu.vector_store_idx %arg13[%get3A_1249], %broadcast_in_dim3A_165 {add = true} : memref<10256xf32, #tpu.memory_space<vmem>>[vector<16xi32>], vector<16xf32>,
      %get3A_1250 = arith.index_cast %add3A_1240 : i32 to index
      %get3A_1251 = arith.constant 16 : index
      %get3A_1252 = tpu.vector_load %arg9[%get3A_1250, %get3A_1251] {strides = array<i32>} : memref<25x80xi32, #tpu.memory_space<vmem>>, vector<16xi32>,
      tpu.vector_store_idx %arg13[%get3A_1252], %broadcast_in_dim3A_165 {add = true} : memref<10256xf32, #tpu.memory_space<vmem>>[vector<16xi32>], vector<16xf32>,
      %get3A_1253 = arith.index_cast %add3A_1240 : i32 to index
      %get3A_1254 = arith.constant 32 : index
      %get3A_1255 = tpu.vector_load %arg9[%get3A_1253, %get3A_1254] {strides = array<i32>} : memref<25x80xi32, #tpu.memory_space<vmem>>, vector<16xi32>,
      tpu.vector_store_idx %arg13[%get3A_1255], %broadcast_in_dim3A_165 {add = true} : memref<10256xf32, #tpu.memory_space<vmem>>[vector<16xi32>], vector<16xf32>,
      %get3A_1256 = arith.index_cast %add3A_1240 : i32 to index
      %get3A_1257 = arith.constant 48 : index
      %get3A_1258 = tpu.vector_load %arg9[%get3A_1256, %get3A_1257] {strides = array<i32>} : memref<25x80xi32, #tpu.memory_space<vmem>>, vector<16xi32>,
      tpu.vector_store_idx %arg13[%get3A_1258], %broadcast_in_dim3A_165 {add = true} : memref<10256xf32, #tpu.memory_space<vmem>>[vector<16xi32>], vector<16xf32>,
      %get3A_1259 = arith.index_cast %add3A_1240 : i32 to index
      %get3A_1260 = arith.constant 64 : index
      %get3A_1261 = tpu.vector_load %arg9[%get3A_1259, %get3A_1260] {strides = array<i32>} : memref<25x80xi32, #tpu.memory_space<vmem>>, vector<16xi32>,
      tpu.vector_store_idx %arg13[%get3A_1261], %broadcast_in_dim3A_165 {add = true} : memref<10256xf32, #tpu.memory_space<vmem>>[vector<16xi32>], vector<16xf32>,
      "tpu.region"() ({
        %run_scoped3A_1303 = tpu.sem_alloc : memref<!tpu.dma_semaphore, #tpu.memory_space<semaphore_mem>>
        %dma_start3A_1304 = arith.constant 0 : i32
        %dma_start3A_1305 = tpu.memref_slice %arg9[%add3A_1240, %dma_start3A_1304] : memref<25x80xi32, #tpu.memory_space<vmem>> -> memref<1x80xi32, #tpu.memory_space<vmem>>
        %dma_start3A_1306 = tpu.memref_squeeze %dma_start3A_1305 : memref<1x80xi32, #tpu.memory_space<vmem>> -> memref<80xi32, #tpu.memory_space<vmem>>
        %dma_start3A_1307 = arith.constant 0 : i32
        %dma_start3A_1308 = arith.constant 0 : i32
        %dma_start3A_1309 = tpu.memref_slice %arg14[%dma_start3A_1307, %dma_start3A_1308] : memref<10248x128xf32, #tpu.memory_space<vmem_shared>> -> memref<10248x128xf32, #tpu.memory_space<vmem_shared>>
        tpu.enqueue_indirect_dma source(%arg11 : memref<80x128xf32, #tpu.memory_space<vmem>>) target(%dma_start3A_1309 : memref<10248x128xf32, #tpu.memory_space<vmem_shared>>) offsets(%dma_start3A_1306 : memref<80xi32, #tpu.memory_space<vmem>>) semaphore(%run_scoped3A_1303 : memref<!tpu.dma_semaphore, #tpu.memory_space<semaphore_mem>>) {add = true}
        %dma_wait3A_1310 = arith.constant 0 : i32
        %dma_wait3A_1311 = tpu.memref_slice %arg9[%add3A_1240, %dma_wait3A_1310] : memref<25x80xi32, #tpu.memory_space<vmem>> -> memref<1x80xi32, #tpu.memory_space<vmem>>
        %dma_wait3A_1312 = tpu.memref_squeeze %dma_wait3A_1311 : memref<1x80xi32, #tpu.memory_space<vmem>> -> memref<80xi32, #tpu.memory_space<vmem>>
        %dma_wait3A_1313 = arith.constant 0 : i32
        %dma_wait3A_1314 = arith.constant 0 : i32
        %dma_wait3A_1315 = tpu.memref_slice %arg14[%dma_wait3A_1313, %dma_wait3A_1314] : memref<10248x128xf32, #tpu.memory_space<vmem_shared>> -> memref<10248x128xf32, #tpu.memory_space<vmem_shared>>
        tpu.wait_indirect_dma semaphore(%run_scoped3A_1303 : memref<!tpu.dma_semaphore, #tpu.memory_space<semaphore_mem>>) src(%arg11 : memref<80x128xf32, #tpu.memory_space<vmem>>) dst(%dma_wait3A_1315 : memref<10248x128xf32, #tpu.memory_space<vmem_shared>>)
        tpu.yield
      }) : () -> ()
      %add3A_1262 = arith.constant 3 : i32
      %add3A_1263 = arith.addi %add3A_1240, %add3A_1262 : i32
      %dma_start3A_1264 = arith.constant 0 : i32
      %dma_start3A_1265 = tpu.memref_slice %arg8[%add3A_1263, %dma_start3A_1264] : memref<25x80xi32, #tpu.memory_space<vmem>> -> memref<1x80xi32, #tpu.memory_space<vmem>>
      %dma_start3A_1266 = tpu.memref_squeeze %dma_start3A_1265 : memref<1x80xi32, #tpu.memory_space<vmem>> -> memref<80xi32, #tpu.memory_space<vmem>>
      %dma_start3A_1267 = arith.constant 0 : i32
      %dma_start3A_1268 = arith.constant 0 : i32
      %dma_start3A_1269 = tpu.memref_slice %arg2[%dma_start3A_1267, %dma_start3A_1268] : memref<10000x128xf32, #tpu.memory_space<hbm>> -> memref<10000x128xf32, #tpu.memory_space<hbm>>
      tpu.enqueue_indirect_dma source(%dma_start3A_1269 : memref<10000x128xf32, #tpu.memory_space<hbm>>) target(%arg11 : memref<80x128xf32, #tpu.memory_space<vmem>>) offsets(%dma_start3A_1266 : memref<80xi32, #tpu.memory_space<vmem>>) semaphore(%arg16 : memref<!tpu.dma_semaphore, #tpu.memory_space<semaphore_mem>>)
      %mul3A_1270 = arith.constant 3 : i32
      %mul3A_1271 = arith.muli %mul3A_1270, %scan3A_1203 : i32
      %add3A_1272 = arith.constant 2 : i32
      %add3A_1273 = arith.addi %mul3A_1271, %add3A_1272 : i32
      %dma_wait3A_1274 = arith.constant 0 : i32
      %dma_wait3A_1275 = arith.constant 0 : i32
      %dma_wait3A_1276 = tpu.memref_slice %arg2[%dma_wait3A_1274, %dma_wait3A_1275] : memref<10000x128xf32, #tpu.memory_space<hbm>> -> memref<80x128xf32, #tpu.memory_space<hbm>>
      %dma_wait3A_1277 = arith.constant 0 : i32
      %dma_wait3A_1278 = arith.constant 0 : i32
      %dma_wait3A_1279 = tpu.memref_slice %arg2[%dma_wait3A_1277, %dma_wait3A_1278] : memref<10000x128xf32, #tpu.memory_space<hbm>> -> memref<80x128xf32, #tpu.memory_space<hbm>>
      tpu.wait_dma2 semaphore(%arg17 : memref<!tpu.dma_semaphore, #tpu.memory_space<semaphore_mem>>) src(%dma_wait3A_1279 : memref<80x128xf32, #tpu.memory_space<hbm>>) dst(%arg10 : memref<80x128xf32, #tpu.memory_space<vmem>>)
      %get3A_1280 = arith.index_cast %add3A_1273 : i32 to index
      %get3A_1281 = arith.constant 0 : index
      %get3A_1282 = tpu.vector_load %arg9[%get3A_1280, %get3A_1281] {strides = array<i32>} : memref<25x80xi32, #tpu.memory_space<vmem>>, vector<16xi32>,
      tpu.vector_store_idx %arg13[%get3A_1282], %broadcast_in_dim3A_165 {add = true} : memref<10256xf32, #tpu.memory_space<vmem>>[vector<16xi32>], vector<16xf32>,
      %get3A_1283 = arith.index_cast %add3A_1273 : i32 to index
      %get3A_1284 = arith.constant 16 : index
      %get3A_1285 = tpu.vector_load %arg9[%get3A_1283, %get3A_1284] {strides = array<i32>} : memref<25x80xi32, #tpu.memory_space<vmem>>, vector<16xi32>,
      tpu.vector_store_idx %arg13[%get3A_1285], %broadcast_in_dim3A_165 {add = true} : memref<10256xf32, #tpu.memory_space<vmem>>[vector<16xi32>], vector<16xf32>,
      %get3A_1286 = arith.index_cast %add3A_1273 : i32 to index
      %get3A_1287 = arith.constant 32 : index
      %get3A_1288 = tpu.vector_load %arg9[%get3A_1286, %get3A_1287] {strides = array<i32>} : memref<25x80xi32, #tpu.memory_space<vmem>>, vector<16xi32>,
      tpu.vector_store_idx %arg13[%get3A_1288], %broadcast_in_dim3A_165 {add = true} : memref<10256xf32, #tpu.memory_space<vmem>>[vector<16xi32>], vector<16xf32>,
      %get3A_1289 = arith.index_cast %add3A_1273 : i32 to index
      %get3A_1290 = arith.constant 48 : index
      %get3A_1291 = tpu.vector_load %arg9[%get3A_1289, %get3A_1290] {strides = array<i32>} : memref<25x80xi32, #tpu.memory_space<vmem>>, vector<16xi32>,
      tpu.vector_store_idx %arg13[%get3A_1291], %broadcast_in_dim3A_165 {add = true} : memref<10256xf32, #tpu.memory_space<vmem>>[vector<16xi32>], vector<16xf32>,
      %get3A_1292 = arith.index_cast %add3A_1273 : i32 to index
      %get3A_1293 = arith.constant 64 : index
      %get3A_1294 = tpu.vector_load %arg9[%get3A_1292, %get3A_1293] {strides = array<i32>} : memref<25x80xi32, #tpu.memory_space<vmem>>, vector<16xi32>,
      tpu.vector_store_idx %arg13[%get3A_1294], %broadcast_in_dim3A_165 {add = true} : memref<10256xf32, #tpu.memory_space<vmem>>[vector<16xi32>], vector<16xf32>,
      "tpu.region"() ({
        %run_scoped3A_1303 = tpu.sem_alloc : memref<!tpu.dma_semaphore, #tpu.memory_space<semaphore_mem>>
        %dma_start3A_1304 = arith.constant 0 : i32
        %dma_start3A_1305 = tpu.memref_slice %arg9[%add3A_1273, %dma_start3A_1304] : memref<25x80xi32, #tpu.memory_space<vmem>> -> memref<1x80xi32, #tpu.memory_space<vmem>>
        %dma_start3A_1306 = tpu.memref_squeeze %dma_start3A_1305 : memref<1x80xi32, #tpu.memory_space<vmem>> -> memref<80xi32, #tpu.memory_space<vmem>>
        %dma_start3A_1307 = arith.constant 0 : i32
        %dma_start3A_1308 = arith.constant 0 : i32
        %dma_start3A_1309 = tpu.memref_slice %arg14[%dma_start3A_1307, %dma_start3A_1308] : memref<10248x128xf32, #tpu.memory_space<vmem_shared>> -> memref<10248x128xf32, #tpu.memory_space<vmem_shared>>
        tpu.enqueue_indirect_dma source(%arg12 : memref<80x128xf32, #tpu.memory_space<vmem>>) target(%dma_start3A_1309 : memref<10248x128xf32, #tpu.memory_space<vmem_shared>>) offsets(%dma_start3A_1306 : memref<80xi32, #tpu.memory_space<vmem>>) semaphore(%run_scoped3A_1303 : memref<!tpu.dma_semaphore, #tpu.memory_space<semaphore_mem>>) {add = true}
        %dma_wait3A_1310 = arith.constant 0 : i32
        %dma_wait3A_1311 = tpu.memref_slice %arg9[%add3A_1273, %dma_wait3A_1310] : memref<25x80xi32, #tpu.memory_space<vmem>> -> memref<1x80xi32, #tpu.memory_space<vmem>>
        %dma_wait3A_1312 = tpu.memref_squeeze %dma_wait3A_1311 : memref<1x80xi32, #tpu.memory_space<vmem>> -> memref<80xi32, #tpu.memory_space<vmem>>
        %dma_wait3A_1313 = arith.constant 0 : i32
        %dma_wait3A_1314 = arith.constant 0 : i32
        %dma_wait3A_1315 = tpu.memref_slice %arg14[%dma_wait3A_1313, %dma_wait3A_1314] : memref<10248x128xf32, #tpu.memory_space<vmem_shared>> -> memref<10248x128xf32, #tpu.memory_space<vmem_shared>>
        tpu.wait_indirect_dma semaphore(%run_scoped3A_1303 : memref<!tpu.dma_semaphore, #tpu.memory_space<semaphore_mem>>) src(%arg12 : memref<80x128xf32, #tpu.memory_space<vmem>>) dst(%dma_wait3A_1315 : memref<10248x128xf32, #tpu.memory_space<vmem_shared>>)
        tpu.yield
      }) : () -> ()
      %add3A_1295 = arith.constant 3 : i32
      %add3A_1296 = arith.addi %add3A_1273, %add3A_1295 : i32
      %dma_start3A_1297 = arith.constant 0 : i32
      %dma_start3A_1298 = tpu.memref_slice %arg8[%add3A_1296, %dma_start3A_1297] : memref<25x80xi32, #tpu.memory_space<vmem>> -> memref<1x80xi32, #tpu.memory_space<vmem>>
      %dma_start3A_1299 = tpu.memref_squeeze %dma_start3A_1298 : memref<1x80xi32, #tpu.memory_space<vmem>> -> memref<80xi32, #tpu.memory_space<vmem>>
      %dma_start3A_1300 = arith.constant 0 : i32
      %dma_start3A_1301 = arith.constant 0 : i32
      %dma_start3A_1302 = tpu.memref_slice %arg2[%dma_start3A_1300, %dma_start3A_1301] : memref<10000x128xf32, #tpu.memory_space<hbm>> -> memref<10000x128xf32, #tpu.memory_space<hbm>>
      tpu.enqueue_indirect_dma source(%dma_start3A_1302 : memref<10000x128xf32, #tpu.memory_space<hbm>>) target(%arg12 : memref<80x128xf32, #tpu.memory_space<vmem>>) offsets(%dma_start3A_1299 : memref<80xi32, #tpu.memory_space<vmem>>) semaphore(%arg17 : memref<!tpu.dma_semaphore, #tpu.memory_space<semaphore_mem>>)
    }
    %scan3A_386 = arith.constant 7 : i32
    %dma_wait3A_387 = arith.constant 0 : i32
    %dma_wait3A_388 = arith.constant 0 : i32
    %dma_wait3A_389 = tpu.memref_slice %arg2[%dma_wait3A_387, %dma_wait3A_388] : memref<10000x128xf32, #tpu.memory_space<hbm>> -> memref<80x128xf32, #tpu.memory_space<hbm>>
    %dma_wait3A_390 = arith.constant 0 : i32
    %dma_wait3A_391 = arith.constant 0 : i32
    %dma_wait3A_392 = tpu.memref_slice %arg2[%dma_wait3A_390, %dma_wait3A_391] : memref<10000x128xf32, #tpu.memory_space<hbm>> -> memref<80x128xf32, #tpu.memory_space<hbm>>
    tpu.wait_dma2 semaphore(%arg15 : memref<!tpu.dma_semaphore, #tpu.memory_space<semaphore_mem>>) src(%dma_wait3A_392 : memref<80x128xf32, #tpu.memory_space<hbm>>) dst(%arg10 : memref<80x128xf32, #tpu.memory_space<vmem>>)
    %get3A_393 = arith.constant 21 : i32
    %get3A_394 = arith.index_cast %get3A_393 : i32 to index
    %get3A_395 = arith.constant 0 : index
    %get3A_396 = tpu.vector_load %arg9[%get3A_394, %get3A_395] {strides = array<i32>} : memref<25x80xi32, #tpu.memory_space<vmem>>, vector<16xi32>,
    tpu.vector_store_idx %arg13[%get3A_396], %broadcast_in_dim3A_165 {add = true} : memref<10256xf32, #tpu.memory_space<vmem>>[vector<16xi32>], vector<16xf32>,
    %get3A_397 = arith.constant 21 : i32
    %get3A_398 = arith.index_cast %get3A_397 : i32 to index
    %get3A_399 = arith.constant 16 : index
    %get3A_400 = tpu.vector_load %arg9[%get3A_398, %get3A_399] {strides = array<i32>} : memref<25x80xi32, #tpu.memory_space<vmem>>, vector<16xi32>,
    tpu.vector_store_idx %arg13[%get3A_400], %broadcast_in_dim3A_165 {add = true} : memref<10256xf32, #tpu.memory_space<vmem>>[vector<16xi32>], vector<16xf32>,
    %get3A_401 = arith.constant 21 : i32
    %get3A_402 = arith.index_cast %get3A_401 : i32 to index
    %get3A_403 = arith.constant 32 : index
    %get3A_404 = tpu.vector_load %arg9[%get3A_402, %get3A_403] {strides = array<i32>} : memref<25x80xi32, #tpu.memory_space<vmem>>, vector<16xi32>,
    tpu.vector_store_idx %arg13[%get3A_404], %broadcast_in_dim3A_165 {add = true} : memref<10256xf32, #tpu.memory_space<vmem>>[vector<16xi32>], vector<16xf32>,
    %get3A_405 = arith.constant 21 : i32
    %get3A_406 = arith.index_cast %get3A_405 : i32 to index
    %get3A_407 = arith.constant 48 : index
    %get3A_408 = tpu.vector_load %arg9[%get3A_406, %get3A_407] {strides = array<i32>} : memref<25x80xi32, #tpu.memory_space<vmem>>, vector<16xi32>,
    tpu.vector_store_idx %arg13[%get3A_408], %broadcast_in_dim3A_165 {add = true} : memref<10256xf32, #tpu.memory_space<vmem>>[vector<16xi32>], vector<16xf32>,
    %get3A_409 = arith.constant 21 : i32
    %get3A_410 = arith.index_cast %get3A_409 : i32 to index
    %get3A_411 = arith.constant 64 : index
    %get3A_412 = tpu.vector_load %arg9[%get3A_410, %get3A_411] {strides = array<i32>} : memref<25x80xi32, #tpu.memory_space<vmem>>, vector<16xi32>,
    tpu.vector_store_idx %arg13[%get3A_412], %broadcast_in_dim3A_165 {add = true} : memref<10256xf32, #tpu.memory_space<vmem>>[vector<16xi32>], vector<16xf32>,
    %run_scoped3A_413 = arith.constant 21 : i32
    "tpu.region"() ({
      %run_scoped3A_1203 = tpu.sem_alloc : memref<!tpu.dma_semaphore, #tpu.memory_space<semaphore_mem>>
      %dma_start3A_1204 = arith.constant 0 : i32
      %dma_start3A_1205 = tpu.memref_slice %arg9[%run_scoped3A_413, %dma_start3A_1204] : memref<25x80xi32, #tpu.memory_space<vmem>> -> memref<1x80xi32, #tpu.memory_space<vmem>>
      %dma_start3A_1206 = tpu.memref_squeeze %dma_start3A_1205 : memref<1x80xi32, #tpu.memory_space<vmem>> -> memref<80xi32, #tpu.memory_space<vmem>>
      %dma_start3A_1207 = arith.constant 0 : i32
      %dma_start3A_1208 = arith.constant 0 : i32
      %dma_start3A_1209 = tpu.memref_slice %arg14[%dma_start3A_1207, %dma_start3A_1208] : memref<10248x128xf32, #tpu.memory_space<vmem_shared>> -> memref<10248x128xf32, #tpu.memory_space<vmem_shared>>
      tpu.enqueue_indirect_dma source(%arg10 : memref<80x128xf32, #tpu.memory_space<vmem>>) target(%dma_start3A_1209 : memref<10248x128xf32, #tpu.memory_space<vmem_shared>>) offsets(%dma_start3A_1206 : memref<80xi32, #tpu.memory_space<vmem>>) semaphore(%run_scoped3A_1203 : memref<!tpu.dma_semaphore, #tpu.memory_space<semaphore_mem>>) {add = true}
      %dma_wait3A_1210 = arith.constant 0 : i32
      %dma_wait3A_1211 = tpu.memref_slice %arg9[%run_scoped3A_413, %dma_wait3A_1210] : memref<25x80xi32, #tpu.memory_space<vmem>> -> memref<1x80xi32, #tpu.memory_space<vmem>>
      %dma_wait3A_1212 = tpu.memref_squeeze %dma_wait3A_1211 : memref<1x80xi32, #tpu.memory_space<vmem>> -> memref<80xi32, #tpu.memory_space<vmem>>
      %dma_wait3A_1213 = arith.constant 0 : i32
      %dma_wait3A_1214 = arith.constant 0 : i32
      %dma_wait3A_1215 = tpu.memref_slice %arg14[%dma_wait3A_1213, %dma_wait3A_1214] : memref<10248x128xf32, #tpu.memory_space<vmem_shared>> -> memref<10248x128xf32, #tpu.memory_space<vmem_shared>>
      tpu.wait_indirect_dma semaphore(%run_scoped3A_1203 : memref<!tpu.dma_semaphore, #tpu.memory_space<semaphore_mem>>) src(%arg10 : memref<80x128xf32, #tpu.memory_space<vmem>>) dst(%dma_wait3A_1215 : memref<10248x128xf32, #tpu.memory_space<vmem_shared>>)
      tpu.yield
    }) : () -> ()
    %dma_start3A_414 = arith.constant 24 : i32
    %dma_start3A_415 = arith.constant 0 : i32
    %dma_start3A_416 = tpu.memref_slice %arg8[%dma_start3A_414, %dma_start3A_415] : memref<25x80xi32, #tpu.memory_space<vmem>> -> memref<1x80xi32, #tpu.memory_space<vmem>>
    %dma_start3A_417 = tpu.memref_squeeze %dma_start3A_416 : memref<1x80xi32, #tpu.memory_space<vmem>> -> memref<80xi32, #tpu.memory_space<vmem>>
    %dma_start3A_418 = arith.constant 0 : i32
    %dma_start3A_419 = arith.constant 0 : i32
    %dma_start3A_420 = tpu.memref_slice %arg2[%dma_start3A_418, %dma_start3A_419] : memref<10000x128xf32, #tpu.memory_space<hbm>> -> memref<10000x128xf32, #tpu.memory_space<hbm>>
    tpu.enqueue_indirect_dma source(%dma_start3A_420 : memref<10000x128xf32, #tpu.memory_space<hbm>>) target(%arg10 : memref<80x128xf32, #tpu.memory_space<vmem>>) offsets(%dma_start3A_417 : memref<80xi32, #tpu.memory_space<vmem>>) semaphore(%arg15 : memref<!tpu.dma_semaphore, #tpu.memory_space<semaphore_mem>>)
    %dma_wait3A_421 = arith.constant 0 : i32
    %dma_wait3A_422 = arith.constant 0 : i32
    %dma_wait3A_423 = tpu.memref_slice %arg2[%dma_wait3A_421, %dma_wait3A_422] : memref<10000x128xf32, #tpu.memory_space<hbm>> -> memref<80x128xf32, #tpu.memory_space<hbm>>
    %dma_wait3A_424 = arith.constant 0 : i32
    %dma_wait3A_425 = arith.constant 0 : i32
    %dma_wait3A_426 = tpu.memref_slice %arg2[%dma_wait3A_424, %dma_wait3A_425] : memref<10000x128xf32, #tpu.memory_space<hbm>> -> memref<80x128xf32, #tpu.memory_space<hbm>>
    tpu.wait_dma2 semaphore(%arg16 : memref<!tpu.dma_semaphore, #tpu.memory_space<semaphore_mem>>) src(%dma_wait3A_426 : memref<80x128xf32, #tpu.memory_space<hbm>>) dst(%arg10 : memref<80x128xf32, #tpu.memory_space<vmem>>)
    %get3A_427 = arith.constant 22 : i32
    %get3A_428 = arith.index_cast %get3A_427 : i32 to index
    %get3A_429 = arith.constant 0 : index
    %get3A_430 = tpu.vector_load %arg9[%get3A_428, %get3A_429] {strides = array<i32>} : memref<25x80xi32, #tpu.memory_space<vmem>>, vector<16xi32>,
    tpu.vector_store_idx %arg13[%get3A_430], %broadcast_in_dim3A_165 {add = true} : memref<10256xf32, #tpu.memory_space<vmem>>[vector<16xi32>], vector<16xf32>,
    %get3A_431 = arith.constant 22 : i32
    %get3A_432 = arith.index_cast %get3A_431 : i32 to index
    %get3A_433 = arith.constant 16 : index
    %get3A_434 = tpu.vector_load %arg9[%get3A_432, %get3A_433] {strides = array<i32>} : memref<25x80xi32, #tpu.memory_space<vmem>>, vector<16xi32>,
    tpu.vector_store_idx %arg13[%get3A_434], %broadcast_in_dim3A_165 {add = true} : memref<10256xf32, #tpu.memory_space<vmem>>[vector<16xi32>], vector<16xf32>,
    %get3A_435 = arith.constant 22 : i32
    %get3A_436 = arith.index_cast %get3A_435 : i32 to index
    %get3A_437 = arith.constant 32 : index
    %get3A_438 = tpu.vector_load %arg9[%get3A_436, %get3A_437] {strides = array<i32>} : memref<25x80xi32, #tpu.memory_space<vmem>>, vector<16xi32>,
    tpu.vector_store_idx %arg13[%get3A_438], %broadcast_in_dim3A_165 {add = true} : memref<10256xf32, #tpu.memory_space<vmem>>[vector<16xi32>], vector<16xf32>,
    %get3A_439 = arith.constant 22 : i32
    %get3A_440 = arith.index_cast %get3A_439 : i32 to index
    %get3A_441 = arith.constant 48 : index
    %get3A_442 = tpu.vector_load %arg9[%get3A_440, %get3A_441] {strides = array<i32>} : memref<25x80xi32, #tpu.memory_space<vmem>>, vector<16xi32>,
    tpu.vector_store_idx %arg13[%get3A_442], %broadcast_in_dim3A_165 {add = true} : memref<10256xf32, #tpu.memory_space<vmem>>[vector<16xi32>], vector<16xf32>,
    %get3A_443 = arith.constant 22 : i32
    %get3A_444 = arith.index_cast %get3A_443 : i32 to index
    %get3A_445 = arith.constant 64 : index
    %get3A_446 = tpu.vector_load %arg9[%get3A_444, %get3A_445] {strides = array<i32>} : memref<25x80xi32, #tpu.memory_space<vmem>>, vector<16xi32>,
    tpu.vector_store_idx %arg13[%get3A_446], %broadcast_in_dim3A_165 {add = true} : memref<10256xf32, #tpu.memory_space<vmem>>[vector<16xi32>], vector<16xf32>,
    %run_scoped3A_447 = arith.constant 22 : i32
    "tpu.region"() ({
      %run_scoped3A_1203 = tpu.sem_alloc : memref<!tpu.dma_semaphore, #tpu.memory_space<semaphore_mem>>
      %dma_start3A_1204 = arith.constant 0 : i32
      %dma_start3A_1205 = tpu.memref_slice %arg9[%run_scoped3A_447, %dma_start3A_1204] : memref<25x80xi32, #tpu.memory_space<vmem>> -> memref<1x80xi32, #tpu.memory_space<vmem>>
      %dma_start3A_1206 = tpu.memref_squeeze %dma_start3A_1205 : memref<1x80xi32, #tpu.memory_space<vmem>> -> memref<80xi32, #tpu.memory_space<vmem>>
      %dma_start3A_1207 = arith.constant 0 : i32
      %dma_start3A_1208 = arith.constant 0 : i32
      %dma_start3A_1209 = tpu.memref_slice %arg14[%dma_start3A_1207, %dma_start3A_1208] : memref<10248x128xf32, #tpu.memory_space<vmem_shared>> -> memref<10248x128xf32, #tpu.memory_space<vmem_shared>>
      tpu.enqueue_indirect_dma source(%arg11 : memref<80x128xf32, #tpu.memory_space<vmem>>) target(%dma_start3A_1209 : memref<10248x128xf32, #tpu.memory_space<vmem_shared>>) offsets(%dma_start3A_1206 : memref<80xi32, #tpu.memory_space<vmem>>) semaphore(%run_scoped3A_1203 : memref<!tpu.dma_semaphore, #tpu.memory_space<semaphore_mem>>) {add = true}
      %dma_wait3A_1210 = arith.constant 0 : i32
      %dma_wait3A_1211 = tpu.memref_slice %arg9[%run_scoped3A_447, %dma_wait3A_1210] : memref<25x80xi32, #tpu.memory_space<vmem>> -> memref<1x80xi32, #tpu.memory_space<vmem>>
      %dma_wait3A_1212 = tpu.memref_squeeze %dma_wait3A_1211 : memref<1x80xi32, #tpu.memory_space<vmem>> -> memref<80xi32, #tpu.memory_space<vmem>>
      %dma_wait3A_1213 = arith.constant 0 : i32
      %dma_wait3A_1214 = arith.constant 0 : i32
      %dma_wait3A_1215 = tpu.memref_slice %arg14[%dma_wait3A_1213, %dma_wait3A_1214] : memref<10248x128xf32, #tpu.memory_space<vmem_shared>> -> memref<10248x128xf32, #tpu.memory_space<vmem_shared>>
      tpu.wait_indirect_dma semaphore(%run_scoped3A_1203 : memref<!tpu.dma_semaphore, #tpu.memory_space<semaphore_mem>>) src(%arg11 : memref<80x128xf32, #tpu.memory_space<vmem>>) dst(%dma_wait3A_1215 : memref<10248x128xf32, #tpu.memory_space<vmem_shared>>)
      tpu.yield
    }) : () -> ()
    %dma_wait3A_448 = arith.constant 0 : i32
    %dma_wait3A_449 = arith.constant 0 : i32
    %dma_wait3A_450 = tpu.memref_slice %arg2[%dma_wait3A_448, %dma_wait3A_449] : memref<10000x128xf32, #tpu.memory_space<hbm>> -> memref<80x128xf32, #tpu.memory_space<hbm>>
    %dma_wait3A_451 = arith.constant 0 : i32
    %dma_wait3A_452 = arith.constant 0 : i32
    %dma_wait3A_453 = tpu.memref_slice %arg2[%dma_wait3A_451, %dma_wait3A_452] : memref<10000x128xf32, #tpu.memory_space<hbm>> -> memref<80x128xf32, #tpu.memory_space<hbm>>
    tpu.wait_dma2 semaphore(%arg17 : memref<!tpu.dma_semaphore, #tpu.memory_space<semaphore_mem>>) src(%dma_wait3A_453 : memref<80x128xf32, #tpu.memory_space<hbm>>) dst(%arg10 : memref<80x128xf32, #tpu.memory_space<vmem>>)
    %get3A_454 = arith.constant 23 : i32
    %get3A_455 = arith.index_cast %get3A_454 : i32 to index
    %get3A_456 = arith.constant 0 : index
    %get3A_457 = tpu.vector_load %arg9[%get3A_455, %get3A_456] {strides = array<i32>} : memref<25x80xi32, #tpu.memory_space<vmem>>, vector<16xi32>,
    tpu.vector_store_idx %arg13[%get3A_457], %broadcast_in_dim3A_165 {add = true} : memref<10256xf32, #tpu.memory_space<vmem>>[vector<16xi32>], vector<16xf32>,
    %get3A_458 = arith.constant 23 : i32
    %get3A_459 = arith.index_cast %get3A_458 : i32 to index
    %get3A_460 = arith.constant 16 : index
    %get3A_461 = tpu.vector_load %arg9[%get3A_459, %get3A_460] {strides = array<i32>} : memref<25x80xi32, #tpu.memory_space<vmem>>, vector<16xi32>,
    tpu.vector_store_idx %arg13[%get3A_461], %broadcast_in_dim3A_165 {add = true} : memref<10256xf32, #tpu.memory_space<vmem>>[vector<16xi32>], vector<16xf32>,
    %get3A_462 = arith.constant 23 : i32
    %get3A_463 = arith.index_cast %get3A_462 : i32 to index
    %get3A_464 = arith.constant 32 : index
    %get3A_465 = tpu.vector_load %arg9[%get3A_463, %get3A_464] {strides = array<i32>} : memref<25x80xi32, #tpu.memory_space<vmem>>, vector<16xi32>,
    tpu.vector_store_idx %arg13[%get3A_465], %broadcast_in_dim3A_165 {add = true} : memref<10256xf32, #tpu.memory_space<vmem>>[vector<16xi32>], vector<16xf32>,
    %get3A_466 = arith.constant 23 : i32
    %get3A_467 = arith.index_cast %get3A_466 : i32 to index
    %get3A_468 = arith.constant 48 : index
    %get3A_469 = tpu.vector_load %arg9[%get3A_467, %get3A_468] {strides = array<i32>} : memref<25x80xi32, #tpu.memory_space<vmem>>, vector<16xi32>,
    tpu.vector_store_idx %arg13[%get3A_469], %broadcast_in_dim3A_165 {add = true} : memref<10256xf32, #tpu.memory_space<vmem>>[vector<16xi32>], vector<16xf32>,
    %get3A_470 = arith.constant 23 : i32
    %get3A_471 = arith.index_cast %get3A_470 : i32 to index
    %get3A_472 = arith.constant 64 : index
    %get3A_473 = tpu.vector_load %arg9[%get3A_471, %get3A_472] {strides = array<i32>} : memref<25x80xi32, #tpu.memory_space<vmem>>, vector<16xi32>,
    tpu.vector_store_idx %arg13[%get3A_473], %broadcast_in_dim3A_165 {add = true} : memref<10256xf32, #tpu.memory_space<vmem>>[vector<16xi32>], vector<16xf32>,
    %run_scoped3A_474 = arith.constant 23 : i32
    "tpu.region"() ({
      %run_scoped3A_1203 = tpu.sem_alloc : memref<!tpu.dma_semaphore, #tpu.memory_space<semaphore_mem>>
      %dma_start3A_1204 = arith.constant 0 : i32
      %dma_start3A_1205 = tpu.memref_slice %arg9[%run_scoped3A_474, %dma_start3A_1204] : memref<25x80xi32, #tpu.memory_space<vmem>> -> memref<1x80xi32, #tpu.memory_space<vmem>>
      %dma_start3A_1206 = tpu.memref_squeeze %dma_start3A_1205 : memref<1x80xi32, #tpu.memory_space<vmem>> -> memref<80xi32, #tpu.memory_space<vmem>>
      %dma_start3A_1207 = arith.constant 0 : i32
      %dma_start3A_1208 = arith.constant 0 : i32
      %dma_start3A_1209 = tpu.memref_slice %arg14[%dma_start3A_1207, %dma_start3A_1208] : memref<10248x128xf32, #tpu.memory_space<vmem_shared>> -> memref<10248x128xf32, #tpu.memory_space<vmem_shared>>
      tpu.enqueue_indirect_dma source(%arg12 : memref<80x128xf32, #tpu.memory_space<vmem>>) target(%dma_start3A_1209 : memref<10248x128xf32, #tpu.memory_space<vmem_shared>>) offsets(%dma_start3A_1206 : memref<80xi32, #tpu.memory_space<vmem>>) semaphore(%run_scoped3A_1203 : memref<!tpu.dma_semaphore, #tpu.memory_space<semaphore_mem>>) {add = true}
      %dma_wait3A_1210 = arith.constant 0 : i32
      %dma_wait3A_1211 = tpu.memref_slice %arg9[%run_scoped3A_474, %dma_wait3A_1210] : memref<25x80xi32, #tpu.memory_space<vmem>> -> memref<1x80xi32, #tpu.memory_space<vmem>>
      %dma_wait3A_1212 = tpu.memref_squeeze %dma_wait3A_1211 : memref<1x80xi32, #tpu.memory_space<vmem>> -> memref<80xi32, #tpu.memory_space<vmem>>
      %dma_wait3A_1213 = arith.constant 0 : i32
      %dma_wait3A_1214 = arith.constant 0 : i32
      %dma_wait3A_1215 = tpu.memref_slice %arg14[%dma_wait3A_1213, %dma_wait3A_1214] : memref<10248x128xf32, #tpu.memory_space<vmem_shared>> -> memref<10248x128xf32, #tpu.memory_space<vmem_shared>>
      tpu.wait_indirect_dma semaphore(%run_scoped3A_1203 : memref<!tpu.dma_semaphore, #tpu.memory_space<semaphore_mem>>) src(%arg12 : memref<80x128xf32, #tpu.memory_space<vmem>>) dst(%dma_wait3A_1215 : memref<10248x128xf32, #tpu.memory_space<vmem_shared>>)
      tpu.yield
    }) : () -> ()
    %dma_wait3A_475 = arith.constant 0 : i32
    %dma_wait3A_476 = arith.constant 0 : i32
    %dma_wait3A_477 = tpu.memref_slice %arg2[%dma_wait3A_475, %dma_wait3A_476] : memref<10000x128xf32, #tpu.memory_space<hbm>> -> memref<80x128xf32, #tpu.memory_space<hbm>>
    %dma_wait3A_478 = arith.constant 0 : i32
    %dma_wait3A_479 = arith.constant 0 : i32
    %dma_wait3A_480 = tpu.memref_slice %arg2[%dma_wait3A_478, %dma_wait3A_479] : memref<10000x128xf32, #tpu.memory_space<hbm>> -> memref<80x128xf32, #tpu.memory_space<hbm>>
    tpu.wait_dma2 semaphore(%arg15 : memref<!tpu.dma_semaphore, #tpu.memory_space<semaphore_mem>>) src(%dma_wait3A_480 : memref<80x128xf32, #tpu.memory_space<hbm>>) dst(%arg10 : memref<80x128xf32, #tpu.memory_space<vmem>>)
    %get3A_481 = arith.constant 24 : i32
    %get3A_482 = arith.index_cast %get3A_481 : i32 to index
    %get3A_483 = arith.constant 0 : index
    %get3A_484 = tpu.vector_load %arg9[%get3A_482, %get3A_483] {strides = array<i32>} : memref<25x80xi32, #tpu.memory_space<vmem>>, vector<16xi32>,
    tpu.vector_store_idx %arg13[%get3A_484], %broadcast_in_dim3A_165 {add = true} : memref<10256xf32, #tpu.memory_space<vmem>>[vector<16xi32>], vector<16xf32>,
    %get3A_485 = arith.constant 24 : i32
    %get3A_486 = arith.index_cast %get3A_485 : i32 to index
    %get3A_487 = arith.constant 16 : index
    %get3A_488 = tpu.vector_load %arg9[%get3A_486, %get3A_487] {strides = array<i32>} : memref<25x80xi32, #tpu.memory_space<vmem>>, vector<16xi32>,
    tpu.vector_store_idx %arg13[%get3A_488], %broadcast_in_dim3A_165 {add = true} : memref<10256xf32, #tpu.memory_space<vmem>>[vector<16xi32>], vector<16xf32>,
    %get3A_489 = arith.constant 24 : i32
    %get3A_490 = arith.index_cast %get3A_489 : i32 to index
    %get3A_491 = arith.constant 32 : index
    %get3A_492 = tpu.vector_load %arg9[%get3A_490, %get3A_491] {strides = array<i32>} : memref<25x80xi32, #tpu.memory_space<vmem>>, vector<16xi32>,
    tpu.vector_store_idx %arg13[%get3A_492], %broadcast_in_dim3A_165 {add = true} : memref<10256xf32, #tpu.memory_space<vmem>>[vector<16xi32>], vector<16xf32>,
    %get3A_493 = arith.constant 24 : i32
    %get3A_494 = arith.index_cast %get3A_493 : i32 to index
    %get3A_495 = arith.constant 48 : index
    %get3A_496 = tpu.vector_load %arg9[%get3A_494, %get3A_495] {strides = array<i32>} : memref<25x80xi32, #tpu.memory_space<vmem>>, vector<16xi32>,
    tpu.vector_store_idx %arg13[%get3A_496], %broadcast_in_dim3A_165 {add = true} : memref<10256xf32, #tpu.memory_space<vmem>>[vector<16xi32>], vector<16xf32>,
    %get3A_497 = arith.constant 24 : i32
    %get3A_498 = arith.index_cast %get3A_497 : i32 to index
    %get3A_499 = arith.constant 64 : index
    %get3A_500 = tpu.vector_load %arg9[%get3A_498, %get3A_499] {strides = array<i32>} : memref<25x80xi32, #tpu.memory_space<vmem>>, vector<16xi32>,
    tpu.vector_store_idx %arg13[%get3A_500], %broadcast_in_dim3A_165 {add = true} : memref<10256xf32, #tpu.memory_space<vmem>>[vector<16xi32>], vector<16xf32>,
    %run_scoped3A_501 = arith.constant 24 : i32
    "tpu.region"() ({
      %run_scoped3A_1203 = tpu.sem_alloc : memref<!tpu.dma_semaphore, #tpu.memory_space<semaphore_mem>>
      %dma_start3A_1204 = arith.constant 0 : i32
      %dma_start3A_1205 = tpu.memref_slice %arg9[%run_scoped3A_501, %dma_start3A_1204] : memref<25x80xi32, #tpu.memory_space<vmem>> -> memref<1x80xi32, #tpu.memory_space<vmem>>
      %dma_start3A_1206 = tpu.memref_squeeze %dma_start3A_1205 : memref<1x80xi32, #tpu.memory_space<vmem>> -> memref<80xi32, #tpu.memory_space<vmem>>
      %dma_start3A_1207 = arith.constant 0 : i32
      %dma_start3A_1208 = arith.constant 0 : i32
      %dma_start3A_1209 = tpu.memref_slice %arg14[%dma_start3A_1207, %dma_start3A_1208] : memref<10248x128xf32, #tpu.memory_space<vmem_shared>> -> memref<10248x128xf32, #tpu.memory_space<vmem_shared>>
      tpu.enqueue_indirect_dma source(%arg10 : memref<80x128xf32, #tpu.memory_space<vmem>>) target(%dma_start3A_1209 : memref<10248x128xf32, #tpu.memory_space<vmem_shared>>) offsets(%dma_start3A_1206 : memref<80xi32, #tpu.memory_space<vmem>>) semaphore(%run_scoped3A_1203 : memref<!tpu.dma_semaphore, #tpu.memory_space<semaphore_mem>>) {add = true}
      %dma_wait3A_1210 = arith.constant 0 : i32
      %dma_wait3A_1211 = tpu.memref_slice %arg9[%run_scoped3A_501, %dma_wait3A_1210] : memref<25x80xi32, #tpu.memory_space<vmem>> -> memref<1x80xi32, #tpu.memory_space<vmem>>
      %dma_wait3A_1212 = tpu.memref_squeeze %dma_wait3A_1211 : memref<1x80xi32, #tpu.memory_space<vmem>> -> memref<80xi32, #tpu.memory_space<vmem>>
      %dma_wait3A_1213 = arith.constant 0 : i32
      %dma_wait3A_1214 = arith.constant 0 : i32
      %dma_wait3A_1215 = tpu.memref_slice %arg14[%dma_wait3A_1213, %dma_wait3A_1214] : memref<10248x128xf32, #tpu.memory_space<vmem_shared>> -> memref<10248x128xf32, #tpu.memory_space<vmem_shared>>
      tpu.wait_indirect_dma semaphore(%run_scoped3A_1203 : memref<!tpu.dma_semaphore, #tpu.memory_space<semaphore_mem>>) src(%arg10 : memref<80x128xf32, #tpu.memory_space<vmem>>) dst(%dma_wait3A_1215 : memref<10248x128xf32, #tpu.memory_space<vmem_shared>>)
      tpu.yield
    }) : () -> ()
    %dma_wait3A_502 = arith.constant 0 : i32
    %dma_wait3A_503 = arith.constant 0 : i32
    %dma_wait3A_504 = arith.constant 0 : i32
    %dma_wait3A_505 = tpu.memref_slice %arg3[%dma_wait3A_502, %add3A, %dma_wait3A_503, %dma_wait3A_504] : memref<2x32x125x80xi32, #tpu.memory_space<hbm>> -> memref<1x1x25x80xi32, #tpu.memory_space<hbm>>
    %dma_wait3A_506 = tpu.memref_squeeze %dma_wait3A_505 : memref<1x1x25x80xi32, #tpu.memory_space<hbm>> -> memref<25x80xi32, #tpu.memory_space<hbm>>
    %dma_wait3A_507 = arith.constant 0 : i32
    %dma_wait3A_508 = arith.constant 0 : i32
    %dma_wait3A_509 = tpu.memref_slice %arg3[%dma_wait3A_502, %add3A, %dma_wait3A_507, %dma_wait3A_508] : memref<2x32x125x80xi32, #tpu.memory_space<hbm>> -> memref<1x1x25x80xi32, #tpu.memory_space<hbm>>
    %dma_wait3A_510 = tpu.memref_squeeze %dma_wait3A_509 : memref<1x1x25x80xi32, #tpu.memory_space<hbm>> -> memref<25x80xi32, #tpu.memory_space<hbm>>
    tpu.wait_dma2 semaphore(%arg18 : memref<!tpu.dma_semaphore, #tpu.memory_space<semaphore_mem>>) src(%dma_wait3A_510 : memref<25x80xi32, #tpu.memory_space<hbm>>) dst(%arg6 : memref<25x80xi32, #tpu.memory_space<vmem>>)
    %dma_wait3A_511 = arith.constant 1 : i32
    %dma_wait3A_512 = arith.constant 0 : i32
    %dma_wait3A_513 = arith.constant 0 : i32
    %dma_wait3A_514 = tpu.memref_slice %arg3[%dma_wait3A_511, %add3A, %dma_wait3A_512, %dma_wait3A_513] : memref<2x32x125x80xi32, #tpu.memory_space<hbm>> -> memref<1x1x25x80xi32, #tpu.memory_space<hbm>>
    %dma_wait3A_515 = tpu.memref_squeeze %dma_wait3A_514 : memref<1x1x25x80xi32, #tpu.memory_space<hbm>> -> memref<25x80xi32, #tpu.memory_space<hbm>>
    %dma_wait3A_516 = arith.constant 0 : i32
    %dma_wait3A_517 = arith.constant 0 : i32
    %dma_wait3A_518 = tpu.memref_slice %arg3[%dma_wait3A_511, %add3A, %dma_wait3A_516, %dma_wait3A_517] : memref<2x32x125x80xi32, #tpu.memory_space<hbm>> -> memref<1x1x25x80xi32, #tpu.memory_space<hbm>>
    %dma_wait3A_519 = tpu.memref_squeeze %dma_wait3A_518 : memref<1x1x25x80xi32, #tpu.memory_space<hbm>> -> memref<25x80xi32, #tpu.memory_space<hbm>>
    tpu.wait_dma2 semaphore(%arg18 : memref<!tpu.dma_semaphore, #tpu.memory_space<semaphore_mem>>) src(%dma_wait3A_519 : memref<25x80xi32, #tpu.memory_space<hbm>>) dst(%arg7 : memref<25x80xi32, #tpu.memory_space<vmem>>)
    %dma_start3A_520 = arith.constant 0 : i32
    %dma_start3A_521 = arith.constant 75 : i32
    %dma_start3A_522 = arith.constant 0 : i32
    %dma_start3A_523 = tpu.memref_slice %arg3[%dma_start3A_520, %add3A, %dma_start3A_521, %dma_start3A_522] : memref<2x32x125x80xi32, #tpu.memory_space<hbm>> -> memref<1x1x25x80xi32, #tpu.memory_space<hbm>>
    %dma_start3A_524 = tpu.memref_squeeze %dma_start3A_523 : memref<1x1x25x80xi32, #tpu.memory_space<hbm>> -> memref<25x80xi32, #tpu.memory_space<hbm>>
    %dma_start3A_525 = arith.constant 75 : i32
    %dma_start3A_526 = arith.constant 0 : i32
    %dma_start3A_527 = tpu.memref_slice %arg3[%dma_start3A_520, %add3A, %dma_start3A_525, %dma_start3A_526] : memref<2x32x125x80xi32, #tpu.memory_space<hbm>> -> memref<1x1x25x80xi32, #tpu.memory_space<hbm>>
    %dma_start3A_528 = tpu.memref_squeeze %dma_start3A_527 : memref<1x1x25x80xi32, #tpu.memory_space<hbm>> -> memref<25x80xi32, #tpu.memory_space<hbm>>
    tpu.enqueue_dma source(%dma_start3A_528 : memref<25x80xi32, #tpu.memory_space<hbm>>) target(%arg8 : memref<25x80xi32, #tpu.memory_space<vmem>>) target_semaphore(%arg18 : memref<!tpu.dma_semaphore, #tpu.memory_space<semaphore_mem>>)
    %dma_start3A_529 = arith.constant 1 : i32
    %dma_start3A_530 = arith.constant 75 : i32
    %dma_start3A_531 = arith.constant 0 : i32
    %dma_start3A_532 = tpu.memref_slice %arg3[%dma_start3A_529, %add3A, %dma_start3A_530, %dma_start3A_531] : memref<2x32x125x80xi32, #tpu.memory_space<hbm>> -> memref<1x1x25x80xi32, #tpu.memory_space<hbm>>
    %dma_start3A_533 = tpu.memref_squeeze %dma_start3A_532 : memref<1x1x25x80xi32, #tpu.memory_space<hbm>> -> memref<25x80xi32, #tpu.memory_space<hbm>>
    %dma_start3A_534 = arith.constant 75 : i32
    %dma_start3A_535 = arith.constant 0 : i32
    %dma_start3A_536 = tpu.memref_slice %arg3[%dma_start3A_529, %add3A, %dma_start3A_534, %dma_start3A_535] : memref<2x32x125x80xi32, #tpu.memory_space<hbm>> -> memref<1x1x25x80xi32, #tpu.memory_space<hbm>>
    %dma_start3A_537 = tpu.memref_squeeze %dma_start3A_536 : memref<1x1x25x80xi32, #tpu.memory_space<hbm>> -> memref<25x80xi32, #tpu.memory_space<hbm>>
    tpu.enqueue_dma source(%dma_start3A_537 : memref<25x80xi32, #tpu.memory_space<hbm>>) target(%arg9 : memref<25x80xi32, #tpu.memory_space<vmem>>) target_semaphore(%arg18 : memref<!tpu.dma_semaphore, #tpu.memory_space<semaphore_mem>>)
    %dma_start3A_538 = arith.constant 0 : i32
    %dma_start3A_539 = arith.constant 0 : i32
    %dma_start3A_540 = tpu.memref_slice %arg6[%dma_start3A_538, %dma_start3A_539] : memref<25x80xi32, #tpu.memory_space<vmem>> -> memref<1x80xi32, #tpu.memory_space<vmem>>
    %dma_start3A_541 = tpu.memref_squeeze %dma_start3A_540 : memref<1x80xi32, #tpu.memory_space<vmem>> -> memref<80xi32, #tpu.memory_space<vmem>>
    %dma_start3A_542 = arith.constant 0 : i32
    %dma_start3A_543 = arith.constant 0 : i32
    %dma_start3A_544 = tpu.memref_slice %arg2[%dma_start3A_542, %dma_start3A_543] : memref<10000x128xf32, #tpu.memory_space<hbm>> -> memref<10000x128xf32, #tpu.memory_space<hbm>>
    tpu.enqueue_indirect_dma source(%dma_start3A_544 : memref<10000x128xf32, #tpu.memory_space<hbm>>) target(%arg10 : memref<80x128xf32, #tpu.memory_space<vmem>>) offsets(%dma_start3A_541 : memref<80xi32, #tpu.memory_space<vmem>>) semaphore(%arg15 : memref<!tpu.dma_semaphore, #tpu.memory_space<semaphore_mem>>)
    %dma_start3A_545 = arith.constant 1 : i32
    %dma_start3A_546 = arith.constant 0 : i32
    %dma_start3A_547 = tpu.memref_slice %arg6[%dma_start3A_545, %dma_start3A_546] : memref<25x80xi32, #tpu.memory_space<vmem>> -> memref<1x80xi32, #tpu.memory_space<vmem>>
    %dma_start3A_548 = tpu.memref_squeeze %dma_start3A_547 : memref<1x80xi32, #tpu.memory_space<vmem>> -> memref<80xi32, #tpu.memory_space<vmem>>
    %dma_start3A_549 = arith.constant 0 : i32
    %dma_start3A_550 = arith.constant 0 : i32
    %dma_start3A_551 = tpu.memref_slice %arg2[%dma_start3A_549, %dma_start3A_550] : memref<10000x128xf32, #tpu.memory_space<hbm>> -> memref<10000x128xf32, #tpu.memory_space<hbm>>
    tpu.enqueue_indirect_dma source(%dma_start3A_551 : memref<10000x128xf32, #tpu.memory_space<hbm>>) target(%arg11 : memref<80x128xf32, #tpu.memory_space<vmem>>) offsets(%dma_start3A_548 : memref<80xi32, #tpu.memory_space<vmem>>) semaphore(%arg16 : memref<!tpu.dma_semaphore, #tpu.memory_space<semaphore_mem>>)
    %dma_start3A_552 = arith.constant 2 : i32
    %dma_start3A_553 = arith.constant 0 : i32
    %dma_start3A_554 = tpu.memref_slice %arg6[%dma_start3A_552, %dma_start3A_553] : memref<25x80xi32, #tpu.memory_space<vmem>> -> memref<1x80xi32, #tpu.memory_space<vmem>>
    %dma_start3A_555 = tpu.memref_squeeze %dma_start3A_554 : memref<1x80xi32, #tpu.memory_space<vmem>> -> memref<80xi32, #tpu.memory_space<vmem>>
    %dma_start3A_556 = arith.constant 0 : i32
    %dma_start3A_557 = arith.constant 0 : i32
    %dma_start3A_558 = tpu.memref_slice %arg2[%dma_start3A_556, %dma_start3A_557] : memref<10000x128xf32, #tpu.memory_space<hbm>> -> memref<10000x128xf32, #tpu.memory_space<hbm>>
    tpu.enqueue_indirect_dma source(%dma_start3A_558 : memref<10000x128xf32, #tpu.memory_space<hbm>>) target(%arg12 : memref<80x128xf32, #tpu.memory_space<vmem>>) offsets(%dma_start3A_555 : memref<80xi32, #tpu.memory_space<vmem>>) semaphore(%arg17 : memref<!tpu.dma_semaphore, #tpu.memory_space<semaphore_mem>>)
    %scan3A_559 = arith.constant 0 : i32
    %scan3A_560 = arith.constant 0 : i32
    %scan3A_561 = arith.constant 7 : i32
    %scan3A_562 = arith.addi %scan3A_560, %scan3A_561 : i32
    %scan3A_563 = arith.constant 1 : i32
    scf.for %scan3A_1203 = %scan3A_560 to %scan3A_562 step %scan3A_563  : i32 {
      %mul3A_1204 = arith.constant 3 : i32
      %mul3A_1205 = arith.muli %mul3A_1204, %scan3A_1203 : i32
      %add3A_1206 = arith.constant 0 : i32
      %add3A_1207 = arith.addi %mul3A_1205, %add3A_1206 : i32
      %dma_wait3A_1208 = arith.constant 0 : i32
      %dma_wait3A_1209 = arith.constant 0 : i32
      %dma_wait3A_1210 = tpu.memref_slice %arg2[%dma_wait3A_1208, %dma_wait3A_1209] : memref<10000x128xf32, #tpu.memory_space<hbm>> -> memref<80x128xf32, #tpu.memory_space<hbm>>
      %dma_wait3A_1211 = arith.constant 0 : i32
      %dma_wait3A_1212 = arith.constant 0 : i32
      %dma_wait3A_1213 = tpu.memref_slice %arg2[%dma_wait3A_1211, %dma_wait3A_1212] : memref<10000x128xf32, #tpu.memory_space<hbm>> -> memref<80x128xf32, #tpu.memory_space<hbm>>
      tpu.wait_dma2 semaphore(%arg15 : memref<!tpu.dma_semaphore, #tpu.memory_space<semaphore_mem>>) src(%dma_wait3A_1213 : memref<80x128xf32, #tpu.memory_space<hbm>>) dst(%arg10 : memref<80x128xf32, #tpu.memory_space<vmem>>)
      %get3A_1214 = arith.index_cast %add3A_1207 : i32 to index
      %get3A_1215 = arith.constant 0 : index
      %get3A_1216 = tpu.vector_load %arg7[%get3A_1214, %get3A_1215] {strides = array<i32>} : memref<25x80xi32, #tpu.memory_space<vmem>>, vector<16xi32>,
      tpu.vector_store_idx %arg13[%get3A_1216], %broadcast_in_dim3A_165 {add = true} : memref<10256xf32, #tpu.memory_space<vmem>>[vector<16xi32>], vector<16xf32>,
      %get3A_1217 = arith.index_cast %add3A_1207 : i32 to index
      %get3A_1218 = arith.constant 16 : index
      %get3A_1219 = tpu.vector_load %arg7[%get3A_1217, %get3A_1218] {strides = array<i32>} : memref<25x80xi32, #tpu.memory_space<vmem>>, vector<16xi32>,
      tpu.vector_store_idx %arg13[%get3A_1219], %broadcast_in_dim3A_165 {add = true} : memref<10256xf32, #tpu.memory_space<vmem>>[vector<16xi32>], vector<16xf32>,
      %get3A_1220 = arith.index_cast %add3A_1207 : i32 to index
      %get3A_1221 = arith.constant 32 : index
      %get3A_1222 = tpu.vector_load %arg7[%get3A_1220, %get3A_1221] {strides = array<i32>} : memref<25x80xi32, #tpu.memory_space<vmem>>, vector<16xi32>,
      tpu.vector_store_idx %arg13[%get3A_1222], %broadcast_in_dim3A_165 {add = true} : memref<10256xf32, #tpu.memory_space<vmem>>[vector<16xi32>], vector<16xf32>,
      %get3A_1223 = arith.index_cast %add3A_1207 : i32 to index
      %get3A_1224 = arith.constant 48 : index
      %get3A_1225 = tpu.vector_load %arg7[%get3A_1223, %get3A_1224] {strides = array<i32>} : memref<25x80xi32, #tpu.memory_space<vmem>>, vector<16xi32>,
      tpu.vector_store_idx %arg13[%get3A_1225], %broadcast_in_dim3A_165 {add = true} : memref<10256xf32, #tpu.memory_space<vmem>>[vector<16xi32>], vector<16xf32>,
      %get3A_1226 = arith.index_cast %add3A_1207 : i32 to index
      %get3A_1227 = arith.constant 64 : index
      %get3A_1228 = tpu.vector_load %arg7[%get3A_1226, %get3A_1227] {strides = array<i32>} : memref<25x80xi32, #tpu.memory_space<vmem>>, vector<16xi32>,
      tpu.vector_store_idx %arg13[%get3A_1228], %broadcast_in_dim3A_165 {add = true} : memref<10256xf32, #tpu.memory_space<vmem>>[vector<16xi32>], vector<16xf32>,
      "tpu.region"() ({
        %run_scoped3A_1303 = tpu.sem_alloc : memref<!tpu.dma_semaphore, #tpu.memory_space<semaphore_mem>>
        %dma_start3A_1304 = arith.constant 0 : i32
        %dma_start3A_1305 = tpu.memref_slice %arg7[%add3A_1207, %dma_start3A_1304] : memref<25x80xi32, #tpu.memory_space<vmem>> -> memref<1x80xi32, #tpu.memory_space<vmem>>
        %dma_start3A_1306 = tpu.memref_squeeze %dma_start3A_1305 : memref<1x80xi32, #tpu.memory_space<vmem>> -> memref<80xi32, #tpu.memory_space<vmem>>
        %dma_start3A_1307 = arith.constant 0 : i32
        %dma_start3A_1308 = arith.constant 0 : i32
        %dma_start3A_1309 = tpu.memref_slice %arg14[%dma_start3A_1307, %dma_start3A_1308] : memref<10248x128xf32, #tpu.memory_space<vmem_shared>> -> memref<10248x128xf32, #tpu.memory_space<vmem_shared>>
        tpu.enqueue_indirect_dma source(%arg10 : memref<80x128xf32, #tpu.memory_space<vmem>>) target(%dma_start3A_1309 : memref<10248x128xf32, #tpu.memory_space<vmem_shared>>) offsets(%dma_start3A_1306 : memref<80xi32, #tpu.memory_space<vmem>>) semaphore(%run_scoped3A_1303 : memref<!tpu.dma_semaphore, #tpu.memory_space<semaphore_mem>>) {add = true}
        %dma_wait3A_1310 = arith.constant 0 : i32
        %dma_wait3A_1311 = tpu.memref_slice %arg7[%add3A_1207, %dma_wait3A_1310] : memref<25x80xi32, #tpu.memory_space<vmem>> -> memref<1x80xi32, #tpu.memory_space<vmem>>
        %dma_wait3A_1312 = tpu.memref_squeeze %dma_wait3A_1311 : memref<1x80xi32, #tpu.memory_space<vmem>> -> memref<80xi32, #tpu.memory_space<vmem>>
        %dma_wait3A_1313 = arith.constant 0 : i32
        %dma_wait3A_1314 = arith.constant 0 : i32
        %dma_wait3A_1315 = tpu.memref_slice %arg14[%dma_wait3A_1313, %dma_wait3A_1314] : memref<10248x128xf32, #tpu.memory_space<vmem_shared>> -> memref<10248x128xf32, #tpu.memory_space<vmem_shared>>
        tpu.wait_indirect_dma semaphore(%run_scoped3A_1303 : memref<!tpu.dma_semaphore, #tpu.memory_space<semaphore_mem>>) src(%arg10 : memref<80x128xf32, #tpu.memory_space<vmem>>) dst(%dma_wait3A_1315 : memref<10248x128xf32, #tpu.memory_space<vmem_shared>>)
        tpu.yield
      }) : () -> ()
      %add3A_1229 = arith.constant 3 : i32
      %add3A_1230 = arith.addi %add3A_1207, %add3A_1229 : i32
      %dma_start3A_1231 = arith.constant 0 : i32
      %dma_start3A_1232 = tpu.memref_slice %arg6[%add3A_1230, %dma_start3A_1231] : memref<25x80xi32, #tpu.memory_space<vmem>> -> memref<1x80xi32, #tpu.memory_space<vmem>>
      %dma_start3A_1233 = tpu.memref_squeeze %dma_start3A_1232 : memref<1x80xi32, #tpu.memory_space<vmem>> -> memref<80xi32, #tpu.memory_space<vmem>>
      %dma_start3A_1234 = arith.constant 0 : i32
      %dma_start3A_1235 = arith.constant 0 : i32
      %dma_start3A_1236 = tpu.memref_slice %arg2[%dma_start3A_1234, %dma_start3A_1235] : memref<10000x128xf32, #tpu.memory_space<hbm>> -> memref<10000x128xf32, #tpu.memory_space<hbm>>
      tpu.enqueue_indirect_dma source(%dma_start3A_1236 : memref<10000x128xf32, #tpu.memory_space<hbm>>) target(%arg10 : memref<80x128xf32, #tpu.memory_space<vmem>>) offsets(%dma_start3A_1233 : memref<80xi32, #tpu.memory_space<vmem>>) semaphore(%arg15 : memref<!tpu.dma_semaphore, #tpu.memory_space<semaphore_mem>>)
      %mul3A_1237 = arith.constant 3 : i32
      %mul3A_1238 = arith.muli %mul3A_1237, %scan3A_1203 : i32
      %add3A_1239 = arith.constant 1 : i32
      %add3A_1240 = arith.addi %mul3A_1238, %add3A_1239 : i32
      %dma_wait3A_1241 = arith.constant 0 : i32
      %dma_wait3A_1242 = arith.constant 0 : i32
      %dma_wait3A_1243 = tpu.memref_slice %arg2[%dma_wait3A_1241, %dma_wait3A_1242] : memref<10000x128xf32, #tpu.memory_space<hbm>> -> memref<80x128xf32, #tpu.memory_space<hbm>>
      %dma_wait3A_1244 = arith.constant 0 : i32
      %dma_wait3A_1245 = arith.constant 0 : i32
      %dma_wait3A_1246 = tpu.memref_slice %arg2[%dma_wait3A_1244, %dma_wait3A_1245] : memref<10000x128xf32, #tpu.memory_space<hbm>> -> memref<80x128xf32, #tpu.memory_space<hbm>>
      tpu.wait_dma2 semaphore(%arg16 : memref<!tpu.dma_semaphore, #tpu.memory_space<semaphore_mem>>) src(%dma_wait3A_1246 : memref<80x128xf32, #tpu.memory_space<hbm>>) dst(%arg10 : memref<80x128xf32, #tpu.memory_space<vmem>>)
      %get3A_1247 = arith.index_cast %add3A_1240 : i32 to index
      %get3A_1248 = arith.constant 0 : index
      %get3A_1249 = tpu.vector_load %arg7[%get3A_1247, %get3A_1248] {strides = array<i32>} : memref<25x80xi32, #tpu.memory_space<vmem>>, vector<16xi32>,
      tpu.vector_store_idx %arg13[%get3A_1249], %broadcast_in_dim3A_165 {add = true} : memref<10256xf32, #tpu.memory_space<vmem>>[vector<16xi32>], vector<16xf32>,
      %get3A_1250 = arith.index_cast %add3A_1240 : i32 to index
      %get3A_1251 = arith.constant 16 : index
      %get3A_1252 = tpu.vector_load %arg7[%get3A_1250, %get3A_1251] {strides = array<i32>} : memref<25x80xi32, #tpu.memory_space<vmem>>, vector<16xi32>,
      tpu.vector_store_idx %arg13[%get3A_1252], %broadcast_in_dim3A_165 {add = true} : memref<10256xf32, #tpu.memory_space<vmem>>[vector<16xi32>], vector<16xf32>,
      %get3A_1253 = arith.index_cast %add3A_1240 : i32 to index
      %get3A_1254 = arith.constant 32 : index
      %get3A_1255 = tpu.vector_load %arg7[%get3A_1253, %get3A_1254] {strides = array<i32>} : memref<25x80xi32, #tpu.memory_space<vmem>>, vector<16xi32>,
      tpu.vector_store_idx %arg13[%get3A_1255], %broadcast_in_dim3A_165 {add = true} : memref<10256xf32, #tpu.memory_space<vmem>>[vector<16xi32>], vector<16xf32>,
      %get3A_1256 = arith.index_cast %add3A_1240 : i32 to index
      %get3A_1257 = arith.constant 48 : index
      %get3A_1258 = tpu.vector_load %arg7[%get3A_1256, %get3A_1257] {strides = array<i32>} : memref<25x80xi32, #tpu.memory_space<vmem>>, vector<16xi32>,
      tpu.vector_store_idx %arg13[%get3A_1258], %broadcast_in_dim3A_165 {add = true} : memref<10256xf32, #tpu.memory_space<vmem>>[vector<16xi32>], vector<16xf32>,
      %get3A_1259 = arith.index_cast %add3A_1240 : i32 to index
      %get3A_1260 = arith.constant 64 : index
      %get3A_1261 = tpu.vector_load %arg7[%get3A_1259, %get3A_1260] {strides = array<i32>} : memref<25x80xi32, #tpu.memory_space<vmem>>, vector<16xi32>,
      tpu.vector_store_idx %arg13[%get3A_1261], %broadcast_in_dim3A_165 {add = true} : memref<10256xf32, #tpu.memory_space<vmem>>[vector<16xi32>], vector<16xf32>,
      "tpu.region"() ({
        %run_scoped3A_1303 = tpu.sem_alloc : memref<!tpu.dma_semaphore, #tpu.memory_space<semaphore_mem>>
        %dma_start3A_1304 = arith.constant 0 : i32
        %dma_start3A_1305 = tpu.memref_slice %arg7[%add3A_1240, %dma_start3A_1304] : memref<25x80xi32, #tpu.memory_space<vmem>> -> memref<1x80xi32, #tpu.memory_space<vmem>>
        %dma_start3A_1306 = tpu.memref_squeeze %dma_start3A_1305 : memref<1x80xi32, #tpu.memory_space<vmem>> -> memref<80xi32, #tpu.memory_space<vmem>>
        %dma_start3A_1307 = arith.constant 0 : i32
        %dma_start3A_1308 = arith.constant 0 : i32
        %dma_start3A_1309 = tpu.memref_slice %arg14[%dma_start3A_1307, %dma_start3A_1308] : memref<10248x128xf32, #tpu.memory_space<vmem_shared>> -> memref<10248x128xf32, #tpu.memory_space<vmem_shared>>
        tpu.enqueue_indirect_dma source(%arg11 : memref<80x128xf32, #tpu.memory_space<vmem>>) target(%dma_start3A_1309 : memref<10248x128xf32, #tpu.memory_space<vmem_shared>>) offsets(%dma_start3A_1306 : memref<80xi32, #tpu.memory_space<vmem>>) semaphore(%run_scoped3A_1303 : memref<!tpu.dma_semaphore, #tpu.memory_space<semaphore_mem>>) {add = true}
        %dma_wait3A_1310 = arith.constant 0 : i32
        %dma_wait3A_1311 = tpu.memref_slice %arg7[%add3A_1240, %dma_wait3A_1310] : memref<25x80xi32, #tpu.memory_space<vmem>> -> memref<1x80xi32, #tpu.memory_space<vmem>>
        %dma_wait3A_1312 = tpu.memref_squeeze %dma_wait3A_1311 : memref<1x80xi32, #tpu.memory_space<vmem>> -> memref<80xi32, #tpu.memory_space<vmem>>
        %dma_wait3A_1313 = arith.constant 0 : i32
        %dma_wait3A_1314 = arith.constant 0 : i32
        %dma_wait3A_1315 = tpu.memref_slice %arg14[%dma_wait3A_1313, %dma_wait3A_1314] : memref<10248x128xf32, #tpu.memory_space<vmem_shared>> -> memref<10248x128xf32, #tpu.memory_space<vmem_shared>>
        tpu.wait_indirect_dma semaphore(%run_scoped3A_1303 : memref<!tpu.dma_semaphore, #tpu.memory_space<semaphore_mem>>) src(%arg11 : memref<80x128xf32, #tpu.memory_space<vmem>>) dst(%dma_wait3A_1315 : memref<10248x128xf32, #tpu.memory_space<vmem_shared>>)
        tpu.yield
      }) : () -> ()
      %add3A_1262 = arith.constant 3 : i32
      %add3A_1263 = arith.addi %add3A_1240, %add3A_1262 : i32
      %dma_start3A_1264 = arith.constant 0 : i32
      %dma_start3A_1265 = tpu.memref_slice %arg6[%add3A_1263, %dma_start3A_1264] : memref<25x80xi32, #tpu.memory_space<vmem>> -> memref<1x80xi32, #tpu.memory_space<vmem>>
      %dma_start3A_1266 = tpu.memref_squeeze %dma_start3A_1265 : memref<1x80xi32, #tpu.memory_space<vmem>> -> memref<80xi32, #tpu.memory_space<vmem>>
      %dma_start3A_1267 = arith.constant 0 : i32
      %dma_start3A_1268 = arith.constant 0 : i32
      %dma_start3A_1269 = tpu.memref_slice %arg2[%dma_start3A_1267, %dma_start3A_1268] : memref<10000x128xf32, #tpu.memory_space<hbm>> -> memref<10000x128xf32, #tpu.memory_space<hbm>>
      tpu.enqueue_indirect_dma source(%dma_start3A_1269 : memref<10000x128xf32, #tpu.memory_space<hbm>>) target(%arg11 : memref<80x128xf32, #tpu.memory_space<vmem>>) offsets(%dma_start3A_1266 : memref<80xi32, #tpu.memory_space<vmem>>) semaphore(%arg16 : memref<!tpu.dma_semaphore, #tpu.memory_space<semaphore_mem>>)
      %mul3A_1270 = arith.constant 3 : i32
      %mul3A_1271 = arith.muli %mul3A_1270, %scan3A_1203 : i32
      %add3A_1272 = arith.constant 2 : i32
      %add3A_1273 = arith.addi %mul3A_1271, %add3A_1272 : i32
      %dma_wait3A_1274 = arith.constant 0 : i32
      %dma_wait3A_1275 = arith.constant 0 : i32
      %dma_wait3A_1276 = tpu.memref_slice %arg2[%dma_wait3A_1274, %dma_wait3A_1275] : memref<10000x128xf32, #tpu.memory_space<hbm>> -> memref<80x128xf32, #tpu.memory_space<hbm>>
      %dma_wait3A_1277 = arith.constant 0 : i32
      %dma_wait3A_1278 = arith.constant 0 : i32
      %dma_wait3A_1279 = tpu.memref_slice %arg2[%dma_wait3A_1277, %dma_wait3A_1278] : memref<10000x128xf32, #tpu.memory_space<hbm>> -> memref<80x128xf32, #tpu.memory_space<hbm>>
      tpu.wait_dma2 semaphore(%arg17 : memref<!tpu.dma_semaphore, #tpu.memory_space<semaphore_mem>>) src(%dma_wait3A_1279 : memref<80x128xf32, #tpu.memory_space<hbm>>) dst(%arg10 : memref<80x128xf32, #tpu.memory_space<vmem>>)
      %get3A_1280 = arith.index_cast %add3A_1273 : i32 to index
      %get3A_1281 = arith.constant 0 : index
      %get3A_1282 = tpu.vector_load %arg7[%get3A_1280, %get3A_1281] {strides = array<i32>} : memref<25x80xi32, #tpu.memory_space<vmem>>, vector<16xi32>,
      tpu.vector_store_idx %arg13[%get3A_1282], %broadcast_in_dim3A_165 {add = true} : memref<10256xf32, #tpu.memory_space<vmem>>[vector<16xi32>], vector<16xf32>,
      %get3A_1283 = arith.index_cast %add3A_1273 : i32 to index
      %get3A_1284 = arith.constant 16 : index
      %get3A_1285 = tpu.vector_load %arg7[%get3A_1283, %get3A_1284] {strides = array<i32>} : memref<25x80xi32, #tpu.memory_space<vmem>>, vector<16xi32>,
      tpu.vector_store_idx %arg13[%get3A_1285], %broadcast_in_dim3A_165 {add = true} : memref<10256xf32, #tpu.memory_space<vmem>>[vector<16xi32>], vector<16xf32>,
      %get3A_1286 = arith.index_cast %add3A_1273 : i32 to index
      %get3A_1287 = arith.constant 32 : index
      %get3A_1288 = tpu.vector_load %arg7[%get3A_1286, %get3A_1287] {strides = array<i32>} : memref<25x80xi32, #tpu.memory_space<vmem>>, vector<16xi32>,
      tpu.vector_store_idx %arg13[%get3A_1288], %broadcast_in_dim3A_165 {add = true} : memref<10256xf32, #tpu.memory_space<vmem>>[vector<16xi32>], vector<16xf32>,
      %get3A_1289 = arith.index_cast %add3A_1273 : i32 to index
      %get3A_1290 = arith.constant 48 : index
      %get3A_1291 = tpu.vector_load %arg7[%get3A_1289, %get3A_1290] {strides = array<i32>} : memref<25x80xi32, #tpu.memory_space<vmem>>, vector<16xi32>,
      tpu.vector_store_idx %arg13[%get3A_1291], %broadcast_in_dim3A_165 {add = true} : memref<10256xf32, #tpu.memory_space<vmem>>[vector<16xi32>], vector<16xf32>,
      %get3A_1292 = arith.index_cast %add3A_1273 : i32 to index
      %get3A_1293 = arith.constant 64 : index
      %get3A_1294 = tpu.vector_load %arg7[%get3A_1292, %get3A_1293] {strides = array<i32>} : memref<25x80xi32, #tpu.memory_space<vmem>>, vector<16xi32>,
      tpu.vector_store_idx %arg13[%get3A_1294], %broadcast_in_dim3A_165 {add = true} : memref<10256xf32, #tpu.memory_space<vmem>>[vector<16xi32>], vector<16xf32>,
      "tpu.region"() ({
        %run_scoped3A_1303 = tpu.sem_alloc : memref<!tpu.dma_semaphore, #tpu.memory_space<semaphore_mem>>
        %dma_start3A_1304 = arith.constant 0 : i32
        %dma_start3A_1305 = tpu.memref_slice %arg7[%add3A_1273, %dma_start3A_1304] : memref<25x80xi32, #tpu.memory_space<vmem>> -> memref<1x80xi32, #tpu.memory_space<vmem>>
        %dma_start3A_1306 = tpu.memref_squeeze %dma_start3A_1305 : memref<1x80xi32, #tpu.memory_space<vmem>> -> memref<80xi32, #tpu.memory_space<vmem>>
        %dma_start3A_1307 = arith.constant 0 : i32
        %dma_start3A_1308 = arith.constant 0 : i32
        %dma_start3A_1309 = tpu.memref_slice %arg14[%dma_start3A_1307, %dma_start3A_1308] : memref<10248x128xf32, #tpu.memory_space<vmem_shared>> -> memref<10248x128xf32, #tpu.memory_space<vmem_shared>>
        tpu.enqueue_indirect_dma source(%arg12 : memref<80x128xf32, #tpu.memory_space<vmem>>) target(%dma_start3A_1309 : memref<10248x128xf32, #tpu.memory_space<vmem_shared>>) offsets(%dma_start3A_1306 : memref<80xi32, #tpu.memory_space<vmem>>) semaphore(%run_scoped3A_1303 : memref<!tpu.dma_semaphore, #tpu.memory_space<semaphore_mem>>) {add = true}
        %dma_wait3A_1310 = arith.constant 0 : i32
        %dma_wait3A_1311 = tpu.memref_slice %arg7[%add3A_1273, %dma_wait3A_1310] : memref<25x80xi32, #tpu.memory_space<vmem>> -> memref<1x80xi32, #tpu.memory_space<vmem>>
        %dma_wait3A_1312 = tpu.memref_squeeze %dma_wait3A_1311 : memref<1x80xi32, #tpu.memory_space<vmem>> -> memref<80xi32, #tpu.memory_space<vmem>>
        %dma_wait3A_1313 = arith.constant 0 : i32
        %dma_wait3A_1314 = arith.constant 0 : i32
        %dma_wait3A_1315 = tpu.memref_slice %arg14[%dma_wait3A_1313, %dma_wait3A_1314] : memref<10248x128xf32, #tpu.memory_space<vmem_shared>> -> memref<10248x128xf32, #tpu.memory_space<vmem_shared>>
        tpu.wait_indirect_dma semaphore(%run_scoped3A_1303 : memref<!tpu.dma_semaphore, #tpu.memory_space<semaphore_mem>>) src(%arg12 : memref<80x128xf32, #tpu.memory_space<vmem>>) dst(%dma_wait3A_1315 : memref<10248x128xf32, #tpu.memory_space<vmem_shared>>)
        tpu.yield
      }) : () -> ()
      %add3A_1295 = arith.constant 3 : i32
      %add3A_1296 = arith.addi %add3A_1273, %add3A_1295 : i32
      %dma_start3A_1297 = arith.constant 0 : i32
      %dma_start3A_1298 = tpu.memref_slice %arg6[%add3A_1296, %dma_start3A_1297] : memref<25x80xi32, #tpu.memory_space<vmem>> -> memref<1x80xi32, #tpu.memory_space<vmem>>
      %dma_start3A_1299 = tpu.memref_squeeze %dma_start3A_1298 : memref<1x80xi32, #tpu.memory_space<vmem>> -> memref<80xi32, #tpu.memory_space<vmem>>
      %dma_start3A_1300 = arith.constant 0 : i32
      %dma_start3A_1301 = arith.constant 0 : i32
      %dma_start3A_1302 = tpu.memref_slice %arg2[%dma_start3A_1300, %dma_start3A_1301] : memref<10000x128xf32, #tpu.memory_space<hbm>> -> memref<10000x128xf32, #tpu.memory_space<hbm>>
      tpu.enqueue_indirect_dma source(%dma_start3A_1302 : memref<10000x128xf32, #tpu.memory_space<hbm>>) target(%arg12 : memref<80x128xf32, #tpu.memory_space<vmem>>) offsets(%dma_start3A_1299 : memref<80xi32, #tpu.memory_space<vmem>>) semaphore(%arg17 : memref<!tpu.dma_semaphore, #tpu.memory_space<semaphore_mem>>)
    }
    %scan3A_564 = arith.constant 7 : i32
    %dma_wait3A_565 = arith.constant 0 : i32
    %dma_wait3A_566 = arith.constant 0 : i32
    %dma_wait3A_567 = tpu.memref_slice %arg2[%dma_wait3A_565, %dma_wait3A_566] : memref<10000x128xf32, #tpu.memory_space<hbm>> -> memref<80x128xf32, #tpu.memory_space<hbm>>
    %dma_wait3A_568 = arith.constant 0 : i32
    %dma_wait3A_569 = arith.constant 0 : i32
    %dma_wait3A_570 = tpu.memref_slice %arg2[%dma_wait3A_568, %dma_wait3A_569] : memref<10000x128xf32, #tpu.memory_space<hbm>> -> memref<80x128xf32, #tpu.memory_space<hbm>>
    tpu.wait_dma2 semaphore(%arg15 : memref<!tpu.dma_semaphore, #tpu.memory_space<semaphore_mem>>) src(%dma_wait3A_570 : memref<80x128xf32, #tpu.memory_space<hbm>>) dst(%arg10 : memref<80x128xf32, #tpu.memory_space<vmem>>)
    %get3A_571 = arith.constant 21 : i32
    %get3A_572 = arith.index_cast %get3A_571 : i32 to index
    %get3A_573 = arith.constant 0 : index
    %get3A_574 = tpu.vector_load %arg7[%get3A_572, %get3A_573] {strides = array<i32>} : memref<25x80xi32, #tpu.memory_space<vmem>>, vector<16xi32>,
    tpu.vector_store_idx %arg13[%get3A_574], %broadcast_in_dim3A_165 {add = true} : memref<10256xf32, #tpu.memory_space<vmem>>[vector<16xi32>], vector<16xf32>,
    %get3A_575 = arith.constant 21 : i32
    %get3A_576 = arith.index_cast %get3A_575 : i32 to index
    %get3A_577 = arith.constant 16 : index
    %get3A_578 = tpu.vector_load %arg7[%get3A_576, %get3A_577] {strides = array<i32>} : memref<25x80xi32, #tpu.memory_space<vmem>>, vector<16xi32>,
    tpu.vector_store_idx %arg13[%get3A_578], %broadcast_in_dim3A_165 {add = true} : memref<10256xf32, #tpu.memory_space<vmem>>[vector<16xi32>], vector<16xf32>,
    %get3A_579 = arith.constant 21 : i32
    %get3A_580 = arith.index_cast %get3A_579 : i32 to index
    %get3A_581 = arith.constant 32 : index
    %get3A_582 = tpu.vector_load %arg7[%get3A_580, %get3A_581] {strides = array<i32>} : memref<25x80xi32, #tpu.memory_space<vmem>>, vector<16xi32>,
    tpu.vector_store_idx %arg13[%get3A_582], %broadcast_in_dim3A_165 {add = true} : memref<10256xf32, #tpu.memory_space<vmem>>[vector<16xi32>], vector<16xf32>,
    %get3A_583 = arith.constant 21 : i32
    %get3A_584 = arith.index_cast %get3A_583 : i32 to index
    %get3A_585 = arith.constant 48 : index
    %get3A_586 = tpu.vector_load %arg7[%get3A_584, %get3A_585] {strides = array<i32>} : memref<25x80xi32, #tpu.memory_space<vmem>>, vector<16xi32>,
    tpu.vector_store_idx %arg13[%get3A_586], %broadcast_in_dim3A_165 {add = true} : memref<10256xf32, #tpu.memory_space<vmem>>[vector<16xi32>], vector<16xf32>,
    %get3A_587 = arith.constant 21 : i32
    %get3A_588 = arith.index_cast %get3A_587 : i32 to index
    %get3A_589 = arith.constant 64 : index
    %get3A_590 = tpu.vector_load %arg7[%get3A_588, %get3A_589] {strides = array<i32>} : memref<25x80xi32, #tpu.memory_space<vmem>>, vector<16xi32>,
    tpu.vector_store_idx %arg13[%get3A_590], %broadcast_in_dim3A_165 {add = true} : memref<10256xf32, #tpu.memory_space<vmem>>[vector<16xi32>], vector<16xf32>,
    %run_scoped3A_591 = arith.constant 21 : i32
    "tpu.region"() ({
      %run_scoped3A_1203 = tpu.sem_alloc : memref<!tpu.dma_semaphore, #tpu.memory_space<semaphore_mem>>
      %dma_start3A_1204 = arith.constant 0 : i32
      %dma_start3A_1205 = tpu.memref_slice %arg7[%run_scoped3A_591, %dma_start3A_1204] : memref<25x80xi32, #tpu.memory_space<vmem>> -> memref<1x80xi32, #tpu.memory_space<vmem>>
      %dma_start3A_1206 = tpu.memref_squeeze %dma_start3A_1205 : memref<1x80xi32, #tpu.memory_space<vmem>> -> memref<80xi32, #tpu.memory_space<vmem>>
      %dma_start3A_1207 = arith.constant 0 : i32
      %dma_start3A_1208 = arith.constant 0 : i32
      %dma_start3A_1209 = tpu.memref_slice %arg14[%dma_start3A_1207, %dma_start3A_1208] : memref<10248x128xf32, #tpu.memory_space<vmem_shared>> -> memref<10248x128xf32, #tpu.memory_space<vmem_shared>>
      tpu.enqueue_indirect_dma source(%arg10 : memref<80x128xf32, #tpu.memory_space<vmem>>) target(%dma_start3A_1209 : memref<10248x128xf32, #tpu.memory_space<vmem_shared>>) offsets(%dma_start3A_1206 : memref<80xi32, #tpu.memory_space<vmem>>) semaphore(%run_scoped3A_1203 : memref<!tpu.dma_semaphore, #tpu.memory_space<semaphore_mem>>) {add = true}
      %dma_wait3A_1210 = arith.constant 0 : i32
      %dma_wait3A_1211 = tpu.memref_slice %arg7[%run_scoped3A_591, %dma_wait3A_1210] : memref<25x80xi32, #tpu.memory_space<vmem>> -> memref<1x80xi32, #tpu.memory_space<vmem>>
      %dma_wait3A_1212 = tpu.memref_squeeze %dma_wait3A_1211 : memref<1x80xi32, #tpu.memory_space<vmem>> -> memref<80xi32, #tpu.memory_space<vmem>>
      %dma_wait3A_1213 = arith.constant 0 : i32
      %dma_wait3A_1214 = arith.constant 0 : i32
      %dma_wait3A_1215 = tpu.memref_slice %arg14[%dma_wait3A_1213, %dma_wait3A_1214] : memref<10248x128xf32, #tpu.memory_space<vmem_shared>> -> memref<10248x128xf32, #tpu.memory_space<vmem_shared>>
      tpu.wait_indirect_dma semaphore(%run_scoped3A_1203 : memref<!tpu.dma_semaphore, #tpu.memory_space<semaphore_mem>>) src(%arg10 : memref<80x128xf32, #tpu.memory_space<vmem>>) dst(%dma_wait3A_1215 : memref<10248x128xf32, #tpu.memory_space<vmem_shared>>)
      tpu.yield
    }) : () -> ()
    %dma_start3A_592 = arith.constant 24 : i32
    %dma_start3A_593 = arith.constant 0 : i32
    %dma_start3A_594 = tpu.memref_slice %arg6[%dma_start3A_592, %dma_start3A_593] : memref<25x80xi32, #tpu.memory_space<vmem>> -> memref<1x80xi32, #tpu.memory_space<vmem>>
    %dma_start3A_595 = tpu.memref_squeeze %dma_start3A_594 : memref<1x80xi32, #tpu.memory_space<vmem>> -> memref<80xi32, #tpu.memory_space<vmem>>
    %dma_start3A_596 = arith.constant 0 : i32
    %dma_start3A_597 = arith.constant 0 : i32
    %dma_start3A_598 = tpu.memref_slice %arg2[%dma_start3A_596, %dma_start3A_597] : memref<10000x128xf32, #tpu.memory_space<hbm>> -> memref<10000x128xf32, #tpu.memory_space<hbm>>
    tpu.enqueue_indirect_dma source(%dma_start3A_598 : memref<10000x128xf32, #tpu.memory_space<hbm>>) target(%arg10 : memref<80x128xf32, #tpu.memory_space<vmem>>) offsets(%dma_start3A_595 : memref<80xi32, #tpu.memory_space<vmem>>) semaphore(%arg15 : memref<!tpu.dma_semaphore, #tpu.memory_space<semaphore_mem>>)
    %dma_wait3A_599 = arith.constant 0 : i32
    %dma_wait3A_600 = arith.constant 0 : i32
    %dma_wait3A_601 = tpu.memref_slice %arg2[%dma_wait3A_599, %dma_wait3A_600] : memref<10000x128xf32, #tpu.memory_space<hbm>> -> memref<80x128xf32, #tpu.memory_space<hbm>>
    %dma_wait3A_602 = arith.constant 0 : i32
    %dma_wait3A_603 = arith.constant 0 : i32
    %dma_wait3A_604 = tpu.memref_slice %arg2[%dma_wait3A_602, %dma_wait3A_603] : memref<10000x128xf32, #tpu.memory_space<hbm>> -> memref<80x128xf32, #tpu.memory_space<hbm>>
    tpu.wait_dma2 semaphore(%arg16 : memref<!tpu.dma_semaphore, #tpu.memory_space<semaphore_mem>>) src(%dma_wait3A_604 : memref<80x128xf32, #tpu.memory_space<hbm>>) dst(%arg10 : memref<80x128xf32, #tpu.memory_space<vmem>>)
    %get3A_605 = arith.constant 22 : i32
    %get3A_606 = arith.index_cast %get3A_605 : i32 to index
    %get3A_607 = arith.constant 0 : index
    %get3A_608 = tpu.vector_load %arg7[%get3A_606, %get3A_607] {strides = array<i32>} : memref<25x80xi32, #tpu.memory_space<vmem>>, vector<16xi32>,
    tpu.vector_store_idx %arg13[%get3A_608], %broadcast_in_dim3A_165 {add = true} : memref<10256xf32, #tpu.memory_space<vmem>>[vector<16xi32>], vector<16xf32>,
    %get3A_609 = arith.constant 22 : i32
    %get3A_610 = arith.index_cast %get3A_609 : i32 to index
    %get3A_611 = arith.constant 16 : index
    %get3A_612 = tpu.vector_load %arg7[%get3A_610, %get3A_611] {strides = array<i32>} : memref<25x80xi32, #tpu.memory_space<vmem>>, vector<16xi32>,
    tpu.vector_store_idx %arg13[%get3A_612], %broadcast_in_dim3A_165 {add = true} : memref<10256xf32, #tpu.memory_space<vmem>>[vector<16xi32>], vector<16xf32>,
    %get3A_613 = arith.constant 22 : i32
    %get3A_614 = arith.index_cast %get3A_613 : i32 to index
    %get3A_615 = arith.constant 32 : index
    %get3A_616 = tpu.vector_load %arg7[%get3A_614, %get3A_615] {strides = array<i32>} : memref<25x80xi32, #tpu.memory_space<vmem>>, vector<16xi32>,
    tpu.vector_store_idx %arg13[%get3A_616], %broadcast_in_dim3A_165 {add = true} : memref<10256xf32, #tpu.memory_space<vmem>>[vector<16xi32>], vector<16xf32>,
    %get3A_617 = arith.constant 22 : i32
    %get3A_618 = arith.index_cast %get3A_617 : i32 to index
    %get3A_619 = arith.constant 48 : index
    %get3A_620 = tpu.vector_load %arg7[%get3A_618, %get3A_619] {strides = array<i32>} : memref<25x80xi32, #tpu.memory_space<vmem>>, vector<16xi32>,
    tpu.vector_store_idx %arg13[%get3A_620], %broadcast_in_dim3A_165 {add = true} : memref<10256xf32, #tpu.memory_space<vmem>>[vector<16xi32>], vector<16xf32>,
    %get3A_621 = arith.constant 22 : i32
    %get3A_622 = arith.index_cast %get3A_621 : i32 to index
    %get3A_623 = arith.constant 64 : index
    %get3A_624 = tpu.vector_load %arg7[%get3A_622, %get3A_623] {strides = array<i32>} : memref<25x80xi32, #tpu.memory_space<vmem>>, vector<16xi32>,
    tpu.vector_store_idx %arg13[%get3A_624], %broadcast_in_dim3A_165 {add = true} : memref<10256xf32, #tpu.memory_space<vmem>>[vector<16xi32>], vector<16xf32>,
    %run_scoped3A_625 = arith.constant 22 : i32
    "tpu.region"() ({
      %run_scoped3A_1203 = tpu.sem_alloc : memref<!tpu.dma_semaphore, #tpu.memory_space<semaphore_mem>>
      %dma_start3A_1204 = arith.constant 0 : i32
      %dma_start3A_1205 = tpu.memref_slice %arg7[%run_scoped3A_625, %dma_start3A_1204] : memref<25x80xi32, #tpu.memory_space<vmem>> -> memref<1x80xi32, #tpu.memory_space<vmem>>
      %dma_start3A_1206 = tpu.memref_squeeze %dma_start3A_1205 : memref<1x80xi32, #tpu.memory_space<vmem>> -> memref<80xi32, #tpu.memory_space<vmem>>
      %dma_start3A_1207 = arith.constant 0 : i32
      %dma_start3A_1208 = arith.constant 0 : i32
      %dma_start3A_1209 = tpu.memref_slice %arg14[%dma_start3A_1207, %dma_start3A_1208] : memref<10248x128xf32, #tpu.memory_space<vmem_shared>> -> memref<10248x128xf32, #tpu.memory_space<vmem_shared>>
      tpu.enqueue_indirect_dma source(%arg11 : memref<80x128xf32, #tpu.memory_space<vmem>>) target(%dma_start3A_1209 : memref<10248x128xf32, #tpu.memory_space<vmem_shared>>) offsets(%dma_start3A_1206 : memref<80xi32, #tpu.memory_space<vmem>>) semaphore(%run_scoped3A_1203 : memref<!tpu.dma_semaphore, #tpu.memory_space<semaphore_mem>>) {add = true}
      %dma_wait3A_1210 = arith.constant 0 : i32
      %dma_wait3A_1211 = tpu.memref_slice %arg7[%run_scoped3A_625, %dma_wait3A_1210] : memref<25x80xi32, #tpu.memory_space<vmem>> -> memref<1x80xi32, #tpu.memory_space<vmem>>
      %dma_wait3A_1212 = tpu.memref_squeeze %dma_wait3A_1211 : memref<1x80xi32, #tpu.memory_space<vmem>> -> memref<80xi32, #tpu.memory_space<vmem>>
      %dma_wait3A_1213 = arith.constant 0 : i32
      %dma_wait3A_1214 = arith.constant 0 : i32
      %dma_wait3A_1215 = tpu.memref_slice %arg14[%dma_wait3A_1213, %dma_wait3A_1214] : memref<10248x128xf32, #tpu.memory_space<vmem_shared>> -> memref<10248x128xf32, #tpu.memory_space<vmem_shared>>
      tpu.wait_indirect_dma semaphore(%run_scoped3A_1203 : memref<!tpu.dma_semaphore, #tpu.memory_space<semaphore_mem>>) src(%arg11 : memref<80x128xf32, #tpu.memory_space<vmem>>) dst(%dma_wait3A_1215 : memref<10248x128xf32, #tpu.memory_space<vmem_shared>>)
      tpu.yield
    }) : () -> ()
    %dma_wait3A_626 = arith.constant 0 : i32
    %dma_wait3A_627 = arith.constant 0 : i32
    %dma_wait3A_628 = tpu.memref_slice %arg2[%dma_wait3A_626, %dma_wait3A_627] : memref<10000x128xf32, #tpu.memory_space<hbm>> -> memref<80x128xf32, #tpu.memory_space<hbm>>
    %dma_wait3A_629 = arith.constant 0 : i32
    %dma_wait3A_630 = arith.constant 0 : i32
    %dma_wait3A_631 = tpu.memref_slice %arg2[%dma_wait3A_629, %dma_wait3A_630] : memref<10000x128xf32, #tpu.memory_space<hbm>> -> memref<80x128xf32, #tpu.memory_space<hbm>>
    tpu.wait_dma2 semaphore(%arg17 : memref<!tpu.dma_semaphore, #tpu.memory_space<semaphore_mem>>) src(%dma_wait3A_631 : memref<80x128xf32, #tpu.memory_space<hbm>>) dst(%arg10 : memref<80x128xf32, #tpu.memory_space<vmem>>)
    %get3A_632 = arith.constant 23 : i32
    %get3A_633 = arith.index_cast %get3A_632 : i32 to index
    %get3A_634 = arith.constant 0 : index
    %get3A_635 = tpu.vector_load %arg7[%get3A_633, %get3A_634] {strides = array<i32>} : memref<25x80xi32, #tpu.memory_space<vmem>>, vector<16xi32>,
    tpu.vector_store_idx %arg13[%get3A_635], %broadcast_in_dim3A_165 {add = true} : memref<10256xf32, #tpu.memory_space<vmem>>[vector<16xi32>], vector<16xf32>,
    %get3A_636 = arith.constant 23 : i32
    %get3A_637 = arith.index_cast %get3A_636 : i32 to index
    %get3A_638 = arith.constant 16 : index
    %get3A_639 = tpu.vector_load %arg7[%get3A_637, %get3A_638] {strides = array<i32>} : memref<25x80xi32, #tpu.memory_space<vmem>>, vector<16xi32>,
    tpu.vector_store_idx %arg13[%get3A_639], %broadcast_in_dim3A_165 {add = true} : memref<10256xf32, #tpu.memory_space<vmem>>[vector<16xi32>], vector<16xf32>,
    %get3A_640 = arith.constant 23 : i32
    %get3A_641 = arith.index_cast %get3A_640 : i32 to index
    %get3A_642 = arith.constant 32 : index
    %get3A_643 = tpu.vector_load %arg7[%get3A_641, %get3A_642] {strides = array<i32>} : memref<25x80xi32, #tpu.memory_space<vmem>>, vector<16xi32>,
    tpu.vector_store_idx %arg13[%get3A_643], %broadcast_in_dim3A_165 {add = true} : memref<10256xf32, #tpu.memory_space<vmem>>[vector<16xi32>], vector<16xf32>,
    %get3A_644 = arith.constant 23 : i32
    %get3A_645 = arith.index_cast %get3A_644 : i32 to index
    %get3A_646 = arith.constant 48 : index
    %get3A_647 = tpu.vector_load %arg7[%get3A_645, %get3A_646] {strides = array<i32>} : memref<25x80xi32, #tpu.memory_space<vmem>>, vector<16xi32>,
    tpu.vector_store_idx %arg13[%get3A_647], %broadcast_in_dim3A_165 {add = true} : memref<10256xf32, #tpu.memory_space<vmem>>[vector<16xi32>], vector<16xf32>,
    %get3A_648 = arith.constant 23 : i32
    %get3A_649 = arith.index_cast %get3A_648 : i32 to index
    %get3A_650 = arith.constant 64 : index
    %get3A_651 = tpu.vector_load %arg7[%get3A_649, %get3A_650] {strides = array<i32>} : memref<25x80xi32, #tpu.memory_space<vmem>>, vector<16xi32>,
    tpu.vector_store_idx %arg13[%get3A_651], %broadcast_in_dim3A_165 {add = true} : memref<10256xf32, #tpu.memory_space<vmem>>[vector<16xi32>], vector<16xf32>,
    %run_scoped3A_652 = arith.constant 23 : i32
    "tpu.region"() ({
      %run_scoped3A_1203 = tpu.sem_alloc : memref<!tpu.dma_semaphore, #tpu.memory_space<semaphore_mem>>
      %dma_start3A_1204 = arith.constant 0 : i32
      %dma_start3A_1205 = tpu.memref_slice %arg7[%run_scoped3A_652, %dma_start3A_1204] : memref<25x80xi32, #tpu.memory_space<vmem>> -> memref<1x80xi32, #tpu.memory_space<vmem>>
      %dma_start3A_1206 = tpu.memref_squeeze %dma_start3A_1205 : memref<1x80xi32, #tpu.memory_space<vmem>> -> memref<80xi32, #tpu.memory_space<vmem>>
      %dma_start3A_1207 = arith.constant 0 : i32
      %dma_start3A_1208 = arith.constant 0 : i32
      %dma_start3A_1209 = tpu.memref_slice %arg14[%dma_start3A_1207, %dma_start3A_1208] : memref<10248x128xf32, #tpu.memory_space<vmem_shared>> -> memref<10248x128xf32, #tpu.memory_space<vmem_shared>>
      tpu.enqueue_indirect_dma source(%arg12 : memref<80x128xf32, #tpu.memory_space<vmem>>) target(%dma_start3A_1209 : memref<10248x128xf32, #tpu.memory_space<vmem_shared>>) offsets(%dma_start3A_1206 : memref<80xi32, #tpu.memory_space<vmem>>) semaphore(%run_scoped3A_1203 : memref<!tpu.dma_semaphore, #tpu.memory_space<semaphore_mem>>) {add = true}
      %dma_wait3A_1210 = arith.constant 0 : i32
      %dma_wait3A_1211 = tpu.memref_slice %arg7[%run_scoped3A_652, %dma_wait3A_1210] : memref<25x80xi32, #tpu.memory_space<vmem>> -> memref<1x80xi32, #tpu.memory_space<vmem>>
      %dma_wait3A_1212 = tpu.memref_squeeze %dma_wait3A_1211 : memref<1x80xi32, #tpu.memory_space<vmem>> -> memref<80xi32, #tpu.memory_space<vmem>>
      %dma_wait3A_1213 = arith.constant 0 : i32
      %dma_wait3A_1214 = arith.constant 0 : i32
      %dma_wait3A_1215 = tpu.memref_slice %arg14[%dma_wait3A_1213, %dma_wait3A_1214] : memref<10248x128xf32, #tpu.memory_space<vmem_shared>> -> memref<10248x128xf32, #tpu.memory_space<vmem_shared>>
      tpu.wait_indirect_dma semaphore(%run_scoped3A_1203 : memref<!tpu.dma_semaphore, #tpu.memory_space<semaphore_mem>>) src(%arg12 : memref<80x128xf32, #tpu.memory_space<vmem>>) dst(%dma_wait3A_1215 : memref<10248x128xf32, #tpu.memory_space<vmem_shared>>)
      tpu.yield
    }) : () -> ()
    %dma_wait3A_653 = arith.constant 0 : i32
    %dma_wait3A_654 = arith.constant 0 : i32
    %dma_wait3A_655 = tpu.memref_slice %arg2[%dma_wait3A_653, %dma_wait3A_654] : memref<10000x128xf32, #tpu.memory_space<hbm>> -> memref<80x128xf32, #tpu.memory_space<hbm>>
    %dma_wait3A_656 = arith.constant 0 : i32
    %dma_wait3A_657 = arith.constant 0 : i32
    %dma_wait3A_658 = tpu.memref_slice %arg2[%dma_wait3A_656, %dma_wait3A_657] : memref<10000x128xf32, #tpu.memory_space<hbm>> -> memref<80x128xf32, #tpu.memory_space<hbm>>
    tpu.wait_dma2 semaphore(%arg15 : memref<!tpu.dma_semaphore, #tpu.memory_space<semaphore_mem>>) src(%dma_wait3A_658 : memref<80x128xf32, #tpu.memory_space<hbm>>) dst(%arg10 : memref<80x128xf32, #tpu.memory_space<vmem>>)
    %get3A_659 = arith.constant 24 : i32
    %get3A_660 = arith.index_cast %get3A_659 : i32 to index
    %get3A_661 = arith.constant 0 : index
    %get3A_662 = tpu.vector_load %arg7[%get3A_660, %get3A_661] {strides = array<i32>} : memref<25x80xi32, #tpu.memory_space<vmem>>, vector<16xi32>,
    tpu.vector_store_idx %arg13[%get3A_662], %broadcast_in_dim3A_165 {add = true} : memref<10256xf32, #tpu.memory_space<vmem>>[vector<16xi32>], vector<16xf32>,
    %get3A_663 = arith.constant 24 : i32
    %get3A_664 = arith.index_cast %get3A_663 : i32 to index
    %get3A_665 = arith.constant 16 : index
    %get3A_666 = tpu.vector_load %arg7[%get3A_664, %get3A_665] {strides = array<i32>} : memref<25x80xi32, #tpu.memory_space<vmem>>, vector<16xi32>,
    tpu.vector_store_idx %arg13[%get3A_666], %broadcast_in_dim3A_165 {add = true} : memref<10256xf32, #tpu.memory_space<vmem>>[vector<16xi32>], vector<16xf32>,
    %get3A_667 = arith.constant 24 : i32
    %get3A_668 = arith.index_cast %get3A_667 : i32 to index
    %get3A_669 = arith.constant 32 : index
    %get3A_670 = tpu.vector_load %arg7[%get3A_668, %get3A_669] {strides = array<i32>} : memref<25x80xi32, #tpu.memory_space<vmem>>, vector<16xi32>,
    tpu.vector_store_idx %arg13[%get3A_670], %broadcast_in_dim3A_165 {add = true} : memref<10256xf32, #tpu.memory_space<vmem>>[vector<16xi32>], vector<16xf32>,
    %get3A_671 = arith.constant 24 : i32
    %get3A_672 = arith.index_cast %get3A_671 : i32 to index
    %get3A_673 = arith.constant 48 : index
    %get3A_674 = tpu.vector_load %arg7[%get3A_672, %get3A_673] {strides = array<i32>} : memref<25x80xi32, #tpu.memory_space<vmem>>, vector<16xi32>,
    tpu.vector_store_idx %arg13[%get3A_674], %broadcast_in_dim3A_165 {add = true} : memref<10256xf32, #tpu.memory_space<vmem>>[vector<16xi32>], vector<16xf32>,
    %get3A_675 = arith.constant 24 : i32
    %get3A_676 = arith.index_cast %get3A_675 : i32 to index
    %get3A_677 = arith.constant 64 : index
    %get3A_678 = tpu.vector_load %arg7[%get3A_676, %get3A_677] {strides = array<i32>} : memref<25x80xi32, #tpu.memory_space<vmem>>, vector<16xi32>,
    tpu.vector_store_idx %arg13[%get3A_678], %broadcast_in_dim3A_165 {add = true} : memref<10256xf32, #tpu.memory_space<vmem>>[vector<16xi32>], vector<16xf32>,
    %run_scoped3A_679 = arith.constant 24 : i32
    "tpu.region"() ({
      %run_scoped3A_1203 = tpu.sem_alloc : memref<!tpu.dma_semaphore, #tpu.memory_space<semaphore_mem>>
      %dma_start3A_1204 = arith.constant 0 : i32
      %dma_start3A_1205 = tpu.memref_slice %arg7[%run_scoped3A_679, %dma_start3A_1204] : memref<25x80xi32, #tpu.memory_space<vmem>> -> memref<1x80xi32, #tpu.memory_space<vmem>>
      %dma_start3A_1206 = tpu.memref_squeeze %dma_start3A_1205 : memref<1x80xi32, #tpu.memory_space<vmem>> -> memref<80xi32, #tpu.memory_space<vmem>>
      %dma_start3A_1207 = arith.constant 0 : i32
      %dma_start3A_1208 = arith.constant 0 : i32
      %dma_start3A_1209 = tpu.memref_slice %arg14[%dma_start3A_1207, %dma_start3A_1208] : memref<10248x128xf32, #tpu.memory_space<vmem_shared>> -> memref<10248x128xf32, #tpu.memory_space<vmem_shared>>
      tpu.enqueue_indirect_dma source(%arg10 : memref<80x128xf32, #tpu.memory_space<vmem>>) target(%dma_start3A_1209 : memref<10248x128xf32, #tpu.memory_space<vmem_shared>>) offsets(%dma_start3A_1206 : memref<80xi32, #tpu.memory_space<vmem>>) semaphore(%run_scoped3A_1203 : memref<!tpu.dma_semaphore, #tpu.memory_space<semaphore_mem>>) {add = true}
      %dma_wait3A_1210 = arith.constant 0 : i32
      %dma_wait3A_1211 = tpu.memref_slice %arg7[%run_scoped3A_679, %dma_wait3A_1210] : memref<25x80xi32, #tpu.memory_space<vmem>> -> memref<1x80xi32, #tpu.memory_space<vmem>>
      %dma_wait3A_1212 = tpu.memref_squeeze %dma_wait3A_1211 : memref<1x80xi32, #tpu.memory_space<vmem>> -> memref<80xi32, #tpu.memory_space<vmem>>
      %dma_wait3A_1213 = arith.constant 0 : i32
      %dma_wait3A_1214 = arith.constant 0 : i32
      %dma_wait3A_1215 = tpu.memref_slice %arg14[%dma_wait3A_1213, %dma_wait3A_1214] : memref<10248x128xf32, #tpu.memory_space<vmem_shared>> -> memref<10248x128xf32, #tpu.memory_space<vmem_shared>>
      tpu.wait_indirect_dma semaphore(%run_scoped3A_1203 : memref<!tpu.dma_semaphore, #tpu.memory_space<semaphore_mem>>) src(%arg10 : memref<80x128xf32, #tpu.memory_space<vmem>>) dst(%dma_wait3A_1215 : memref<10248x128xf32, #tpu.memory_space<vmem_shared>>)
      tpu.yield
    }) : () -> ()
    %dma_wait3A_680 = arith.constant 0 : i32
    %dma_wait3A_681 = arith.constant 0 : i32
    %dma_wait3A_682 = arith.constant 0 : i32
    %dma_wait3A_683 = tpu.memref_slice %arg3[%dma_wait3A_680, %add3A, %dma_wait3A_681, %dma_wait3A_682] : memref<2x32x125x80xi32, #tpu.memory_space<hbm>> -> memref<1x1x25x80xi32, #tpu.memory_space<hbm>>
    %dma_wait3A_684 = tpu.memref_squeeze %dma_wait3A_683 : memref<1x1x25x80xi32, #tpu.memory_space<hbm>> -> memref<25x80xi32, #tpu.memory_space<hbm>>
    %dma_wait3A_685 = arith.constant 0 : i32
    %dma_wait3A_686 = arith.constant 0 : i32
    %dma_wait3A_687 = tpu.memref_slice %arg3[%dma_wait3A_680, %add3A, %dma_wait3A_685, %dma_wait3A_686] : memref<2x32x125x80xi32, #tpu.memory_space<hbm>> -> memref<1x1x25x80xi32, #tpu.memory_space<hbm>>
    %dma_wait3A_688 = tpu.memref_squeeze %dma_wait3A_687 : memref<1x1x25x80xi32, #tpu.memory_space<hbm>> -> memref<25x80xi32, #tpu.memory_space<hbm>>
    tpu.wait_dma2 semaphore(%arg18 : memref<!tpu.dma_semaphore, #tpu.memory_space<semaphore_mem>>) src(%dma_wait3A_688 : memref<25x80xi32, #tpu.memory_space<hbm>>) dst(%arg8 : memref<25x80xi32, #tpu.memory_space<vmem>>)
    %dma_wait3A_689 = arith.constant 1 : i32
    %dma_wait3A_690 = arith.constant 0 : i32
    %dma_wait3A_691 = arith.constant 0 : i32
    %dma_wait3A_692 = tpu.memref_slice %arg3[%dma_wait3A_689, %add3A, %dma_wait3A_690, %dma_wait3A_691] : memref<2x32x125x80xi32, #tpu.memory_space<hbm>> -> memref<1x1x25x80xi32, #tpu.memory_space<hbm>>
    %dma_wait3A_693 = tpu.memref_squeeze %dma_wait3A_692 : memref<1x1x25x80xi32, #tpu.memory_space<hbm>> -> memref<25x80xi32, #tpu.memory_space<hbm>>
    %dma_wait3A_694 = arith.constant 0 : i32
    %dma_wait3A_695 = arith.constant 0 : i32
    %dma_wait3A_696 = tpu.memref_slice %arg3[%dma_wait3A_689, %add3A, %dma_wait3A_694, %dma_wait3A_695] : memref<2x32x125x80xi32, #tpu.memory_space<hbm>> -> memref<1x1x25x80xi32, #tpu.memory_space<hbm>>
    %dma_wait3A_697 = tpu.memref_squeeze %dma_wait3A_696 : memref<1x1x25x80xi32, #tpu.memory_space<hbm>> -> memref<25x80xi32, #tpu.memory_space<hbm>>
    tpu.wait_dma2 semaphore(%arg18 : memref<!tpu.dma_semaphore, #tpu.memory_space<semaphore_mem>>) src(%dma_wait3A_697 : memref<25x80xi32, #tpu.memory_space<hbm>>) dst(%arg9 : memref<25x80xi32, #tpu.memory_space<vmem>>)
    %dma_start3A_698 = arith.constant 0 : i32
    %dma_start3A_699 = arith.constant 100 : i32
    %dma_start3A_700 = arith.constant 0 : i32
    %dma_start3A_701 = tpu.memref_slice %arg3[%dma_start3A_698, %add3A, %dma_start3A_699, %dma_start3A_700] : memref<2x32x125x80xi32, #tpu.memory_space<hbm>> -> memref<1x1x25x80xi32, #tpu.memory_space<hbm>>
    %dma_start3A_702 = tpu.memref_squeeze %dma_start3A_701 : memref<1x1x25x80xi32, #tpu.memory_space<hbm>> -> memref<25x80xi32, #tpu.memory_space<hbm>>
    %dma_start3A_703 = arith.constant 100 : i32
    %dma_start3A_704 = arith.constant 0 : i32
    %dma_start3A_705 = tpu.memref_slice %arg3[%dma_start3A_698, %add3A, %dma_start3A_703, %dma_start3A_704] : memref<2x32x125x80xi32, #tpu.memory_space<hbm>> -> memref<1x1x25x80xi32, #tpu.memory_space<hbm>>
    %dma_start3A_706 = tpu.memref_squeeze %dma_start3A_705 : memref<1x1x25x80xi32, #tpu.memory_space<hbm>> -> memref<25x80xi32, #tpu.memory_space<hbm>>
    tpu.enqueue_dma source(%dma_start3A_706 : memref<25x80xi32, #tpu.memory_space<hbm>>) target(%arg6 : memref<25x80xi32, #tpu.memory_space<vmem>>) target_semaphore(%arg18 : memref<!tpu.dma_semaphore, #tpu.memory_space<semaphore_mem>>)
    %dma_start3A_707 = arith.constant 1 : i32
    %dma_start3A_708 = arith.constant 100 : i32
    %dma_start3A_709 = arith.constant 0 : i32
    %dma_start3A_710 = tpu.memref_slice %arg3[%dma_start3A_707, %add3A, %dma_start3A_708, %dma_start3A_709] : memref<2x32x125x80xi32, #tpu.memory_space<hbm>> -> memref<1x1x25x80xi32, #tpu.memory_space<hbm>>
    %dma_start3A_711 = tpu.memref_squeeze %dma_start3A_710 : memref<1x1x25x80xi32, #tpu.memory_space<hbm>> -> memref<25x80xi32, #tpu.memory_space<hbm>>
    %dma_start3A_712 = arith.constant 100 : i32
    %dma_start3A_713 = arith.constant 0 : i32
    %dma_start3A_714 = tpu.memref_slice %arg3[%dma_start3A_707, %add3A, %dma_start3A_712, %dma_start3A_713] : memref<2x32x125x80xi32, #tpu.memory_space<hbm>> -> memref<1x1x25x80xi32, #tpu.memory_space<hbm>>
    %dma_start3A_715 = tpu.memref_squeeze %dma_start3A_714 : memref<1x1x25x80xi32, #tpu.memory_space<hbm>> -> memref<25x80xi32, #tpu.memory_space<hbm>>
    tpu.enqueue_dma source(%dma_start3A_715 : memref<25x80xi32, #tpu.memory_space<hbm>>) target(%arg7 : memref<25x80xi32, #tpu.memory_space<vmem>>) target_semaphore(%arg18 : memref<!tpu.dma_semaphore, #tpu.memory_space<semaphore_mem>>)
    %dma_start3A_716 = arith.constant 0 : i32
    %dma_start3A_717 = arith.constant 0 : i32
    %dma_start3A_718 = tpu.memref_slice %arg8[%dma_start3A_716, %dma_start3A_717] : memref<25x80xi32, #tpu.memory_space<vmem>> -> memref<1x80xi32, #tpu.memory_space<vmem>>
    %dma_start3A_719 = tpu.memref_squeeze %dma_start3A_718 : memref<1x80xi32, #tpu.memory_space<vmem>> -> memref<80xi32, #tpu.memory_space<vmem>>
    %dma_start3A_720 = arith.constant 0 : i32
    %dma_start3A_721 = arith.constant 0 : i32
    %dma_start3A_722 = tpu.memref_slice %arg2[%dma_start3A_720, %dma_start3A_721] : memref<10000x128xf32, #tpu.memory_space<hbm>> -> memref<10000x128xf32, #tpu.memory_space<hbm>>
    tpu.enqueue_indirect_dma source(%dma_start3A_722 : memref<10000x128xf32, #tpu.memory_space<hbm>>) target(%arg10 : memref<80x128xf32, #tpu.memory_space<vmem>>) offsets(%dma_start3A_719 : memref<80xi32, #tpu.memory_space<vmem>>) semaphore(%arg15 : memref<!tpu.dma_semaphore, #tpu.memory_space<semaphore_mem>>)
    %dma_start3A_723 = arith.constant 1 : i32
    %dma_start3A_724 = arith.constant 0 : i32
    %dma_start3A_725 = tpu.memref_slice %arg8[%dma_start3A_723, %dma_start3A_724] : memref<25x80xi32, #tpu.memory_space<vmem>> -> memref<1x80xi32, #tpu.memory_space<vmem>>
    %dma_start3A_726 = tpu.memref_squeeze %dma_start3A_725 : memref<1x80xi32, #tpu.memory_space<vmem>> -> memref<80xi32, #tpu.memory_space<vmem>>
    %dma_start3A_727 = arith.constant 0 : i32
    %dma_start3A_728 = arith.constant 0 : i32
    %dma_start3A_729 = tpu.memref_slice %arg2[%dma_start3A_727, %dma_start3A_728] : memref<10000x128xf32, #tpu.memory_space<hbm>> -> memref<10000x128xf32, #tpu.memory_space<hbm>>
    tpu.enqueue_indirect_dma source(%dma_start3A_729 : memref<10000x128xf32, #tpu.memory_space<hbm>>) target(%arg11 : memref<80x128xf32, #tpu.memory_space<vmem>>) offsets(%dma_start3A_726 : memref<80xi32, #tpu.memory_space<vmem>>) semaphore(%arg16 : memref<!tpu.dma_semaphore, #tpu.memory_space<semaphore_mem>>)
    %dma_start3A_730 = arith.constant 2 : i32
    %dma_start3A_731 = arith.constant 0 : i32
    %dma_start3A_732 = tpu.memref_slice %arg8[%dma_start3A_730, %dma_start3A_731] : memref<25x80xi32, #tpu.memory_space<vmem>> -> memref<1x80xi32, #tpu.memory_space<vmem>>
    %dma_start3A_733 = tpu.memref_squeeze %dma_start3A_732 : memref<1x80xi32, #tpu.memory_space<vmem>> -> memref<80xi32, #tpu.memory_space<vmem>>
    %dma_start3A_734 = arith.constant 0 : i32
    %dma_start3A_735 = arith.constant 0 : i32
    %dma_start3A_736 = tpu.memref_slice %arg2[%dma_start3A_734, %dma_start3A_735] : memref<10000x128xf32, #tpu.memory_space<hbm>> -> memref<10000x128xf32, #tpu.memory_space<hbm>>
    tpu.enqueue_indirect_dma source(%dma_start3A_736 : memref<10000x128xf32, #tpu.memory_space<hbm>>) target(%arg12 : memref<80x128xf32, #tpu.memory_space<vmem>>) offsets(%dma_start3A_733 : memref<80xi32, #tpu.memory_space<vmem>>) semaphore(%arg17 : memref<!tpu.dma_semaphore, #tpu.memory_space<semaphore_mem>>)
    %scan3A_737 = arith.constant 0 : i32
    %scan3A_738 = arith.constant 0 : i32
    %scan3A_739 = arith.constant 7 : i32
    %scan3A_740 = arith.addi %scan3A_738, %scan3A_739 : i32
    %scan3A_741 = arith.constant 1 : i32
    scf.for %scan3A_1203 = %scan3A_738 to %scan3A_740 step %scan3A_741  : i32 {
      %mul3A_1204 = arith.constant 3 : i32
      %mul3A_1205 = arith.muli %mul3A_1204, %scan3A_1203 : i32
      %add3A_1206 = arith.constant 0 : i32
      %add3A_1207 = arith.addi %mul3A_1205, %add3A_1206 : i32
      %dma_wait3A_1208 = arith.constant 0 : i32
      %dma_wait3A_1209 = arith.constant 0 : i32
      %dma_wait3A_1210 = tpu.memref_slice %arg2[%dma_wait3A_1208, %dma_wait3A_1209] : memref<10000x128xf32, #tpu.memory_space<hbm>> -> memref<80x128xf32, #tpu.memory_space<hbm>>
      %dma_wait3A_1211 = arith.constant 0 : i32
      %dma_wait3A_1212 = arith.constant 0 : i32
      %dma_wait3A_1213 = tpu.memref_slice %arg2[%dma_wait3A_1211, %dma_wait3A_1212] : memref<10000x128xf32, #tpu.memory_space<hbm>> -> memref<80x128xf32, #tpu.memory_space<hbm>>
      tpu.wait_dma2 semaphore(%arg15 : memref<!tpu.dma_semaphore, #tpu.memory_space<semaphore_mem>>) src(%dma_wait3A_1213 : memref<80x128xf32, #tpu.memory_space<hbm>>) dst(%arg10 : memref<80x128xf32, #tpu.memory_space<vmem>>)
      %get3A_1214 = arith.index_cast %add3A_1207 : i32 to index
      %get3A_1215 = arith.constant 0 : index
      %get3A_1216 = tpu.vector_load %arg9[%get3A_1214, %get3A_1215] {strides = array<i32>} : memref<25x80xi32, #tpu.memory_space<vmem>>, vector<16xi32>,
      tpu.vector_store_idx %arg13[%get3A_1216], %broadcast_in_dim3A_165 {add = true} : memref<10256xf32, #tpu.memory_space<vmem>>[vector<16xi32>], vector<16xf32>,
      %get3A_1217 = arith.index_cast %add3A_1207 : i32 to index
      %get3A_1218 = arith.constant 16 : index
      %get3A_1219 = tpu.vector_load %arg9[%get3A_1217, %get3A_1218] {strides = array<i32>} : memref<25x80xi32, #tpu.memory_space<vmem>>, vector<16xi32>,
      tpu.vector_store_idx %arg13[%get3A_1219], %broadcast_in_dim3A_165 {add = true} : memref<10256xf32, #tpu.memory_space<vmem>>[vector<16xi32>], vector<16xf32>,
      %get3A_1220 = arith.index_cast %add3A_1207 : i32 to index
      %get3A_1221 = arith.constant 32 : index
      %get3A_1222 = tpu.vector_load %arg9[%get3A_1220, %get3A_1221] {strides = array<i32>} : memref<25x80xi32, #tpu.memory_space<vmem>>, vector<16xi32>,
      tpu.vector_store_idx %arg13[%get3A_1222], %broadcast_in_dim3A_165 {add = true} : memref<10256xf32, #tpu.memory_space<vmem>>[vector<16xi32>], vector<16xf32>,
      %get3A_1223 = arith.index_cast %add3A_1207 : i32 to index
      %get3A_1224 = arith.constant 48 : index
      %get3A_1225 = tpu.vector_load %arg9[%get3A_1223, %get3A_1224] {strides = array<i32>} : memref<25x80xi32, #tpu.memory_space<vmem>>, vector<16xi32>,
      tpu.vector_store_idx %arg13[%get3A_1225], %broadcast_in_dim3A_165 {add = true} : memref<10256xf32, #tpu.memory_space<vmem>>[vector<16xi32>], vector<16xf32>,
      %get3A_1226 = arith.index_cast %add3A_1207 : i32 to index
      %get3A_1227 = arith.constant 64 : index
      %get3A_1228 = tpu.vector_load %arg9[%get3A_1226, %get3A_1227] {strides = array<i32>} : memref<25x80xi32, #tpu.memory_space<vmem>>, vector<16xi32>,
      tpu.vector_store_idx %arg13[%get3A_1228], %broadcast_in_dim3A_165 {add = true} : memref<10256xf32, #tpu.memory_space<vmem>>[vector<16xi32>], vector<16xf32>,
      "tpu.region"() ({
        %run_scoped3A_1303 = tpu.sem_alloc : memref<!tpu.dma_semaphore, #tpu.memory_space<semaphore_mem>>
        %dma_start3A_1304 = arith.constant 0 : i32
        %dma_start3A_1305 = tpu.memref_slice %arg9[%add3A_1207, %dma_start3A_1304] : memref<25x80xi32, #tpu.memory_space<vmem>> -> memref<1x80xi32, #tpu.memory_space<vmem>>
        %dma_start3A_1306 = tpu.memref_squeeze %dma_start3A_1305 : memref<1x80xi32, #tpu.memory_space<vmem>> -> memref<80xi32, #tpu.memory_space<vmem>>
        %dma_start3A_1307 = arith.constant 0 : i32
        %dma_start3A_1308 = arith.constant 0 : i32
        %dma_start3A_1309 = tpu.memref_slice %arg14[%dma_start3A_1307, %dma_start3A_1308] : memref<10248x128xf32, #tpu.memory_space<vmem_shared>> -> memref<10248x128xf32, #tpu.memory_space<vmem_shared>>
        tpu.enqueue_indirect_dma source(%arg10 : memref<80x128xf32, #tpu.memory_space<vmem>>) target(%dma_start3A_1309 : memref<10248x128xf32, #tpu.memory_space<vmem_shared>>) offsets(%dma_start3A_1306 : memref<80xi32, #tpu.memory_space<vmem>>) semaphore(%run_scoped3A_1303 : memref<!tpu.dma_semaphore, #tpu.memory_space<semaphore_mem>>) {add = true}
        %dma_wait3A_1310 = arith.constant 0 : i32
        %dma_wait3A_1311 = tpu.memref_slice %arg9[%add3A_1207, %dma_wait3A_1310] : memref<25x80xi32, #tpu.memory_space<vmem>> -> memref<1x80xi32, #tpu.memory_space<vmem>>
        %dma_wait3A_1312 = tpu.memref_squeeze %dma_wait3A_1311 : memref<1x80xi32, #tpu.memory_space<vmem>> -> memref<80xi32, #tpu.memory_space<vmem>>
        %dma_wait3A_1313 = arith.constant 0 : i32
        %dma_wait3A_1314 = arith.constant 0 : i32
        %dma_wait3A_1315 = tpu.memref_slice %arg14[%dma_wait3A_1313, %dma_wait3A_1314] : memref<10248x128xf32, #tpu.memory_space<vmem_shared>> -> memref<10248x128xf32, #tpu.memory_space<vmem_shared>>
        tpu.wait_indirect_dma semaphore(%run_scoped3A_1303 : memref<!tpu.dma_semaphore, #tpu.memory_space<semaphore_mem>>) src(%arg10 : memref<80x128xf32, #tpu.memory_space<vmem>>) dst(%dma_wait3A_1315 : memref<10248x128xf32, #tpu.memory_space<vmem_shared>>)
        tpu.yield
      }) : () -> ()
      %add3A_1229 = arith.constant 3 : i32
      %add3A_1230 = arith.addi %add3A_1207, %add3A_1229 : i32
      %dma_start3A_1231 = arith.constant 0 : i32
      %dma_start3A_1232 = tpu.memref_slice %arg8[%add3A_1230, %dma_start3A_1231] : memref<25x80xi32, #tpu.memory_space<vmem>> -> memref<1x80xi32, #tpu.memory_space<vmem>>
      %dma_start3A_1233 = tpu.memref_squeeze %dma_start3A_1232 : memref<1x80xi32, #tpu.memory_space<vmem>> -> memref<80xi32, #tpu.memory_space<vmem>>
      %dma_start3A_1234 = arith.constant 0 : i32
      %dma_start3A_1235 = arith.constant 0 : i32
      %dma_start3A_1236 = tpu.memref_slice %arg2[%dma_start3A_1234, %dma_start3A_1235] : memref<10000x128xf32, #tpu.memory_space<hbm>> -> memref<10000x128xf32, #tpu.memory_space<hbm>>
      tpu.enqueue_indirect_dma source(%dma_start3A_1236 : memref<10000x128xf32, #tpu.memory_space<hbm>>) target(%arg10 : memref<80x128xf32, #tpu.memory_space<vmem>>) offsets(%dma_start3A_1233 : memref<80xi32, #tpu.memory_space<vmem>>) semaphore(%arg15 : memref<!tpu.dma_semaphore, #tpu.memory_space<semaphore_mem>>)
      %mul3A_1237 = arith.constant 3 : i32
      %mul3A_1238 = arith.muli %mul3A_1237, %scan3A_1203 : i32
      %add3A_1239 = arith.constant 1 : i32
      %add3A_1240 = arith.addi %mul3A_1238, %add3A_1239 : i32
      %dma_wait3A_1241 = arith.constant 0 : i32
      %dma_wait3A_1242 = arith.constant 0 : i32
      %dma_wait3A_1243 = tpu.memref_slice %arg2[%dma_wait3A_1241, %dma_wait3A_1242] : memref<10000x128xf32, #tpu.memory_space<hbm>> -> memref<80x128xf32, #tpu.memory_space<hbm>>
      %dma_wait3A_1244 = arith.constant 0 : i32
      %dma_wait3A_1245 = arith.constant 0 : i32
      %dma_wait3A_1246 = tpu.memref_slice %arg2[%dma_wait3A_1244, %dma_wait3A_1245] : memref<10000x128xf32, #tpu.memory_space<hbm>> -> memref<80x128xf32, #tpu.memory_space<hbm>>
      tpu.wait_dma2 semaphore(%arg16 : memref<!tpu.dma_semaphore, #tpu.memory_space<semaphore_mem>>) src(%dma_wait3A_1246 : memref<80x128xf32, #tpu.memory_space<hbm>>) dst(%arg10 : memref<80x128xf32, #tpu.memory_space<vmem>>)
      %get3A_1247 = arith.index_cast %add3A_1240 : i32 to index
      %get3A_1248 = arith.constant 0 : index
      %get3A_1249 = tpu.vector_load %arg9[%get3A_1247, %get3A_1248] {strides = array<i32>} : memref<25x80xi32, #tpu.memory_space<vmem>>, vector<16xi32>,
      tpu.vector_store_idx %arg13[%get3A_1249], %broadcast_in_dim3A_165 {add = true} : memref<10256xf32, #tpu.memory_space<vmem>>[vector<16xi32>], vector<16xf32>,
      %get3A_1250 = arith.index_cast %add3A_1240 : i32 to index
      %get3A_1251 = arith.constant 16 : index
      %get3A_1252 = tpu.vector_load %arg9[%get3A_1250, %get3A_1251] {strides = array<i32>} : memref<25x80xi32, #tpu.memory_space<vmem>>, vector<16xi32>,
      tpu.vector_store_idx %arg13[%get3A_1252], %broadcast_in_dim3A_165 {add = true} : memref<10256xf32, #tpu.memory_space<vmem>>[vector<16xi32>], vector<16xf32>,
      %get3A_1253 = arith.index_cast %add3A_1240 : i32 to index
      %get3A_1254 = arith.constant 32 : index
      %get3A_1255 = tpu.vector_load %arg9[%get3A_1253, %get3A_1254] {strides = array<i32>} : memref<25x80xi32, #tpu.memory_space<vmem>>, vector<16xi32>,
      tpu.vector_store_idx %arg13[%get3A_1255], %broadcast_in_dim3A_165 {add = true} : memref<10256xf32, #tpu.memory_space<vmem>>[vector<16xi32>], vector<16xf32>,
      %get3A_1256 = arith.index_cast %add3A_1240 : i32 to index
      %get3A_1257 = arith.constant 48 : index
      %get3A_1258 = tpu.vector_load %arg9[%get3A_1256, %get3A_1257] {strides = array<i32>} : memref<25x80xi32, #tpu.memory_space<vmem>>, vector<16xi32>,
      tpu.vector_store_idx %arg13[%get3A_1258], %broadcast_in_dim3A_165 {add = true} : memref<10256xf32, #tpu.memory_space<vmem>>[vector<16xi32>], vector<16xf32>,
      %get3A_1259 = arith.index_cast %add3A_1240 : i32 to index
      %get3A_1260 = arith.constant 64 : index
      %get3A_1261 = tpu.vector_load %arg9[%get3A_1259, %get3A_1260] {strides = array<i32>} : memref<25x80xi32, #tpu.memory_space<vmem>>, vector<16xi32>,
      tpu.vector_store_idx %arg13[%get3A_1261], %broadcast_in_dim3A_165 {add = true} : memref<10256xf32, #tpu.memory_space<vmem>>[vector<16xi32>], vector<16xf32>,
      "tpu.region"() ({
        %run_scoped3A_1303 = tpu.sem_alloc : memref<!tpu.dma_semaphore, #tpu.memory_space<semaphore_mem>>
        %dma_start3A_1304 = arith.constant 0 : i32
        %dma_start3A_1305 = tpu.memref_slice %arg9[%add3A_1240, %dma_start3A_1304] : memref<25x80xi32, #tpu.memory_space<vmem>> -> memref<1x80xi32, #tpu.memory_space<vmem>>
        %dma_start3A_1306 = tpu.memref_squeeze %dma_start3A_1305 : memref<1x80xi32, #tpu.memory_space<vmem>> -> memref<80xi32, #tpu.memory_space<vmem>>
        %dma_start3A_1307 = arith.constant 0 : i32
        %dma_start3A_1308 = arith.constant 0 : i32
        %dma_start3A_1309 = tpu.memref_slice %arg14[%dma_start3A_1307, %dma_start3A_1308] : memref<10248x128xf32, #tpu.memory_space<vmem_shared>> -> memref<10248x128xf32, #tpu.memory_space<vmem_shared>>
        tpu.enqueue_indirect_dma source(%arg11 : memref<80x128xf32, #tpu.memory_space<vmem>>) target(%dma_start3A_1309 : memref<10248x128xf32, #tpu.memory_space<vmem_shared>>) offsets(%dma_start3A_1306 : memref<80xi32, #tpu.memory_space<vmem>>) semaphore(%run_scoped3A_1303 : memref<!tpu.dma_semaphore, #tpu.memory_space<semaphore_mem>>) {add = true}
        %dma_wait3A_1310 = arith.constant 0 : i32
        %dma_wait3A_1311 = tpu.memref_slice %arg9[%add3A_1240, %dma_wait3A_1310] : memref<25x80xi32, #tpu.memory_space<vmem>> -> memref<1x80xi32, #tpu.memory_space<vmem>>
        %dma_wait3A_1312 = tpu.memref_squeeze %dma_wait3A_1311 : memref<1x80xi32, #tpu.memory_space<vmem>> -> memref<80xi32, #tpu.memory_space<vmem>>
        %dma_wait3A_1313 = arith.constant 0 : i32
        %dma_wait3A_1314 = arith.constant 0 : i32
        %dma_wait3A_1315 = tpu.memref_slice %arg14[%dma_wait3A_1313, %dma_wait3A_1314] : memref<10248x128xf32, #tpu.memory_space<vmem_shared>> -> memref<10248x128xf32, #tpu.memory_space<vmem_shared>>
        tpu.wait_indirect_dma semaphore(%run_scoped3A_1303 : memref<!tpu.dma_semaphore, #tpu.memory_space<semaphore_mem>>) src(%arg11 : memref<80x128xf32, #tpu.memory_space<vmem>>) dst(%dma_wait3A_1315 : memref<10248x128xf32, #tpu.memory_space<vmem_shared>>)
        tpu.yield
      }) : () -> ()
      %add3A_1262 = arith.constant 3 : i32
      %add3A_1263 = arith.addi %add3A_1240, %add3A_1262 : i32
      %dma_start3A_1264 = arith.constant 0 : i32
      %dma_start3A_1265 = tpu.memref_slice %arg8[%add3A_1263, %dma_start3A_1264] : memref<25x80xi32, #tpu.memory_space<vmem>> -> memref<1x80xi32, #tpu.memory_space<vmem>>
      %dma_start3A_1266 = tpu.memref_squeeze %dma_start3A_1265 : memref<1x80xi32, #tpu.memory_space<vmem>> -> memref<80xi32, #tpu.memory_space<vmem>>
      %dma_start3A_1267 = arith.constant 0 : i32
      %dma_start3A_1268 = arith.constant 0 : i32
      %dma_start3A_1269 = tpu.memref_slice %arg2[%dma_start3A_1267, %dma_start3A_1268] : memref<10000x128xf32, #tpu.memory_space<hbm>> -> memref<10000x128xf32, #tpu.memory_space<hbm>>
      tpu.enqueue_indirect_dma source(%dma_start3A_1269 : memref<10000x128xf32, #tpu.memory_space<hbm>>) target(%arg11 : memref<80x128xf32, #tpu.memory_space<vmem>>) offsets(%dma_start3A_1266 : memref<80xi32, #tpu.memory_space<vmem>>) semaphore(%arg16 : memref<!tpu.dma_semaphore, #tpu.memory_space<semaphore_mem>>)
      %mul3A_1270 = arith.constant 3 : i32
      %mul3A_1271 = arith.muli %mul3A_1270, %scan3A_1203 : i32
      %add3A_1272 = arith.constant 2 : i32
      %add3A_1273 = arith.addi %mul3A_1271, %add3A_1272 : i32
      %dma_wait3A_1274 = arith.constant 0 : i32
      %dma_wait3A_1275 = arith.constant 0 : i32
      %dma_wait3A_1276 = tpu.memref_slice %arg2[%dma_wait3A_1274, %dma_wait3A_1275] : memref<10000x128xf32, #tpu.memory_space<hbm>> -> memref<80x128xf32, #tpu.memory_space<hbm>>
      %dma_wait3A_1277 = arith.constant 0 : i32
      %dma_wait3A_1278 = arith.constant 0 : i32
      %dma_wait3A_1279 = tpu.memref_slice %arg2[%dma_wait3A_1277, %dma_wait3A_1278] : memref<10000x128xf32, #tpu.memory_space<hbm>> -> memref<80x128xf32, #tpu.memory_space<hbm>>
      tpu.wait_dma2 semaphore(%arg17 : memref<!tpu.dma_semaphore, #tpu.memory_space<semaphore_mem>>) src(%dma_wait3A_1279 : memref<80x128xf32, #tpu.memory_space<hbm>>) dst(%arg10 : memref<80x128xf32, #tpu.memory_space<vmem>>)
      %get3A_1280 = arith.index_cast %add3A_1273 : i32 to index
      %get3A_1281 = arith.constant 0 : index
      %get3A_1282 = tpu.vector_load %arg9[%get3A_1280, %get3A_1281] {strides = array<i32>} : memref<25x80xi32, #tpu.memory_space<vmem>>, vector<16xi32>,
      tpu.vector_store_idx %arg13[%get3A_1282], %broadcast_in_dim3A_165 {add = true} : memref<10256xf32, #tpu.memory_space<vmem>>[vector<16xi32>], vector<16xf32>,
      %get3A_1283 = arith.index_cast %add3A_1273 : i32 to index
      %get3A_1284 = arith.constant 16 : index
      %get3A_1285 = tpu.vector_load %arg9[%get3A_1283, %get3A_1284] {strides = array<i32>} : memref<25x80xi32, #tpu.memory_space<vmem>>, vector<16xi32>,
      tpu.vector_store_idx %arg13[%get3A_1285], %broadcast_in_dim3A_165 {add = true} : memref<10256xf32, #tpu.memory_space<vmem>>[vector<16xi32>], vector<16xf32>,
      %get3A_1286 = arith.index_cast %add3A_1273 : i32 to index
      %get3A_1287 = arith.constant 32 : index
      %get3A_1288 = tpu.vector_load %arg9[%get3A_1286, %get3A_1287] {strides = array<i32>} : memref<25x80xi32, #tpu.memory_space<vmem>>, vector<16xi32>,
      tpu.vector_store_idx %arg13[%get3A_1288], %broadcast_in_dim3A_165 {add = true} : memref<10256xf32, #tpu.memory_space<vmem>>[vector<16xi32>], vector<16xf32>,
      %get3A_1289 = arith.index_cast %add3A_1273 : i32 to index
      %get3A_1290 = arith.constant 48 : index
      %get3A_1291 = tpu.vector_load %arg9[%get3A_1289, %get3A_1290] {strides = array<i32>} : memref<25x80xi32, #tpu.memory_space<vmem>>, vector<16xi32>,
      tpu.vector_store_idx %arg13[%get3A_1291], %broadcast_in_dim3A_165 {add = true} : memref<10256xf32, #tpu.memory_space<vmem>>[vector<16xi32>], vector<16xf32>,
      %get3A_1292 = arith.index_cast %add3A_1273 : i32 to index
      %get3A_1293 = arith.constant 64 : index
      %get3A_1294 = tpu.vector_load %arg9[%get3A_1292, %get3A_1293] {strides = array<i32>} : memref<25x80xi32, #tpu.memory_space<vmem>>, vector<16xi32>,
      tpu.vector_store_idx %arg13[%get3A_1294], %broadcast_in_dim3A_165 {add = true} : memref<10256xf32, #tpu.memory_space<vmem>>[vector<16xi32>], vector<16xf32>,
      "tpu.region"() ({
        %run_scoped3A_1303 = tpu.sem_alloc : memref<!tpu.dma_semaphore, #tpu.memory_space<semaphore_mem>>
        %dma_start3A_1304 = arith.constant 0 : i32
        %dma_start3A_1305 = tpu.memref_slice %arg9[%add3A_1273, %dma_start3A_1304] : memref<25x80xi32, #tpu.memory_space<vmem>> -> memref<1x80xi32, #tpu.memory_space<vmem>>
        %dma_start3A_1306 = tpu.memref_squeeze %dma_start3A_1305 : memref<1x80xi32, #tpu.memory_space<vmem>> -> memref<80xi32, #tpu.memory_space<vmem>>
        %dma_start3A_1307 = arith.constant 0 : i32
        %dma_start3A_1308 = arith.constant 0 : i32
        %dma_start3A_1309 = tpu.memref_slice %arg14[%dma_start3A_1307, %dma_start3A_1308] : memref<10248x128xf32, #tpu.memory_space<vmem_shared>> -> memref<10248x128xf32, #tpu.memory_space<vmem_shared>>
        tpu.enqueue_indirect_dma source(%arg12 : memref<80x128xf32, #tpu.memory_space<vmem>>) target(%dma_start3A_1309 : memref<10248x128xf32, #tpu.memory_space<vmem_shared>>) offsets(%dma_start3A_1306 : memref<80xi32, #tpu.memory_space<vmem>>) semaphore(%run_scoped3A_1303 : memref<!tpu.dma_semaphore, #tpu.memory_space<semaphore_mem>>) {add = true}
        %dma_wait3A_1310 = arith.constant 0 : i32
        %dma_wait3A_1311 = tpu.memref_slice %arg9[%add3A_1273, %dma_wait3A_1310] : memref<25x80xi32, #tpu.memory_space<vmem>> -> memref<1x80xi32, #tpu.memory_space<vmem>>
        %dma_wait3A_1312 = tpu.memref_squeeze %dma_wait3A_1311 : memref<1x80xi32, #tpu.memory_space<vmem>> -> memref<80xi32, #tpu.memory_space<vmem>>
        %dma_wait3A_1313 = arith.constant 0 : i32
        %dma_wait3A_1314 = arith.constant 0 : i32
        %dma_wait3A_1315 = tpu.memref_slice %arg14[%dma_wait3A_1313, %dma_wait3A_1314] : memref<10248x128xf32, #tpu.memory_space<vmem_shared>> -> memref<10248x128xf32, #tpu.memory_space<vmem_shared>>
        tpu.wait_indirect_dma semaphore(%run_scoped3A_1303 : memref<!tpu.dma_semaphore, #tpu.memory_space<semaphore_mem>>) src(%arg12 : memref<80x128xf32, #tpu.memory_space<vmem>>) dst(%dma_wait3A_1315 : memref<10248x128xf32, #tpu.memory_space<vmem_shared>>)
        tpu.yield
      }) : () -> ()
      %add3A_1295 = arith.constant 3 : i32
      %add3A_1296 = arith.addi %add3A_1273, %add3A_1295 : i32
      %dma_start3A_1297 = arith.constant 0 : i32
      %dma_start3A_1298 = tpu.memref_slice %arg8[%add3A_1296, %dma_start3A_1297] : memref<25x80xi32, #tpu.memory_space<vmem>> -> memref<1x80xi32, #tpu.memory_space<vmem>>
      %dma_start3A_1299 = tpu.memref_squeeze %dma_start3A_1298 : memref<1x80xi32, #tpu.memory_space<vmem>> -> memref<80xi32, #tpu.memory_space<vmem>>
      %dma_start3A_1300 = arith.constant 0 : i32
      %dma_start3A_1301 = arith.constant 0 : i32
      %dma_start3A_1302 = tpu.memref_slice %arg2[%dma_start3A_1300, %dma_start3A_1301] : memref<10000x128xf32, #tpu.memory_space<hbm>> -> memref<10000x128xf32, #tpu.memory_space<hbm>>
      tpu.enqueue_indirect_dma source(%dma_start3A_1302 : memref<10000x128xf32, #tpu.memory_space<hbm>>) target(%arg12 : memref<80x128xf32, #tpu.memory_space<vmem>>) offsets(%dma_start3A_1299 : memref<80xi32, #tpu.memory_space<vmem>>) semaphore(%arg17 : memref<!tpu.dma_semaphore, #tpu.memory_space<semaphore_mem>>)
    }
    %scan3A_742 = arith.constant 7 : i32
    %dma_wait3A_743 = arith.constant 0 : i32
    %dma_wait3A_744 = arith.constant 0 : i32
    %dma_wait3A_745 = tpu.memref_slice %arg2[%dma_wait3A_743, %dma_wait3A_744] : memref<10000x128xf32, #tpu.memory_space<hbm>> -> memref<80x128xf32, #tpu.memory_space<hbm>>
    %dma_wait3A_746 = arith.constant 0 : i32
    %dma_wait3A_747 = arith.constant 0 : i32
    %dma_wait3A_748 = tpu.memref_slice %arg2[%dma_wait3A_746, %dma_wait3A_747] : memref<10000x128xf32, #tpu.memory_space<hbm>> -> memref<80x128xf32, #tpu.memory_space<hbm>>
    tpu.wait_dma2 semaphore(%arg15 : memref<!tpu.dma_semaphore, #tpu.memory_space<semaphore_mem>>) src(%dma_wait3A_748 : memref<80x128xf32, #tpu.memory_space<hbm>>) dst(%arg10 : memref<80x128xf32, #tpu.memory_space<vmem>>)
    %get3A_749 = arith.constant 21 : i32
    %get3A_750 = arith.index_cast %get3A_749 : i32 to index
    %get3A_751 = arith.constant 0 : index
    %get3A_752 = tpu.vector_load %arg9[%get3A_750, %get3A_751] {strides = array<i32>} : memref<25x80xi32, #tpu.memory_space<vmem>>, vector<16xi32>,
    tpu.vector_store_idx %arg13[%get3A_752], %broadcast_in_dim3A_165 {add = true} : memref<10256xf32, #tpu.memory_space<vmem>>[vector<16xi32>], vector<16xf32>,
    %get3A_753 = arith.constant 21 : i32
    %get3A_754 = arith.index_cast %get3A_753 : i32 to index
    %get3A_755 = arith.constant 16 : index
    %get3A_756 = tpu.vector_load %arg9[%get3A_754, %get3A_755] {strides = array<i32>} : memref<25x80xi32, #tpu.memory_space<vmem>>, vector<16xi32>,
    tpu.vector_store_idx %arg13[%get3A_756], %broadcast_in_dim3A_165 {add = true} : memref<10256xf32, #tpu.memory_space<vmem>>[vector<16xi32>], vector<16xf32>,
    %get3A_757 = arith.constant 21 : i32
    %get3A_758 = arith.index_cast %get3A_757 : i32 to index
    %get3A_759 = arith.constant 32 : index
    %get3A_760 = tpu.vector_load %arg9[%get3A_758, %get3A_759] {strides = array<i32>} : memref<25x80xi32, #tpu.memory_space<vmem>>, vector<16xi32>,
    tpu.vector_store_idx %arg13[%get3A_760], %broadcast_in_dim3A_165 {add = true} : memref<10256xf32, #tpu.memory_space<vmem>>[vector<16xi32>], vector<16xf32>,
    %get3A_761 = arith.constant 21 : i32
    %get3A_762 = arith.index_cast %get3A_761 : i32 to index
    %get3A_763 = arith.constant 48 : index
    %get3A_764 = tpu.vector_load %arg9[%get3A_762, %get3A_763] {strides = array<i32>} : memref<25x80xi32, #tpu.memory_space<vmem>>, vector<16xi32>,
    tpu.vector_store_idx %arg13[%get3A_764], %broadcast_in_dim3A_165 {add = true} : memref<10256xf32, #tpu.memory_space<vmem>>[vector<16xi32>], vector<16xf32>,
    %get3A_765 = arith.constant 21 : i32
    %get3A_766 = arith.index_cast %get3A_765 : i32 to index
    %get3A_767 = arith.constant 64 : index
    %get3A_768 = tpu.vector_load %arg9[%get3A_766, %get3A_767] {strides = array<i32>} : memref<25x80xi32, #tpu.memory_space<vmem>>, vector<16xi32>,
    tpu.vector_store_idx %arg13[%get3A_768], %broadcast_in_dim3A_165 {add = true} : memref<10256xf32, #tpu.memory_space<vmem>>[vector<16xi32>], vector<16xf32>,
    %run_scoped3A_769 = arith.constant 21 : i32
    "tpu.region"() ({
      %run_scoped3A_1203 = tpu.sem_alloc : memref<!tpu.dma_semaphore, #tpu.memory_space<semaphore_mem>>
      %dma_start3A_1204 = arith.constant 0 : i32
      %dma_start3A_1205 = tpu.memref_slice %arg9[%run_scoped3A_769, %dma_start3A_1204] : memref<25x80xi32, #tpu.memory_space<vmem>> -> memref<1x80xi32, #tpu.memory_space<vmem>>
      %dma_start3A_1206 = tpu.memref_squeeze %dma_start3A_1205 : memref<1x80xi32, #tpu.memory_space<vmem>> -> memref<80xi32, #tpu.memory_space<vmem>>
      %dma_start3A_1207 = arith.constant 0 : i32
      %dma_start3A_1208 = arith.constant 0 : i32
      %dma_start3A_1209 = tpu.memref_slice %arg14[%dma_start3A_1207, %dma_start3A_1208] : memref<10248x128xf32, #tpu.memory_space<vmem_shared>> -> memref<10248x128xf32, #tpu.memory_space<vmem_shared>>
      tpu.enqueue_indirect_dma source(%arg10 : memref<80x128xf32, #tpu.memory_space<vmem>>) target(%dma_start3A_1209 : memref<10248x128xf32, #tpu.memory_space<vmem_shared>>) offsets(%dma_start3A_1206 : memref<80xi32, #tpu.memory_space<vmem>>) semaphore(%run_scoped3A_1203 : memref<!tpu.dma_semaphore, #tpu.memory_space<semaphore_mem>>) {add = true}
      %dma_wait3A_1210 = arith.constant 0 : i32
      %dma_wait3A_1211 = tpu.memref_slice %arg9[%run_scoped3A_769, %dma_wait3A_1210] : memref<25x80xi32, #tpu.memory_space<vmem>> -> memref<1x80xi32, #tpu.memory_space<vmem>>
      %dma_wait3A_1212 = tpu.memref_squeeze %dma_wait3A_1211 : memref<1x80xi32, #tpu.memory_space<vmem>> -> memref<80xi32, #tpu.memory_space<vmem>>
      %dma_wait3A_1213 = arith.constant 0 : i32
      %dma_wait3A_1214 = arith.constant 0 : i32
      %dma_wait3A_1215 = tpu.memref_slice %arg14[%dma_wait3A_1213, %dma_wait3A_1214] : memref<10248x128xf32, #tpu.memory_space<vmem_shared>> -> memref<10248x128xf32, #tpu.memory_space<vmem_shared>>
      tpu.wait_indirect_dma semaphore(%run_scoped3A_1203 : memref<!tpu.dma_semaphore, #tpu.memory_space<semaphore_mem>>) src(%arg10 : memref<80x128xf32, #tpu.memory_space<vmem>>) dst(%dma_wait3A_1215 : memref<10248x128xf32, #tpu.memory_space<vmem_shared>>)
      tpu.yield
    }) : () -> ()
    %dma_start3A_770 = arith.constant 24 : i32
    %dma_start3A_771 = arith.constant 0 : i32
    %dma_start3A_772 = tpu.memref_slice %arg8[%dma_start3A_770, %dma_start3A_771] : memref<25x80xi32, #tpu.memory_space<vmem>> -> memref<1x80xi32, #tpu.memory_space<vmem>>
    %dma_start3A_773 = tpu.memref_squeeze %dma_start3A_772 : memref<1x80xi32, #tpu.memory_space<vmem>> -> memref<80xi32, #tpu.memory_space<vmem>>
    %dma_start3A_774 = arith.constant 0 : i32
    %dma_start3A_775 = arith.constant 0 : i32
    %dma_start3A_776 = tpu.memref_slice %arg2[%dma_start3A_774, %dma_start3A_775] : memref<10000x128xf32, #tpu.memory_space<hbm>> -> memref<10000x128xf32, #tpu.memory_space<hbm>>
    tpu.enqueue_indirect_dma source(%dma_start3A_776 : memref<10000x128xf32, #tpu.memory_space<hbm>>) target(%arg10 : memref<80x128xf32, #tpu.memory_space<vmem>>) offsets(%dma_start3A_773 : memref<80xi32, #tpu.memory_space<vmem>>) semaphore(%arg15 : memref<!tpu.dma_semaphore, #tpu.memory_space<semaphore_mem>>)
    %dma_wait3A_777 = arith.constant 0 : i32
    %dma_wait3A_778 = arith.constant 0 : i32
    %dma_wait3A_779 = tpu.memref_slice %arg2[%dma_wait3A_777, %dma_wait3A_778] : memref<10000x128xf32, #tpu.memory_space<hbm>> -> memref<80x128xf32, #tpu.memory_space<hbm>>
    %dma_wait3A_780 = arith.constant 0 : i32
    %dma_wait3A_781 = arith.constant 0 : i32
    %dma_wait3A_782 = tpu.memref_slice %arg2[%dma_wait3A_780, %dma_wait3A_781] : memref<10000x128xf32, #tpu.memory_space<hbm>> -> memref<80x128xf32, #tpu.memory_space<hbm>>
    tpu.wait_dma2 semaphore(%arg16 : memref<!tpu.dma_semaphore, #tpu.memory_space<semaphore_mem>>) src(%dma_wait3A_782 : memref<80x128xf32, #tpu.memory_space<hbm>>) dst(%arg10 : memref<80x128xf32, #tpu.memory_space<vmem>>)
    %get3A_783 = arith.constant 22 : i32
    %get3A_784 = arith.index_cast %get3A_783 : i32 to index
    %get3A_785 = arith.constant 0 : index
    %get3A_786 = tpu.vector_load %arg9[%get3A_784, %get3A_785] {strides = array<i32>} : memref<25x80xi32, #tpu.memory_space<vmem>>, vector<16xi32>,
    tpu.vector_store_idx %arg13[%get3A_786], %broadcast_in_dim3A_165 {add = true} : memref<10256xf32, #tpu.memory_space<vmem>>[vector<16xi32>], vector<16xf32>,
    %get3A_787 = arith.constant 22 : i32
    %get3A_788 = arith.index_cast %get3A_787 : i32 to index
    %get3A_789 = arith.constant 16 : index
    %get3A_790 = tpu.vector_load %arg9[%get3A_788, %get3A_789] {strides = array<i32>} : memref<25x80xi32, #tpu.memory_space<vmem>>, vector<16xi32>,
    tpu.vector_store_idx %arg13[%get3A_790], %broadcast_in_dim3A_165 {add = true} : memref<10256xf32, #tpu.memory_space<vmem>>[vector<16xi32>], vector<16xf32>,
    %get3A_791 = arith.constant 22 : i32
    %get3A_792 = arith.index_cast %get3A_791 : i32 to index
    %get3A_793 = arith.constant 32 : index
    %get3A_794 = tpu.vector_load %arg9[%get3A_792, %get3A_793] {strides = array<i32>} : memref<25x80xi32, #tpu.memory_space<vmem>>, vector<16xi32>,
    tpu.vector_store_idx %arg13[%get3A_794], %broadcast_in_dim3A_165 {add = true} : memref<10256xf32, #tpu.memory_space<vmem>>[vector<16xi32>], vector<16xf32>,
    %get3A_795 = arith.constant 22 : i32
    %get3A_796 = arith.index_cast %get3A_795 : i32 to index
    %get3A_797 = arith.constant 48 : index
    %get3A_798 = tpu.vector_load %arg9[%get3A_796, %get3A_797] {strides = array<i32>} : memref<25x80xi32, #tpu.memory_space<vmem>>, vector<16xi32>,
    tpu.vector_store_idx %arg13[%get3A_798], %broadcast_in_dim3A_165 {add = true} : memref<10256xf32, #tpu.memory_space<vmem>>[vector<16xi32>], vector<16xf32>,
    %get3A_799 = arith.constant 22 : i32
    %get3A_800 = arith.index_cast %get3A_799 : i32 to index
    %get3A_801 = arith.constant 64 : index
    %get3A_802 = tpu.vector_load %arg9[%get3A_800, %get3A_801] {strides = array<i32>} : memref<25x80xi32, #tpu.memory_space<vmem>>, vector<16xi32>,
    tpu.vector_store_idx %arg13[%get3A_802], %broadcast_in_dim3A_165 {add = true} : memref<10256xf32, #tpu.memory_space<vmem>>[vector<16xi32>], vector<16xf32>,
    %run_scoped3A_803 = arith.constant 22 : i32
    "tpu.region"() ({
      %run_scoped3A_1203 = tpu.sem_alloc : memref<!tpu.dma_semaphore, #tpu.memory_space<semaphore_mem>>
      %dma_start3A_1204 = arith.constant 0 : i32
      %dma_start3A_1205 = tpu.memref_slice %arg9[%run_scoped3A_803, %dma_start3A_1204] : memref<25x80xi32, #tpu.memory_space<vmem>> -> memref<1x80xi32, #tpu.memory_space<vmem>>
      %dma_start3A_1206 = tpu.memref_squeeze %dma_start3A_1205 : memref<1x80xi32, #tpu.memory_space<vmem>> -> memref<80xi32, #tpu.memory_space<vmem>>
      %dma_start3A_1207 = arith.constant 0 : i32
      %dma_start3A_1208 = arith.constant 0 : i32
      %dma_start3A_1209 = tpu.memref_slice %arg14[%dma_start3A_1207, %dma_start3A_1208] : memref<10248x128xf32, #tpu.memory_space<vmem_shared>> -> memref<10248x128xf32, #tpu.memory_space<vmem_shared>>
      tpu.enqueue_indirect_dma source(%arg11 : memref<80x128xf32, #tpu.memory_space<vmem>>) target(%dma_start3A_1209 : memref<10248x128xf32, #tpu.memory_space<vmem_shared>>) offsets(%dma_start3A_1206 : memref<80xi32, #tpu.memory_space<vmem>>) semaphore(%run_scoped3A_1203 : memref<!tpu.dma_semaphore, #tpu.memory_space<semaphore_mem>>) {add = true}
      %dma_wait3A_1210 = arith.constant 0 : i32
      %dma_wait3A_1211 = tpu.memref_slice %arg9[%run_scoped3A_803, %dma_wait3A_1210] : memref<25x80xi32, #tpu.memory_space<vmem>> -> memref<1x80xi32, #tpu.memory_space<vmem>>
      %dma_wait3A_1212 = tpu.memref_squeeze %dma_wait3A_1211 : memref<1x80xi32, #tpu.memory_space<vmem>> -> memref<80xi32, #tpu.memory_space<vmem>>
      %dma_wait3A_1213 = arith.constant 0 : i32
      %dma_wait3A_1214 = arith.constant 0 : i32
      %dma_wait3A_1215 = tpu.memref_slice %arg14[%dma_wait3A_1213, %dma_wait3A_1214] : memref<10248x128xf32, #tpu.memory_space<vmem_shared>> -> memref<10248x128xf32, #tpu.memory_space<vmem_shared>>
      tpu.wait_indirect_dma semaphore(%run_scoped3A_1203 : memref<!tpu.dma_semaphore, #tpu.memory_space<semaphore_mem>>) src(%arg11 : memref<80x128xf32, #tpu.memory_space<vmem>>) dst(%dma_wait3A_1215 : memref<10248x128xf32, #tpu.memory_space<vmem_shared>>)
      tpu.yield
    }) : () -> ()
    %dma_wait3A_804 = arith.constant 0 : i32
    %dma_wait3A_805 = arith.constant 0 : i32
    %dma_wait3A_806 = tpu.memref_slice %arg2[%dma_wait3A_804, %dma_wait3A_805] : memref<10000x128xf32, #tpu.memory_space<hbm>> -> memref<80x128xf32, #tpu.memory_space<hbm>>
    %dma_wait3A_807 = arith.constant 0 : i32
    %dma_wait3A_808 = arith.constant 0 : i32
    %dma_wait3A_809 = tpu.memref_slice %arg2[%dma_wait3A_807, %dma_wait3A_808] : memref<10000x128xf32, #tpu.memory_space<hbm>> -> memref<80x128xf32, #tpu.memory_space<hbm>>
    tpu.wait_dma2 semaphore(%arg17 : memref<!tpu.dma_semaphore, #tpu.memory_space<semaphore_mem>>) src(%dma_wait3A_809 : memref<80x128xf32, #tpu.memory_space<hbm>>) dst(%arg10 : memref<80x128xf32, #tpu.memory_space<vmem>>)
    %get3A_810 = arith.constant 23 : i32
    %get3A_811 = arith.index_cast %get3A_810 : i32 to index
    %get3A_812 = arith.constant 0 : index
    %get3A_813 = tpu.vector_load %arg9[%get3A_811, %get3A_812] {strides = array<i32>} : memref<25x80xi32, #tpu.memory_space<vmem>>, vector<16xi32>,
    tpu.vector_store_idx %arg13[%get3A_813], %broadcast_in_dim3A_165 {add = true} : memref<10256xf32, #tpu.memory_space<vmem>>[vector<16xi32>], vector<16xf32>,
    %get3A_814 = arith.constant 23 : i32
    %get3A_815 = arith.index_cast %get3A_814 : i32 to index
    %get3A_816 = arith.constant 16 : index
    %get3A_817 = tpu.vector_load %arg9[%get3A_815, %get3A_816] {strides = array<i32>} : memref<25x80xi32, #tpu.memory_space<vmem>>, vector<16xi32>,
    tpu.vector_store_idx %arg13[%get3A_817], %broadcast_in_dim3A_165 {add = true} : memref<10256xf32, #tpu.memory_space<vmem>>[vector<16xi32>], vector<16xf32>,
    %get3A_818 = arith.constant 23 : i32
    %get3A_819 = arith.index_cast %get3A_818 : i32 to index
    %get3A_820 = arith.constant 32 : index
    %get3A_821 = tpu.vector_load %arg9[%get3A_819, %get3A_820] {strides = array<i32>} : memref<25x80xi32, #tpu.memory_space<vmem>>, vector<16xi32>,
    tpu.vector_store_idx %arg13[%get3A_821], %broadcast_in_dim3A_165 {add = true} : memref<10256xf32, #tpu.memory_space<vmem>>[vector<16xi32>], vector<16xf32>,
    %get3A_822 = arith.constant 23 : i32
    %get3A_823 = arith.index_cast %get3A_822 : i32 to index
    %get3A_824 = arith.constant 48 : index
    %get3A_825 = tpu.vector_load %arg9[%get3A_823, %get3A_824] {strides = array<i32>} : memref<25x80xi32, #tpu.memory_space<vmem>>, vector<16xi32>,
    tpu.vector_store_idx %arg13[%get3A_825], %broadcast_in_dim3A_165 {add = true} : memref<10256xf32, #tpu.memory_space<vmem>>[vector<16xi32>], vector<16xf32>,
    %get3A_826 = arith.constant 23 : i32
    %get3A_827 = arith.index_cast %get3A_826 : i32 to index
    %get3A_828 = arith.constant 64 : index
    %get3A_829 = tpu.vector_load %arg9[%get3A_827, %get3A_828] {strides = array<i32>} : memref<25x80xi32, #tpu.memory_space<vmem>>, vector<16xi32>,
    tpu.vector_store_idx %arg13[%get3A_829], %broadcast_in_dim3A_165 {add = true} : memref<10256xf32, #tpu.memory_space<vmem>>[vector<16xi32>], vector<16xf32>,
    %run_scoped3A_830 = arith.constant 23 : i32
    "tpu.region"() ({
      %run_scoped3A_1203 = tpu.sem_alloc : memref<!tpu.dma_semaphore, #tpu.memory_space<semaphore_mem>>
      %dma_start3A_1204 = arith.constant 0 : i32
      %dma_start3A_1205 = tpu.memref_slice %arg9[%run_scoped3A_830, %dma_start3A_1204] : memref<25x80xi32, #tpu.memory_space<vmem>> -> memref<1x80xi32, #tpu.memory_space<vmem>>
      %dma_start3A_1206 = tpu.memref_squeeze %dma_start3A_1205 : memref<1x80xi32, #tpu.memory_space<vmem>> -> memref<80xi32, #tpu.memory_space<vmem>>
      %dma_start3A_1207 = arith.constant 0 : i32
      %dma_start3A_1208 = arith.constant 0 : i32
      %dma_start3A_1209 = tpu.memref_slice %arg14[%dma_start3A_1207, %dma_start3A_1208] : memref<10248x128xf32, #tpu.memory_space<vmem_shared>> -> memref<10248x128xf32, #tpu.memory_space<vmem_shared>>
      tpu.enqueue_indirect_dma source(%arg12 : memref<80x128xf32, #tpu.memory_space<vmem>>) target(%dma_start3A_1209 : memref<10248x128xf32, #tpu.memory_space<vmem_shared>>) offsets(%dma_start3A_1206 : memref<80xi32, #tpu.memory_space<vmem>>) semaphore(%run_scoped3A_1203 : memref<!tpu.dma_semaphore, #tpu.memory_space<semaphore_mem>>) {add = true}
      %dma_wait3A_1210 = arith.constant 0 : i32
      %dma_wait3A_1211 = tpu.memref_slice %arg9[%run_scoped3A_830, %dma_wait3A_1210] : memref<25x80xi32, #tpu.memory_space<vmem>> -> memref<1x80xi32, #tpu.memory_space<vmem>>
      %dma_wait3A_1212 = tpu.memref_squeeze %dma_wait3A_1211 : memref<1x80xi32, #tpu.memory_space<vmem>> -> memref<80xi32, #tpu.memory_space<vmem>>
      %dma_wait3A_1213 = arith.constant 0 : i32
      %dma_wait3A_1214 = arith.constant 0 : i32
      %dma_wait3A_1215 = tpu.memref_slice %arg14[%dma_wait3A_1213, %dma_wait3A_1214] : memref<10248x128xf32, #tpu.memory_space<vmem_shared>> -> memref<10248x128xf32, #tpu.memory_space<vmem_shared>>
      tpu.wait_indirect_dma semaphore(%run_scoped3A_1203 : memref<!tpu.dma_semaphore, #tpu.memory_space<semaphore_mem>>) src(%arg12 : memref<80x128xf32, #tpu.memory_space<vmem>>) dst(%dma_wait3A_1215 : memref<10248x128xf32, #tpu.memory_space<vmem_shared>>)
      tpu.yield
    }) : () -> ()
    %dma_wait3A_831 = arith.constant 0 : i32
    %dma_wait3A_832 = arith.constant 0 : i32
    %dma_wait3A_833 = tpu.memref_slice %arg2[%dma_wait3A_831, %dma_wait3A_832] : memref<10000x128xf32, #tpu.memory_space<hbm>> -> memref<80x128xf32, #tpu.memory_space<hbm>>
    %dma_wait3A_834 = arith.constant 0 : i32
    %dma_wait3A_835 = arith.constant 0 : i32
    %dma_wait3A_836 = tpu.memref_slice %arg2[%dma_wait3A_834, %dma_wait3A_835] : memref<10000x128xf32, #tpu.memory_space<hbm>> -> memref<80x128xf32, #tpu.memory_space<hbm>>
    tpu.wait_dma2 semaphore(%arg15 : memref<!tpu.dma_semaphore, #tpu.memory_space<semaphore_mem>>) src(%dma_wait3A_836 : memref<80x128xf32, #tpu.memory_space<hbm>>) dst(%arg10 : memref<80x128xf32, #tpu.memory_space<vmem>>)
    %get3A_837 = arith.constant 24 : i32
    %get3A_838 = arith.index_cast %get3A_837 : i32 to index
    %get3A_839 = arith.constant 0 : index
    %get3A_840 = tpu.vector_load %arg9[%get3A_838, %get3A_839] {strides = array<i32>} : memref<25x80xi32, #tpu.memory_space<vmem>>, vector<16xi32>,
    tpu.vector_store_idx %arg13[%get3A_840], %broadcast_in_dim3A_165 {add = true} : memref<10256xf32, #tpu.memory_space<vmem>>[vector<16xi32>], vector<16xf32>,
    %get3A_841 = arith.constant 24 : i32
    %get3A_842 = arith.index_cast %get3A_841 : i32 to index
    %get3A_843 = arith.constant 16 : index
    %get3A_844 = tpu.vector_load %arg9[%get3A_842, %get3A_843] {strides = array<i32>} : memref<25x80xi32, #tpu.memory_space<vmem>>, vector<16xi32>,
    tpu.vector_store_idx %arg13[%get3A_844], %broadcast_in_dim3A_165 {add = true} : memref<10256xf32, #tpu.memory_space<vmem>>[vector<16xi32>], vector<16xf32>,
    %get3A_845 = arith.constant 24 : i32
    %get3A_846 = arith.index_cast %get3A_845 : i32 to index
    %get3A_847 = arith.constant 32 : index
    %get3A_848 = tpu.vector_load %arg9[%get3A_846, %get3A_847] {strides = array<i32>} : memref<25x80xi32, #tpu.memory_space<vmem>>, vector<16xi32>,
    tpu.vector_store_idx %arg13[%get3A_848], %broadcast_in_dim3A_165 {add = true} : memref<10256xf32, #tpu.memory_space<vmem>>[vector<16xi32>], vector<16xf32>,
    %get3A_849 = arith.constant 24 : i32
    %get3A_850 = arith.index_cast %get3A_849 : i32 to index
    %get3A_851 = arith.constant 48 : index
    %get3A_852 = tpu.vector_load %arg9[%get3A_850, %get3A_851] {strides = array<i32>} : memref<25x80xi32, #tpu.memory_space<vmem>>, vector<16xi32>,
    tpu.vector_store_idx %arg13[%get3A_852], %broadcast_in_dim3A_165 {add = true} : memref<10256xf32, #tpu.memory_space<vmem>>[vector<16xi32>], vector<16xf32>,
    %get3A_853 = arith.constant 24 : i32
    %get3A_854 = arith.index_cast %get3A_853 : i32 to index
    %get3A_855 = arith.constant 64 : index
    %get3A_856 = tpu.vector_load %arg9[%get3A_854, %get3A_855] {strides = array<i32>} : memref<25x80xi32, #tpu.memory_space<vmem>>, vector<16xi32>,
    tpu.vector_store_idx %arg13[%get3A_856], %broadcast_in_dim3A_165 {add = true} : memref<10256xf32, #tpu.memory_space<vmem>>[vector<16xi32>], vector<16xf32>,
    %run_scoped3A_857 = arith.constant 24 : i32
    "tpu.region"() ({
      %run_scoped3A_1203 = tpu.sem_alloc : memref<!tpu.dma_semaphore, #tpu.memory_space<semaphore_mem>>
      %dma_start3A_1204 = arith.constant 0 : i32
      %dma_start3A_1205 = tpu.memref_slice %arg9[%run_scoped3A_857, %dma_start3A_1204] : memref<25x80xi32, #tpu.memory_space<vmem>> -> memref<1x80xi32, #tpu.memory_space<vmem>>
      %dma_start3A_1206 = tpu.memref_squeeze %dma_start3A_1205 : memref<1x80xi32, #tpu.memory_space<vmem>> -> memref<80xi32, #tpu.memory_space<vmem>>
      %dma_start3A_1207 = arith.constant 0 : i32
      %dma_start3A_1208 = arith.constant 0 : i32
      %dma_start3A_1209 = tpu.memref_slice %arg14[%dma_start3A_1207, %dma_start3A_1208] : memref<10248x128xf32, #tpu.memory_space<vmem_shared>> -> memref<10248x128xf32, #tpu.memory_space<vmem_shared>>
      tpu.enqueue_indirect_dma source(%arg10 : memref<80x128xf32, #tpu.memory_space<vmem>>) target(%dma_start3A_1209 : memref<10248x128xf32, #tpu.memory_space<vmem_shared>>) offsets(%dma_start3A_1206 : memref<80xi32, #tpu.memory_space<vmem>>) semaphore(%run_scoped3A_1203 : memref<!tpu.dma_semaphore, #tpu.memory_space<semaphore_mem>>) {add = true}
      %dma_wait3A_1210 = arith.constant 0 : i32
      %dma_wait3A_1211 = tpu.memref_slice %arg9[%run_scoped3A_857, %dma_wait3A_1210] : memref<25x80xi32, #tpu.memory_space<vmem>> -> memref<1x80xi32, #tpu.memory_space<vmem>>
      %dma_wait3A_1212 = tpu.memref_squeeze %dma_wait3A_1211 : memref<1x80xi32, #tpu.memory_space<vmem>> -> memref<80xi32, #tpu.memory_space<vmem>>
      %dma_wait3A_1213 = arith.constant 0 : i32
      %dma_wait3A_1214 = arith.constant 0 : i32
      %dma_wait3A_1215 = tpu.memref_slice %arg14[%dma_wait3A_1213, %dma_wait3A_1214] : memref<10248x128xf32, #tpu.memory_space<vmem_shared>> -> memref<10248x128xf32, #tpu.memory_space<vmem_shared>>
      tpu.wait_indirect_dma semaphore(%run_scoped3A_1203 : memref<!tpu.dma_semaphore, #tpu.memory_space<semaphore_mem>>) src(%arg10 : memref<80x128xf32, #tpu.memory_space<vmem>>) dst(%dma_wait3A_1215 : memref<10248x128xf32, #tpu.memory_space<vmem_shared>>)
      tpu.yield
    }) : () -> ()
    %dma_wait3A_858 = arith.constant 0 : i32
    %dma_wait3A_859 = arith.constant 0 : i32
    %dma_wait3A_860 = arith.constant 0 : i32
    %dma_wait3A_861 = tpu.memref_slice %arg3[%dma_wait3A_858, %add3A, %dma_wait3A_859, %dma_wait3A_860] : memref<2x32x125x80xi32, #tpu.memory_space<hbm>> -> memref<1x1x25x80xi32, #tpu.memory_space<hbm>>
    %dma_wait3A_862 = tpu.memref_squeeze %dma_wait3A_861 : memref<1x1x25x80xi32, #tpu.memory_space<hbm>> -> memref<25x80xi32, #tpu.memory_space<hbm>>
    %dma_wait3A_863 = arith.constant 0 : i32
    %dma_wait3A_864 = arith.constant 0 : i32
    %dma_wait3A_865 = tpu.memref_slice %arg3[%dma_wait3A_858, %add3A, %dma_wait3A_863, %dma_wait3A_864] : memref<2x32x125x80xi32, #tpu.memory_space<hbm>> -> memref<1x1x25x80xi32, #tpu.memory_space<hbm>>
    %dma_wait3A_866 = tpu.memref_squeeze %dma_wait3A_865 : memref<1x1x25x80xi32, #tpu.memory_space<hbm>> -> memref<25x80xi32, #tpu.memory_space<hbm>>
    tpu.wait_dma2 semaphore(%arg18 : memref<!tpu.dma_semaphore, #tpu.memory_space<semaphore_mem>>) src(%dma_wait3A_866 : memref<25x80xi32, #tpu.memory_space<hbm>>) dst(%arg6 : memref<25x80xi32, #tpu.memory_space<vmem>>)
    %dma_wait3A_867 = arith.constant 1 : i32
    %dma_wait3A_868 = arith.constant 0 : i32
    %dma_wait3A_869 = arith.constant 0 : i32
    %dma_wait3A_870 = tpu.memref_slice %arg3[%dma_wait3A_867, %add3A, %dma_wait3A_868, %dma_wait3A_869] : memref<2x32x125x80xi32, #tpu.memory_space<hbm>> -> memref<1x1x25x80xi32, #tpu.memory_space<hbm>>
    %dma_wait3A_871 = tpu.memref_squeeze %dma_wait3A_870 : memref<1x1x25x80xi32, #tpu.memory_space<hbm>> -> memref<25x80xi32, #tpu.memory_space<hbm>>
    %dma_wait3A_872 = arith.constant 0 : i32
    %dma_wait3A_873 = arith.constant 0 : i32
    %dma_wait3A_874 = tpu.memref_slice %arg3[%dma_wait3A_867, %add3A, %dma_wait3A_872, %dma_wait3A_873] : memref<2x32x125x80xi32, #tpu.memory_space<hbm>> -> memref<1x1x25x80xi32, #tpu.memory_space<hbm>>
    %dma_wait3A_875 = tpu.memref_squeeze %dma_wait3A_874 : memref<1x1x25x80xi32, #tpu.memory_space<hbm>> -> memref<25x80xi32, #tpu.memory_space<hbm>>
    tpu.wait_dma2 semaphore(%arg18 : memref<!tpu.dma_semaphore, #tpu.memory_space<semaphore_mem>>) src(%dma_wait3A_875 : memref<25x80xi32, #tpu.memory_space<hbm>>) dst(%arg7 : memref<25x80xi32, #tpu.memory_space<vmem>>)
    %dma_start3A_876 = arith.constant 0 : i32
    %dma_start3A_877 = arith.constant 0 : i32
    %dma_start3A_878 = tpu.memref_slice %arg6[%dma_start3A_876, %dma_start3A_877] : memref<25x80xi32, #tpu.memory_space<vmem>> -> memref<1x80xi32, #tpu.memory_space<vmem>>
    %dma_start3A_879 = tpu.memref_squeeze %dma_start3A_878 : memref<1x80xi32, #tpu.memory_space<vmem>> -> memref<80xi32, #tpu.memory_space<vmem>>
    %dma_start3A_880 = arith.constant 0 : i32
    %dma_start3A_881 = arith.constant 0 : i32
    %dma_start3A_882 = tpu.memref_slice %arg2[%dma_start3A_880, %dma_start3A_881] : memref<10000x128xf32, #tpu.memory_space<hbm>> -> memref<10000x128xf32, #tpu.memory_space<hbm>>
    tpu.enqueue_indirect_dma source(%dma_start3A_882 : memref<10000x128xf32, #tpu.memory_space<hbm>>) target(%arg10 : memref<80x128xf32, #tpu.memory_space<vmem>>) offsets(%dma_start3A_879 : memref<80xi32, #tpu.memory_space<vmem>>) semaphore(%arg15 : memref<!tpu.dma_semaphore, #tpu.memory_space<semaphore_mem>>)
    %dma_start3A_883 = arith.constant 1 : i32
    %dma_start3A_884 = arith.constant 0 : i32
    %dma_start3A_885 = tpu.memref_slice %arg6[%dma_start3A_883, %dma_start3A_884] : memref<25x80xi32, #tpu.memory_space<vmem>> -> memref<1x80xi32, #tpu.memory_space<vmem>>
    %dma_start3A_886 = tpu.memref_squeeze %dma_start3A_885 : memref<1x80xi32, #tpu.memory_space<vmem>> -> memref<80xi32, #tpu.memory_space<vmem>>
    %dma_start3A_887 = arith.constant 0 : i32
    %dma_start3A_888 = arith.constant 0 : i32
    %dma_start3A_889 = tpu.memref_slice %arg2[%dma_start3A_887, %dma_start3A_888] : memref<10000x128xf32, #tpu.memory_space<hbm>> -> memref<10000x128xf32, #tpu.memory_space<hbm>>
    tpu.enqueue_indirect_dma source(%dma_start3A_889 : memref<10000x128xf32, #tpu.memory_space<hbm>>) target(%arg11 : memref<80x128xf32, #tpu.memory_space<vmem>>) offsets(%dma_start3A_886 : memref<80xi32, #tpu.memory_space<vmem>>) semaphore(%arg16 : memref<!tpu.dma_semaphore, #tpu.memory_space<semaphore_mem>>)
    %dma_start3A_890 = arith.constant 2 : i32
    %dma_start3A_891 = arith.constant 0 : i32
    %dma_start3A_892 = tpu.memref_slice %arg6[%dma_start3A_890, %dma_start3A_891] : memref<25x80xi32, #tpu.memory_space<vmem>> -> memref<1x80xi32, #tpu.memory_space<vmem>>
    %dma_start3A_893 = tpu.memref_squeeze %dma_start3A_892 : memref<1x80xi32, #tpu.memory_space<vmem>> -> memref<80xi32, #tpu.memory_space<vmem>>
    %dma_start3A_894 = arith.constant 0 : i32
    %dma_start3A_895 = arith.constant 0 : i32
    %dma_start3A_896 = tpu.memref_slice %arg2[%dma_start3A_894, %dma_start3A_895] : memref<10000x128xf32, #tpu.memory_space<hbm>> -> memref<10000x128xf32, #tpu.memory_space<hbm>>
    tpu.enqueue_indirect_dma source(%dma_start3A_896 : memref<10000x128xf32, #tpu.memory_space<hbm>>) target(%arg12 : memref<80x128xf32, #tpu.memory_space<vmem>>) offsets(%dma_start3A_893 : memref<80xi32, #tpu.memory_space<vmem>>) semaphore(%arg17 : memref<!tpu.dma_semaphore, #tpu.memory_space<semaphore_mem>>)
    %scan3A_897 = arith.constant 0 : i32
    %scan3A_898 = arith.constant 0 : i32
    %scan3A_899 = arith.constant 7 : i32
    %scan3A_900 = arith.addi %scan3A_898, %scan3A_899 : i32
    %scan3A_901 = arith.constant 1 : i32
    scf.for %scan3A_1203 = %scan3A_898 to %scan3A_900 step %scan3A_901  : i32 {
      %mul3A_1204 = arith.constant 3 : i32
      %mul3A_1205 = arith.muli %mul3A_1204, %scan3A_1203 : i32
      %add3A_1206 = arith.constant 0 : i32
      %add3A_1207 = arith.addi %mul3A_1205, %add3A_1206 : i32
      %dma_wait3A_1208 = arith.constant 0 : i32
      %dma_wait3A_1209 = arith.constant 0 : i32
      %dma_wait3A_1210 = tpu.memref_slice %arg2[%dma_wait3A_1208, %dma_wait3A_1209] : memref<10000x128xf32, #tpu.memory_space<hbm>> -> memref<80x128xf32, #tpu.memory_space<hbm>>
      %dma_wait3A_1211 = arith.constant 0 : i32
      %dma_wait3A_1212 = arith.constant 0 : i32
      %dma_wait3A_1213 = tpu.memref_slice %arg2[%dma_wait3A_1211, %dma_wait3A_1212] : memref<10000x128xf32, #tpu.memory_space<hbm>> -> memref<80x128xf32, #tpu.memory_space<hbm>>
      tpu.wait_dma2 semaphore(%arg15 : memref<!tpu.dma_semaphore, #tpu.memory_space<semaphore_mem>>) src(%dma_wait3A_1213 : memref<80x128xf32, #tpu.memory_space<hbm>>) dst(%arg10 : memref<80x128xf32, #tpu.memory_space<vmem>>)
      %get3A_1214 = arith.index_cast %add3A_1207 : i32 to index
      %get3A_1215 = arith.constant 0 : index
      %get3A_1216 = tpu.vector_load %arg7[%get3A_1214, %get3A_1215] {strides = array<i32>} : memref<25x80xi32, #tpu.memory_space<vmem>>, vector<16xi32>,
      tpu.vector_store_idx %arg13[%get3A_1216], %broadcast_in_dim3A_165 {add = true} : memref<10256xf32, #tpu.memory_space<vmem>>[vector<16xi32>], vector<16xf32>,
      %get3A_1217 = arith.index_cast %add3A_1207 : i32 to index
      %get3A_1218 = arith.constant 16 : index
      %get3A_1219 = tpu.vector_load %arg7[%get3A_1217, %get3A_1218] {strides = array<i32>} : memref<25x80xi32, #tpu.memory_space<vmem>>, vector<16xi32>,
      tpu.vector_store_idx %arg13[%get3A_1219], %broadcast_in_dim3A_165 {add = true} : memref<10256xf32, #tpu.memory_space<vmem>>[vector<16xi32>], vector<16xf32>,
      %get3A_1220 = arith.index_cast %add3A_1207 : i32 to index
      %get3A_1221 = arith.constant 32 : index
      %get3A_1222 = tpu.vector_load %arg7[%get3A_1220, %get3A_1221] {strides = array<i32>} : memref<25x80xi32, #tpu.memory_space<vmem>>, vector<16xi32>,
      tpu.vector_store_idx %arg13[%get3A_1222], %broadcast_in_dim3A_165 {add = true} : memref<10256xf32, #tpu.memory_space<vmem>>[vector<16xi32>], vector<16xf32>,
      %get3A_1223 = arith.index_cast %add3A_1207 : i32 to index
      %get3A_1224 = arith.constant 48 : index
      %get3A_1225 = tpu.vector_load %arg7[%get3A_1223, %get3A_1224] {strides = array<i32>} : memref<25x80xi32, #tpu.memory_space<vmem>>, vector<16xi32>,
      tpu.vector_store_idx %arg13[%get3A_1225], %broadcast_in_dim3A_165 {add = true} : memref<10256xf32, #tpu.memory_space<vmem>>[vector<16xi32>], vector<16xf32>,
      %get3A_1226 = arith.index_cast %add3A_1207 : i32 to index
      %get3A_1227 = arith.constant 64 : index
      %get3A_1228 = tpu.vector_load %arg7[%get3A_1226, %get3A_1227] {strides = array<i32>} : memref<25x80xi32, #tpu.memory_space<vmem>>, vector<16xi32>,
      tpu.vector_store_idx %arg13[%get3A_1228], %broadcast_in_dim3A_165 {add = true} : memref<10256xf32, #tpu.memory_space<vmem>>[vector<16xi32>], vector<16xf32>,
      "tpu.region"() ({
        %run_scoped3A_1303 = tpu.sem_alloc : memref<!tpu.dma_semaphore, #tpu.memory_space<semaphore_mem>>
        %dma_start3A_1304 = arith.constant 0 : i32
        %dma_start3A_1305 = tpu.memref_slice %arg7[%add3A_1207, %dma_start3A_1304] : memref<25x80xi32, #tpu.memory_space<vmem>> -> memref<1x80xi32, #tpu.memory_space<vmem>>
        %dma_start3A_1306 = tpu.memref_squeeze %dma_start3A_1305 : memref<1x80xi32, #tpu.memory_space<vmem>> -> memref<80xi32, #tpu.memory_space<vmem>>
        %dma_start3A_1307 = arith.constant 0 : i32
        %dma_start3A_1308 = arith.constant 0 : i32
        %dma_start3A_1309 = tpu.memref_slice %arg14[%dma_start3A_1307, %dma_start3A_1308] : memref<10248x128xf32, #tpu.memory_space<vmem_shared>> -> memref<10248x128xf32, #tpu.memory_space<vmem_shared>>
        tpu.enqueue_indirect_dma source(%arg10 : memref<80x128xf32, #tpu.memory_space<vmem>>) target(%dma_start3A_1309 : memref<10248x128xf32, #tpu.memory_space<vmem_shared>>) offsets(%dma_start3A_1306 : memref<80xi32, #tpu.memory_space<vmem>>) semaphore(%run_scoped3A_1303 : memref<!tpu.dma_semaphore, #tpu.memory_space<semaphore_mem>>) {add = true}
        %dma_wait3A_1310 = arith.constant 0 : i32
        %dma_wait3A_1311 = tpu.memref_slice %arg7[%add3A_1207, %dma_wait3A_1310] : memref<25x80xi32, #tpu.memory_space<vmem>> -> memref<1x80xi32, #tpu.memory_space<vmem>>
        %dma_wait3A_1312 = tpu.memref_squeeze %dma_wait3A_1311 : memref<1x80xi32, #tpu.memory_space<vmem>> -> memref<80xi32, #tpu.memory_space<vmem>>
        %dma_wait3A_1313 = arith.constant 0 : i32
        %dma_wait3A_1314 = arith.constant 0 : i32
        %dma_wait3A_1315 = tpu.memref_slice %arg14[%dma_wait3A_1313, %dma_wait3A_1314] : memref<10248x128xf32, #tpu.memory_space<vmem_shared>> -> memref<10248x128xf32, #tpu.memory_space<vmem_shared>>
        tpu.wait_indirect_dma semaphore(%run_scoped3A_1303 : memref<!tpu.dma_semaphore, #tpu.memory_space<semaphore_mem>>) src(%arg10 : memref<80x128xf32, #tpu.memory_space<vmem>>) dst(%dma_wait3A_1315 : memref<10248x128xf32, #tpu.memory_space<vmem_shared>>)
        tpu.yield
      }) : () -> ()
      %add3A_1229 = arith.constant 3 : i32
      %add3A_1230 = arith.addi %add3A_1207, %add3A_1229 : i32
      %dma_start3A_1231 = arith.constant 0 : i32
      %dma_start3A_1232 = tpu.memref_slice %arg6[%add3A_1230, %dma_start3A_1231] : memref<25x80xi32, #tpu.memory_space<vmem>> -> memref<1x80xi32, #tpu.memory_space<vmem>>
      %dma_start3A_1233 = tpu.memref_squeeze %dma_start3A_1232 : memref<1x80xi32, #tpu.memory_space<vmem>> -> memref<80xi32, #tpu.memory_space<vmem>>
      %dma_start3A_1234 = arith.constant 0 : i32
      %dma_start3A_1235 = arith.constant 0 : i32
      %dma_start3A_1236 = tpu.memref_slice %arg2[%dma_start3A_1234, %dma_start3A_1235] : memref<10000x128xf32, #tpu.memory_space<hbm>> -> memref<10000x128xf32, #tpu.memory_space<hbm>>
      tpu.enqueue_indirect_dma source(%dma_start3A_1236 : memref<10000x128xf32, #tpu.memory_space<hbm>>) target(%arg10 : memref<80x128xf32, #tpu.memory_space<vmem>>) offsets(%dma_start3A_1233 : memref<80xi32, #tpu.memory_space<vmem>>) semaphore(%arg15 : memref<!tpu.dma_semaphore, #tpu.memory_space<semaphore_mem>>)
      %mul3A_1237 = arith.constant 3 : i32
      %mul3A_1238 = arith.muli %mul3A_1237, %scan3A_1203 : i32
      %add3A_1239 = arith.constant 1 : i32
      %add3A_1240 = arith.addi %mul3A_1238, %add3A_1239 : i32
      %dma_wait3A_1241 = arith.constant 0 : i32
      %dma_wait3A_1242 = arith.constant 0 : i32
      %dma_wait3A_1243 = tpu.memref_slice %arg2[%dma_wait3A_1241, %dma_wait3A_1242] : memref<10000x128xf32, #tpu.memory_space<hbm>> -> memref<80x128xf32, #tpu.memory_space<hbm>>
      %dma_wait3A_1244 = arith.constant 0 : i32
      %dma_wait3A_1245 = arith.constant 0 : i32
      %dma_wait3A_1246 = tpu.memref_slice %arg2[%dma_wait3A_1244, %dma_wait3A_1245] : memref<10000x128xf32, #tpu.memory_space<hbm>> -> memref<80x128xf32, #tpu.memory_space<hbm>>
      tpu.wait_dma2 semaphore(%arg16 : memref<!tpu.dma_semaphore, #tpu.memory_space<semaphore_mem>>) src(%dma_wait3A_1246 : memref<80x128xf32, #tpu.memory_space<hbm>>) dst(%arg10 : memref<80x128xf32, #tpu.memory_space<vmem>>)
      %get3A_1247 = arith.index_cast %add3A_1240 : i32 to index
      %get3A_1248 = arith.constant 0 : index
      %get3A_1249 = tpu.vector_load %arg7[%get3A_1247, %get3A_1248] {strides = array<i32>} : memref<25x80xi32, #tpu.memory_space<vmem>>, vector<16xi32>,
      tpu.vector_store_idx %arg13[%get3A_1249], %broadcast_in_dim3A_165 {add = true} : memref<10256xf32, #tpu.memory_space<vmem>>[vector<16xi32>], vector<16xf32>,
      %get3A_1250 = arith.index_cast %add3A_1240 : i32 to index
      %get3A_1251 = arith.constant 16 : index
      %get3A_1252 = tpu.vector_load %arg7[%get3A_1250, %get3A_1251] {strides = array<i32>} : memref<25x80xi32, #tpu.memory_space<vmem>>, vector<16xi32>,
      tpu.vector_store_idx %arg13[%get3A_1252], %broadcast_in_dim3A_165 {add = true} : memref<10256xf32, #tpu.memory_space<vmem>>[vector<16xi32>], vector<16xf32>,
      %get3A_1253 = arith.index_cast %add3A_1240 : i32 to index
      %get3A_1254 = arith.constant 32 : index
      %get3A_1255 = tpu.vector_load %arg7[%get3A_1253, %get3A_1254] {strides = array<i32>} : memref<25x80xi32, #tpu.memory_space<vmem>>, vector<16xi32>,
      tpu.vector_store_idx %arg13[%get3A_1255], %broadcast_in_dim3A_165 {add = true} : memref<10256xf32, #tpu.memory_space<vmem>>[vector<16xi32>], vector<16xf32>,
      %get3A_1256 = arith.index_cast %add3A_1240 : i32 to index
      %get3A_1257 = arith.constant 48 : index
      %get3A_1258 = tpu.vector_load %arg7[%get3A_1256, %get3A_1257] {strides = array<i32>} : memref<25x80xi32, #tpu.memory_space<vmem>>, vector<16xi32>,
      tpu.vector_store_idx %arg13[%get3A_1258], %broadcast_in_dim3A_165 {add = true} : memref<10256xf32, #tpu.memory_space<vmem>>[vector<16xi32>], vector<16xf32>,
      %get3A_1259 = arith.index_cast %add3A_1240 : i32 to index
      %get3A_1260 = arith.constant 64 : index
      %get3A_1261 = tpu.vector_load %arg7[%get3A_1259, %get3A_1260] {strides = array<i32>} : memref<25x80xi32, #tpu.memory_space<vmem>>, vector<16xi32>,
      tpu.vector_store_idx %arg13[%get3A_1261], %broadcast_in_dim3A_165 {add = true} : memref<10256xf32, #tpu.memory_space<vmem>>[vector<16xi32>], vector<16xf32>,
      "tpu.region"() ({
        %run_scoped3A_1303 = tpu.sem_alloc : memref<!tpu.dma_semaphore, #tpu.memory_space<semaphore_mem>>
        %dma_start3A_1304 = arith.constant 0 : i32
        %dma_start3A_1305 = tpu.memref_slice %arg7[%add3A_1240, %dma_start3A_1304] : memref<25x80xi32, #tpu.memory_space<vmem>> -> memref<1x80xi32, #tpu.memory_space<vmem>>
        %dma_start3A_1306 = tpu.memref_squeeze %dma_start3A_1305 : memref<1x80xi32, #tpu.memory_space<vmem>> -> memref<80xi32, #tpu.memory_space<vmem>>
        %dma_start3A_1307 = arith.constant 0 : i32
        %dma_start3A_1308 = arith.constant 0 : i32
        %dma_start3A_1309 = tpu.memref_slice %arg14[%dma_start3A_1307, %dma_start3A_1308] : memref<10248x128xf32, #tpu.memory_space<vmem_shared>> -> memref<10248x128xf32, #tpu.memory_space<vmem_shared>>
        tpu.enqueue_indirect_dma source(%arg11 : memref<80x128xf32, #tpu.memory_space<vmem>>) target(%dma_start3A_1309 : memref<10248x128xf32, #tpu.memory_space<vmem_shared>>) offsets(%dma_start3A_1306 : memref<80xi32, #tpu.memory_space<vmem>>) semaphore(%run_scoped3A_1303 : memref<!tpu.dma_semaphore, #tpu.memory_space<semaphore_mem>>) {add = true}
        %dma_wait3A_1310 = arith.constant 0 : i32
        %dma_wait3A_1311 = tpu.memref_slice %arg7[%add3A_1240, %dma_wait3A_1310] : memref<25x80xi32, #tpu.memory_space<vmem>> -> memref<1x80xi32, #tpu.memory_space<vmem>>
        %dma_wait3A_1312 = tpu.memref_squeeze %dma_wait3A_1311 : memref<1x80xi32, #tpu.memory_space<vmem>> -> memref<80xi32, #tpu.memory_space<vmem>>
        %dma_wait3A_1313 = arith.constant 0 : i32
        %dma_wait3A_1314 = arith.constant 0 : i32
        %dma_wait3A_1315 = tpu.memref_slice %arg14[%dma_wait3A_1313, %dma_wait3A_1314] : memref<10248x128xf32, #tpu.memory_space<vmem_shared>> -> memref<10248x128xf32, #tpu.memory_space<vmem_shared>>
        tpu.wait_indirect_dma semaphore(%run_scoped3A_1303 : memref<!tpu.dma_semaphore, #tpu.memory_space<semaphore_mem>>) src(%arg11 : memref<80x128xf32, #tpu.memory_space<vmem>>) dst(%dma_wait3A_1315 : memref<10248x128xf32, #tpu.memory_space<vmem_shared>>)
        tpu.yield
      }) : () -> ()
      %add3A_1262 = arith.constant 3 : i32
      %add3A_1263 = arith.addi %add3A_1240, %add3A_1262 : i32
      %dma_start3A_1264 = arith.constant 0 : i32
      %dma_start3A_1265 = tpu.memref_slice %arg6[%add3A_1263, %dma_start3A_1264] : memref<25x80xi32, #tpu.memory_space<vmem>> -> memref<1x80xi32, #tpu.memory_space<vmem>>
      %dma_start3A_1266 = tpu.memref_squeeze %dma_start3A_1265 : memref<1x80xi32, #tpu.memory_space<vmem>> -> memref<80xi32, #tpu.memory_space<vmem>>
      %dma_start3A_1267 = arith.constant 0 : i32
      %dma_start3A_1268 = arith.constant 0 : i32
      %dma_start3A_1269 = tpu.memref_slice %arg2[%dma_start3A_1267, %dma_start3A_1268] : memref<10000x128xf32, #tpu.memory_space<hbm>> -> memref<10000x128xf32, #tpu.memory_space<hbm>>
      tpu.enqueue_indirect_dma source(%dma_start3A_1269 : memref<10000x128xf32, #tpu.memory_space<hbm>>) target(%arg11 : memref<80x128xf32, #tpu.memory_space<vmem>>) offsets(%dma_start3A_1266 : memref<80xi32, #tpu.memory_space<vmem>>) semaphore(%arg16 : memref<!tpu.dma_semaphore, #tpu.memory_space<semaphore_mem>>)
      %mul3A_1270 = arith.constant 3 : i32
      %mul3A_1271 = arith.muli %mul3A_1270, %scan3A_1203 : i32
      %add3A_1272 = arith.constant 2 : i32
      %add3A_1273 = arith.addi %mul3A_1271, %add3A_1272 : i32
      %dma_wait3A_1274 = arith.constant 0 : i32
      %dma_wait3A_1275 = arith.constant 0 : i32
      %dma_wait3A_1276 = tpu.memref_slice %arg2[%dma_wait3A_1274, %dma_wait3A_1275] : memref<10000x128xf32, #tpu.memory_space<hbm>> -> memref<80x128xf32, #tpu.memory_space<hbm>>
      %dma_wait3A_1277 = arith.constant 0 : i32
      %dma_wait3A_1278 = arith.constant 0 : i32
      %dma_wait3A_1279 = tpu.memref_slice %arg2[%dma_wait3A_1277, %dma_wait3A_1278] : memref<10000x128xf32, #tpu.memory_space<hbm>> -> memref<80x128xf32, #tpu.memory_space<hbm>>
      tpu.wait_dma2 semaphore(%arg17 : memref<!tpu.dma_semaphore, #tpu.memory_space<semaphore_mem>>) src(%dma_wait3A_1279 : memref<80x128xf32, #tpu.memory_space<hbm>>) dst(%arg10 : memref<80x128xf32, #tpu.memory_space<vmem>>)
      %get3A_1280 = arith.index_cast %add3A_1273 : i32 to index
      %get3A_1281 = arith.constant 0 : index
      %get3A_1282 = tpu.vector_load %arg7[%get3A_1280, %get3A_1281] {strides = array<i32>} : memref<25x80xi32, #tpu.memory_space<vmem>>, vector<16xi32>,
      tpu.vector_store_idx %arg13[%get3A_1282], %broadcast_in_dim3A_165 {add = true} : memref<10256xf32, #tpu.memory_space<vmem>>[vector<16xi32>], vector<16xf32>,
      %get3A_1283 = arith.index_cast %add3A_1273 : i32 to index
      %get3A_1284 = arith.constant 16 : index
      %get3A_1285 = tpu.vector_load %arg7[%get3A_1283, %get3A_1284] {strides = array<i32>} : memref<25x80xi32, #tpu.memory_space<vmem>>, vector<16xi32>,
      tpu.vector_store_idx %arg13[%get3A_1285], %broadcast_in_dim3A_165 {add = true} : memref<10256xf32, #tpu.memory_space<vmem>>[vector<16xi32>], vector<16xf32>,
      %get3A_1286 = arith.index_cast %add3A_1273 : i32 to index
      %get3A_1287 = arith.constant 32 : index
      %get3A_1288 = tpu.vector_load %arg7[%get3A_1286, %get3A_1287] {strides = array<i32>} : memref<25x80xi32, #tpu.memory_space<vmem>>, vector<16xi32>,
      tpu.vector_store_idx %arg13[%get3A_1288], %broadcast_in_dim3A_165 {add = true} : memref<10256xf32, #tpu.memory_space<vmem>>[vector<16xi32>], vector<16xf32>,
      %get3A_1289 = arith.index_cast %add3A_1273 : i32 to index
      %get3A_1290 = arith.constant 48 : index
      %get3A_1291 = tpu.vector_load %arg7[%get3A_1289, %get3A_1290] {strides = array<i32>} : memref<25x80xi32, #tpu.memory_space<vmem>>, vector<16xi32>,
      tpu.vector_store_idx %arg13[%get3A_1291], %broadcast_in_dim3A_165 {add = true} : memref<10256xf32, #tpu.memory_space<vmem>>[vector<16xi32>], vector<16xf32>,
      %get3A_1292 = arith.index_cast %add3A_1273 : i32 to index
      %get3A_1293 = arith.constant 64 : index
      %get3A_1294 = tpu.vector_load %arg7[%get3A_1292, %get3A_1293] {strides = array<i32>} : memref<25x80xi32, #tpu.memory_space<vmem>>, vector<16xi32>,
      tpu.vector_store_idx %arg13[%get3A_1294], %broadcast_in_dim3A_165 {add = true} : memref<10256xf32, #tpu.memory_space<vmem>>[vector<16xi32>], vector<16xf32>,
      "tpu.region"() ({
        %run_scoped3A_1303 = tpu.sem_alloc : memref<!tpu.dma_semaphore, #tpu.memory_space<semaphore_mem>>
        %dma_start3A_1304 = arith.constant 0 : i32
        %dma_start3A_1305 = tpu.memref_slice %arg7[%add3A_1273, %dma_start3A_1304] : memref<25x80xi32, #tpu.memory_space<vmem>> -> memref<1x80xi32, #tpu.memory_space<vmem>>
        %dma_start3A_1306 = tpu.memref_squeeze %dma_start3A_1305 : memref<1x80xi32, #tpu.memory_space<vmem>> -> memref<80xi32, #tpu.memory_space<vmem>>
        %dma_start3A_1307 = arith.constant 0 : i32
        %dma_start3A_1308 = arith.constant 0 : i32
        %dma_start3A_1309 = tpu.memref_slice %arg14[%dma_start3A_1307, %dma_start3A_1308] : memref<10248x128xf32, #tpu.memory_space<vmem_shared>> -> memref<10248x128xf32, #tpu.memory_space<vmem_shared>>
        tpu.enqueue_indirect_dma source(%arg12 : memref<80x128xf32, #tpu.memory_space<vmem>>) target(%dma_start3A_1309 : memref<10248x128xf32, #tpu.memory_space<vmem_shared>>) offsets(%dma_start3A_1306 : memref<80xi32, #tpu.memory_space<vmem>>) semaphore(%run_scoped3A_1303 : memref<!tpu.dma_semaphore, #tpu.memory_space<semaphore_mem>>) {add = true}
        %dma_wait3A_1310 = arith.constant 0 : i32
        %dma_wait3A_1311 = tpu.memref_slice %arg7[%add3A_1273, %dma_wait3A_1310] : memref<25x80xi32, #tpu.memory_space<vmem>> -> memref<1x80xi32, #tpu.memory_space<vmem>>
        %dma_wait3A_1312 = tpu.memref_squeeze %dma_wait3A_1311 : memref<1x80xi32, #tpu.memory_space<vmem>> -> memref<80xi32, #tpu.memory_space<vmem>>
        %dma_wait3A_1313 = arith.constant 0 : i32
        %dma_wait3A_1314 = arith.constant 0 : i32
        %dma_wait3A_1315 = tpu.memref_slice %arg14[%dma_wait3A_1313, %dma_wait3A_1314] : memref<10248x128xf32, #tpu.memory_space<vmem_shared>> -> memref<10248x128xf32, #tpu.memory_space<vmem_shared>>
        tpu.wait_indirect_dma semaphore(%run_scoped3A_1303 : memref<!tpu.dma_semaphore, #tpu.memory_space<semaphore_mem>>) src(%arg12 : memref<80x128xf32, #tpu.memory_space<vmem>>) dst(%dma_wait3A_1315 : memref<10248x128xf32, #tpu.memory_space<vmem_shared>>)
        tpu.yield
      }) : () -> ()
      %add3A_1295 = arith.constant 3 : i32
      %add3A_1296 = arith.addi %add3A_1273, %add3A_1295 : i32
      %dma_start3A_1297 = arith.constant 0 : i32
      %dma_start3A_1298 = tpu.memref_slice %arg6[%add3A_1296, %dma_start3A_1297] : memref<25x80xi32, #tpu.memory_space<vmem>> -> memref<1x80xi32, #tpu.memory_space<vmem>>
      %dma_start3A_1299 = tpu.memref_squeeze %dma_start3A_1298 : memref<1x80xi32, #tpu.memory_space<vmem>> -> memref<80xi32, #tpu.memory_space<vmem>>
      %dma_start3A_1300 = arith.constant 0 : i32
      %dma_start3A_1301 = arith.constant 0 : i32
      %dma_start3A_1302 = tpu.memref_slice %arg2[%dma_start3A_1300, %dma_start3A_1301] : memref<10000x128xf32, #tpu.memory_space<hbm>> -> memref<10000x128xf32, #tpu.memory_space<hbm>>
      tpu.enqueue_indirect_dma source(%dma_start3A_1302 : memref<10000x128xf32, #tpu.memory_space<hbm>>) target(%arg12 : memref<80x128xf32, #tpu.memory_space<vmem>>) offsets(%dma_start3A_1299 : memref<80xi32, #tpu.memory_space<vmem>>) semaphore(%arg17 : memref<!tpu.dma_semaphore, #tpu.memory_space<semaphore_mem>>)
    }
    %scan3A_902 = arith.constant 7 : i32
    %dma_wait3A_903 = arith.constant 0 : i32
    %dma_wait3A_904 = arith.constant 0 : i32
    %dma_wait3A_905 = tpu.memref_slice %arg2[%dma_wait3A_903, %dma_wait3A_904] : memref<10000x128xf32, #tpu.memory_space<hbm>> -> memref<80x128xf32, #tpu.memory_space<hbm>>
    %dma_wait3A_906 = arith.constant 0 : i32
    %dma_wait3A_907 = arith.constant 0 : i32
    %dma_wait3A_908 = tpu.memref_slice %arg2[%dma_wait3A_906, %dma_wait3A_907] : memref<10000x128xf32, #tpu.memory_space<hbm>> -> memref<80x128xf32, #tpu.memory_space<hbm>>
    tpu.wait_dma2 semaphore(%arg15 : memref<!tpu.dma_semaphore, #tpu.memory_space<semaphore_mem>>) src(%dma_wait3A_908 : memref<80x128xf32, #tpu.memory_space<hbm>>) dst(%arg10 : memref<80x128xf32, #tpu.memory_space<vmem>>)
    %get3A_909 = arith.constant 21 : i32
    %get3A_910 = arith.index_cast %get3A_909 : i32 to index
    %get3A_911 = arith.constant 0 : index
    %get3A_912 = tpu.vector_load %arg7[%get3A_910, %get3A_911] {strides = array<i32>} : memref<25x80xi32, #tpu.memory_space<vmem>>, vector<16xi32>,
    tpu.vector_store_idx %arg13[%get3A_912], %broadcast_in_dim3A_165 {add = true} : memref<10256xf32, #tpu.memory_space<vmem>>[vector<16xi32>], vector<16xf32>,
    %get3A_913 = arith.constant 21 : i32
    %get3A_914 = arith.index_cast %get3A_913 : i32 to index
    %get3A_915 = arith.constant 16 : index
    %get3A_916 = tpu.vector_load %arg7[%get3A_914, %get3A_915] {strides = array<i32>} : memref<25x80xi32, #tpu.memory_space<vmem>>, vector<16xi32>,
    tpu.vector_store_idx %arg13[%get3A_916], %broadcast_in_dim3A_165 {add = true} : memref<10256xf32, #tpu.memory_space<vmem>>[vector<16xi32>], vector<16xf32>,
    %get3A_917 = arith.constant 21 : i32
    %get3A_918 = arith.index_cast %get3A_917 : i32 to index
    %get3A_919 = arith.constant 32 : index
    %get3A_920 = tpu.vector_load %arg7[%get3A_918, %get3A_919] {strides = array<i32>} : memref<25x80xi32, #tpu.memory_space<vmem>>, vector<16xi32>,
    tpu.vector_store_idx %arg13[%get3A_920], %broadcast_in_dim3A_165 {add = true} : memref<10256xf32, #tpu.memory_space<vmem>>[vector<16xi32>], vector<16xf32>,
    %get3A_921 = arith.constant 21 : i32
    %get3A_922 = arith.index_cast %get3A_921 : i32 to index
    %get3A_923 = arith.constant 48 : index
    %get3A_924 = tpu.vector_load %arg7[%get3A_922, %get3A_923] {strides = array<i32>} : memref<25x80xi32, #tpu.memory_space<vmem>>, vector<16xi32>,
    tpu.vector_store_idx %arg13[%get3A_924], %broadcast_in_dim3A_165 {add = true} : memref<10256xf32, #tpu.memory_space<vmem>>[vector<16xi32>], vector<16xf32>,
    %get3A_925 = arith.constant 21 : i32
    %get3A_926 = arith.index_cast %get3A_925 : i32 to index
    %get3A_927 = arith.constant 64 : index
    %get3A_928 = tpu.vector_load %arg7[%get3A_926, %get3A_927] {strides = array<i32>} : memref<25x80xi32, #tpu.memory_space<vmem>>, vector<16xi32>,
    tpu.vector_store_idx %arg13[%get3A_928], %broadcast_in_dim3A_165 {add = true} : memref<10256xf32, #tpu.memory_space<vmem>>[vector<16xi32>], vector<16xf32>,
    %run_scoped3A_929 = arith.constant 21 : i32
    "tpu.region"() ({
      %run_scoped3A_1203 = tpu.sem_alloc : memref<!tpu.dma_semaphore, #tpu.memory_space<semaphore_mem>>
      %dma_start3A_1204 = arith.constant 0 : i32
      %dma_start3A_1205 = tpu.memref_slice %arg7[%run_scoped3A_929, %dma_start3A_1204] : memref<25x80xi32, #tpu.memory_space<vmem>> -> memref<1x80xi32, #tpu.memory_space<vmem>>
      %dma_start3A_1206 = tpu.memref_squeeze %dma_start3A_1205 : memref<1x80xi32, #tpu.memory_space<vmem>> -> memref<80xi32, #tpu.memory_space<vmem>>
      %dma_start3A_1207 = arith.constant 0 : i32
      %dma_start3A_1208 = arith.constant 0 : i32
      %dma_start3A_1209 = tpu.memref_slice %arg14[%dma_start3A_1207, %dma_start3A_1208] : memref<10248x128xf32, #tpu.memory_space<vmem_shared>> -> memref<10248x128xf32, #tpu.memory_space<vmem_shared>>
      tpu.enqueue_indirect_dma source(%arg10 : memref<80x128xf32, #tpu.memory_space<vmem>>) target(%dma_start3A_1209 : memref<10248x128xf32, #tpu.memory_space<vmem_shared>>) offsets(%dma_start3A_1206 : memref<80xi32, #tpu.memory_space<vmem>>) semaphore(%run_scoped3A_1203 : memref<!tpu.dma_semaphore, #tpu.memory_space<semaphore_mem>>) {add = true}
      %dma_wait3A_1210 = arith.constant 0 : i32
      %dma_wait3A_1211 = tpu.memref_slice %arg7[%run_scoped3A_929, %dma_wait3A_1210] : memref<25x80xi32, #tpu.memory_space<vmem>> -> memref<1x80xi32, #tpu.memory_space<vmem>>
      %dma_wait3A_1212 = tpu.memref_squeeze %dma_wait3A_1211 : memref<1x80xi32, #tpu.memory_space<vmem>> -> memref<80xi32, #tpu.memory_space<vmem>>
      %dma_wait3A_1213 = arith.constant 0 : i32
      %dma_wait3A_1214 = arith.constant 0 : i32
      %dma_wait3A_1215 = tpu.memref_slice %arg14[%dma_wait3A_1213, %dma_wait3A_1214] : memref<10248x128xf32, #tpu.memory_space<vmem_shared>> -> memref<10248x128xf32, #tpu.memory_space<vmem_shared>>
      tpu.wait_indirect_dma semaphore(%run_scoped3A_1203 : memref<!tpu.dma_semaphore, #tpu.memory_space<semaphore_mem>>) src(%arg10 : memref<80x128xf32, #tpu.memory_space<vmem>>) dst(%dma_wait3A_1215 : memref<10248x128xf32, #tpu.memory_space<vmem_shared>>)
      tpu.yield
    }) : () -> ()
    %dma_start3A_930 = arith.constant 24 : i32
    %dma_start3A_931 = arith.constant 0 : i32
    %dma_start3A_932 = tpu.memref_slice %arg6[%dma_start3A_930, %dma_start3A_931] : memref<25x80xi32, #tpu.memory_space<vmem>> -> memref<1x80xi32, #tpu.memory_space<vmem>>
    %dma_start3A_933 = tpu.memref_squeeze %dma_start3A_932 : memref<1x80xi32, #tpu.memory_space<vmem>> -> memref<80xi32, #tpu.memory_space<vmem>>
    %dma_start3A_934 = arith.constant 0 : i32
    %dma_start3A_935 = arith.constant 0 : i32
    %dma_start3A_936 = tpu.memref_slice %arg2[%dma_start3A_934, %dma_start3A_935] : memref<10000x128xf32, #tpu.memory_space<hbm>> -> memref<10000x128xf32, #tpu.memory_space<hbm>>
    tpu.enqueue_indirect_dma source(%dma_start3A_936 : memref<10000x128xf32, #tpu.memory_space<hbm>>) target(%arg10 : memref<80x128xf32, #tpu.memory_space<vmem>>) offsets(%dma_start3A_933 : memref<80xi32, #tpu.memory_space<vmem>>) semaphore(%arg15 : memref<!tpu.dma_semaphore, #tpu.memory_space<semaphore_mem>>)
    %dma_wait3A_937 = arith.constant 0 : i32
    %dma_wait3A_938 = arith.constant 0 : i32
    %dma_wait3A_939 = tpu.memref_slice %arg2[%dma_wait3A_937, %dma_wait3A_938] : memref<10000x128xf32, #tpu.memory_space<hbm>> -> memref<80x128xf32, #tpu.memory_space<hbm>>
    %dma_wait3A_940 = arith.constant 0 : i32
    %dma_wait3A_941 = arith.constant 0 : i32
    %dma_wait3A_942 = tpu.memref_slice %arg2[%dma_wait3A_940, %dma_wait3A_941] : memref<10000x128xf32, #tpu.memory_space<hbm>> -> memref<80x128xf32, #tpu.memory_space<hbm>>
    tpu.wait_dma2 semaphore(%arg16 : memref<!tpu.dma_semaphore, #tpu.memory_space<semaphore_mem>>) src(%dma_wait3A_942 : memref<80x128xf32, #tpu.memory_space<hbm>>) dst(%arg10 : memref<80x128xf32, #tpu.memory_space<vmem>>)
    %get3A_943 = arith.constant 22 : i32
    %get3A_944 = arith.index_cast %get3A_943 : i32 to index
    %get3A_945 = arith.constant 0 : index
    %get3A_946 = tpu.vector_load %arg7[%get3A_944, %get3A_945] {strides = array<i32>} : memref<25x80xi32, #tpu.memory_space<vmem>>, vector<16xi32>,
    tpu.vector_store_idx %arg13[%get3A_946], %broadcast_in_dim3A_165 {add = true} : memref<10256xf32, #tpu.memory_space<vmem>>[vector<16xi32>], vector<16xf32>,
    %get3A_947 = arith.constant 22 : i32
    %get3A_948 = arith.index_cast %get3A_947 : i32 to index
    %get3A_949 = arith.constant 16 : index
    %get3A_950 = tpu.vector_load %arg7[%get3A_948, %get3A_949] {strides = array<i32>} : memref<25x80xi32, #tpu.memory_space<vmem>>, vector<16xi32>,
    tpu.vector_store_idx %arg13[%get3A_950], %broadcast_in_dim3A_165 {add = true} : memref<10256xf32, #tpu.memory_space<vmem>>[vector<16xi32>], vector<16xf32>,
    %get3A_951 = arith.constant 22 : i32
    %get3A_952 = arith.index_cast %get3A_951 : i32 to index
    %get3A_953 = arith.constant 32 : index
    %get3A_954 = tpu.vector_load %arg7[%get3A_952, %get3A_953] {strides = array<i32>} : memref<25x80xi32, #tpu.memory_space<vmem>>, vector<16xi32>,
    tpu.vector_store_idx %arg13[%get3A_954], %broadcast_in_dim3A_165 {add = true} : memref<10256xf32, #tpu.memory_space<vmem>>[vector<16xi32>], vector<16xf32>,
    %get3A_955 = arith.constant 22 : i32
    %get3A_956 = arith.index_cast %get3A_955 : i32 to index
    %get3A_957 = arith.constant 48 : index
    %get3A_958 = tpu.vector_load %arg7[%get3A_956, %get3A_957] {strides = array<i32>} : memref<25x80xi32, #tpu.memory_space<vmem>>, vector<16xi32>,
    tpu.vector_store_idx %arg13[%get3A_958], %broadcast_in_dim3A_165 {add = true} : memref<10256xf32, #tpu.memory_space<vmem>>[vector<16xi32>], vector<16xf32>,
    %get3A_959 = arith.constant 22 : i32
    %get3A_960 = arith.index_cast %get3A_959 : i32 to index
    %get3A_961 = arith.constant 64 : index
    %get3A_962 = tpu.vector_load %arg7[%get3A_960, %get3A_961] {strides = array<i32>} : memref<25x80xi32, #tpu.memory_space<vmem>>, vector<16xi32>,
    tpu.vector_store_idx %arg13[%get3A_962], %broadcast_in_dim3A_165 {add = true} : memref<10256xf32, #tpu.memory_space<vmem>>[vector<16xi32>], vector<16xf32>,
    %run_scoped3A_963 = arith.constant 22 : i32
    "tpu.region"() ({
      %run_scoped3A_1203 = tpu.sem_alloc : memref<!tpu.dma_semaphore, #tpu.memory_space<semaphore_mem>>
      %dma_start3A_1204 = arith.constant 0 : i32
      %dma_start3A_1205 = tpu.memref_slice %arg7[%run_scoped3A_963, %dma_start3A_1204] : memref<25x80xi32, #tpu.memory_space<vmem>> -> memref<1x80xi32, #tpu.memory_space<vmem>>
      %dma_start3A_1206 = tpu.memref_squeeze %dma_start3A_1205 : memref<1x80xi32, #tpu.memory_space<vmem>> -> memref<80xi32, #tpu.memory_space<vmem>>
      %dma_start3A_1207 = arith.constant 0 : i32
      %dma_start3A_1208 = arith.constant 0 : i32
      %dma_start3A_1209 = tpu.memref_slice %arg14[%dma_start3A_1207, %dma_start3A_1208] : memref<10248x128xf32, #tpu.memory_space<vmem_shared>> -> memref<10248x128xf32, #tpu.memory_space<vmem_shared>>
      tpu.enqueue_indirect_dma source(%arg11 : memref<80x128xf32, #tpu.memory_space<vmem>>) target(%dma_start3A_1209 : memref<10248x128xf32, #tpu.memory_space<vmem_shared>>) offsets(%dma_start3A_1206 : memref<80xi32, #tpu.memory_space<vmem>>) semaphore(%run_scoped3A_1203 : memref<!tpu.dma_semaphore, #tpu.memory_space<semaphore_mem>>) {add = true}
      %dma_wait3A_1210 = arith.constant 0 : i32
      %dma_wait3A_1211 = tpu.memref_slice %arg7[%run_scoped3A_963, %dma_wait3A_1210] : memref<25x80xi32, #tpu.memory_space<vmem>> -> memref<1x80xi32, #tpu.memory_space<vmem>>
      %dma_wait3A_1212 = tpu.memref_squeeze %dma_wait3A_1211 : memref<1x80xi32, #tpu.memory_space<vmem>> -> memref<80xi32, #tpu.memory_space<vmem>>
      %dma_wait3A_1213 = arith.constant 0 : i32
      %dma_wait3A_1214 = arith.constant 0 : i32
      %dma_wait3A_1215 = tpu.memref_slice %arg14[%dma_wait3A_1213, %dma_wait3A_1214] : memref<10248x128xf32, #tpu.memory_space<vmem_shared>> -> memref<10248x128xf32, #tpu.memory_space<vmem_shared>>
      tpu.wait_indirect_dma semaphore(%run_scoped3A_1203 : memref<!tpu.dma_semaphore, #tpu.memory_space<semaphore_mem>>) src(%arg11 : memref<80x128xf32, #tpu.memory_space<vmem>>) dst(%dma_wait3A_1215 : memref<10248x128xf32, #tpu.memory_space<vmem_shared>>)
      tpu.yield
    }) : () -> ()
    %dma_wait3A_964 = arith.constant 0 : i32
    %dma_wait3A_965 = arith.constant 0 : i32
    %dma_wait3A_966 = tpu.memref_slice %arg2[%dma_wait3A_964, %dma_wait3A_965] : memref<10000x128xf32, #tpu.memory_space<hbm>> -> memref<80x128xf32, #tpu.memory_space<hbm>>
    %dma_wait3A_967 = arith.constant 0 : i32
    %dma_wait3A_968 = arith.constant 0 : i32
    %dma_wait3A_969 = tpu.memref_slice %arg2[%dma_wait3A_967, %dma_wait3A_968] : memref<10000x128xf32, #tpu.memory_space<hbm>> -> memref<80x128xf32, #tpu.memory_space<hbm>>
    tpu.wait_dma2 semaphore(%arg17 : memref<!tpu.dma_semaphore, #tpu.memory_space<semaphore_mem>>) src(%dma_wait3A_969 : memref<80x128xf32, #tpu.memory_space<hbm>>) dst(%arg10 : memref<80x128xf32, #tpu.memory_space<vmem>>)
    %get3A_970 = arith.constant 23 : i32
    %get3A_971 = arith.index_cast %get3A_970 : i32 to index
    %get3A_972 = arith.constant 0 : index
    %get3A_973 = tpu.vector_load %arg7[%get3A_971, %get3A_972] {strides = array<i32>} : memref<25x80xi32, #tpu.memory_space<vmem>>, vector<16xi32>,
    tpu.vector_store_idx %arg13[%get3A_973], %broadcast_in_dim3A_165 {add = true} : memref<10256xf32, #tpu.memory_space<vmem>>[vector<16xi32>], vector<16xf32>,
    %get3A_974 = arith.constant 23 : i32
    %get3A_975 = arith.index_cast %get3A_974 : i32 to index
    %get3A_976 = arith.constant 16 : index
    %get3A_977 = tpu.vector_load %arg7[%get3A_975, %get3A_976] {strides = array<i32>} : memref<25x80xi32, #tpu.memory_space<vmem>>, vector<16xi32>,
    tpu.vector_store_idx %arg13[%get3A_977], %broadcast_in_dim3A_165 {add = true} : memref<10256xf32, #tpu.memory_space<vmem>>[vector<16xi32>], vector<16xf32>,
    %get3A_978 = arith.constant 23 : i32
    %get3A_979 = arith.index_cast %get3A_978 : i32 to index
    %get3A_980 = arith.constant 32 : index
    %get3A_981 = tpu.vector_load %arg7[%get3A_979, %get3A_980] {strides = array<i32>} : memref<25x80xi32, #tpu.memory_space<vmem>>, vector<16xi32>,
    tpu.vector_store_idx %arg13[%get3A_981], %broadcast_in_dim3A_165 {add = true} : memref<10256xf32, #tpu.memory_space<vmem>>[vector<16xi32>], vector<16xf32>,
    %get3A_982 = arith.constant 23 : i32
    %get3A_983 = arith.index_cast %get3A_982 : i32 to index
    %get3A_984 = arith.constant 48 : index
    %get3A_985 = tpu.vector_load %arg7[%get3A_983, %get3A_984] {strides = array<i32>} : memref<25x80xi32, #tpu.memory_space<vmem>>, vector<16xi32>,
    tpu.vector_store_idx %arg13[%get3A_985], %broadcast_in_dim3A_165 {add = true} : memref<10256xf32, #tpu.memory_space<vmem>>[vector<16xi32>], vector<16xf32>,
    %get3A_986 = arith.constant 23 : i32
    %get3A_987 = arith.index_cast %get3A_986 : i32 to index
    %get3A_988 = arith.constant 64 : index
    %get3A_989 = tpu.vector_load %arg7[%get3A_987, %get3A_988] {strides = array<i32>} : memref<25x80xi32, #tpu.memory_space<vmem>>, vector<16xi32>,
    tpu.vector_store_idx %arg13[%get3A_989], %broadcast_in_dim3A_165 {add = true} : memref<10256xf32, #tpu.memory_space<vmem>>[vector<16xi32>], vector<16xf32>,
    %run_scoped3A_990 = arith.constant 23 : i32
    "tpu.region"() ({
      %run_scoped3A_1203 = tpu.sem_alloc : memref<!tpu.dma_semaphore, #tpu.memory_space<semaphore_mem>>
      %dma_start3A_1204 = arith.constant 0 : i32
      %dma_start3A_1205 = tpu.memref_slice %arg7[%run_scoped3A_990, %dma_start3A_1204] : memref<25x80xi32, #tpu.memory_space<vmem>> -> memref<1x80xi32, #tpu.memory_space<vmem>>
      %dma_start3A_1206 = tpu.memref_squeeze %dma_start3A_1205 : memref<1x80xi32, #tpu.memory_space<vmem>> -> memref<80xi32, #tpu.memory_space<vmem>>
      %dma_start3A_1207 = arith.constant 0 : i32
      %dma_start3A_1208 = arith.constant 0 : i32
      %dma_start3A_1209 = tpu.memref_slice %arg14[%dma_start3A_1207, %dma_start3A_1208] : memref<10248x128xf32, #tpu.memory_space<vmem_shared>> -> memref<10248x128xf32, #tpu.memory_space<vmem_shared>>
      tpu.enqueue_indirect_dma source(%arg12 : memref<80x128xf32, #tpu.memory_space<vmem>>) target(%dma_start3A_1209 : memref<10248x128xf32, #tpu.memory_space<vmem_shared>>) offsets(%dma_start3A_1206 : memref<80xi32, #tpu.memory_space<vmem>>) semaphore(%run_scoped3A_1203 : memref<!tpu.dma_semaphore, #tpu.memory_space<semaphore_mem>>) {add = true}
      %dma_wait3A_1210 = arith.constant 0 : i32
      %dma_wait3A_1211 = tpu.memref_slice %arg7[%run_scoped3A_990, %dma_wait3A_1210] : memref<25x80xi32, #tpu.memory_space<vmem>> -> memref<1x80xi32, #tpu.memory_space<vmem>>
      %dma_wait3A_1212 = tpu.memref_squeeze %dma_wait3A_1211 : memref<1x80xi32, #tpu.memory_space<vmem>> -> memref<80xi32, #tpu.memory_space<vmem>>
      %dma_wait3A_1213 = arith.constant 0 : i32
      %dma_wait3A_1214 = arith.constant 0 : i32
      %dma_wait3A_1215 = tpu.memref_slice %arg14[%dma_wait3A_1213, %dma_wait3A_1214] : memref<10248x128xf32, #tpu.memory_space<vmem_shared>> -> memref<10248x128xf32, #tpu.memory_space<vmem_shared>>
      tpu.wait_indirect_dma semaphore(%run_scoped3A_1203 : memref<!tpu.dma_semaphore, #tpu.memory_space<semaphore_mem>>) src(%arg12 : memref<80x128xf32, #tpu.memory_space<vmem>>) dst(%dma_wait3A_1215 : memref<10248x128xf32, #tpu.memory_space<vmem_shared>>)
      tpu.yield
    }) : () -> ()
    %dma_wait3A_991 = arith.constant 0 : i32
    %dma_wait3A_992 = arith.constant 0 : i32
    %dma_wait3A_993 = tpu.memref_slice %arg2[%dma_wait3A_991, %dma_wait3A_992] : memref<10000x128xf32, #tpu.memory_space<hbm>> -> memref<80x128xf32, #tpu.memory_space<hbm>>
    %dma_wait3A_994 = arith.constant 0 : i32
    %dma_wait3A_995 = arith.constant 0 : i32
    %dma_wait3A_996 = tpu.memref_slice %arg2[%dma_wait3A_994, %dma_wait3A_995] : memref<10000x128xf32, #tpu.memory_space<hbm>> -> memref<80x128xf32, #tpu.memory_space<hbm>>
    tpu.wait_dma2 semaphore(%arg15 : memref<!tpu.dma_semaphore, #tpu.memory_space<semaphore_mem>>) src(%dma_wait3A_996 : memref<80x128xf32, #tpu.memory_space<hbm>>) dst(%arg10 : memref<80x128xf32, #tpu.memory_space<vmem>>)
    %get3A_997 = arith.constant 24 : i32
    %get3A_998 = arith.index_cast %get3A_997 : i32 to index
    %get3A_999 = arith.constant 0 : index
    %get3A_1000 = tpu.vector_load %arg7[%get3A_998, %get3A_999] {strides = array<i32>} : memref<25x80xi32, #tpu.memory_space<vmem>>, vector<16xi32>,
    tpu.vector_store_idx %arg13[%get3A_1000], %broadcast_in_dim3A_165 {add = true} : memref<10256xf32, #tpu.memory_space<vmem>>[vector<16xi32>], vector<16xf32>,
    %get3A_1001 = arith.constant 24 : i32
    %get3A_1002 = arith.index_cast %get3A_1001 : i32 to index
    %get3A_1003 = arith.constant 16 : index
    %get3A_1004 = tpu.vector_load %arg7[%get3A_1002, %get3A_1003] {strides = array<i32>} : memref<25x80xi32, #tpu.memory_space<vmem>>, vector<16xi32>,
    tpu.vector_store_idx %arg13[%get3A_1004], %broadcast_in_dim3A_165 {add = true} : memref<10256xf32, #tpu.memory_space<vmem>>[vector<16xi32>], vector<16xf32>,
    %get3A_1005 = arith.constant 24 : i32
    %get3A_1006 = arith.index_cast %get3A_1005 : i32 to index
    %get3A_1007 = arith.constant 32 : index
    %get3A_1008 = tpu.vector_load %arg7[%get3A_1006, %get3A_1007] {strides = array<i32>} : memref<25x80xi32, #tpu.memory_space<vmem>>, vector<16xi32>,
    tpu.vector_store_idx %arg13[%get3A_1008], %broadcast_in_dim3A_165 {add = true} : memref<10256xf32, #tpu.memory_space<vmem>>[vector<16xi32>], vector<16xf32>,
    %get3A_1009 = arith.constant 24 : i32
    %get3A_1010 = arith.index_cast %get3A_1009 : i32 to index
    %get3A_1011 = arith.constant 48 : index
    %get3A_1012 = tpu.vector_load %arg7[%get3A_1010, %get3A_1011] {strides = array<i32>} : memref<25x80xi32, #tpu.memory_space<vmem>>, vector<16xi32>,
    tpu.vector_store_idx %arg13[%get3A_1012], %broadcast_in_dim3A_165 {add = true} : memref<10256xf32, #tpu.memory_space<vmem>>[vector<16xi32>], vector<16xf32>,
    %get3A_1013 = arith.constant 24 : i32
    %get3A_1014 = arith.index_cast %get3A_1013 : i32 to index
    %get3A_1015 = arith.constant 64 : index
    %get3A_1016 = tpu.vector_load %arg7[%get3A_1014, %get3A_1015] {strides = array<i32>} : memref<25x80xi32, #tpu.memory_space<vmem>>, vector<16xi32>,
    tpu.vector_store_idx %arg13[%get3A_1016], %broadcast_in_dim3A_165 {add = true} : memref<10256xf32, #tpu.memory_space<vmem>>[vector<16xi32>], vector<16xf32>,
    %run_scoped3A_1017 = arith.constant 24 : i32
    "tpu.region"() ({
      %run_scoped3A_1203 = tpu.sem_alloc : memref<!tpu.dma_semaphore, #tpu.memory_space<semaphore_mem>>
      %dma_start3A_1204 = arith.constant 0 : i32
      %dma_start3A_1205 = tpu.memref_slice %arg7[%run_scoped3A_1017, %dma_start3A_1204] : memref<25x80xi32, #tpu.memory_space<vmem>> -> memref<1x80xi32, #tpu.memory_space<vmem>>
      %dma_start3A_1206 = tpu.memref_squeeze %dma_start3A_1205 : memref<1x80xi32, #tpu.memory_space<vmem>> -> memref<80xi32, #tpu.memory_space<vmem>>
      %dma_start3A_1207 = arith.constant 0 : i32
      %dma_start3A_1208 = arith.constant 0 : i32
      %dma_start3A_1209 = tpu.memref_slice %arg14[%dma_start3A_1207, %dma_start3A_1208] : memref<10248x128xf32, #tpu.memory_space<vmem_shared>> -> memref<10248x128xf32, #tpu.memory_space<vmem_shared>>
      tpu.enqueue_indirect_dma source(%arg10 : memref<80x128xf32, #tpu.memory_space<vmem>>) target(%dma_start3A_1209 : memref<10248x128xf32, #tpu.memory_space<vmem_shared>>) offsets(%dma_start3A_1206 : memref<80xi32, #tpu.memory_space<vmem>>) semaphore(%run_scoped3A_1203 : memref<!tpu.dma_semaphore, #tpu.memory_space<semaphore_mem>>) {add = true}
      %dma_wait3A_1210 = arith.constant 0 : i32
      %dma_wait3A_1211 = tpu.memref_slice %arg7[%run_scoped3A_1017, %dma_wait3A_1210] : memref<25x80xi32, #tpu.memory_space<vmem>> -> memref<1x80xi32, #tpu.memory_space<vmem>>
      %dma_wait3A_1212 = tpu.memref_squeeze %dma_wait3A_1211 : memref<1x80xi32, #tpu.memory_space<vmem>> -> memref<80xi32, #tpu.memory_space<vmem>>
      %dma_wait3A_1213 = arith.constant 0 : i32
      %dma_wait3A_1214 = arith.constant 0 : i32
      %dma_wait3A_1215 = tpu.memref_slice %arg14[%dma_wait3A_1213, %dma_wait3A_1214] : memref<10248x128xf32, #tpu.memory_space<vmem_shared>> -> memref<10248x128xf32, #tpu.memory_space<vmem_shared>>
      tpu.wait_indirect_dma semaphore(%run_scoped3A_1203 : memref<!tpu.dma_semaphore, #tpu.memory_space<semaphore_mem>>) src(%arg10 : memref<80x128xf32, #tpu.memory_space<vmem>>) dst(%dma_wait3A_1215 : memref<10248x128xf32, #tpu.memory_space<vmem_shared>>)
      tpu.yield
    }) : () -> ()
    %barrier3A_1018 = arith.constant 0 : index
    tpu.barrier barrier_id(%barrier3A_1018)
    %mul3A_1019 = arith.constant 640 : i32
    %mul3A_1020 = arith.muli %arg1, %mul3A_1019 : i32
    %add3A_1021 = arith.constant 0 : i32
    %add3A_1022 = arith.addi %mul3A_1020, %add3A_1021 : i32
    %multiple_of3A_1023 = tpu.assume_multiple %add3A_1022, 8 : i32
    %dma_start3A_1024 = arith.constant 0 : i32
    %dma_start3A_1025 = tpu.memref_slice %arg14[%multiple_of3A_1023, %dma_start3A_1024] : memref<10248x128xf32, #tpu.memory_space<vmem_shared>> -> memref<80x128xf32, #tpu.memory_space<vmem_shared>>
    %dma_start3A_1026 = arith.constant 0 : i32
    %dma_start3A_1027 = tpu.memref_slice %arg14[%multiple_of3A_1023, %dma_start3A_1026] : memref<10248x128xf32, #tpu.memory_space<vmem_shared>> -> memref<80x128xf32, #tpu.memory_space<vmem_shared>>
    tpu.enqueue_dma source(%dma_start3A_1027 : memref<80x128xf32, #tpu.memory_space<vmem_shared>>) target(%arg10 : memref<80x128xf32, #tpu.memory_space<vmem>>) target_semaphore(%arg15 : memref<!tpu.dma_semaphore, #tpu.memory_space<semaphore_mem>>)
    %mul3A_1028 = arith.constant 640 : i32
    %mul3A_1029 = arith.muli %arg1, %mul3A_1028 : i32
    %add3A_1030 = arith.constant 0 : i32
    %add3A_1031 = arith.addi %mul3A_1029, %add3A_1030 : i32
    %multiple_of3A_1032 = tpu.assume_multiple %add3A_1031, 8 : i32
    %dma_wait3A_1033 = arith.constant 0 : i32
    %dma_wait3A_1034 = tpu.memref_slice %arg14[%multiple_of3A_1032, %dma_wait3A_1033] : memref<10248x128xf32, #tpu.memory_space<vmem_shared>> -> memref<80x128xf32, #tpu.memory_space<vmem_shared>>
    %dma_wait3A_1035 = arith.constant 0 : i32
    %dma_wait3A_1036 = tpu.memref_slice %arg14[%multiple_of3A_1032, %dma_wait3A_1035] : memref<10248x128xf32, #tpu.memory_space<vmem_shared>> -> memref<80x128xf32, #tpu.memory_space<vmem_shared>>
    tpu.wait_dma2 semaphore(%arg15 : memref<!tpu.dma_semaphore, #tpu.memory_space<semaphore_mem>>) src(%dma_wait3A_1036 : memref<80x128xf32, #tpu.memory_space<vmem_shared>>) dst(%arg10 : memref<80x128xf32, #tpu.memory_space<vmem>>)
    %mul3A_1037 = arith.constant 640 : i32
    %mul3A_1038 = arith.muli %arg1, %mul3A_1037 : i32
    %add3A_1039 = arith.constant 80 : i32
    %add3A_1040 = arith.addi %mul3A_1038, %add3A_1039 : i32
    %multiple_of3A_1041 = tpu.assume_multiple %add3A_1040, 8 : i32
    %dma_start3A_1042 = arith.constant 0 : i32
    %dma_start3A_1043 = tpu.memref_slice %arg14[%multiple_of3A_1041, %dma_start3A_1042] : memref<10248x128xf32, #tpu.memory_space<vmem_shared>> -> memref<80x128xf32, #tpu.memory_space<vmem_shared>>
    %dma_start3A_1044 = arith.constant 0 : i32
    %dma_start3A_1045 = tpu.memref_slice %arg14[%multiple_of3A_1041, %dma_start3A_1044] : memref<10248x128xf32, #tpu.memory_space<vmem_shared>> -> memref<80x128xf32, #tpu.memory_space<vmem_shared>>
    tpu.enqueue_dma source(%dma_start3A_1045 : memref<80x128xf32, #tpu.memory_space<vmem_shared>>) target(%arg11 : memref<80x128xf32, #tpu.memory_space<vmem>>) target_semaphore(%arg16 : memref<!tpu.dma_semaphore, #tpu.memory_space<semaphore_mem>>)
    %mul3A_1046 = arith.constant 640 : i32
    %mul3A_1047 = arith.muli %arg1, %mul3A_1046 : i32
    %add3A_1048 = arith.constant 0 : i32
    %add3A_1049 = arith.addi %mul3A_1047, %add3A_1048 : i32
    %multiple_of3A_1050 = tpu.assume_multiple %add3A_1049, 8 : i32
    "tpu.region"() ({
      %run_scoped3A_1203 = tpu.sem_alloc : memref<!tpu.dma_semaphore, #tpu.memory_space<semaphore_mem>>
      %dma_start3A_1204 = arith.constant 0 : i32
      %dma_start3A_1205 = tpu.memref_slice %arg4[%arg0, %multiple_of3A_1050, %dma_start3A_1204] : memref<2x10240x128xf32, #tpu.memory_space<hbm>> -> memref<1x80x128xf32, #tpu.memory_space<hbm>>
      %dma_start3A_1206 = tpu.memref_squeeze %dma_start3A_1205 : memref<1x80x128xf32, #tpu.memory_space<hbm>> -> memref<80x128xf32, #tpu.memory_space<hbm>>
      %dma_start3A_1207 = arith.constant 0 : i32
      %dma_start3A_1208 = tpu.memref_slice %arg4[%arg0, %multiple_of3A_1050, %dma_start3A_1207] : memref<2x10240x128xf32, #tpu.memory_space<hbm>> -> memref<1x80x128xf32, #tpu.memory_space<hbm>>
      %dma_start3A_1209 = tpu.memref_squeeze %dma_start3A_1208 : memref<1x80x128xf32, #tpu.memory_space<hbm>> -> memref<80x128xf32, #tpu.memory_space<hbm>>
      tpu.enqueue_dma source(%arg10 : memref<80x128xf32, #tpu.memory_space<vmem>>) target(%dma_start3A_1209 : memref<80x128xf32, #tpu.memory_space<hbm>>) target_semaphore(%run_scoped3A_1203 : memref<!tpu.dma_semaphore, #tpu.memory_space<semaphore_mem>>)
      %dma_wait3A_1210 = arith.constant 0 : i32
      %dma_wait3A_1211 = tpu.memref_slice %arg4[%arg0, %multiple_of3A_1050, %dma_wait3A_1210] : memref<2x10240x128xf32, #tpu.memory_space<hbm>> -> memref<1x80x128xf32, #tpu.memory_space<hbm>>
      %dma_wait3A_1212 = tpu.memref_squeeze %dma_wait3A_1211 : memref<1x80x128xf32, #tpu.memory_space<hbm>> -> memref<80x128xf32, #tpu.memory_space<hbm>>
      %dma_wait3A_1213 = arith.constant 0 : i32
      %dma_wait3A_1214 = tpu.memref_slice %arg4[%arg0, %multiple_of3A_1050, %dma_wait3A_1213] : memref<2x10240x128xf32, #tpu.memory_space<hbm>> -> memref<1x80x128xf32, #tpu.memory_space<hbm>>
      %dma_wait3A_1215 = tpu.memref_squeeze %dma_wait3A_1214 : memref<1x80x128xf32, #tpu.memory_space<hbm>> -> memref<80x128xf32, #tpu.memory_space<hbm>>
      tpu.wait_dma2 semaphore(%run_scoped3A_1203 : memref<!tpu.dma_semaphore, #tpu.memory_space<semaphore_mem>>) src(%arg10 : memref<80x128xf32, #tpu.memory_space<vmem>>) dst(%dma_wait3A_1215 : memref<80x128xf32, #tpu.memory_space<hbm>>)
      tpu.yield
    }) : () -> ()
    %mul3A_1051 = arith.constant 640 : i32
    %mul3A_1052 = arith.muli %arg1, %mul3A_1051 : i32
    %add3A_1053 = arith.constant 80 : i32
    %add3A_1054 = arith.addi %mul3A_1052, %add3A_1053 : i32
    %multiple_of3A_1055 = tpu.assume_multiple %add3A_1054, 8 : i32
    %dma_wait3A_1056 = arith.constant 0 : i32
    %dma_wait3A_1057 = tpu.memref_slice %arg14[%multiple_of3A_1055, %dma_wait3A_1056] : memref<10248x128xf32, #tpu.memory_space<vmem_shared>> -> memref<80x128xf32, #tpu.memory_space<vmem_shared>>
    %dma_wait3A_1058 = arith.constant 0 : i32
    %dma_wait3A_1059 = tpu.memref_slice %arg14[%multiple_of3A_1055, %dma_wait3A_1058] : memref<10248x128xf32, #tpu.memory_space<vmem_shared>> -> memref<80x128xf32, #tpu.memory_space<vmem_shared>>
    tpu.wait_dma2 semaphore(%arg16 : memref<!tpu.dma_semaphore, #tpu.memory_space<semaphore_mem>>) src(%dma_wait3A_1059 : memref<80x128xf32, #tpu.memory_space<vmem_shared>>) dst(%arg11 : memref<80x128xf32, #tpu.memory_space<vmem>>)
    %mul3A_1060 = arith.constant 640 : i32
    %mul3A_1061 = arith.muli %arg1, %mul3A_1060 : i32
    %add3A_1062 = arith.constant 160 : i32
    %add3A_1063 = arith.addi %mul3A_1061, %add3A_1062 : i32
    %multiple_of3A_1064 = tpu.assume_multiple %add3A_1063, 8 : i32
    %dma_start3A_1065 = arith.constant 0 : i32
    %dma_start3A_1066 = tpu.memref_slice %arg14[%multiple_of3A_1064, %dma_start3A_1065] : memref<10248x128xf32, #tpu.memory_space<vmem_shared>> -> memref<80x128xf32, #tpu.memory_space<vmem_shared>>
    %dma_start3A_1067 = arith.constant 0 : i32
    %dma_start3A_1068 = tpu.memref_slice %arg14[%multiple_of3A_1064, %dma_start3A_1067] : memref<10248x128xf32, #tpu.memory_space<vmem_shared>> -> memref<80x128xf32, #tpu.memory_space<vmem_shared>>
    tpu.enqueue_dma source(%dma_start3A_1068 : memref<80x128xf32, #tpu.memory_space<vmem_shared>>) target(%arg10 : memref<80x128xf32, #tpu.memory_space<vmem>>) target_semaphore(%arg15 : memref<!tpu.dma_semaphore, #tpu.memory_space<semaphore_mem>>)
    %mul3A_1069 = arith.constant 640 : i32
    %mul3A_1070 = arith.muli %arg1, %mul3A_1069 : i32
    %add3A_1071 = arith.constant 80 : i32
    %add3A_1072 = arith.addi %mul3A_1070, %add3A_1071 : i32
    %multiple_of3A_1073 = tpu.assume_multiple %add3A_1072, 8 : i32
    "tpu.region"() ({
      %run_scoped3A_1203 = tpu.sem_alloc : memref<!tpu.dma_semaphore, #tpu.memory_space<semaphore_mem>>
      %dma_start3A_1204 = arith.constant 0 : i32
      %dma_start3A_1205 = tpu.memref_slice %arg4[%arg0, %multiple_of3A_1073, %dma_start3A_1204] : memref<2x10240x128xf32, #tpu.memory_space<hbm>> -> memref<1x80x128xf32, #tpu.memory_space<hbm>>
      %dma_start3A_1206 = tpu.memref_squeeze %dma_start3A_1205 : memref<1x80x128xf32, #tpu.memory_space<hbm>> -> memref<80x128xf32, #tpu.memory_space<hbm>>
      %dma_start3A_1207 = arith.constant 0 : i32
      %dma_start3A_1208 = tpu.memref_slice %arg4[%arg0, %multiple_of3A_1073, %dma_start3A_1207] : memref<2x10240x128xf32, #tpu.memory_space<hbm>> -> memref<1x80x128xf32, #tpu.memory_space<hbm>>
      %dma_start3A_1209 = tpu.memref_squeeze %dma_start3A_1208 : memref<1x80x128xf32, #tpu.memory_space<hbm>> -> memref<80x128xf32, #tpu.memory_space<hbm>>
      tpu.enqueue_dma source(%arg11 : memref<80x128xf32, #tpu.memory_space<vmem>>) target(%dma_start3A_1209 : memref<80x128xf32, #tpu.memory_space<hbm>>) target_semaphore(%run_scoped3A_1203 : memref<!tpu.dma_semaphore, #tpu.memory_space<semaphore_mem>>)
      %dma_wait3A_1210 = arith.constant 0 : i32
      %dma_wait3A_1211 = tpu.memref_slice %arg4[%arg0, %multiple_of3A_1073, %dma_wait3A_1210] : memref<2x10240x128xf32, #tpu.memory_space<hbm>> -> memref<1x80x128xf32, #tpu.memory_space<hbm>>
      %dma_wait3A_1212 = tpu.memref_squeeze %dma_wait3A_1211 : memref<1x80x128xf32, #tpu.memory_space<hbm>> -> memref<80x128xf32, #tpu.memory_space<hbm>>
      %dma_wait3A_1213 = arith.constant 0 : i32
      %dma_wait3A_1214 = tpu.memref_slice %arg4[%arg0, %multiple_of3A_1073, %dma_wait3A_1213] : memref<2x10240x128xf32, #tpu.memory_space<hbm>> -> memref<1x80x128xf32, #tpu.memory_space<hbm>>
      %dma_wait3A_1215 = tpu.memref_squeeze %dma_wait3A_1214 : memref<1x80x128xf32, #tpu.memory_space<hbm>> -> memref<80x128xf32, #tpu.memory_space<hbm>>
      tpu.wait_dma2 semaphore(%run_scoped3A_1203 : memref<!tpu.dma_semaphore, #tpu.memory_space<semaphore_mem>>) src(%arg11 : memref<80x128xf32, #tpu.memory_space<vmem>>) dst(%dma_wait3A_1215 : memref<80x128xf32, #tpu.memory_space<hbm>>)
      tpu.yield
    }) : () -> ()
    %mul3A_1074 = arith.constant 640 : i32
    %mul3A_1075 = arith.muli %arg1, %mul3A_1074 : i32
    %add3A_1076 = arith.constant 160 : i32
    %add3A_1077 = arith.addi %mul3A_1075, %add3A_1076 : i32
    %multiple_of3A_1078 = tpu.assume_multiple %add3A_1077, 8 : i32
    %dma_wait3A_1079 = arith.constant 0 : i32
    %dma_wait3A_1080 = tpu.memref_slice %arg14[%multiple_of3A_1078, %dma_wait3A_1079] : memref<10248x128xf32, #tpu.memory_space<vmem_shared>> -> memref<80x128xf32, #tpu.memory_space<vmem_shared>>
    %dma_wait3A_1081 = arith.constant 0 : i32
    %dma_wait3A_1082 = tpu.memref_slice %arg14[%multiple_of3A_1078, %dma_wait3A_1081] : memref<10248x128xf32, #tpu.memory_space<vmem_shared>> -> memref<80x128xf32, #tpu.memory_space<vmem_shared>>
    tpu.wait_dma2 semaphore(%arg15 : memref<!tpu.dma_semaphore, #tpu.memory_space<semaphore_mem>>) src(%dma_wait3A_1082 : memref<80x128xf32, #tpu.memory_space<vmem_shared>>) dst(%arg10 : memref<80x128xf32, #tpu.memory_space<vmem>>)
    %mul3A_1083 = arith.constant 640 : i32
    %mul3A_1084 = arith.muli %arg1, %mul3A_1083 : i32
    %add3A_1085 = arith.constant 240 : i32
    %add3A_1086 = arith.addi %mul3A_1084, %add3A_1085 : i32
    %multiple_of3A_1087 = tpu.assume_multiple %add3A_1086, 8 : i32
    %dma_start3A_1088 = arith.constant 0 : i32
    %dma_start3A_1089 = tpu.memref_slice %arg14[%multiple_of3A_1087, %dma_start3A_1088] : memref<10248x128xf32, #tpu.memory_space<vmem_shared>> -> memref<80x128xf32, #tpu.memory_space<vmem_shared>>
    %dma_start3A_1090 = arith.constant 0 : i32
    %dma_start3A_1091 = tpu.memref_slice %arg14[%multiple_of3A_1087, %dma_start3A_1090] : memref<10248x128xf32, #tpu.memory_space<vmem_shared>> -> memref<80x128xf32, #tpu.memory_space<vmem_shared>>
    tpu.enqueue_dma source(%dma_start3A_1091 : memref<80x128xf32, #tpu.memory_space<vmem_shared>>) target(%arg11 : memref<80x128xf32, #tpu.memory_space<vmem>>) target_semaphore(%arg16 : memref<!tpu.dma_semaphore, #tpu.memory_space<semaphore_mem>>)
    %mul3A_1092 = arith.constant 640 : i32
    %mul3A_1093 = arith.muli %arg1, %mul3A_1092 : i32
    %add3A_1094 = arith.constant 160 : i32
    %add3A_1095 = arith.addi %mul3A_1093, %add3A_1094 : i32
    %multiple_of3A_1096 = tpu.assume_multiple %add3A_1095, 8 : i32
    "tpu.region"() ({
      %run_scoped3A_1203 = tpu.sem_alloc : memref<!tpu.dma_semaphore, #tpu.memory_space<semaphore_mem>>
      %dma_start3A_1204 = arith.constant 0 : i32
      %dma_start3A_1205 = tpu.memref_slice %arg4[%arg0, %multiple_of3A_1096, %dma_start3A_1204] : memref<2x10240x128xf32, #tpu.memory_space<hbm>> -> memref<1x80x128xf32, #tpu.memory_space<hbm>>
      %dma_start3A_1206 = tpu.memref_squeeze %dma_start3A_1205 : memref<1x80x128xf32, #tpu.memory_space<hbm>> -> memref<80x128xf32, #tpu.memory_space<hbm>>
      %dma_start3A_1207 = arith.constant 0 : i32
      %dma_start3A_1208 = tpu.memref_slice %arg4[%arg0, %multiple_of3A_1096, %dma_start3A_1207] : memref<2x10240x128xf32, #tpu.memory_space<hbm>> -> memref<1x80x128xf32, #tpu.memory_space<hbm>>
      %dma_start3A_1209 = tpu.memref_squeeze %dma_start3A_1208 : memref<1x80x128xf32, #tpu.memory_space<hbm>> -> memref<80x128xf32, #tpu.memory_space<hbm>>
      tpu.enqueue_dma source(%arg10 : memref<80x128xf32, #tpu.memory_space<vmem>>) target(%dma_start3A_1209 : memref<80x128xf32, #tpu.memory_space<hbm>>) target_semaphore(%run_scoped3A_1203 : memref<!tpu.dma_semaphore, #tpu.memory_space<semaphore_mem>>)
      %dma_wait3A_1210 = arith.constant 0 : i32
      %dma_wait3A_1211 = tpu.memref_slice %arg4[%arg0, %multiple_of3A_1096, %dma_wait3A_1210] : memref<2x10240x128xf32, #tpu.memory_space<hbm>> -> memref<1x80x128xf32, #tpu.memory_space<hbm>>
      %dma_wait3A_1212 = tpu.memref_squeeze %dma_wait3A_1211 : memref<1x80x128xf32, #tpu.memory_space<hbm>> -> memref<80x128xf32, #tpu.memory_space<hbm>>
      %dma_wait3A_1213 = arith.constant 0 : i32
      %dma_wait3A_1214 = tpu.memref_slice %arg4[%arg0, %multiple_of3A_1096, %dma_wait3A_1213] : memref<2x10240x128xf32, #tpu.memory_space<hbm>> -> memref<1x80x128xf32, #tpu.memory_space<hbm>>
      %dma_wait3A_1215 = tpu.memref_squeeze %dma_wait3A_1214 : memref<1x80x128xf32, #tpu.memory_space<hbm>> -> memref<80x128xf32, #tpu.memory_space<hbm>>
      tpu.wait_dma2 semaphore(%run_scoped3A_1203 : memref<!tpu.dma_semaphore, #tpu.memory_space<semaphore_mem>>) src(%arg10 : memref<80x128xf32, #tpu.memory_space<vmem>>) dst(%dma_wait3A_1215 : memref<80x128xf32, #tpu.memory_space<hbm>>)
      tpu.yield
    }) : () -> ()
    %mul3A_1097 = arith.constant 640 : i32
    %mul3A_1098 = arith.muli %arg1, %mul3A_1097 : i32
    %add3A_1099 = arith.constant 240 : i32
    %add3A_1100 = arith.addi %mul3A_1098, %add3A_1099 : i32
    %multiple_of3A_1101 = tpu.assume_multiple %add3A_1100, 8 : i32
    %dma_wait3A_1102 = arith.constant 0 : i32
    %dma_wait3A_1103 = tpu.memref_slice %arg14[%multiple_of3A_1101, %dma_wait3A_1102] : memref<10248x128xf32, #tpu.memory_space<vmem_shared>> -> memref<80x128xf32, #tpu.memory_space<vmem_shared>>
    %dma_wait3A_1104 = arith.constant 0 : i32
    %dma_wait3A_1105 = tpu.memref_slice %arg14[%multiple_of3A_1101, %dma_wait3A_1104] : memref<10248x128xf32, #tpu.memory_space<vmem_shared>> -> memref<80x128xf32, #tpu.memory_space<vmem_shared>>
    tpu.wait_dma2 semaphore(%arg16 : memref<!tpu.dma_semaphore, #tpu.memory_space<semaphore_mem>>) src(%dma_wait3A_1105 : memref<80x128xf32, #tpu.memory_space<vmem_shared>>) dst(%arg11 : memref<80x128xf32, #tpu.memory_space<vmem>>)
    %mul3A_1106 = arith.constant 640 : i32
    %mul3A_1107 = arith.muli %arg1, %mul3A_1106 : i32
    %add3A_1108 = arith.constant 320 : i32
    %add3A_1109 = arith.addi %mul3A_1107, %add3A_1108 : i32
    %multiple_of3A_1110 = tpu.assume_multiple %add3A_1109, 8 : i32
    %dma_start3A_1111 = arith.constant 0 : i32
    %dma_start3A_1112 = tpu.memref_slice %arg14[%multiple_of3A_1110, %dma_start3A_1111] : memref<10248x128xf32, #tpu.memory_space<vmem_shared>> -> memref<80x128xf32, #tpu.memory_space<vmem_shared>>
    %dma_start3A_1113 = arith.constant 0 : i32
    %dma_start3A_1114 = tpu.memref_slice %arg14[%multiple_of3A_1110, %dma_start3A_1113] : memref<10248x128xf32, #tpu.memory_space<vmem_shared>> -> memref<80x128xf32, #tpu.memory_space<vmem_shared>>
    tpu.enqueue_dma source(%dma_start3A_1114 : memref<80x128xf32, #tpu.memory_space<vmem_shared>>) target(%arg10 : memref<80x128xf32, #tpu.memory_space<vmem>>) target_semaphore(%arg15 : memref<!tpu.dma_semaphore, #tpu.memory_space<semaphore_mem>>)
    %mul3A_1115 = arith.constant 640 : i32
    %mul3A_1116 = arith.muli %arg1, %mul3A_1115 : i32
    %add3A_1117 = arith.constant 240 : i32
    %add3A_1118 = arith.addi %mul3A_1116, %add3A_1117 : i32
    %multiple_of3A_1119 = tpu.assume_multiple %add3A_1118, 8 : i32
    "tpu.region"() ({
      %run_scoped3A_1203 = tpu.sem_alloc : memref<!tpu.dma_semaphore, #tpu.memory_space<semaphore_mem>>
      %dma_start3A_1204 = arith.constant 0 : i32
      %dma_start3A_1205 = tpu.memref_slice %arg4[%arg0, %multiple_of3A_1119, %dma_start3A_1204] : memref<2x10240x128xf32, #tpu.memory_space<hbm>> -> memref<1x80x128xf32, #tpu.memory_space<hbm>>
      %dma_start3A_1206 = tpu.memref_squeeze %dma_start3A_1205 : memref<1x80x128xf32, #tpu.memory_space<hbm>> -> memref<80x128xf32, #tpu.memory_space<hbm>>
      %dma_start3A_1207 = arith.constant 0 : i32
      %dma_start3A_1208 = tpu.memref_slice %arg4[%arg0, %multiple_of3A_1119, %dma_start3A_1207] : memref<2x10240x128xf32, #tpu.memory_space<hbm>> -> memref<1x80x128xf32, #tpu.memory_space<hbm>>
      %dma_start3A_1209 = tpu.memref_squeeze %dma_start3A_1208 : memref<1x80x128xf32, #tpu.memory_space<hbm>> -> memref<80x128xf32, #tpu.memory_space<hbm>>
      tpu.enqueue_dma source(%arg11 : memref<80x128xf32, #tpu.memory_space<vmem>>) target(%dma_start3A_1209 : memref<80x128xf32, #tpu.memory_space<hbm>>) target_semaphore(%run_scoped3A_1203 : memref<!tpu.dma_semaphore, #tpu.memory_space<semaphore_mem>>)
      %dma_wait3A_1210 = arith.constant 0 : i32
      %dma_wait3A_1211 = tpu.memref_slice %arg4[%arg0, %multiple_of3A_1119, %dma_wait3A_1210] : memref<2x10240x128xf32, #tpu.memory_space<hbm>> -> memref<1x80x128xf32, #tpu.memory_space<hbm>>
      %dma_wait3A_1212 = tpu.memref_squeeze %dma_wait3A_1211 : memref<1x80x128xf32, #tpu.memory_space<hbm>> -> memref<80x128xf32, #tpu.memory_space<hbm>>
      %dma_wait3A_1213 = arith.constant 0 : i32
      %dma_wait3A_1214 = tpu.memref_slice %arg4[%arg0, %multiple_of3A_1119, %dma_wait3A_1213] : memref<2x10240x128xf32, #tpu.memory_space<hbm>> -> memref<1x80x128xf32, #tpu.memory_space<hbm>>
      %dma_wait3A_1215 = tpu.memref_squeeze %dma_wait3A_1214 : memref<1x80x128xf32, #tpu.memory_space<hbm>> -> memref<80x128xf32, #tpu.memory_space<hbm>>
      tpu.wait_dma2 semaphore(%run_scoped3A_1203 : memref<!tpu.dma_semaphore, #tpu.memory_space<semaphore_mem>>) src(%arg11 : memref<80x128xf32, #tpu.memory_space<vmem>>) dst(%dma_wait3A_1215 : memref<80x128xf32, #tpu.memory_space<hbm>>)
      tpu.yield
    }) : () -> ()
    %mul3A_1120 = arith.constant 640 : i32
    %mul3A_1121 = arith.muli %arg1, %mul3A_1120 : i32
    %add3A_1122 = arith.constant 320 : i32
    %add3A_1123 = arith.addi %mul3A_1121, %add3A_1122 : i32
    %multiple_of3A_1124 = tpu.assume_multiple %add3A_1123, 8 : i32
    %dma_wait3A_1125 = arith.constant 0 : i32
    %dma_wait3A_1126 = tpu.memref_slice %arg14[%multiple_of3A_1124, %dma_wait3A_1125] : memref<10248x128xf32, #tpu.memory_space<vmem_shared>> -> memref<80x128xf32, #tpu.memory_space<vmem_shared>>
    %dma_wait3A_1127 = arith.constant 0 : i32
    %dma_wait3A_1128 = tpu.memref_slice %arg14[%multiple_of3A_1124, %dma_wait3A_1127] : memref<10248x128xf32, #tpu.memory_space<vmem_shared>> -> memref<80x128xf32, #tpu.memory_space<vmem_shared>>
    tpu.wait_dma2 semaphore(%arg15 : memref<!tpu.dma_semaphore, #tpu.memory_space<semaphore_mem>>) src(%dma_wait3A_1128 : memref<80x128xf32, #tpu.memory_space<vmem_shared>>) dst(%arg10 : memref<80x128xf32, #tpu.memory_space<vmem>>)
    %mul3A_1129 = arith.constant 640 : i32
    %mul3A_1130 = arith.muli %arg1, %mul3A_1129 : i32
    %add3A_1131 = arith.constant 400 : i32
    %add3A_1132 = arith.addi %mul3A_1130, %add3A_1131 : i32
    %multiple_of3A_1133 = tpu.assume_multiple %add3A_1132, 8 : i32
    %dma_start3A_1134 = arith.constant 0 : i32
    %dma_start3A_1135 = tpu.memref_slice %arg14[%multiple_of3A_1133, %dma_start3A_1134] : memref<10248x128xf32, #tpu.memory_space<vmem_shared>> -> memref<80x128xf32, #tpu.memory_space<vmem_shared>>
    %dma_start3A_1136 = arith.constant 0 : i32
    %dma_start3A_1137 = tpu.memref_slice %arg14[%multiple_of3A_1133, %dma_start3A_1136] : memref<10248x128xf32, #tpu.memory_space<vmem_shared>> -> memref<80x128xf32, #tpu.memory_space<vmem_shared>>
    tpu.enqueue_dma source(%dma_start3A_1137 : memref<80x128xf32, #tpu.memory_space<vmem_shared>>) target(%arg11 : memref<80x128xf32, #tpu.memory_space<vmem>>) target_semaphore(%arg16 : memref<!tpu.dma_semaphore, #tpu.memory_space<semaphore_mem>>)
    %mul3A_1138 = arith.constant 640 : i32
    %mul3A_1139 = arith.muli %arg1, %mul3A_1138 : i32
    %add3A_1140 = arith.constant 320 : i32
    %add3A_1141 = arith.addi %mul3A_1139, %add3A_1140 : i32
    %multiple_of3A_1142 = tpu.assume_multiple %add3A_1141, 8 : i32
    "tpu.region"() ({
      %run_scoped3A_1203 = tpu.sem_alloc : memref<!tpu.dma_semaphore, #tpu.memory_space<semaphore_mem>>
      %dma_start3A_1204 = arith.constant 0 : i32
      %dma_start3A_1205 = tpu.memref_slice %arg4[%arg0, %multiple_of3A_1142, %dma_start3A_1204] : memref<2x10240x128xf32, #tpu.memory_space<hbm>> -> memref<1x80x128xf32, #tpu.memory_space<hbm>>
      %dma_start3A_1206 = tpu.memref_squeeze %dma_start3A_1205 : memref<1x80x128xf32, #tpu.memory_space<hbm>> -> memref<80x128xf32, #tpu.memory_space<hbm>>
      %dma_start3A_1207 = arith.constant 0 : i32
      %dma_start3A_1208 = tpu.memref_slice %arg4[%arg0, %multiple_of3A_1142, %dma_start3A_1207] : memref<2x10240x128xf32, #tpu.memory_space<hbm>> -> memref<1x80x128xf32, #tpu.memory_space<hbm>>
      %dma_start3A_1209 = tpu.memref_squeeze %dma_start3A_1208 : memref<1x80x128xf32, #tpu.memory_space<hbm>> -> memref<80x128xf32, #tpu.memory_space<hbm>>
      tpu.enqueue_dma source(%arg10 : memref<80x128xf32, #tpu.memory_space<vmem>>) target(%dma_start3A_1209 : memref<80x128xf32, #tpu.memory_space<hbm>>) target_semaphore(%run_scoped3A_1203 : memref<!tpu.dma_semaphore, #tpu.memory_space<semaphore_mem>>)
      %dma_wait3A_1210 = arith.constant 0 : i32
      %dma_wait3A_1211 = tpu.memref_slice %arg4[%arg0, %multiple_of3A_1142, %dma_wait3A_1210] : memref<2x10240x128xf32, #tpu.memory_space<hbm>> -> memref<1x80x128xf32, #tpu.memory_space<hbm>>
      %dma_wait3A_1212 = tpu.memref_squeeze %dma_wait3A_1211 : memref<1x80x128xf32, #tpu.memory_space<hbm>> -> memref<80x128xf32, #tpu.memory_space<hbm>>
      %dma_wait3A_1213 = arith.constant 0 : i32
      %dma_wait3A_1214 = tpu.memref_slice %arg4[%arg0, %multiple_of3A_1142, %dma_wait3A_1213] : memref<2x10240x128xf32, #tpu.memory_space<hbm>> -> memref<1x80x128xf32, #tpu.memory_space<hbm>>
      %dma_wait3A_1215 = tpu.memref_squeeze %dma_wait3A_1214 : memref<1x80x128xf32, #tpu.memory_space<hbm>> -> memref<80x128xf32, #tpu.memory_space<hbm>>
      tpu.wait_dma2 semaphore(%run_scoped3A_1203 : memref<!tpu.dma_semaphore, #tpu.memory_space<semaphore_mem>>) src(%arg10 : memref<80x128xf32, #tpu.memory_space<vmem>>) dst(%dma_wait3A_1215 : memref<80x128xf32, #tpu.memory_space<hbm>>)
      tpu.yield
    }) : () -> ()
    %mul3A_1143 = arith.constant 640 : i32
    %mul3A_1144 = arith.muli %arg1, %mul3A_1143 : i32
    %add3A_1145 = arith.constant 400 : i32
    %add3A_1146 = arith.addi %mul3A_1144, %add3A_1145 : i32
    %multiple_of3A_1147 = tpu.assume_multiple %add3A_1146, 8 : i32
    %dma_wait3A_1148 = arith.constant 0 : i32
    %dma_wait3A_1149 = tpu.memref_slice %arg14[%multiple_of3A_1147, %dma_wait3A_1148] : memref<10248x128xf32, #tpu.memory_space<vmem_shared>> -> memref<80x128xf32, #tpu.memory_space<vmem_shared>>
    %dma_wait3A_1150 = arith.constant 0 : i32
    %dma_wait3A_1151 = tpu.memref_slice %arg14[%multiple_of3A_1147, %dma_wait3A_1150] : memref<10248x128xf32, #tpu.memory_space<vmem_shared>> -> memref<80x128xf32, #tpu.memory_space<vmem_shared>>
    tpu.wait_dma2 semaphore(%arg16 : memref<!tpu.dma_semaphore, #tpu.memory_space<semaphore_mem>>) src(%dma_wait3A_1151 : memref<80x128xf32, #tpu.memory_space<vmem_shared>>) dst(%arg11 : memref<80x128xf32, #tpu.memory_space<vmem>>)
    %mul3A_1152 = arith.constant 640 : i32
    %mul3A_1153 = arith.muli %arg1, %mul3A_1152 : i32
    %add3A_1154 = arith.constant 480 : i32
    %add3A_1155 = arith.addi %mul3A_1153, %add3A_1154 : i32
    %multiple_of3A_1156 = tpu.assume_multiple %add3A_1155, 8 : i32
    %dma_start3A_1157 = arith.constant 0 : i32
    %dma_start3A_1158 = tpu.memref_slice %arg14[%multiple_of3A_1156, %dma_start3A_1157] : memref<10248x128xf32, #tpu.memory_space<vmem_shared>> -> memref<80x128xf32, #tpu.memory_space<vmem_shared>>
    %dma_start3A_1159 = arith.constant 0 : i32
    %dma_start3A_1160 = tpu.memref_slice %arg14[%multiple_of3A_1156, %dma_start3A_1159] : memref<10248x128xf32, #tpu.memory_space<vmem_shared>> -> memref<80x128xf32, #tpu.memory_space<vmem_shared>>
    tpu.enqueue_dma source(%dma_start3A_1160 : memref<80x128xf32, #tpu.memory_space<vmem_shared>>) target(%arg10 : memref<80x128xf32, #tpu.memory_space<vmem>>) target_semaphore(%arg15 : memref<!tpu.dma_semaphore, #tpu.memory_space<semaphore_mem>>)
    %mul3A_1161 = arith.constant 640 : i32
    %mul3A_1162 = arith.muli %arg1, %mul3A_1161 : i32
    %add3A_1163 = arith.constant 400 : i32
    %add3A_1164 = arith.addi %mul3A_1162, %add3A_1163 : i32
    %multiple_of3A_1165 = tpu.assume_multiple %add3A_1164, 8 : i32
    "tpu.region"() ({
      %run_scoped3A_1203 = tpu.sem_alloc : memref<!tpu.dma_semaphore, #tpu.memory_space<semaphore_mem>>
      %dma_start3A_1204 = arith.constant 0 : i32
      %dma_start3A_1205 = tpu.memref_slice %arg4[%arg0, %multiple_of3A_1165, %dma_start3A_1204] : memref<2x10240x128xf32, #tpu.memory_space<hbm>> -> memref<1x80x128xf32, #tpu.memory_space<hbm>>
      %dma_start3A_1206 = tpu.memref_squeeze %dma_start3A_1205 : memref<1x80x128xf32, #tpu.memory_space<hbm>> -> memref<80x128xf32, #tpu.memory_space<hbm>>
      %dma_start3A_1207 = arith.constant 0 : i32
      %dma_start3A_1208 = tpu.memref_slice %arg4[%arg0, %multiple_of3A_1165, %dma_start3A_1207] : memref<2x10240x128xf32, #tpu.memory_space<hbm>> -> memref<1x80x128xf32, #tpu.memory_space<hbm>>
      %dma_start3A_1209 = tpu.memref_squeeze %dma_start3A_1208 : memref<1x80x128xf32, #tpu.memory_space<hbm>> -> memref<80x128xf32, #tpu.memory_space<hbm>>
      tpu.enqueue_dma source(%arg11 : memref<80x128xf32, #tpu.memory_space<vmem>>) target(%dma_start3A_1209 : memref<80x128xf32, #tpu.memory_space<hbm>>) target_semaphore(%run_scoped3A_1203 : memref<!tpu.dma_semaphore, #tpu.memory_space<semaphore_mem>>)
      %dma_wait3A_1210 = arith.constant 0 : i32
      %dma_wait3A_1211 = tpu.memref_slice %arg4[%arg0, %multiple_of3A_1165, %dma_wait3A_1210] : memref<2x10240x128xf32, #tpu.memory_space<hbm>> -> memref<1x80x128xf32, #tpu.memory_space<hbm>>
      %dma_wait3A_1212 = tpu.memref_squeeze %dma_wait3A_1211 : memref<1x80x128xf32, #tpu.memory_space<hbm>> -> memref<80x128xf32, #tpu.memory_space<hbm>>
      %dma_wait3A_1213 = arith.constant 0 : i32
      %dma_wait3A_1214 = tpu.memref_slice %arg4[%arg0, %multiple_of3A_1165, %dma_wait3A_1213] : memref<2x10240x128xf32, #tpu.memory_space<hbm>> -> memref<1x80x128xf32, #tpu.memory_space<hbm>>
      %dma_wait3A_1215 = tpu.memref_squeeze %dma_wait3A_1214 : memref<1x80x128xf32, #tpu.memory_space<hbm>> -> memref<80x128xf32, #tpu.memory_space<hbm>>
      tpu.wait_dma2 semaphore(%run_scoped3A_1203 : memref<!tpu.dma_semaphore, #tpu.memory_space<semaphore_mem>>) src(%arg11 : memref<80x128xf32, #tpu.memory_space<vmem>>) dst(%dma_wait3A_1215 : memref<80x128xf32, #tpu.memory_space<hbm>>)
      tpu.yield
    }) : () -> ()
    %mul3A_1166 = arith.constant 640 : i32
    %mul3A_1167 = arith.muli %arg1, %mul3A_1166 : i32
    %add3A_1168 = arith.constant 480 : i32
    %add3A_1169 = arith.addi %mul3A_1167, %add3A_1168 : i32
    %multiple_of3A_1170 = tpu.assume_multiple %add3A_1169, 8 : i32
    %dma_wait3A_1171 = arith.constant 0 : i32
    %dma_wait3A_1172 = tpu.memref_slice %arg14[%multiple_of3A_1170, %dma_wait3A_1171] : memref<10248x128xf32, #tpu.memory_space<vmem_shared>> -> memref<80x128xf32, #tpu.memory_space<vmem_shared>>
    %dma_wait3A_1173 = arith.constant 0 : i32
    %dma_wait3A_1174 = tpu.memref_slice %arg14[%multiple_of3A_1170, %dma_wait3A_1173] : memref<10248x128xf32, #tpu.memory_space<vmem_shared>> -> memref<80x128xf32, #tpu.memory_space<vmem_shared>>
    tpu.wait_dma2 semaphore(%arg15 : memref<!tpu.dma_semaphore, #tpu.memory_space<semaphore_mem>>) src(%dma_wait3A_1174 : memref<80x128xf32, #tpu.memory_space<vmem_shared>>) dst(%arg10 : memref<80x128xf32, #tpu.memory_space<vmem>>)
    %mul3A_1175 = arith.constant 640 : i32
    %mul3A_1176 = arith.muli %arg1, %mul3A_1175 : i32
    %add3A_1177 = arith.constant 560 : i32
    %add3A_1178 = arith.addi %mul3A_1176, %add3A_1177 : i32
    %multiple_of3A_1179 = tpu.assume_multiple %add3A_1178, 8 : i32
    %dma_start3A_1180 = arith.constant 0 : i32
    %dma_start3A_1181 = tpu.memref_slice %arg14[%multiple_of3A_1179, %dma_start3A_1180] : memref<10248x128xf32, #tpu.memory_space<vmem_shared>> -> memref<80x128xf32, #tpu.memory_space<vmem_shared>>
    %dma_start3A_1182 = arith.constant 0 : i32
    %dma_start3A_1183 = tpu.memref_slice %arg14[%multiple_of3A_1179, %dma_start3A_1182] : memref<10248x128xf32, #tpu.memory_space<vmem_shared>> -> memref<80x128xf32, #tpu.memory_space<vmem_shared>>
    tpu.enqueue_dma source(%dma_start3A_1183 : memref<80x128xf32, #tpu.memory_space<vmem_shared>>) target(%arg11 : memref<80x128xf32, #tpu.memory_space<vmem>>) target_semaphore(%arg16 : memref<!tpu.dma_semaphore, #tpu.memory_space<semaphore_mem>>)
    %mul3A_1184 = arith.constant 640 : i32
    %mul3A_1185 = arith.muli %arg1, %mul3A_1184 : i32
    %add3A_1186 = arith.constant 480 : i32
    %add3A_1187 = arith.addi %mul3A_1185, %add3A_1186 : i32
    %multiple_of3A_1188 = tpu.assume_multiple %add3A_1187, 8 : i32
    "tpu.region"() ({
      %run_scoped3A_1203 = tpu.sem_alloc : memref<!tpu.dma_semaphore, #tpu.memory_space<semaphore_mem>>
      %dma_start3A_1204 = arith.constant 0 : i32
      %dma_start3A_1205 = tpu.memref_slice %arg4[%arg0, %multiple_of3A_1188, %dma_start3A_1204] : memref<2x10240x128xf32, #tpu.memory_space<hbm>> -> memref<1x80x128xf32, #tpu.memory_space<hbm>>
      %dma_start3A_1206 = tpu.memref_squeeze %dma_start3A_1205 : memref<1x80x128xf32, #tpu.memory_space<hbm>> -> memref<80x128xf32, #tpu.memory_space<hbm>>
      %dma_start3A_1207 = arith.constant 0 : i32
      %dma_start3A_1208 = tpu.memref_slice %arg4[%arg0, %multiple_of3A_1188, %dma_start3A_1207] : memref<2x10240x128xf32, #tpu.memory_space<hbm>> -> memref<1x80x128xf32, #tpu.memory_space<hbm>>
      %dma_start3A_1209 = tpu.memref_squeeze %dma_start3A_1208 : memref<1x80x128xf32, #tpu.memory_space<hbm>> -> memref<80x128xf32, #tpu.memory_space<hbm>>
      tpu.enqueue_dma source(%arg10 : memref<80x128xf32, #tpu.memory_space<vmem>>) target(%dma_start3A_1209 : memref<80x128xf32, #tpu.memory_space<hbm>>) target_semaphore(%run_scoped3A_1203 : memref<!tpu.dma_semaphore, #tpu.memory_space<semaphore_mem>>)
      %dma_wait3A_1210 = arith.constant 0 : i32
      %dma_wait3A_1211 = tpu.memref_slice %arg4[%arg0, %multiple_of3A_1188, %dma_wait3A_1210] : memref<2x10240x128xf32, #tpu.memory_space<hbm>> -> memref<1x80x128xf32, #tpu.memory_space<hbm>>
      %dma_wait3A_1212 = tpu.memref_squeeze %dma_wait3A_1211 : memref<1x80x128xf32, #tpu.memory_space<hbm>> -> memref<80x128xf32, #tpu.memory_space<hbm>>
      %dma_wait3A_1213 = arith.constant 0 : i32
      %dma_wait3A_1214 = tpu.memref_slice %arg4[%arg0, %multiple_of3A_1188, %dma_wait3A_1213] : memref<2x10240x128xf32, #tpu.memory_space<hbm>> -> memref<1x80x128xf32, #tpu.memory_space<hbm>>
      %dma_wait3A_1215 = tpu.memref_squeeze %dma_wait3A_1214 : memref<1x80x128xf32, #tpu.memory_space<hbm>> -> memref<80x128xf32, #tpu.memory_space<hbm>>
      tpu.wait_dma2 semaphore(%run_scoped3A_1203 : memref<!tpu.dma_semaphore, #tpu.memory_space<semaphore_mem>>) src(%arg10 : memref<80x128xf32, #tpu.memory_space<vmem>>) dst(%dma_wait3A_1215 : memref<80x128xf32, #tpu.memory_space<hbm>>)
      tpu.yield
    }) : () -> ()
    %mul3A_1189 = arith.constant 640 : i32
    %mul3A_1190 = arith.muli %arg1, %mul3A_1189 : i32
    %add3A_1191 = arith.constant 560 : i32
    %add3A_1192 = arith.addi %mul3A_1190, %add3A_1191 : i32
    %multiple_of3A_1193 = tpu.assume_multiple %add3A_1192, 8 : i32
    %dma_wait3A_1194 = arith.constant 0 : i32
    %dma_wait3A_1195 = tpu.memref_slice %arg14[%multiple_of3A_1193, %dma_wait3A_1194] : memref<10248x128xf32, #tpu.memory_space<vmem_shared>> -> memref<80x128xf32, #tpu.memory_space<vmem_shared>>
    %dma_wait3A_1196 = arith.constant 0 : i32
    %dma_wait3A_1197 = tpu.memref_slice %arg14[%multiple_of3A_1193, %dma_wait3A_1196] : memref<10248x128xf32, #tpu.memory_space<vmem_shared>> -> memref<80x128xf32, #tpu.memory_space<vmem_shared>>
    tpu.wait_dma2 semaphore(%arg16 : memref<!tpu.dma_semaphore, #tpu.memory_space<semaphore_mem>>) src(%dma_wait3A_1197 : memref<80x128xf32, #tpu.memory_space<vmem_shared>>) dst(%arg11 : memref<80x128xf32, #tpu.memory_space<vmem>>)
    %mul3A_1198 = arith.constant 640 : i32
    %mul3A_1199 = arith.muli %arg1, %mul3A_1198 : i32
    %add3A_1200 = arith.constant 560 : i32
    %add3A_1201 = arith.addi %mul3A_1199, %add3A_1200 : i32
    %multiple_of3A_1202 = tpu.assume_multiple %add3A_1201, 8 : i32
    "tpu.region"() ({
      %run_scoped3A_1203 = tpu.sem_alloc : memref<!tpu.dma_semaphore, #tpu.memory_space<semaphore_mem>>
      %dma_start3A_1204 = arith.constant 0 : i32
      %dma_start3A_1205 = tpu.memref_slice %arg4[%arg0, %multiple_of3A_1202, %dma_start3A_1204] : memref<2x10240x128xf32, #tpu.memory_space<hbm>> -> memref<1x80x128xf32, #tpu.memory_space<hbm>>
      %dma_start3A_1206 = tpu.memref_squeeze %dma_start3A_1205 : memref<1x80x128xf32, #tpu.memory_space<hbm>> -> memref<80x128xf32, #tpu.memory_space<hbm>>
      %dma_start3A_1207 = arith.constant 0 : i32
      %dma_start3A_1208 = tpu.memref_slice %arg4[%arg0, %multiple_of3A_1202, %dma_start3A_1207] : memref<2x10240x128xf32, #tpu.memory_space<hbm>> -> memref<1x80x128xf32, #tpu.memory_space<hbm>>
      %dma_start3A_1209 = tpu.memref_squeeze %dma_start3A_1208 : memref<1x80x128xf32, #tpu.memory_space<hbm>> -> memref<80x128xf32, #tpu.memory_space<hbm>>
      tpu.enqueue_dma source(%arg11 : memref<80x128xf32, #tpu.memory_space<vmem>>) target(%dma_start3A_1209 : memref<80x128xf32, #tpu.memory_space<hbm>>) target_semaphore(%run_scoped3A_1203 : memref<!tpu.dma_semaphore, #tpu.memory_space<semaphore_mem>>)
      %dma_wait3A_1210 = arith.constant 0 : i32
      %dma_wait3A_1211 = tpu.memref_slice %arg4[%arg0, %multiple_of3A_1202, %dma_wait3A_1210] : memref<2x10240x128xf32, #tpu.memory_space<hbm>> -> memref<1x80x128xf32, #tpu.memory_space<hbm>>
      %dma_wait3A_1212 = tpu.memref_squeeze %dma_wait3A_1211 : memref<1x80x128xf32, #tpu.memory_space<hbm>> -> memref<80x128xf32, #tpu.memory_space<hbm>>
      %dma_wait3A_1213 = arith.constant 0 : i32
      %dma_wait3A_1214 = tpu.memref_slice %arg4[%arg0, %multiple_of3A_1202, %dma_wait3A_1213] : memref<2x10240x128xf32, #tpu.memory_space<hbm>> -> memref<1x80x128xf32, #tpu.memory_space<hbm>>
      %dma_wait3A_1215 = tpu.memref_squeeze %dma_wait3A_1214 : memref<1x80x128xf32, #tpu.memory_space<hbm>> -> memref<80x128xf32, #tpu.memory_space<hbm>>
      tpu.wait_dma2 semaphore(%run_scoped3A_1203 : memref<!tpu.dma_semaphore, #tpu.memory_space<semaphore_mem>>) src(%arg11 : memref<80x128xf32, #tpu.memory_space<vmem>>) dst(%dma_wait3A_1215 : memref<80x128xf32, #tpu.memory_space<hbm>>)
      tpu.yield
    }) : () -> ()
    "tpu.region"() ({
      %run_scoped3A_1203 = tpu.sem_alloc : memref<!tpu.dma_semaphore, #tpu.memory_space<semaphore_mem>>
      %dma_start3A_1204 = arith.constant 0 : i32
      %dma_start3A_1205 = tpu.memref_slice %arg13[%dma_start3A_1204] : memref<10256xf32, #tpu.memory_space<vmem>> -> memref<10240xf32, #tpu.memory_space<vmem>>
      %dma_start3A_1206 = arith.constant 0 : i32
      %dma_start3A_1207 = tpu.memref_slice %arg5[%add3A, %dma_start3A_1206] : memref<32x10240xf32, #tpu.memory_space<hbm>> -> memref<1x10240xf32, #tpu.memory_space<hbm>>
      %dma_start3A_1208 = tpu.memref_squeeze %dma_start3A_1207 : memref<1x10240xf32, #tpu.memory_space<hbm>> -> memref<10240xf32, #tpu.memory_space<hbm>>
      %dma_start3A_1209 = arith.constant 0 : i32
      %dma_start3A_1210 = tpu.memref_slice %arg5[%add3A, %dma_start3A_1209] : memref<32x10240xf32, #tpu.memory_space<hbm>> -> memref<1x10240xf32, #tpu.memory_space<hbm>>
      %dma_start3A_1211 = tpu.memref_squeeze %dma_start3A_1210 : memref<1x10240xf32, #tpu.memory_space<hbm>> -> memref<10240xf32, #tpu.memory_space<hbm>>
      %dma_start3A_1212 = arith.constant 0 : i32
      %dma_start3A_1213 = tpu.memref_slice %arg13[%dma_start3A_1212] : memref<10256xf32, #tpu.memory_space<vmem>> -> memref<10240xf32, #tpu.memory_space<vmem>>
      tpu.enqueue_dma source(%dma_start3A_1213 : memref<10240xf32, #tpu.memory_space<vmem>>) target(%dma_start3A_1211 : memref<10240xf32, #tpu.memory_space<hbm>>) target_semaphore(%run_scoped3A_1203 : memref<!tpu.dma_semaphore, #tpu.memory_space<semaphore_mem>>)
      %dma_wait3A_1214 = arith.constant 0 : i32
      %dma_wait3A_1215 = tpu.memref_slice %arg13[%dma_wait3A_1214] : memref<10256xf32, #tpu.memory_space<vmem>> -> memref<10240xf32, #tpu.memory_space<vmem>>
      %dma_wait3A_1216 = arith.constant 0 : i32
      %dma_wait3A_1217 = tpu.memref_slice %arg5[%add3A, %dma_wait3A_1216] : memref<32x10240xf32, #tpu.memory_space<hbm>> -> memref<1x10240xf32, #tpu.memory_space<hbm>>
      %dma_wait3A_1218 = tpu.memref_squeeze %dma_wait3A_1217 : memref<1x10240xf32, #tpu.memory_space<hbm>> -> memref<10240xf32, #tpu.memory_space<hbm>>
      %dma_wait3A_1219 = arith.constant 0 : i32
      %dma_wait3A_1220 = tpu.memref_slice %arg5[%add3A, %dma_wait3A_1219] : memref<32x10240xf32, #tpu.memory_space<hbm>> -> memref<1x10240xf32, #tpu.memory_space<hbm>>
      %dma_wait3A_1221 = tpu.memref_squeeze %dma_wait3A_1220 : memref<1x10240xf32, #tpu.memory_space<hbm>> -> memref<10240xf32, #tpu.memory_space<hbm>>
      %dma_wait3A_1222 = arith.constant 0 : i32
      %dma_wait3A_1223 = tpu.memref_slice %arg13[%dma_wait3A_1222] : memref<10256xf32, #tpu.memory_space<vmem>> -> memref<10240xf32, #tpu.memory_space<vmem>>
      tpu.wait_dma2 semaphore(%run_scoped3A_1203 : memref<!tpu.dma_semaphore, #tpu.memory_space<semaphore_mem>>) src(%dma_wait3A_1223 : memref<10240xf32, #tpu.memory_space<vmem>>) dst(%dma_wait3A_1221 : memref<10240xf32, #tpu.memory_space<hbm>>)
      tpu.yield
    }) : () -> ()
    return
  }
}

module attributes {stable_mosaic.version = 14 : i64} {
  func.func @_layer_body(%arg0: i32, %arg1: memref<2x2048x128xf32, #tpu.memory_space<vmem>>, %arg2: memref<32x2048xf32, #tpu.memory_space<vmem>>, %arg3: memref<2048x128xf32, #tpu.memory_space<vmem>>, %arg4: memref<128x128xf32, #tpu.memory_space<vmem>>, %arg5: memref<128x128xf32, #tpu.memory_space<vmem>>, %arg6: memref<1x128xf32, #tpu.memory_space<vmem>>, %arg7: memref<1x128xf32, #tpu.memory_space<vmem>>, %arg8: memref<2048x128xf32, #tpu.memory_space<vmem>>) attributes {dimension_semantics = [#tpu.dimension_semantics<arbitrary>], iteration_bounds = array<i64: 5>, scalar_prefetch = 0 : i64, scratch_operands = 0 : i64, tpu.core_type = #tpu.core_type<tc>, window_params = [{transform_indices = @transform_0, window_bounds = array<i64: 2, 2048, 128>}, {transform_indices = @transform_1, window_bounds = array<i64: 32, 2048>}, {transform_indices = @transform_2, window_bounds = array<i64: 2048, 128>}, {pipeline_mode = #tpu.pipeline_mode<synchronous>, transform_indices = @transform_3, window_bounds = array<i64: 128, 128>}, {pipeline_mode = #tpu.pipeline_mode<synchronous>, transform_indices = @transform_4, window_bounds = array<i64: 128, 128>}, {pipeline_mode = #tpu.pipeline_mode<synchronous>, transform_indices = @transform_5, window_bounds = array<i64: 1, 128>}, {pipeline_mode = #tpu.pipeline_mode<synchronous>, transform_indices = @transform_6, window_bounds = array<i64: 1, 128>}, {transform_indices = @transform_7, window_bounds = array<i64: 2048, 128>}]} {
    %get3A = arith.constant 0 : index
    %get3A_0 = arith.constant 0 : index
    %get3A_1 = arith.constant 0 : index
    %get3A_2 = vector.load %arg1[%get3A, %get3A_0, %get3A_1] : memref<2x2048x128xf32, #tpu.memory_space<vmem>>, vector<1x2048x128xf32>
    %get3A_3 = vector.shape_cast %get3A_2 : vector<1x2048x128xf32> to vector<2048x128xf32>
    %get3A_4 = arith.constant 1 : index
    %get3A_5 = arith.constant 0 : index
    %get3A_6 = arith.constant 0 : index
    %get3A_7 = vector.load %arg1[%get3A_4, %get3A_5, %get3A_6] : memref<2x2048x128xf32, #tpu.memory_space<vmem>>, vector<1x2048x128xf32>
    %get3A_8 = vector.shape_cast %get3A_7 : vector<1x2048x128xf32> to vector<2048x128xf32>
    %add3A = arith.addf %get3A_3, %get3A_8 : vector<2048x128xf32>
    %get3A_9 = arith.constant 0 : index
    %get3A_10 = arith.constant 0 : index
    %get3A_11 = vector.load %arg2[%get3A_9, %get3A_10] : memref<32x2048xf32, #tpu.memory_space<vmem>>, vector<32x2048xf32>
    %broadcast_in_dim3A = arith.constant 1.000000e+00 : f32
    %broadcast_in_dim3A_12 = vector.broadcast %broadcast_in_dim3A : f32 to vector<32x1xf32>
    %dot_general3A = arith.constant dense<0.000000e+00> : vector<2048x1xf32>
    %dot_general3A_13 = tpu.matmul %get3A_11, %broadcast_in_dim3A_12, %dot_general3A {dimension_numbers = #tpu.dot_dimension_numbers<[0], [0], [1], [1], [0, 1, 1, 1], [], []>, precision = #tpu.contract_precision<fp32>, transpose_lhs_hint = false} : vector<32x2048xf32>, vector<32x1xf32>, vector<2048x1xf32> -> vector<2048x1xf32>
    %max3A = arith.constant 1.000000e+00 : f32
    %max3A_14 = vector.broadcast %max3A : f32 to vector<2048x1xf32>
    %max3A_15 = arith.maximumf %dot_general3A_13, %max3A_14 : vector<2048x1xf32>
    %div3A = vector.broadcast %max3A_15 : vector<2048x1xf32> to vector<2048x128xf32>
    %div3A_16 = arith.divf %add3A, %div3A : vector<2048x128xf32>
    %get3A_17 = arith.constant 0 : index
    %get3A_18 = arith.constant 0 : index
    %get3A_19 = vector.load %arg4[%get3A_17, %get3A_18] : memref<128x128xf32, #tpu.memory_space<vmem>>, vector<128x128xf32>
    %dot_general3A_20 = arith.constant dense<0.000000e+00> : vector<2048x128xf32>
    %dot_general3A_21 = tpu.matmul %div3A_16, %get3A_19, %dot_general3A_20 {dimension_numbers = #tpu.dot_dimension_numbers<[1], [0], [0], [1], [0, 0, 1, 1], [], []>, transpose_lhs_hint = false} : vector<2048x128xf32>, vector<128x128xf32>, vector<2048x128xf32> -> vector<2048x128xf32>
    %get3A_22 = arith.constant 0 : index
    %get3A_23 = arith.constant 0 : index
    %get3A_24 = vector.load %arg3[%get3A_22, %get3A_23] : memref<2048x128xf32, #tpu.memory_space<vmem>>, vector<2048x128xf32>
    %get3A_25 = arith.constant 0 : index
    %get3A_26 = arith.constant 0 : index
    %get3A_27 = vector.load %arg5[%get3A_25, %get3A_26] : memref<128x128xf32, #tpu.memory_space<vmem>>, vector<128x128xf32>
    %dot_general3A_28 = arith.constant dense<0.000000e+00> : vector<2048x128xf32>
    %dot_general3A_29 = tpu.matmul %get3A_24, %get3A_27, %dot_general3A_28 {dimension_numbers = #tpu.dot_dimension_numbers<[1], [0], [0], [1], [0, 0, 1, 1], [], []>, transpose_lhs_hint = false} : vector<2048x128xf32>, vector<128x128xf32>, vector<2048x128xf32> -> vector<2048x128xf32>
    %add3A_30 = arith.addf %dot_general3A_21, %dot_general3A_29 : vector<2048x128xf32>
    %get3A_31 = arith.constant 0 : index
    %get3A_32 = arith.constant 0 : index
    %get3A_33 = vector.load %arg6[%get3A_31, %get3A_32] : memref<1x128xf32, #tpu.memory_space<vmem>>, vector<1x128xf32>
    %add3A_34 = vector.broadcast %get3A_33 : vector<1x128xf32> to vector<2048x128xf32>
    %add3A_35 = arith.addf %add3A_30, %add3A_34 : vector<2048x128xf32>
    %get3A_36 = arith.constant 0 : index
    %get3A_37 = arith.constant 0 : index
    %get3A_38 = vector.load %arg7[%get3A_36, %get3A_37] : memref<1x128xf32, #tpu.memory_space<vmem>>, vector<1x128xf32>
    %mul3A = vector.broadcast %get3A_38 : vector<1x128xf32> to vector<2048x128xf32>
    %mul3A_39 = arith.mulf %add3A_35, %mul3A : vector<2048x128xf32>
    %max3A_40 = arith.maximumf %add3A_35, %mul3A_39 : vector<2048x128xf32>
    %swap3A = arith.constant 0 : index
    %swap3A_41 = arith.constant 0 : index
    %swap3A_42 = vector.load %arg8[%swap3A, %swap3A_41] : memref<2048x128xf32, #tpu.memory_space<vmem>>, vector<2048x128xf32>
    tpu.vector_store %arg8[%swap3A, %swap3A_41], %max3A_40 {strides = array<i32>} : memref<2048x128xf32, #tpu.memory_space<vmem>>, vector<2048x128xf32>,
    return
  }
  func.func @transform_0(%arg0: i32) -> (i32, i32, i32) {
    %c0_i32 = arith.constant 0 : i32
    %c0_i32_0 = arith.constant 0 : i32
    %c0_i32_1 = arith.constant 0 : i32
    return %c0_i32, %arg0, %c0_i32_0 : i32, i32, i32
  }
  func.func @transform_1(%arg0: i32) -> (i32, i32) {
    %c0_i32 = arith.constant 0 : i32
    %c0_i32_0 = arith.constant 0 : i32
    return %c0_i32, %arg0 : i32, i32
  }
  func.func @transform_2(%arg0: i32) -> (i32, i32) {
    %c0_i32 = arith.constant 0 : i32
    %c0_i32_0 = arith.constant 0 : i32
    return %arg0, %c0_i32 : i32, i32
  }
  func.func @transform_3(%arg0: i32) -> (i32, i32) {
    %c0_i32 = arith.constant 0 : i32
    %c0_i32_0 = arith.constant 0 : i32
    %c0_i32_1 = arith.constant 0 : i32
    return %c0_i32, %c0_i32_0 : i32, i32
  }
  func.func @transform_4(%arg0: i32) -> (i32, i32) {
    %c0_i32 = arith.constant 0 : i32
    %c0_i32_0 = arith.constant 0 : i32
    %c0_i32_1 = arith.constant 0 : i32
    return %c0_i32, %c0_i32_0 : i32, i32
  }
  func.func @transform_5(%arg0: i32) -> (i32, i32) {
    %c0_i32 = arith.constant 0 : i32
    %c0_i32_0 = arith.constant 0 : i32
    %c0_i32_1 = arith.constant 0 : i32
    return %c0_i32, %c0_i32_0 : i32, i32
  }
  func.func @transform_6(%arg0: i32) -> (i32, i32) {
    %c0_i32 = arith.constant 0 : i32
    %c0_i32_0 = arith.constant 0 : i32
    %c0_i32_1 = arith.constant 0 : i32
    return %c0_i32, %c0_i32_0 : i32, i32
  }
  func.func @transform_7(%arg0: i32) -> (i32, i32) {
    %c0_i32 = arith.constant 0 : i32
    %c0_i32_0 = arith.constant 0 : i32
    return %arg0, %c0_i32 : i32, i32
  }
}

</mosaic_0001>

<sc_bundles>
// kernel: closed_call.11.cloned.1.call-start
scs
__scs_entry_jumppad:
0x0: {  	(pc) =	sbr.rel $0x88, $3  }
0x1: {  	(tag) =	ssettag $0x0;
	lr =	simm.s32 $0x1  }
0x2: {  	[smem:$0x3F99] =	sst lr;
	_ =	strace $0xD0000000  }
0x3: {  	_ = 	snop  }
0x4: {  	_ = 	snop  }
0x5: {  	_ = 	snop  }
0x6: {  	_ = 	snop  }
0x7: {  	_ = 	snop  }
__scs_overlays_trampoline_lowered:
0x8: {  	[smem:$0x3FA8] =	sst s0  }
0x9: {  	[smem:$0x3FA9] =	sst s1  }
0xa: {  	[smem:$0x3FAA] =	sst s2  }
0xb: {  	[smem:$0x3FAB] =	sst s3  }
0xc: {  	[smem:$0x3FAC] =	sst s4  }
0xd: {  	[smem:$0x3FAD] =	sst s5  }
0xe: {  	[smem:$0x3FAE] =	sst s6  }
0xf: {  	[smem:$0x3FAF] =	sst s7  }
0x10: {  	[smem:$0x3FB0] =	sst s8  }
0x11: {  	[smem:$0x3FB1] =	sst s9;
	s0 =	simm.s32 @!p0 $0x0  }
0x12: {  	s1 =	sld [smem:$0x3F97];
	s0 =	simm.s32 @p0 $0x1  }
0x13: {  	[smem:$0x3FB2] =	sst s0;
	s0 =	simm.s32 @!p1 $0x0  }
0x14: {  	s2 =	sld [smem:$0x3F96];
	s0 =	simm.s32 @p1 $0x1  }
0x15: {  	[smem:$0x3FB3] =	sst s0;
	s0 =	simm.s32 @!p2 $0x0  }
0x16: {  	s3 =	sld [smem:$0x3FDB];
	s0 =	simm.s32 @p2 $0x1  }
0x17: {  	s4 =	simm.s32 $0x1BF5;
	[smem:$0x3FB5] =	sst s0  }
0x18: {  	s0 =	sld [smem:$0x3F98];
	_ =	swait.ge [sflag:s4], $0x0  }
0x19: {  	s7 =	sld [smem:$0x3F99]  }
0x1a: {  	s8 =	sadd.s32 $0xFFFFE003, lr  }
0x1b: {  	s9 =	sadd.s32 $0xFFFFFEF7, lr;
	s5 =	simm.s32 $0xFFFFFFFF;
	p2 =	slt.u32 s8, $0xFFFFF086  }
0x1c: {  	p1 =	slt.u32 s9, $0xF7A;
	s5 =	simm.s32 @!p2 $0x0  }
0x1d: {  	s5 =	simm.s32 @p1 $0x1;
	p0 =	seq.s32 s7, s2  }
0x1e: {  	s7 =	smul.u32 @!p0 $0xF7A, s2;
	p2 =	seq.s32 @!p0 s5, $0x0  }
0x1f: {  	s9 =	smul.u32 $0xF7A, s1;
	s8 =	simm.s32 @!p0 $0x1BF5;
	p2 =	por !p2, p0  }
0x20: {  	[sflag:s8] =	ssyncset.s32 @!p0 $0xFFFFF086;
	s6 =	sadd.s32 @!p0 s3, s7;
	s7 =	simm.s32 @!p0 $0x108  }
0x21: {  	s3 =	sadd.s32 s3, s9;
	s6 =	sadd.s32 @!p0 $0x88, s6;
	s7 =	simm.s32 @p2 $0x1082  }
0x22: {  	[simem:s7], [sflag:s8] =	dma.local @!p0 [hbm:s6], $0xF7A  }
0x23: {  	s9 =	sor.u32 $0xD0000000, s2;
	s6 =	simm.s32 $0x108;
	_ =	swait.ge @!p0 [sflag:s8], $0x0  }
0x24: {  	s3 =	sadd.s32 $0x88, s3;
	s6 =	simm.s32 @!p1 $0x1082;
	[sflag:s4] =	ssyncset.s32 $0xFFFFF086  }
0x25: {  	[simem:s6], [sflag:s4] =	dma.local [hbm:s3], $0xF7A  }
0x26: {  	[smem:$0x3F99] =	sst s1;
	(tag) =	ssettag s2;
	_ =	strace s9  }
0x27: {  	s1 =	sld [smem:$0x3FA9]  }
0x28: {  	s2 =	sld [smem:$0x3FAA]  }
0x29: {  	s4 =	sld [smem:$0x3FAC]  }
0x2a: {  	p0 =	seq.s32 s5, $0x0;
	s5 =	sld [smem:$0x3FAD]  }
0x2b: {  	s6 =	sld [smem:$0x3FAE]  }
0x2c: {  	s7 =	sld [smem:$0x3FAF]  }
0x2d: {  	s3 =	simm.s32 $0x108;
	s8 =	sld [smem:$0x3FB0]  }
0x2e: {  	s3 =	simm.s32 @!p0 $0x1082;
	s9 =	sld [smem:$0x3FB1]  }
0x2f: {  	lr =	sadd.s32 s0, s3;
	s0 =	sld [smem:$0x3FA8]  }
0x30: {  	s3 =	sld [smem:$0x3FAB]  }
0x31: {  	[smem:$0x3FB4] =	sst s10  }
0x32: {  	s10 =	sld [smem:$0x3FB2];
	_ =	sdelay $0x3  }
0x33: {  	p0 =	seq.s32 s10, $0x1;
	s10 =	sld [smem:$0x3FB4];
	_ =	sdelay $0x3  }
0x34: {  	[smem:$0x3FB4] =	sst s10  }
0x35: {  	s10 =	sld [smem:$0x3FB3];
	_ =	sdelay $0x3  }
0x36: {  	p1 =	seq.s32 s10, $0x1;
	s10 =	sld [smem:$0x3FB4];
	_ =	sdelay $0x3  }
0x37: {  	[smem:$0x3FB4] =	sst s10  }
0x38: {  	s10 =	sld [smem:$0x3FB5]  }
0x39: {  	_ = 	snop;
	(pc) =	sbr.ind lr, $3  }
0x3a: {  	_ = 	snop  }
0x3b: {  	_ = 	snop  }
0x3c: {  	p2 =	seq.s32 s10, $0x1;
	s10 =	sld [smem:$0x3FB4]  }
0x3d: {  	_ =	shalt  }
0x3e: {  	_ =	shalt  }
0x3f: {  	_ =	shalt  }
0x40: {  	_ =	shalt  }
0x41: {  	_ =	shalt  }
0x42: {  	_ =	shalt  }
0x43: {  	_ =	shalt  }
0x44: {  	_ =	shalt  }
0x45: {  	_ =	shalt  }
0x46: {  	_ =	shalt  }
0x47: {  	_ =	shalt  }
0x48: {  	_ =	shalt  }
0x49: {  	_ =	shalt  }
0x4a: {  	_ =	shalt  }
0x4b: {  	_ =	shalt  }
0x4c: {  	_ =	shalt  }
0x4d: {  	_ =	shalt  }
0x4e: {  	_ =	shalt  }
0x4f: {  	_ =	shalt  }
0x50: {  	_ =	shalt  }
0x51: {  	_ =	shalt  }
0x52: {  	_ =	shalt  }
0x53: {  	_ =	shalt  }
0x54: {  	_ =	shalt  }
0x55: {  	_ =	shalt  }
0x56: {  	_ =	shalt  }
0x57: {  	_ =	shalt  }
0x58: {  	_ =	shalt  }
0x59: {  	_ =	shalt  }
0x5a: {  	_ =	shalt  }
0x5b: {  	_ =	shalt  }
0x5c: {  	_ =	shalt  }
0x5d: {  	_ =	shalt  }
0x5e: {  	_ =	shalt  }
0x5f: {  	_ =	shalt  }
0x60: {  	_ =	shalt  }
0x61: {  	_ =	shalt  }
0x62: {  	_ =	shalt  }
0x63: {  	_ =	shalt  }
0x64: {  	_ =	shalt  }
0x65: {  	_ =	shalt  }
0x66: {  	_ =	shalt  }
0x67: {  	_ =	shalt  }
0x68: {  	_ =	shalt  }
0x69: {  	_ =	shalt  }
0x6a: {  	_ =	shalt  }
0x6b: {  	_ =	shalt  }
0x6c: {  	_ =	shalt  }
0x6d: {  	_ =	shalt  }
0x6e: {  	_ =	shalt  }
0x6f: {  	_ =	shalt  }
0x70: {  	_ =	shalt  }
0x71: {  	_ =	shalt  }
0x72: {  	_ =	shalt  }
0x73: {  	_ =	shalt  }
0x74: {  	_ =	shalt  }
0x75: {  	_ =	shalt  }
0x76: {  	_ =	shalt  }
0x77: {  	_ =	shalt  }
0x78: {  	_ =	shalt  }
0x79: {  	_ =	shalt  }
0x7a: {  	_ =	shalt  }
0x7b: {  	_ =	shalt  }
0x7c: {  	_ =	shalt  }
0x7d: {  	_ =	shalt  }
0x7e: {  	_ =	shalt  }
0x7f: {  	_ =	shalt  }
0x80: {  	_ =	shalt  }
0x81: {  	_ =	shalt  }
0x82: {  	_ =	shalt  }
0x83: {  	_ =	shalt  }
0x84: {  	_ =	shalt  }
0x85: {  	_ =	shalt  }
0x86: {  	_ =	shalt  }
0x87: {  	_ =	shalt  }
.Lfunc_end0:
.L_simem_size_0:
called_computation_lowered:
.L_overlay_start_0:
0x88: {  	s2 =	sld [smem:$0x3FD9]  }
0x89: {  	s3 =	sld [smem:$0x3FFE];
	_ =	sdelay $0x1  }
0x8a: {  	s1 =	srdreg.scid  }
0x8b: {  	s0 =	sand.u32 $0x1, s1  }
0x8c: {  	s17 =	sshll.u32 s0, $0xA;
	s2 =	sadd.s32 s3, s2  }
0x8d: {  	s2 =	sadd.s32 s2, s17  }
0x8e: {  	[smem:$0x3FC0] =	sst s2  }
0x8f: {  	_ = 	snop  }
0x90: {  	s2 =	sld [smem:$0x3FD0];
	(tm) =	ssettm $0x1  }
0x91: {  	s18 =	sld [smem:$0x3FFB];
	_ =	sdelay $0x3  }
0x92: {  	_ =	strace s18  }
0x93: {  	s3 =	sld [smem:$0x3FFC];
	_ =	sdelay $0x3  }
0x94: {  	_ =	strace s3  }
0x95: {  	s3 =	sld [smem:$0x3FFD];
	_ =	sdelay $0x3  }
0x96: {  	_ =	strace s3  }
0x97: {  	_ =	strace $0x8FFFFFFF  }
0x98: {  	s19 =	sld [smem:$0x3FDB];
	_ =	sdelay $0x1  }
0x99: {  	s4 =	simm.s32 $_scs_section_size  }
0x9a: {  	s5 =	simm.s32 $_size__tile_overlayer_lowered;
	s6 =	simm.s32 $_tile_overlayer_lowered  }
0x9b: {  	s22 =	simm.s32 $0x1BFF;
	s21 =	sshll.u32 s6, $0x1;
	s3 =	sadd.s32 s4, s19  }
0x9c: {  	s7 =	simm.s32 $0x0;
	s20 =	sshll.u32 s5, $0x1;
	s5 =	sadd.s32 s21, s3  }
0x9d: {  	[timem:s7], [sflag:s22] =	dma.local [hbm:s5], s20  }
0x9e: {  	_ =	swait.ge [sflag:s22], s20  }
0x9f: {  	s4 =	ssub.s32 $0x0, s20;
	[sflag:s22] =	ssyncset.done $0x0  }
0xa0: {  	[sflag:s22] =	ssyncadd.s32 s4;
	_ =	sdelay $0x1  }
0xa1: {  	s23 =	simm.s32 $0x1B8B  }
0xa2: {  	_ =	swait.ge [sflag:s23], $0x1  }
0xa3: {  	[sflag:s23] =	ssyncset.done $0x0  }
0xa4: {  	s25 =	simm.s32 $0x1B8E;
	s24 =	sld [smem:$0x3FFE];
	[sflag:s23] =	ssyncadd.s32 $0xFFFFFFFF  }
0xa5: {  	s26 =	simm.s32 $execute0_lowered;
	[smem:$0x3FD2] =	sst s25  }
0xa6: {  	s5 =	sshll.u32 s26, $0x1;
	_ =	strace $0x80000046;
	[dreg:$0x1] =	wrdreg $0xFFFFFFFF  }
0xa7: {  	s28 =	simm.s32 $_size_execute0_lowered;
	s3 =	sadd.s32 s3, s5;
	[dreg:$0x0] =	wrdreg $0x0  }
0xa8: {  	s5 =	sshll.u32 s28, $0x1;
	[dreg:$0x2] =	wrdreg s3  }
0xa9: {  	[dreg:$0x3] =	wrdreg s5  }
0xaa: {  	[dreg:$0x4] =	wrdreg $0xC0  }
0xab: {  	_ =	task [dreg:s7], $0x5FFFF  }
0xac: {  	[dreg:$0x1] =	wrdreg $0xFFFFFFFF  }
0xad: {  	[dreg:$0x0] =	wrdreg $0x60  }
0xae: {  	[dreg:$0x2] =	wrdreg s2  }
0xaf: {  	[dreg:$0x3] =	wrdreg s24  }
0xb0: {  	[dreg:$0x4] =	wrdreg $0xBF500  }
0xb1: {  	[dreg:$0x5] =	wrdreg $0x9  }
0xb2: {  	_ =	task.clear_ibuf [dreg:s7], $0x6FFFF;
	_ =	strace $0x90000046  }
0xb3: {  	s29 =	simm.s32 $0x9;
	_ =	strace $0x80000048  }
0xb4: {  	_ =	swait.ge [sflag:s29], $0x1  }
0xb5: {  	[sflag:s29] =	ssyncadd.s32 $0xFFFFFFFF  }
0xb6: {  	_ =	strace $0x90000048  }
0xb7: {  	_ =	sfence  }
0xb8: {  	s30 =	sld [smem:$0x0];
	_ =	sdelay $0x2  }
0xb9: {  	s31 =	sshll.u32 s1, $0xD;
	s1 =	sshrl.u32 s1, $0x2  }
0xba: {  	s3 =	sand.u32 $0x4000, s31;
	s1 =	sadd.s32 s1, s30  }
0xbb: {  	s0 =	sor.u32 s3, s0;
	s1 =	sshll.u32 s1, $0x11  }
0xbc: {  	s0 =	sor.u32 s1, s0  }
0xbd: {  	s0 =	sadd.s32 $0x8F2B, s0  }
0xbe: {  	[sflag:s0] =	ssyncadd.remote.s32 $0x1  }
0xbf: {  	_ =	sfence.sel $0xFFFF  }
0xc0: {  	[dreg:$0x0] =	wrdreg $0xFFFFFFFF;
	(pc) =	sbr.abs _section_cstart, $3  }
0xc1: {  	[dreg:$0x1] =	wrdreg $0xFFFFFFFF  }
0xc2: {  	_ =	task.clear_ibuf [dreg:s7], $0x2FFFF;
	_ =	strace $0x9FFFFFFF  }
0xc3: {  	(tm) =	ssettm $0x7FFFFFFF  }
tec
execute0_lowered:
.L_overlay_start_1:
0x0: {  	(tag) =	ssettag $0x1  }
0x1: {  	s0 =	rddreg [dreg:$0x0]  }
0x2: {  	s2 =	rddreg [dreg:$0x1]  }
0x3: {  	s1 =	srdreg.scid;
	s3 =	rddreg [dreg:$0x2]  }
0x4: {  	s8 =	stileid.u32;
	s4 =	simm.s32 $0x0;
	s28 =	simm.s32 $0x780  }
0x5: {  	s29 =	simm.s32 $0xEB0;
	s1 =	sand.u32 $0x1, s1;
	[smem:$0x7FF] =	sst s4  }
0x6: {  	s12 =	smul.u32 $0x14000, s8;
	s14 =	sadd.s32 $0x41600, s2;
	s5 =	sshll.u32 s1, $0x4  }
0x7: {  	_ =	strace $0x80000047;
	s7 =	ssub.s32 $0x2, s1;
	s1 =	smul.u32 $0x140000, s1  }
0x8: {  	s5 =	sor.u32 s8, s5;
	s24 =	sshrl.u32 s7, $0x1;
	s16 =	sor.u32 $0x2800, s12  }
0x9: {  	s17 =	sadd.s32 $0x5000, s12;
	s18 =	sadd.s32 $0x7800, s12;
	s19 =	sadd.s32 $0xA000, s12  }
0xa: {  	s20 =	sadd.s32 $0xC800, s12;
	s21 =	sadd.s32 $0xF000, s12;
	s6 =	smul.u32 $0x2710, s5  }
0xb: {  	s22 =	sadd.s32 $0x11800, s12;
	s5 =	smul.u32 $0x500, s5;
	s15 =	ssub.s32 s7, s24  }
0xc: {  	s7 =	sadd.s32 s17, s3;
	s8 =	sadd.s32 s18, s3;
	s9 =	sadd.s32 s19, s3  }
0xd: {  	s10 =	sadd.s32 s20, s3;
	s11 =	sadd.s32 s21, s3;
	s23 =	sadd.s32 s12, s1  }
0xe: {  	s17 =	sadd.s32 s1, s17;
	s18 =	sadd.s32 s1, s18;
	s19 =	sadd.s32 s1, s19  }
0xf: {  	s20 =	sadd.s32 s1, s20;
	s21 =	sadd.s32 s1, s21;
	s23 =	sshrl.u32 s23, $0x3  }
0x10: {  	s18 =	sshrl.u32 s18, $0x3;
	s6 =	sshrl.u32 s6, $0x3;
	s26 =	sadd.s32 s14, s23  }
0x11: {  	s13 =	sadd.s32 s6, s2;
	s2 =	sadd.s32 s5, s2;
	s5 =	sadd.s32 s12, s3  }
0x12: {  	s6 =	sadd.s32 s16, s3;
	s12 =	sadd.s32 s22, s3;
	s16 =	sadd.s32 s1, s16  }
0x13: {  	s1 =	sadd.s32 s1, s22;
	[dreg:$0x5] =	wrdreg s26;
	s22 =	sadd.s32 s14, s18  }
0x14: {  	s30 =	simm.s32 $0xF00;
	s25 =	sadd.s32 $0x23C00, s13;
	[dreg:$0x8] =	wrdreg s22  }
0x15: {  	s31 =	simm.s32 $0xF50;
	s18 =	sadd.s32 $0x2D93A, s13;
	[dreg:$0x4] =	wrdreg s25  }
0x16: {  	s23 =	sshrl.u32 s19, $0x3;
	s19 =	sadd.s32 $0x23DF4, s13;
	[dreg:$0xf] =	wrdreg s18  }
0x17: {  	s24 =	sshrl.u32 s20, $0x3;
	s20 =	sadd.s32 $0x2DA34, s13;
	[dreg:$0x10] =	wrdreg s19  }
0x18: {  	s16 =	sshrl.u32 s16, $0x3;
	s22 =	sadd.s32 $0x2DB2E, s13;
	[dreg:$0x11] =	wrdreg s20  }
0x19: {  	s1 =	sshrl.u32 s1, $0x3;
	s16 =	sadd.s32 s14, s16;
	[dreg:$0x13] =	wrdreg s22  }
0x1a: {  	s17 =	sshrl.u32 s17, $0x3;
	s1 =	sadd.s32 s14, s1;
	[dreg:$0x6] =	wrdreg s16  }
0x1b: {  	s25 =	sshrl.u32 s21, $0x3;
	s21 =	sadd.s32 $0x23EEE, s13;
	[dreg:$0xc] =	wrdreg s1  }
0x1c: {  	s19 =	simm.s32 $0x50;
	s16 =	sadd.s32 s14, s17;
	[dreg:$0x12] =	wrdreg s21  }
0x1d: {  	s20 =	simm.s32 $0x4740;
	s26 =	sadd.s32 s14, s25;
	[dreg:$0x7] =	wrdreg s16  }
0x1e: {  	s22 =	simm.s32 $0x6F40;
	s17 =	sadd.s32 $0x23CFA, s13;
	[dreg:$0xb] =	wrdreg s26  }
0x1f: {  	s18 =	simm.s32 $0x5;
	s25 =	sadd.s32 $0x37600, s2;
	[dreg:$0xe] =	wrdreg s17  }
0x20: {  	s2 =	simm.s32 $0x0;
	s16 =	sadd.s32 s14, s23;
	[dreg:$0x16] =	wrdreg s25  }
0x21: {  	s23 =	sadd.s32 $0x23FE8, s13;
	s26 =	smax.u32 s15, $0x1;
	[dreg:$0x9] =	wrdreg s16  }
0x22: {  	s15 =	simm.s32 $0x1;
	s17 =	simm.s32 $0xFA0;
	[dreg:$0x14] =	wrdreg s23  }
0x23: {  	s25 =	simm.s32 $0x3;
	s16 =	sadd.s32 s14, s24;
	[dreg:$0x17] =	wrdreg s26  }
0x24: {  	s24 =	sadd.s32 $0x2DC28, s13;
	s23 =	simm.s32 $0x9740;
	[dreg:$0xa] =	wrdreg s16  }
0x25: {  	s16 =	sadd.s32 $0x2D840, s13;
	[dreg:$0x15] =	wrdreg s24;
	s13 =	simm.s32 $0x1F40  }
0x26: {  	v0 =	vimm.f32 $0.0e+00;
	v1 =	vimm.f32 $1.000000000e+00;
	s24 =	simm.s32 $0x2;
	[dreg:$0xd] =	wrdreg s16;
	s16 =	simm.s32 $0x4  }
.LBB2_1:
0x27: {  	s1 =	sand.u32 $0xFE00, s4  }
0x28: {  	s14 =	sand.u32 $0x70, s4;
	s21 =	sshrl.u32 s1, $0x2  }
0x29: {  	s1 =	simm.s32 $0x40;
	s21 =	sor.u32 s14, s21;
	s14 =	simm.s32 $0x0  }
.LBB2_2:
0x2a: {  	p0 =	sne.s32 s1, $0x9FC0  }
0x2b: {  	[tilespmem:s21+$0x1F40] =	vst v0;
	s14 =	sadd.s32 $0x10, s14;
	s21 =	smov.u32 s1;
	s1 =	sadd.s32 $0x40, s1  }
.Ltmp0:
0x2c: {  	(pc) =	sbr.rel @p0 .LBB2_2-.Ltmp0, $4  }
0x2d: {  	_ = 	snop  }
0x2e: {  	s21 =	sand.u32 $0xFE00, s21  }
0x2f: {  	s26 =	sand.u32 $0x70, s14;
	s21 =	sshrl.u32 s21, $0x2  }
0x30: {  	s21 =	sor.u32 s26, s21  }
0x31: {  	[tilespmem:s21+$0x1F40] =	vst v0  }
0x32: {  	[spmem:s5] =	stream.linear.scatter [tilespmem:s13], [sflag:$0x1], $0x2800, $0x38;
	[tilespmem:$0x1FF90] =	vst v63  }
0x33: {  	_ = 	snop  }
0x34: {  	[spmem:s6] =	stream.linear.scatter [tilespmem:s13], [sflag:$0x1], $0x2800, $0x38;
	[tilespmem:$0x1FF90] =	vst v63  }
0x35: {  	_ = 	snop  }
0x36: {  	[spmem:s7] =	stream.linear.scatter [tilespmem:s13], [sflag:$0x1], $0x2800, $0x38;
	[tilespmem:$0x1FF90] =	vst v63  }
0x37: {  	_ = 	snop  }
0x38: {  	[spmem:s8] =	stream.linear.scatter [tilespmem:s13], [sflag:$0x1], $0x2800, $0x38;
	[tilespmem:$0x1FF90] =	vst v63  }
0x39: {  	_ = 	snop  }
0x3a: {  	[spmem:s9] =	stream.linear.scatter [tilespmem:s13], [sflag:$0x1], $0x2800, $0x38;
	[tilespmem:$0x1FF90] =	vst v63  }
0x3b: {  	_ = 	snop  }
0x3c: {  	[spmem:s10] =	stream.linear.scatter [tilespmem:s13], [sflag:$0x1], $0x2800, $0x38;
	[tilespmem:$0x1FF90] =	vst v63  }
0x3d: {  	_ = 	snop  }
0x3e: {  	[spmem:s11] =	stream.linear.scatter [tilespmem:s13], [sflag:$0x1], $0x2800, $0x38;
	[tilespmem:$0x1FF90] =	vst v63  }
0x3f: {  	s1 =	simm.s32 $0x40;
	s14 =	simm.s32 $0x0  }
0x40: {  	[spmem:s12] =	stream.linear.scatter [tilespmem:s13], [sflag:$0x1], $0x2800, $0x38;
	[tilespmem:$0x1FF90] =	vst v63  }
.LBB2_4:
0x41: {  	p0 =	sne.s32 s1, $0xA000;
	[tilespmem:s14+$0x9740] =	vst v0;
	s14 =	smov.u32 s1;
	s1 =	sadd.s32 $0x40, s1  }
.Ltmp1:
0x42: {  	(pc) =	sbr.rel @p0 .LBB2_4-.Ltmp1, $2  }
0x43: {  	_ =	sdelay $0x2  }
0x44: {  	s14 =	sshra.s32 s14, $0x2  }
0x45: {  	[tilespmem:s14+$0x9740] =	vst v0;
	s1 =	simm.s32 $0x0;
	s26 =	rddreg [dreg:$0x4]  }
0x46: {  	[tilespmem:s1], [sflag:$0x4] =	stream.linear.gather [hbm4b:s26+s1], $0x7D0, $0x38;
	[tilespmem:$0x1FF90] =	vst v63  }
0x47: {  	s21 =	rddreg [dreg:$0xd];
	s26 =	simm.s32 $0x7D0  }
0x48: {  	[tilespmem:s26], [sflag:$0x4] =	stream.linear.gather [hbm4b:s21+s1], $0x7D0, $0x38;
	[tilespmem:$0x1FF90] =	vst v63  }
0x49: {  	_ =	swait.ge [sflag:s15], $0x2800  }
0x4a: {  	[sflag:s15] =	ssyncset.done $0x0  }
0x4b: {  	[sflag:s15] =	ssyncadd.s32 $0xFFFFD800  }
0x4c: {  	_ =	swait.ge [sflag:s15], $0x2800  }
0x4d: {  	[sflag:s15] =	ssyncset.done $0x0  }
0x4e: {  	[sflag:s15] =	ssyncadd.s32 $0xFFFFD800  }
0x4f: {  	_ =	swait.ge [sflag:s15], $0x2800  }
0x50: {  	[sflag:s15] =	ssyncset.done $0x0  }
0x51: {  	[sflag:s15] =	ssyncadd.s32 $0xFFFFD800  }
0x52: {  	_ =	swait.ge [sflag:s15], $0x2800  }
0x53: {  	[sflag:s15] =	ssyncset.done $0x0  }
0x54: {  	[sflag:s15] =	ssyncadd.s32 $0xFFFFD800  }
0x55: {  	_ =	swait.ge [sflag:s15], $0x2800  }
0x56: {  	[sflag:s15] =	ssyncset.done $0x0  }
0x57: {  	[sflag:s15] =	ssyncadd.s32 $0xFFFFD800  }
0x58: {  	_ =	swait.ge [sflag:s15], $0x2800  }
0x59: {  	[sflag:s15] =	ssyncset.done $0x0  }
0x5a: {  	[sflag:s15] =	ssyncadd.s32 $0xFFFFD800  }
0x5b: {  	_ =	swait.ge [sflag:s15], $0x2800  }
0x5c: {  	[sflag:s15] =	ssyncset.done $0x0  }
0x5d: {  	[sflag:s15] =	ssyncadd.s32 $0xFFFFD800  }
0x5e: {  	_ =	swait.ge [sflag:s15], $0x2800  }
0x5f: {  	[sflag:s15] =	ssyncset.done $0x0  }
0x60: {  	[sflag:s15] =	ssyncadd.s32 $0xFFFFD800  }
0x61: {  	_ =	swait.ge [sflag:s16], $0x7D0  }
0x62: {  	[sflag:s16] =	ssyncset.done $0x0  }
0x63: {  	[sflag:s16] =	ssyncadd.s32 $0xFFFFF830  }
0x64: {  	_ =	swait.ge [sflag:s16], $0x7D0  }
0x65: {  	[sflag:s16] =	ssyncset.done $0x0  }
0x66: {  	[sflag:s16] =	ssyncadd.s32 $0xFFFFF830  }
0x67: {  	[bflag:$0x0] =	sbarrier.arrive $0xFFFF  }
0x68: {  	s21 =	rddreg [dreg:$0xe]  }
0x69: {  	[tilespmem:s17], [sflag:$0x4] =	stream.linear.gather [hbm4b:s21+s1], $0x7D0, $0x38;
	[tilespmem:$0x1FF90] =	vst v63  }
0x6a: {  	s14 =	rddreg [dreg:$0xf];
	s21 =	simm.s32 $0x1770  }
0x6b: {  	[tilespmem:s21], [sflag:$0x4] =	stream.linear.gather [hbm4b:s14+s1], $0x7D0, $0x38;
	[tilespmem:$0x1FF90] =	vst v63  }
0x6c: {  	_ = 	snop  }
0x6d: {  	[tilespmem:s13], [sflag:$0x1] =	stream.indirect.gather [hbm4b:s0+s19], $0x80, s1, s19, $0xb8;
	[tilespmem:$0x1FF90] =	vst v63  }
0x6e: {  	_ = 	snop  }
0x6f: {  	[tilespmem:s20], [sflag:$0x2] =	stream.indirect.gather [hbm4b:s0+s19], $0x80, s19, s19, $0xb8;
	[tilespmem:$0x1FF90] =	vst v63  }
0x70: {  	s21 =	simm.s32 $0xA0  }
0x71: {  	[tilespmem:s22], [sflag:$0x3] =	stream.indirect.gather [hbm4b:s0+s19], $0x80, s21, s19, $0xb8;
	[tilespmem:$0x1FF90] =	vst v63  }
.LBB2_6:
0x72: {  	_ =	swait.ge [sflag:s15], $0x2800  }
0x73: {  	[sflag:s15] =	ssyncset.done $0x0  }
0x74: {  	s14 =	sshra.s32 s1, $0x2;
	[sflag:s15] =	ssyncadd.s32 $0xFFFFD800  }
0x75: {  	v2 =	vld [tilespmem:s14+$0x7D0];
	_ =	sdelay $0x7  }
0x76: {  	[tilespmem:v2+s23+$0x0] =	vst.idx.add.f32.msk $0xffff, v1  }
0x77: {  	v2 =	vld [tilespmem:s14+$0x7E0];
	_ =	sdelay $0x7  }
0x78: {  	[tilespmem:v2+s23+$0x0] =	vst.idx.add.f32.msk $0xffff, v1  }
0x79: {  	v2 =	vld [tilespmem:s14+$0x7F0];
	_ =	sdelay $0x7  }
0x7a: {  	[tilespmem:v2+s23+$0x0] =	vst.idx.add.f32.msk $0xffff, v1  }
0x7b: {  	v2 =	vld [tilespmem:s14+$0x800];
	_ =	sdelay $0x7  }
0x7c: {  	[tilespmem:v2+s23+$0x0] =	vst.idx.add.f32.msk $0xffff, v1  }
0x7d: {  	v2 =	vld [tilespmem:s14+$0x810];
	_ =	sdelay $0x7  }
0x7e: {  	s21 =	sadd.s32 $0x7D0, s14;
	[tilespmem:v2+s23+$0x0] =	vst.idx.add.f32.msk $0xffff, v1  }
0x7f: {  	[spmem:s3] =	stream.indirect.scatter.add.f32 [tilespmem:s13], [sflag:$0x5], $0x80, s21, s19, $0xb8;
	[tilespmem:$0x1FF90] =	vst v63  }
0x80: {  	_ =	swait.ge [sflag:s18], $0x2800  }
0x81: {  	[sflag:s18] =	ssyncset.done $0x0  }
0x82: {  	s21 =	sadd.s32 $0xF0, s14;
	[sflag:s18] =	ssyncadd.s32 $0xFFFFD800  }
0x83: {  	[tilespmem:s13], [sflag:$0x1] =	stream.indirect.gather [hbm4b:s0+s19], $0x80, s21, s19, $0xb8;
	[tilespmem:$0x1FF90] =	vst v63  }
0x84: {  	_ =	swait.ge [sflag:s24], $0x2800  }
0x85: {  	[sflag:s24] =	ssyncset.done $0x0  }
0x86: {  	[sflag:s24] =	ssyncadd.s32 $0xFFFFD800  }
0x87: {  	v2 =	vld [tilespmem:s14+$0x820];
	_ =	sdelay $0x7  }
0x88: {  	[tilespmem:v2+s23+$0x0] =	vst.idx.add.f32.msk $0xffff, v1  }
0x89: {  	v2 =	vld [tilespmem:s14+$0x830];
	_ =	sdelay $0x7  }
0x8a: {  	[tilespmem:v2+s23+$0x0] =	vst.idx.add.f32.msk $0xffff, v1  }
0x8b: {  	v2 =	vld [tilespmem:s14+$0x840];
	_ =	sdelay $0x7  }
0x8c: {  	[tilespmem:v2+s23+$0x0] =	vst.idx.add.f32.msk $0xffff, v1  }
0x8d: {  	v2 =	vld [tilespmem:s14+$0x850];
	_ =	sdelay $0x7  }
0x8e: {  	[tilespmem:v2+s23+$0x0] =	vst.idx.add.f32.msk $0xffff, v1  }
0x8f: {  	v2 =	vld [tilespmem:s14+$0x860];
	_ =	sdelay $0x7  }
0x90: {  	s21 =	sadd.s32 $0x820, s14;
	[tilespmem:v2+s23+$0x0] =	vst.idx.add.f32.msk $0xffff, v1  }
0x91: {  	[spmem:s3] =	stream.indirect.scatter.add.f32 [tilespmem:s20], [sflag:$0x5], $0x80, s21, s19, $0xb8;
	[tilespmem:$0x1FF90] =	vst v63  }
0x92: {  	_ =	swait.ge [sflag:s18], $0x2800  }
0x93: {  	[sflag:s18] =	ssyncset.done $0x0  }
0x94: {  	s21 =	sadd.s32 $0x140, s14;
	[sflag:s18] =	ssyncadd.s32 $0xFFFFD800  }
0x95: {  	[tilespmem:s20], [sflag:$0x2] =	stream.indirect.gather [hbm4b:s0+s19], $0x80, s21, s19, $0xb8;
	[tilespmem:$0x1FF90] =	vst v63  }
0x96: {  	_ =	swait.ge [sflag:s25], $0x2800  }
0x97: {  	[sflag:s25] =	ssyncset.done $0x0  }
0x98: {  	[sflag:s25] =	ssyncadd.s32 $0xFFFFD800  }
0x99: {  	v2 =	vld [tilespmem:s14+$0x870];
	_ =	sdelay $0x7  }
0x9a: {  	[tilespmem:v2+s23+$0x0] =	vst.idx.add.f32.msk $0xffff, v1  }
0x9b: {  	v2 =	vld [tilespmem:s14+$0x880];
	_ =	sdelay $0x7  }
0x9c: {  	[tilespmem:v2+s23+$0x0] =	vst.idx.add.f32.msk $0xffff, v1  }
0x9d: {  	v2 =	vld [tilespmem:s14+$0x890];
	_ =	sdelay $0x7  }
0x9e: {  	[tilespmem:v2+s23+$0x0] =	vst.idx.add.f32.msk $0xffff, v1  }
0x9f: {  	v2 =	vld [tilespmem:s14+$0x8A0];
	_ =	sdelay $0x7  }
0xa0: {  	[tilespmem:v2+s23+$0x0] =	vst.idx.add.f32.msk $0xffff, v1  }
0xa1: {  	v2 =	vld [tilespmem:s14+$0x8B0];
	_ =	sdelay $0x7  }
0xa2: {  	p0 =	sne.s32 s1, $0x1680;
	s21 =	sadd.s32 $0x870, s14;
	[tilespmem:v2+s23+$0x0] =	vst.idx.add.f32.msk $0xffff, v1  }
0xa3: {  	[spmem:s3] =	stream.indirect.scatter.add.f32 [tilespmem:s22], [sflag:$0x5], $0x80, s21, s19, $0xb8;
	[tilespmem:$0x1FF90] =	vst v63  }
.Ltmp2:
0xa4: {  	_ = 	snop;
	(pc) =	sbr.rel @p0 .LBB2_6-.Ltmp2, $4  }
0xa5: {  	_ =	swait.ge [sflag:s18], $0x2800  }
0xa6: {  	[sflag:s18] =	ssyncset.done $0x0  }
0xa7: {  	s1 =	sadd.s32 $0x3C0, s1;
	s14 =	sadd.s32 $0x190, s14;
	[sflag:s18] =	ssyncadd.s32 $0xFFFFD800  }
0xa8: {  	[tilespmem:s22], [sflag:$0x3] =	stream.indirect.gather [hbm4b:s0+s19], $0x80, s14, s19, $0xb8;
	[tilespmem:$0x1FF90] =	vst v63  }
0xa9: {  	_ =	swait.ge [sflag:s15], $0x2800  }
0xaa: {  	[sflag:s15] =	ssyncset.done $0x0  }
0xab: {  	[sflag:s15] =	ssyncadd.s32 $0xFFFFD800  }
0xac: {  	v2 =	vld [tilespmem:$0xE60];
	_ =	sdelay $0x7  }
0xad: {  	[tilespmem:v2+s23+$0x0] =	vst.idx.add.f32.msk $0xffff, v1  }
0xae: {  	v2 =	vld [tilespmem:$0xE70];
	_ =	sdelay $0x7  }
0xaf: {  	[tilespmem:v2+s23+$0x0] =	vst.idx.add.f32.msk $0xffff, v1  }
0xb0: {  	v2 =	vld [tilespmem:$0xE80];
	_ =	sdelay $0x7  }
0xb1: {  	[tilespmem:v2+s23+$0x0] =	vst.idx.add.f32.msk $0xffff, v1  }
0xb2: {  	v2 =	vld [tilespmem:$0xE90];
	_ =	sdelay $0x7  }
0xb3: {  	[tilespmem:v2+s23+$0x0] =	vst.idx.add.f32.msk $0xffff, v1  }
0xb4: {  	v2 =	vld [tilespmem:$0xEA0];
	_ =	sdelay $0x7  }
0xb5: {  	s1 =	simm.s32 $0xE60;
	[tilespmem:v2+s23+$0x0] =	vst.idx.add.f32.msk $0xffff, v1  }
0xb6: {  	[spmem:s3] =	stream.indirect.scatter.add.f32 [tilespmem:s13], [sflag:$0x5], $0x80, s1, s19, $0xb8;
	[tilespmem:$0x1FF90] =	vst v63  }
0xb7: {  	_ =	swait.ge [sflag:s18], $0x2800  }
0xb8: {  	[sflag:s18] =	ssyncset.done $0x0  }
0xb9: {  	[sflag:s18] =	ssyncadd.s32 $0xFFFFD800  }
0xba: {  	[tilespmem:s13], [sflag:$0x1] =	stream.indirect.gather [hbm4b:s0+s19], $0x80, s28, s19, $0xb8;
	[tilespmem:$0x1FF90] =	vst v63  }
0xbb: {  	_ =	swait.ge [sflag:s24], $0x2800  }
0xbc: {  	[sflag:s24] =	ssyncset.done $0x0  }
0xbd: {  	[sflag:s24] =	ssyncadd.s32 $0xFFFFD800  }
0xbe: {  	v2 =	vld [tilespmem:$0xEB0];
	_ =	sdelay $0x7  }
0xbf: {  	[tilespmem:v2+s23+$0x0] =	vst.idx.add.f32.msk $0xffff, v1  }
0xc0: {  	v2 =	vld [tilespmem:$0xEC0];
	_ =	sdelay $0x7  }
0xc1: {  	[tilespmem:v2+s23+$0x0] =	vst.idx.add.f32.msk $0xffff, v1  }
0xc2: {  	v2 =	vld [tilespmem:$0xED0];
	_ =	sdelay $0x7  }
0xc3: {  	[tilespmem:v2+s23+$0x0] =	vst.idx.add.f32.msk $0xffff, v1  }
0xc4: {  	v2 =	vld [tilespmem:$0xEE0];
	_ =	sdelay $0x7  }
0xc5: {  	[tilespmem:v2+s23+$0x0] =	vst.idx.add.f32.msk $0xffff, v1  }
0xc6: {  	v2 =	vld [tilespmem:$0xEF0];
	_ =	sdelay $0x7  }
0xc7: {  	[tilespmem:v2+s23+$0x0] =	vst.idx.add.f32.msk $0xffff, v1  }
0xc8: {  	[spmem:s3] =	stream.indirect.scatter.add.f32 [tilespmem:s20], [sflag:$0x5], $0x80, s29, s19, $0xb8;
	[tilespmem:$0x1FF90] =	vst v63  }
0xc9: {  	_ =	swait.ge [sflag:s18], $0x2800  }
0xca: {  	[sflag:s18] =	ssyncset.done $0x0  }
0xcb: {  	[sflag:s18] =	ssyncadd.s32 $0xFFFFD800  }
0xcc: {  	_ =	swait.ge [sflag:s25], $0x2800  }
0xcd: {  	[sflag:s25] =	ssyncset.done $0x0  }
0xce: {  	[sflag:s25] =	ssyncadd.s32 $0xFFFFD800  }
0xcf: {  	v2 =	vld [tilespmem:$0xF00];
	_ =	sdelay $0x7  }
0xd0: {  	[tilespmem:v2+s23+$0x0] =	vst.idx.add.f32.msk $0xffff, v1  }
0xd1: {  	v2 =	vld [tilespmem:$0xF10];
	_ =	sdelay $0x7  }
0xd2: {  	[tilespmem:v2+s23+$0x0] =	vst.idx.add.f32.msk $0xffff, v1  }
0xd3: {  	v2 =	vld [tilespmem:$0xF20];
	_ =	sdelay $0x7  }
0xd4: {  	[tilespmem:v2+s23+$0x0] =	vst.idx.add.f32.msk $0xffff, v1  }
0xd5: {  	v2 =	vld [tilespmem:$0xF30];
	_ =	sdelay $0x7  }
0xd6: {  	[tilespmem:v2+s23+$0x0] =	vst.idx.add.f32.msk $0xffff, v1  }
0xd7: {  	v2 =	vld [tilespmem:$0xF40];
	_ =	sdelay $0x7  }
0xd8: {  	[tilespmem:v2+s23+$0x0] =	vst.idx.add.f32.msk $0xffff, v1  }
0xd9: {  	[spmem:s3] =	stream.indirect.scatter.add.f32 [tilespmem:s22], [sflag:$0x5], $0x80, s30, s19, $0xb8;
	[tilespmem:$0x1FF90] =	vst v63  }
0xda: {  	_ =	swait.ge [sflag:s18], $0x2800  }
0xdb: {  	[sflag:s18] =	ssyncset.done $0x0  }
0xdc: {  	[sflag:s18] =	ssyncadd.s32 $0xFFFFD800  }
0xdd: {  	_ =	swait.ge [sflag:s15], $0x2800  }
0xde: {  	[sflag:s15] =	ssyncset.done $0x0  }
0xdf: {  	[sflag:s15] =	ssyncadd.s32 $0xFFFFD800  }
0xe0: {  	v2 =	vld [tilespmem:$0xF50];
	_ =	sdelay $0x7  }
0xe1: {  	[tilespmem:v2+s23+$0x0] =	vst.idx.add.f32.msk $0xffff, v1  }
0xe2: {  	v2 =	vld [tilespmem:$0xF60];
	_ =	sdelay $0x7  }
0xe3: {  	[tilespmem:v2+s23+$0x0] =	vst.idx.add.f32.msk $0xffff, v1  }
0xe4: {  	v2 =	vld [tilespmem:$0xF70];
	_ =	sdelay $0x7  }
0xe5: {  	[tilespmem:v2+s23+$0x0] =	vst.idx.add.f32.msk $0xffff, v1  }
0xe6: {  	v2 =	vld [tilespmem:$0xF80];
	_ =	sdelay $0x7  }
0xe7: {  	[tilespmem:v2+s23+$0x0] =	vst.idx.add.f32.msk $0xffff, v1  }
0xe8: {  	v2 =	vld [tilespmem:$0xF90];
	_ =	sdelay $0x7  }
0xe9: {  	[tilespmem:v2+s23+$0x0] =	vst.idx.add.f32.msk $0xffff, v1  }
0xea: {  	[spmem:s3] =	stream.indirect.scatter.add.f32 [tilespmem:s13], [sflag:$0x5], $0x80, s31, s19, $0xb8;
	[tilespmem:$0x1FF90] =	vst v63  }
0xeb: {  	_ =	swait.ge [sflag:s18], $0x2800  }
0xec: {  	[sflag:s18] =	ssyncset.done $0x0  }
0xed: {  	[sflag:s18] =	ssyncadd.s32 $0xFFFFD800  }
0xee: {  	_ =	swait.ge [sflag:s16], $0x7D0  }
0xef: {  	[sflag:s16] =	ssyncset.done $0x0  }
0xf0: {  	[sflag:s16] =	ssyncadd.s32 $0xFFFFF830  }
0xf1: {  	_ =	swait.ge [sflag:s16], $0x7D0  }
0xf2: {  	[sflag:s16] =	ssyncset.done $0x0  }
0xf3: {  	s1 =	simm.s32 $0x0;
	s14 =	rddreg [dreg:$0x10];
	[sflag:s16] =	ssyncadd.s32 $0xFFFFF830  }
0xf4: {  	[tilespmem:s1], [sflag:$0x4] =	stream.linear.gather [hbm4b:s14+s1], $0x7D0, $0x38;
	[tilespmem:$0x1FF90] =	vst v63  }
0xf5: {  	s21 =	rddreg [dreg:$0x11]  }
0xf6: {  	[tilespmem:s26], [sflag:$0x4] =	stream.linear.gather [hbm4b:s21+s1], $0x7D0, $0x38;
	[tilespmem:$0x1FF90] =	vst v63  }
0xf7: {  	_ = 	snop  }
0xf8: {  	[tilespmem:s13], [sflag:$0x1] =	stream.indirect.gather [hbm4b:s0+s19], $0x80, s17, s19, $0xb8;
	[tilespmem:$0x1FF90] =	vst v63  }
0xf9: {  	s21 =	simm.s32 $0xFF0  }
0xfa: {  	[tilespmem:s20], [sflag:$0x2] =	stream.indirect.gather [hbm4b:s0+s19], $0x80, s21, s19, $0xb8;
	[tilespmem:$0x1FF90] =	vst v63  }
0xfb: {  	s21 =	simm.s32 $0x1040  }
0xfc: {  	[tilespmem:s22], [sflag:$0x3] =	stream.indirect.gather [hbm4b:s0+s19], $0x80, s21, s19, $0xb8;
	[tilespmem:$0x1FF90] =	vst v63  }
.LBB2_8:
0xfd: {  	_ =	swait.ge [sflag:s15], $0x2800  }
0xfe: {  	[sflag:s15] =	ssyncset.done $0x0  }
0xff: {  	s14 =	sshra.s32 s1, $0x2;
	[sflag:s15] =	ssyncadd.s32 $0xFFFFD800  }
0x100: {  	v2 =	vld [tilespmem:s14+$0x1770];
	_ =	sdelay $0x7  }
0x101: {  	[tilespmem:v2+s23+$0x0] =	vst.idx.add.f32.msk $0xffff, v1  }
0x102: {  	v2 =	vld [tilespmem:s14+$0x1780];
	_ =	sdelay $0x7  }
0x103: {  	[tilespmem:v2+s23+$0x0] =	vst.idx.add.f32.msk $0xffff, v1  }
0x104: {  	v2 =	vld [tilespmem:s14+$0x1790];
	_ =	sdelay $0x7  }
0x105: {  	[tilespmem:v2+s23+$0x0] =	vst.idx.add.f32.msk $0xffff, v1  }
0x106: {  	v2 =	vld [tilespmem:s14+$0x17A0];
	_ =	sdelay $0x7  }
0x107: {  	[tilespmem:v2+s23+$0x0] =	vst.idx.add.f32.msk $0xffff, v1  }
0x108: {  	v2 =	vld [tilespmem:s14+$0x17B0];
	_ =	sdelay $0x7  }
0x109: {  	s21 =	sadd.s32 $0x1770, s14;
	[tilespmem:v2+s23+$0x0] =	vst.idx.add.f32.msk $0xffff, v1  }
0x10a: {  	[spmem:s3] =	stream.indirect.scatter.add.f32 [tilespmem:s13], [sflag:$0x5], $0x80, s21, s19, $0xb8;
	[tilespmem:$0x1FF90] =	vst v63  }
0x10b: {  	_ =	swait.ge [sflag:s18], $0x2800  }
0x10c: {  	[sflag:s18] =	ssyncset.done $0x0  }
0x10d: {  	s21 =	sadd.s32 $0x1090, s14;
	[sflag:s18] =	ssyncadd.s32 $0xFFFFD800  }
0x10e: {  	[tilespmem:s13], [sflag:$0x1] =	stream.indirect.gather [hbm4b:s0+s19], $0x80, s21, s19, $0xb8;
	[tilespmem:$0x1FF90] =	vst v63  }
0x10f: {  	_ =	swait.ge [sflag:s24], $0x2800  }
0x110: {  	[sflag:s24] =	ssyncset.done $0x0  }
0x111: {  	[sflag:s24] =	ssyncadd.s32 $0xFFFFD800  }
0x112: {  	v2 =	vld [tilespmem:s14+$0x17C0];
	_ =	sdelay $0x7  }
0x113: {  	[tilespmem:v2+s23+$0x0] =	vst.idx.add.f32.msk $0xffff, v1  }
0x114: {  	v2 =	vld [tilespmem:s14+$0x17D0];
	_ =	sdelay $0x7  }
0x115: {  	[tilespmem:v2+s23+$0x0] =	vst.idx.add.f32.msk $0xffff, v1  }
0x116: {  	v2 =	vld [tilespmem:s14+$0x17E0];
	_ =	sdelay $0x7  }
0x117: {  	[tilespmem:v2+s23+$0x0] =	vst.idx.add.f32.msk $0xffff, v1  }
0x118: {  	v2 =	vld [tilespmem:s14+$0x17F0];
	_ =	sdelay $0x7  }
0x119: {  	[tilespmem:v2+s23+$0x0] =	vst.idx.add.f32.msk $0xffff, v1  }
0x11a: {  	v2 =	vld [tilespmem:s14+$0x1800];
	_ =	sdelay $0x7  }
0x11b: {  	s21 =	sadd.s32 $0x17C0, s14;
	[tilespmem:v2+s23+$0x0] =	vst.idx.add.f32.msk $0xffff, v1  }
0x11c: {  	[spmem:s3] =	stream.indirect.scatter.add.f32 [tilespmem:s20], [sflag:$0x5], $0x80, s21, s19, $0xb8;
	[tilespmem:$0x1FF90] =	vst v63  }
0x11d: {  	_ =	swait.ge [sflag:s18], $0x2800  }
0x11e: {  	[sflag:s18] =	ssyncset.done $0x0  }
0x11f: {  	s21 =	sadd.s32 $0x10E0, s14;
	[sflag:s18] =	ssyncadd.s32 $0xFFFFD800  }
0x120: {  	[tilespmem:s20], [sflag:$0x2] =	stream.indirect.gather [hbm4b:s0+s19], $0x80, s21, s19, $0xb8;
	[tilespmem:$0x1FF90] =	vst v63  }
0x121: {  	_ =	swait.ge [sflag:s25], $0x2800  }
0x122: {  	[sflag:s25] =	ssyncset.done $0x0  }
0x123: {  	[sflag:s25] =	ssyncadd.s32 $0xFFFFD800  }
0x124: {  	v2 =	vld [tilespmem:s14+$0x1810];
	_ =	sdelay $0x7  }
0x125: {  	[tilespmem:v2+s23+$0x0] =	vst.idx.add.f32.msk $0xffff, v1  }
0x126: {  	v2 =	vld [tilespmem:s14+$0x1820];
	_ =	sdelay $0x7  }
0x127: {  	[tilespmem:v2+s23+$0x0] =	vst.idx.add.f32.msk $0xffff, v1  }
0x128: {  	v2 =	vld [tilespmem:s14+$0x1830];
	_ =	sdelay $0x7  }
0x129: {  	[tilespmem:v2+s23+$0x0] =	vst.idx.add.f32.msk $0xffff, v1  }
0x12a: {  	v2 =	vld [tilespmem:s14+$0x1840];
	_ =	sdelay $0x7  }
0x12b: {  	[tilespmem:v2+s23+$0x0] =	vst.idx.add.f32.msk $0xffff, v1  }
0x12c: {  	v2 =	vld [tilespmem:s14+$0x1850];
	_ =	sdelay $0x7  }
0x12d: {  	p0 =	sne.s32 s1, $0x1680;
	s21 =	sadd.s32 $0x1810, s14;
	[tilespmem:v2+s23+$0x0] =	vst.idx.add.f32.msk $0xffff, v1  }
0x12e: {  	[spmem:s3] =	stream.indirect.scatter.add.f32 [tilespmem:s22], [sflag:$0x5], $0x80, s21, s19, $0xb8;
	[tilespmem:$0x1FF90] =	vst v63  }
.Ltmp3:
0x12f: {  	_ = 	snop;
	(pc) =	sbr.rel @p0 .LBB2_8-.Ltmp3, $4  }
0x130: {  	_ =	swait.ge [sflag:s18], $0x2800  }
0x131: {  	[sflag:s18] =	ssyncset.done $0x0  }
0x132: {  	s1 =	sadd.s32 $0x3C0, s1;
	s14 =	sadd.s32 $0x1130, s14;
	[sflag:s18] =	ssyncadd.s32 $0xFFFFD800  }
0x133: {  	[tilespmem:s22], [sflag:$0x3] =	stream.indirect.gather [hbm4b:s0+s19], $0x80, s14, s19, $0xb8;
	[tilespmem:$0x1FF90] =	vst v63  }
0x134: {  	_ =	swait.ge [sflag:s15], $0x2800  }
0x135: {  	[sflag:s15] =	ssyncset.done $0x0  }
0x136: {  	[sflag:s15] =	ssyncadd.s32 $0xFFFFD800  }
0x137: {  	v2 =	vld [tilespmem:$0x1E00];
	_ =	sdelay $0x7  }
0x138: {  	[tilespmem:v2+s23+$0x0] =	vst.idx.add.f32.msk $0xffff, v1  }
0x139: {  	v2 =	vld [tilespmem:$0x1E10];
	_ =	sdelay $0x7  }
0x13a: {  	[tilespmem:v2+s23+$0x0] =	vst.idx.add.f32.msk $0xffff, v1  }
0x13b: {  	v2 =	vld [tilespmem:$0x1E20];
	_ =	sdelay $0x7  }
0x13c: {  	[tilespmem:v2+s23+$0x0] =	vst.idx.add.f32.msk $0xffff, v1  }
0x13d: {  	v2 =	vld [tilespmem:$0x1E30];
	_ =	sdelay $0x7  }
0x13e: {  	[tilespmem:v2+s23+$0x0] =	vst.idx.add.f32.msk $0xffff, v1  }
0x13f: {  	v2 =	vld [tilespmem:$0x1E40];
	_ =	sdelay $0x7  }
0x140: {  	s1 =	simm.s32 $0x1E00;
	[tilespmem:v2+s23+$0x0] =	vst.idx.add.f32.msk $0xffff, v1  }
0x141: {  	[spmem:s3] =	stream.indirect.scatter.add.f32 [tilespmem:s13], [sflag:$0x5], $0x80, s1, s19, $0xb8;
	[tilespmem:$0x1FF90] =	vst v63  }
0x142: {  	_ =	swait.ge [sflag:s18], $0x2800  }
0x143: {  	[sflag:s18] =	ssyncset.done $0x0  }
0x144: {  	s21 =	simm.s32 $0x1720;
	[sflag:s18] =	ssyncadd.s32 $0xFFFFD800  }
0x145: {  	[tilespmem:s13], [sflag:$0x1] =	stream.indirect.gather [hbm4b:s0+s19], $0x80, s21, s19, $0xb8;
	[tilespmem:$0x1FF90] =	vst v63  }
0x146: {  	_ =	swait.ge [sflag:s24], $0x2800  }
0x147: {  	[sflag:s24] =	ssyncset.done $0x0  }
0x148: {  	[sflag:s24] =	ssyncadd.s32 $0xFFFFD800  }
0x149: {  	v2 =	vld [tilespmem:$0x1E50];
	_ =	sdelay $0x7  }
0x14a: {  	[tilespmem:v2+s23+$0x0] =	vst.idx.add.f32.msk $0xffff, v1  }
0x14b: {  	v2 =	vld [tilespmem:$0x1E60];
	_ =	sdelay $0x7  }
0x14c: {  	[tilespmem:v2+s23+$0x0] =	vst.idx.add.f32.msk $0xffff, v1  }
0x14d: {  	v2 =	vld [tilespmem:$0x1E70];
	_ =	sdelay $0x7  }
0x14e: {  	[tilespmem:v2+s23+$0x0] =	vst.idx.add.f32.msk $0xffff, v1  }
0x14f: {  	v2 =	vld [tilespmem:$0x1E80];
	_ =	sdelay $0x7  }
0x150: {  	[tilespmem:v2+s23+$0x0] =	vst.idx.add.f32.msk $0xffff, v1  }
0x151: {  	v2 =	vld [tilespmem:$0x1E90];
	_ =	sdelay $0x7  }
0x152: {  	s14 =	simm.s32 $0x1E50;
	[tilespmem:v2+s23+$0x0] =	vst.idx.add.f32.msk $0xffff, v1  }
0x153: {  	[spmem:s3] =	stream.indirect.scatter.add.f32 [tilespmem:s20], [sflag:$0x5], $0x80, s14, s19, $0xb8;
	[tilespmem:$0x1FF90] =	vst v63  }
0x154: {  	_ =	swait.ge [sflag:s18], $0x2800  }
0x155: {  	[sflag:s18] =	ssyncset.done $0x0  }
0x156: {  	[sflag:s18] =	ssyncadd.s32 $0xFFFFD800  }
0x157: {  	_ =	swait.ge [sflag:s25], $0x2800  }
0x158: {  	[sflag:s25] =	ssyncset.done $0x0  }
0x159: {  	[sflag:s25] =	ssyncadd.s32 $0xFFFFD800  }
0x15a: {  	v2 =	vld [tilespmem:$0x1EA0];
	_ =	sdelay $0x7  }
0x15b: {  	[tilespmem:v2+s23+$0x0] =	vst.idx.add.f32.msk $0xffff, v1  }
0x15c: {  	v2 =	vld [tilespmem:$0x1EB0];
	_ =	sdelay $0x7  }
0x15d: {  	[tilespmem:v2+s23+$0x0] =	vst.idx.add.f32.msk $0xffff, v1  }
0x15e: {  	v2 =	vld [tilespmem:$0x1EC0];
	_ =	sdelay $0x7  }
0x15f: {  	[tilespmem:v2+s23+$0x0] =	vst.idx.add.f32.msk $0xffff, v1  }
0x160: {  	v2 =	vld [tilespmem:$0x1ED0];
	_ =	sdelay $0x7  }
0x161: {  	[tilespmem:v2+s23+$0x0] =	vst.idx.add.f32.msk $0xffff, v1  }
0x162: {  	v2 =	vld [tilespmem:$0x1EE0];
	_ =	sdelay $0x7  }
0x163: {  	s21 =	simm.s32 $0x1EA0;
	[tilespmem:v2+s23+$0x0] =	vst.idx.add.f32.msk $0xffff, v1  }
0x164: {  	[spmem:s3] =	stream.indirect.scatter.add.f32 [tilespmem:s22], [sflag:$0x5], $0x80, s21, s19, $0xb8;
	[tilespmem:$0x1FF90] =	vst v63  }
0x165: {  	_ =	swait.ge [sflag:s18], $0x2800  }
0x166: {  	[sflag:s18] =	ssyncset.done $0x0  }
0x167: {  	[sflag:s18] =	ssyncadd.s32 $0xFFFFD800  }
0x168: {  	_ =	swait.ge [sflag:s15], $0x2800  }
0x169: {  	[sflag:s15] =	ssyncset.done $0x0  }
0x16a: {  	[sflag:s15] =	ssyncadd.s32 $0xFFFFD800  }
0x16b: {  	v2 =	vld [tilespmem:$0x1EF0];
	_ =	sdelay $0x7  }
0x16c: {  	[tilespmem:v2+s23+$0x0] =	vst.idx.add.f32.msk $0xffff, v1  }
0x16d: {  	v2 =	vld [tilespmem:$0x1F00];
	_ =	sdelay $0x7  }
0x16e: {  	[tilespmem:v2+s23+$0x0] =	vst.idx.add.f32.msk $0xffff, v1  }
0x16f: {  	v2 =	vld [tilespmem:$0x1F10];
	_ =	sdelay $0x7  }
0x170: {  	[tilespmem:v2+s23+$0x0] =	vst.idx.add.f32.msk $0xffff, v1  }
0x171: {  	v2 =	vld [tilespmem:$0x1F20];
	_ =	sdelay $0x7  }
0x172: {  	[tilespmem:v2+s23+$0x0] =	vst.idx.add.f32.msk $0xffff, v1  }
0x173: {  	v2 =	vld [tilespmem:$0x1F30];
	_ =	sdelay $0x7  }
0x174: {  	s14 =	simm.s32 $0x1EF0;
	[tilespmem:v2+s23+$0x0] =	vst.idx.add.f32.msk $0xffff, v1  }
0x175: {  	[spmem:s3] =	stream.indirect.scatter.add.f32 [tilespmem:s13], [sflag:$0x5], $0x80, s14, s19, $0xb8;
	[tilespmem:$0x1FF90] =	vst v63  }
0x176: {  	_ =	swait.ge [sflag:s18], $0x2800  }
0x177: {  	[sflag:s18] =	ssyncset.done $0x0  }
0x178: {  	[sflag:s18] =	ssyncadd.s32 $0xFFFFD800  }
0x179: {  	_ =	swait.ge [sflag:s16], $0x7D0  }
0x17a: {  	[sflag:s16] =	ssyncset.done $0x0  }
0x17b: {  	[sflag:s16] =	ssyncadd.s32 $0xFFFFF830  }
0x17c: {  	_ =	swait.ge [sflag:s16], $0x7D0  }
0x17d: {  	[sflag:s16] =	ssyncset.done $0x0  }
0x17e: {  	s1 =	simm.s32 $0x0;
	s14 =	rddreg [dreg:$0x12];
	[sflag:s16] =	ssyncadd.s32 $0xFFFFF830  }
0x17f: {  	[tilespmem:s17], [sflag:$0x4] =	stream.linear.gather [hbm4b:s14+s1], $0x7D0, $0x38;
	[tilespmem:$0x1FF90] =	vst v63  }
0x180: {  	s21 =	simm.s32 $0x1770;
	s14 =	rddreg [dreg:$0x13]  }
0x181: {  	[tilespmem:s21], [sflag:$0x4] =	stream.linear.gather [hbm4b:s14+s1], $0x7D0, $0x38;
	[tilespmem:$0x1FF90] =	vst v63  }
0x182: {  	_ = 	snop  }
0x183: {  	[tilespmem:s13], [sflag:$0x1] =	stream.indirect.gather [hbm4b:s0+s19], $0x80, s1, s19, $0xb8;
	[tilespmem:$0x1FF90] =	vst v63  }
0x184: {  	_ = 	snop  }
0x185: {  	[tilespmem:s20], [sflag:$0x2] =	stream.indirect.gather [hbm4b:s0+s19], $0x80, s19, s19, $0xb8;
	[tilespmem:$0x1FF90] =	vst v63  }
0x186: {  	s21 =	simm.s32 $0xA0  }
0x187: {  	[tilespmem:s22], [sflag:$0x3] =	stream.indirect.gather [hbm4b:s0+s19], $0x80, s21, s19, $0xb8;
	[tilespmem:$0x1FF90] =	vst v63  }
.LBB2_10:
0x188: {  	_ =	swait.ge [sflag:s15], $0x2800  }
0x189: {  	[sflag:s15] =	ssyncset.done $0x0  }
0x18a: {  	s14 =	sshra.s32 s1, $0x2;
	[sflag:s15] =	ssyncadd.s32 $0xFFFFD800  }
0x18b: {  	v2 =	vld [tilespmem:s14+$0x7D0];
	_ =	sdelay $0x7  }
0x18c: {  	[tilespmem:v2+s23+$0x0] =	vst.idx.add.f32.msk $0xffff, v1  }
0x18d: {  	v2 =	vld [tilespmem:s14+$0x7E0];
	_ =	sdelay $0x7  }
0x18e: {  	[tilespmem:v2+s23+$0x0] =	vst.idx.add.f32.msk $0xffff, v1  }
0x18f: {  	v2 =	vld [tilespmem:s14+$0x7F0];
	_ =	sdelay $0x7  }
0x190: {  	[tilespmem:v2+s23+$0x0] =	vst.idx.add.f32.msk $0xffff, v1  }
0x191: {  	v2 =	vld [tilespmem:s14+$0x800];
	_ =	sdelay $0x7  }
0x192: {  	[tilespmem:v2+s23+$0x0] =	vst.idx.add.f32.msk $0xffff, v1  }
0x193: {  	v2 =	vld [tilespmem:s14+$0x810];
	_ =	sdelay $0x7  }
0x194: {  	s21 =	sadd.s32 $0x7D0, s14;
	[tilespmem:v2+s23+$0x0] =	vst.idx.add.f32.msk $0xffff, v1  }
0x195: {  	[spmem:s3] =	stream.indirect.scatter.add.f32 [tilespmem:s13], [sflag:$0x5], $0x80, s21, s19, $0xb8;
	[tilespmem:$0x1FF90] =	vst v63  }
0x196: {  	_ =	swait.ge [sflag:s18], $0x2800  }
0x197: {  	[sflag:s18] =	ssyncset.done $0x0  }
0x198: {  	s21 =	sadd.s32 $0xF0, s14;
	[sflag:s18] =	ssyncadd.s32 $0xFFFFD800  }
0x199: {  	[tilespmem:s13], [sflag:$0x1] =	stream.indirect.gather [hbm4b:s0+s19], $0x80, s21, s19, $0xb8;
	[tilespmem:$0x1FF90] =	vst v63  }
0x19a: {  	_ =	swait.ge [sflag:s24], $0x2800  }
0x19b: {  	[sflag:s24] =	ssyncset.done $0x0  }
0x19c: {  	[sflag:s24] =	ssyncadd.s32 $0xFFFFD800  }
0x19d: {  	v2 =	vld [tilespmem:s14+$0x820];
	_ =	sdelay $0x7  }
0x19e: {  	[tilespmem:v2+s23+$0x0] =	vst.idx.add.f32.msk $0xffff, v1  }
0x19f: {  	v2 =	vld [tilespmem:s14+$0x830];
	_ =	sdelay $0x7  }
0x1a0: {  	[tilespmem:v2+s23+$0x0] =	vst.idx.add.f32.msk $0xffff, v1  }
0x1a1: {  	v2 =	vld [tilespmem:s14+$0x840];
	_ =	sdelay $0x7  }
0x1a2: {  	[tilespmem:v2+s23+$0x0] =	vst.idx.add.f32.msk $0xffff, v1  }
0x1a3: {  	v2 =	vld [tilespmem:s14+$0x850];
	_ =	sdelay $0x7  }
0x1a4: {  	[tilespmem:v2+s23+$0x0] =	vst.idx.add.f32.msk $0xffff, v1  }
0x1a5: {  	v2 =	vld [tilespmem:s14+$0x860];
	_ =	sdelay $0x7  }
0x1a6: {  	s21 =	sadd.s32 $0x820, s14;
	[tilespmem:v2+s23+$0x0] =	vst.idx.add.f32.msk $0xffff, v1  }
0x1a7: {  	[spmem:s3] =	stream.indirect.scatter.add.f32 [tilespmem:s20], [sflag:$0x5], $0x80, s21, s19, $0xb8;
	[tilespmem:$0x1FF90] =	vst v63  }
0x1a8: {  	_ =	swait.ge [sflag:s18], $0x2800  }
0x1a9: {  	[sflag:s18] =	ssyncset.done $0x0  }
0x1aa: {  	s21 =	sadd.s32 $0x140, s14;
	[sflag:s18] =	ssyncadd.s32 $0xFFFFD800  }
0x1ab: {  	[tilespmem:s20], [sflag:$0x2] =	stream.indirect.gather [hbm4b:s0+s19], $0x80, s21, s19, $0xb8;
	[tilespmem:$0x1FF90] =	vst v63  }
0x1ac: {  	_ =	swait.ge [sflag:s25], $0x2800  }
0x1ad: {  	[sflag:s25] =	ssyncset.done $0x0  }
0x1ae: {  	[sflag:s25] =	ssyncadd.s32 $0xFFFFD800  }
0x1af: {  	v2 =	vld [tilespmem:s14+$0x870];
	_ =	sdelay $0x7  }
0x1b0: {  	[tilespmem:v2+s23+$0x0] =	vst.idx.add.f32.msk $0xffff, v1  }
0x1b1: {  	v2 =	vld [tilespmem:s14+$0x880];
	_ =	sdelay $0x7  }
0x1b2: {  	[tilespmem:v2+s23+$0x0] =	vst.idx.add.f32.msk $0xffff, v1  }
0x1b3: {  	v2 =	vld [tilespmem:s14+$0x890];
	_ =	sdelay $0x7  }
0x1b4: {  	[tilespmem:v2+s23+$0x0] =	vst.idx.add.f32.msk $0xffff, v1  }
0x1b5: {  	v2 =	vld [tilespmem:s14+$0x8A0];
	_ =	sdelay $0x7  }
0x1b6: {  	[tilespmem:v2+s23+$0x0] =	vst.idx.add.f32.msk $0xffff, v1  }
0x1b7: {  	v2 =	vld [tilespmem:s14+$0x8B0];
	_ =	sdelay $0x7  }
0x1b8: {  	p0 =	sne.s32 s1, $0x1680;
	s21 =	sadd.s32 $0x870, s14;
	[tilespmem:v2+s23+$0x0] =	vst.idx.add.f32.msk $0xffff, v1  }
0x1b9: {  	[spmem:s3] =	stream.indirect.scatter.add.f32 [tilespmem:s22], [sflag:$0x5], $0x80, s21, s19, $0xb8;
	[tilespmem:$0x1FF90] =	vst v63  }
.Ltmp4:
0x1ba: {  	_ = 	snop;
	(pc) =	sbr.rel @p0 .LBB2_10-.Ltmp4, $4  }
0x1bb: {  	_ =	swait.ge [sflag:s18], $0x2800  }
0x1bc: {  	[sflag:s18] =	ssyncset.done $0x0  }
0x1bd: {  	s1 =	sadd.s32 $0x3C0, s1;
	s14 =	sadd.s32 $0x190, s14;
	[sflag:s18] =	ssyncadd.s32 $0xFFFFD800  }
0x1be: {  	[tilespmem:s22], [sflag:$0x3] =	stream.indirect.gather [hbm4b:s0+s19], $0x80, s14, s19, $0xb8;
	[tilespmem:$0x1FF90] =	vst v63  }
0x1bf: {  	_ =	swait.ge [sflag:s15], $0x2800  }
0x1c0: {  	[sflag:s15] =	ssyncset.done $0x0  }
0x1c1: {  	[sflag:s15] =	ssyncadd.s32 $0xFFFFD800  }
0x1c2: {  	v2 =	vld [tilespmem:$0xE60];
	_ =	sdelay $0x7  }
0x1c3: {  	[tilespmem:v2+s23+$0x0] =	vst.idx.add.f32.msk $0xffff, v1  }
0x1c4: {  	v2 =	vld [tilespmem:$0xE70];
	_ =	sdelay $0x7  }
0x1c5: {  	[tilespmem:v2+s23+$0x0] =	vst.idx.add.f32.msk $0xffff, v1  }
0x1c6: {  	v2 =	vld [tilespmem:$0xE80];
	_ =	sdelay $0x7  }
0x1c7: {  	[tilespmem:v2+s23+$0x0] =	vst.idx.add.f32.msk $0xffff, v1  }
0x1c8: {  	v2 =	vld [tilespmem:$0xE90];
	_ =	sdelay $0x7  }
0x1c9: {  	[tilespmem:v2+s23+$0x0] =	vst.idx.add.f32.msk $0xffff, v1  }
0x1ca: {  	v2 =	vld [tilespmem:$0xEA0];
	_ =	sdelay $0x7  }
0x1cb: {  	s1 =	simm.s32 $0xE60;
	[tilespmem:v2+s23+$0x0] =	vst.idx.add.f32.msk $0xffff, v1  }
0x1cc: {  	[spmem:s3] =	stream.indirect.scatter.add.f32 [tilespmem:s13], [sflag:$0x5], $0x80, s1, s19, $0xb8;
	[tilespmem:$0x1FF90] =	vst v63  }
0x1cd: {  	_ =	swait.ge [sflag:s18], $0x2800  }
0x1ce: {  	[sflag:s18] =	ssyncset.done $0x0  }
0x1cf: {  	[sflag:s18] =	ssyncadd.s32 $0xFFFFD800  }
0x1d0: {  	[tilespmem:s13], [sflag:$0x1] =	stream.indirect.gather [hbm4b:s0+s19], $0x80, s28, s19, $0xb8;
	[tilespmem:$0x1FF90] =	vst v63  }
0x1d1: {  	_ =	swait.ge [sflag:s24], $0x2800  }
0x1d2: {  	[sflag:s24] =	ssyncset.done $0x0  }
0x1d3: {  	[sflag:s24] =	ssyncadd.s32 $0xFFFFD800  }
0x1d4: {  	v2 =	vld [tilespmem:$0xEB0];
	_ =	sdelay $0x7  }
0x1d5: {  	[tilespmem:v2+s23+$0x0] =	vst.idx.add.f32.msk $0xffff, v1  }
0x1d6: {  	v2 =	vld [tilespmem:$0xEC0];
	_ =	sdelay $0x7  }
0x1d7: {  	[tilespmem:v2+s23+$0x0] =	vst.idx.add.f32.msk $0xffff, v1  }
0x1d8: {  	v2 =	vld [tilespmem:$0xED0];
	_ =	sdelay $0x7  }
0x1d9: {  	[tilespmem:v2+s23+$0x0] =	vst.idx.add.f32.msk $0xffff, v1  }
0x1da: {  	v2 =	vld [tilespmem:$0xEE0];
	_ =	sdelay $0x7  }
0x1db: {  	[tilespmem:v2+s23+$0x0] =	vst.idx.add.f32.msk $0xffff, v1  }
0x1dc: {  	v2 =	vld [tilespmem:$0xEF0];
	_ =	sdelay $0x7  }
0x1dd: {  	[tilespmem:v2+s23+$0x0] =	vst.idx.add.f32.msk $0xffff, v1  }
0x1de: {  	[spmem:s3] =	stream.indirect.scatter.add.f32 [tilespmem:s20], [sflag:$0x5], $0x80, s29, s19, $0xb8;
	[tilespmem:$0x1FF90] =	vst v63  }
0x1df: {  	_ =	swait.ge [sflag:s18], $0x2800  }
0x1e0: {  	[sflag:s18] =	ssyncset.done $0x0  }
0x1e1: {  	[sflag:s18] =	ssyncadd.s32 $0xFFFFD800  }
0x1e2: {  	_ =	swait.ge [sflag:s25], $0x2800  }
0x1e3: {  	[sflag:s25] =	ssyncset.done $0x0  }
0x1e4: {  	[sflag:s25] =	ssyncadd.s32 $0xFFFFD800  }
0x1e5: {  	v2 =	vld [tilespmem:$0xF00];
	_ =	sdelay $0x7  }
0x1e6: {  	[tilespmem:v2+s23+$0x0] =	vst.idx.add.f32.msk $0xffff, v1  }
0x1e7: {  	v2 =	vld [tilespmem:$0xF10];
	_ =	sdelay $0x7  }
0x1e8: {  	[tilespmem:v2+s23+$0x0] =	vst.idx.add.f32.msk $0xffff, v1  }
0x1e9: {  	v2 =	vld [tilespmem:$0xF20];
	_ =	sdelay $0x7  }
0x1ea: {  	[tilespmem:v2+s23+$0x0] =	vst.idx.add.f32.msk $0xffff, v1  }
0x1eb: {  	v2 =	vld [tilespmem:$0xF30];
	_ =	sdelay $0x7  }
0x1ec: {  	[tilespmem:v2+s23+$0x0] =	vst.idx.add.f32.msk $0xffff, v1  }
0x1ed: {  	v2 =	vld [tilespmem:$0xF40];
	_ =	sdelay $0x7  }
0x1ee: {  	[tilespmem:v2+s23+$0x0] =	vst.idx.add.f32.msk $0xffff, v1  }
0x1ef: {  	[spmem:s3] =	stream.indirect.scatter.add.f32 [tilespmem:s22], [sflag:$0x5], $0x80, s30, s19, $0xb8;
	[tilespmem:$0x1FF90] =	vst v63  }
0x1f0: {  	_ =	swait.ge [sflag:s18], $0x2800  }
0x1f1: {  	[sflag:s18] =	ssyncset.done $0x0  }
0x1f2: {  	[sflag:s18] =	ssyncadd.s32 $0xFFFFD800  }
0x1f3: {  	_ =	swait.ge [sflag:s15], $0x2800  }
0x1f4: {  	[sflag:s15] =	ssyncset.done $0x0  }
0x1f5: {  	[sflag:s15] =	ssyncadd.s32 $0xFFFFD800  }
0x1f6: {  	v2 =	vld [tilespmem:$0xF50];
	_ =	sdelay $0x7  }
0x1f7: {  	[tilespmem:v2+s23+$0x0] =	vst.idx.add.f32.msk $0xffff, v1  }
0x1f8: {  	v2 =	vld [tilespmem:$0xF60];
	_ =	sdelay $0x7  }
0x1f9: {  	[tilespmem:v2+s23+$0x0] =	vst.idx.add.f32.msk $0xffff, v1  }
0x1fa: {  	v2 =	vld [tilespmem:$0xF70];
	_ =	sdelay $0x7  }
0x1fb: {  	[tilespmem:v2+s23+$0x0] =	vst.idx.add.f32.msk $0xffff, v1  }
0x1fc: {  	v2 =	vld [tilespmem:$0xF80];
	_ =	sdelay $0x7  }
0x1fd: {  	[tilespmem:v2+s23+$0x0] =	vst.idx.add.f32.msk $0xffff, v1  }
0x1fe: {  	v2 =	vld [tilespmem:$0xF90];
	_ =	sdelay $0x7  }
0x1ff: {  	[tilespmem:v2+s23+$0x0] =	vst.idx.add.f32.msk $0xffff, v1  }
0x200: {  	[spmem:s3] =	stream.indirect.scatter.add.f32 [tilespmem:s13], [sflag:$0x5], $0x80, s31, s19, $0xb8;
	[tilespmem:$0x1FF90] =	vst v63  }
0x201: {  	_ =	swait.ge [sflag:s18], $0x2800  }
0x202: {  	[sflag:s18] =	ssyncset.done $0x0  }
0x203: {  	[sflag:s18] =	ssyncadd.s32 $0xFFFFD800  }
0x204: {  	_ =	swait.ge [sflag:s16], $0x7D0  }
0x205: {  	[sflag:s16] =	ssyncset.done $0x0  }
0x206: {  	[sflag:s16] =	ssyncadd.s32 $0xFFFFF830  }
0x207: {  	_ =	swait.ge [sflag:s16], $0x7D0  }
0x208: {  	[sflag:s16] =	ssyncset.done $0x0  }
0x209: {  	s1 =	simm.s32 $0x0;
	s14 =	rddreg [dreg:$0x14];
	[sflag:s16] =	ssyncadd.s32 $0xFFFFF830  }
0x20a: {  	[tilespmem:s1], [sflag:$0x4] =	stream.linear.gather [hbm4b:s14+s1], $0x7D0, $0x38;
	[tilespmem:$0x1FF90] =	vst v63  }
0x20b: {  	s21 =	rddreg [dreg:$0x15]  }
0x20c: {  	[tilespmem:s26], [sflag:$0x4] =	stream.linear.gather [hbm4b:s21+s1], $0x7D0, $0x38;
	[tilespmem:$0x1FF90] =	vst v63  }
0x20d: {  	_ = 	snop  }
0x20e: {  	[tilespmem:s13], [sflag:$0x1] =	stream.indirect.gather [hbm4b:s0+s19], $0x80, s17, s19, $0xb8;
	[tilespmem:$0x1FF90] =	vst v63  }
0x20f: {  	s21 =	simm.s32 $0xFF0  }
0x210: {  	[tilespmem:s20], [sflag:$0x2] =	stream.indirect.gather [hbm4b:s0+s19], $0x80, s21, s19, $0xb8;
	[tilespmem:$0x1FF90] =	vst v63  }
0x211: {  	s26 =	simm.s32 $0x1040  }
0x212: {  	[tilespmem:s22], [sflag:$0x3] =	stream.indirect.gather [hbm4b:s0+s19], $0x80, s26, s19, $0xb8;
	[tilespmem:$0x1FF90] =	vst v63  }
.LBB2_12:
0x213: {  	_ =	swait.ge [sflag:s15], $0x2800  }
0x214: {  	[sflag:s15] =	ssyncset.done $0x0  }
0x215: {  	s14 =	sshra.s32 s1, $0x2;
	[sflag:s15] =	ssyncadd.s32 $0xFFFFD800  }
0x216: {  	v2 =	vld [tilespmem:s14+$0x1770];
	_ =	sdelay $0x7  }
0x217: {  	[tilespmem:v2+s23+$0x0] =	vst.idx.add.f32.msk $0xffff, v1  }
0x218: {  	v2 =	vld [tilespmem:s14+$0x1780];
	_ =	sdelay $0x7  }
0x219: {  	[tilespmem:v2+s23+$0x0] =	vst.idx.add.f32.msk $0xffff, v1  }
0x21a: {  	v2 =	vld [tilespmem:s14+$0x1790];
	_ =	sdelay $0x7  }
0x21b: {  	[tilespmem:v2+s23+$0x0] =	vst.idx.add.f32.msk $0xffff, v1  }
0x21c: {  	v2 =	vld [tilespmem:s14+$0x17A0];
	_ =	sdelay $0x7  }
0x21d: {  	[tilespmem:v2+s23+$0x0] =	vst.idx.add.f32.msk $0xffff, v1  }
0x21e: {  	v2 =	vld [tilespmem:s14+$0x17B0];
	_ =	sdelay $0x7  }
0x21f: {  	s21 =	sadd.s32 $0x1770, s14;
	[tilespmem:v2+s23+$0x0] =	vst.idx.add.f32.msk $0xffff, v1  }
0x220: {  	[spmem:s3] =	stream.indirect.scatter.add.f32 [tilespmem:s13], [sflag:$0x5], $0x80, s21, s19, $0xb8;
	[tilespmem:$0x1FF90] =	vst v63  }
0x221: {  	_ =	swait.ge [sflag:s18], $0x2800  }
0x222: {  	[sflag:s18] =	ssyncset.done $0x0  }
0x223: {  	s26 =	sadd.s32 $0x1090, s14;
	[sflag:s18] =	ssyncadd.s32 $0xFFFFD800  }
0x224: {  	[tilespmem:s13], [sflag:$0x1] =	stream.indirect.gather [hbm4b:s0+s19], $0x80, s26, s19, $0xb8;
	[tilespmem:$0x1FF90] =	vst v63  }
0x225: {  	_ =	swait.ge [sflag:s24], $0x2800  }
0x226: {  	[sflag:s24] =	ssyncset.done $0x0  }
0x227: {  	[sflag:s24] =	ssyncadd.s32 $0xFFFFD800  }
0x228: {  	v2 =	vld [tilespmem:s14+$0x17C0];
	_ =	sdelay $0x7  }
0x229: {  	[tilespmem:v2+s23+$0x0] =	vst.idx.add.f32.msk $0xffff, v1  }
0x22a: {  	v2 =	vld [tilespmem:s14+$0x17D0];
	_ =	sdelay $0x7  }
0x22b: {  	[tilespmem:v2+s23+$0x0] =	vst.idx.add.f32.msk $0xffff, v1  }
0x22c: {  	v2 =	vld [tilespmem:s14+$0x17E0];
	_ =	sdelay $0x7  }
0x22d: {  	[tilespmem:v2+s23+$0x0] =	vst.idx.add.f32.msk $0xffff, v1  }
0x22e: {  	v2 =	vld [tilespmem:s14+$0x17F0];
	_ =	sdelay $0x7  }
0x22f: {  	[tilespmem:v2+s23+$0x0] =	vst.idx.add.f32.msk $0xffff, v1  }
0x230: {  	v2 =	vld [tilespmem:s14+$0x1800];
	_ =	sdelay $0x7  }
0x231: {  	s26 =	sadd.s32 $0x17C0, s14;
	[tilespmem:v2+s23+$0x0] =	vst.idx.add.f32.msk $0xffff, v1  }
0x232: {  	[spmem:s3] =	stream.indirect.scatter.add.f32 [tilespmem:s20], [sflag:$0x5], $0x80, s26, s19, $0xb8;
	[tilespmem:$0x1FF90] =	vst v63  }
0x233: {  	_ =	swait.ge [sflag:s18], $0x2800  }
0x234: {  	[sflag:s18] =	ssyncset.done $0x0  }
0x235: {  	s26 =	sadd.s32 $0x10E0, s14;
	[sflag:s18] =	ssyncadd.s32 $0xFFFFD800  }
0x236: {  	[tilespmem:s20], [sflag:$0x2] =	stream.indirect.gather [hbm4b:s0+s19], $0x80, s26, s19, $0xb8;
	[tilespmem:$0x1FF90] =	vst v63  }
0x237: {  	_ =	swait.ge [sflag:s25], $0x2800  }
0x238: {  	[sflag:s25] =	ssyncset.done $0x0  }
0x239: {  	[sflag:s25] =	ssyncadd.s32 $0xFFFFD800  }
0x23a: {  	v2 =	vld [tilespmem:s14+$0x1810];
	_ =	sdelay $0x7  }
0x23b: {  	[tilespmem:v2+s23+$0x0] =	vst.idx.add.f32.msk $0xffff, v1  }
0x23c: {  	v2 =	vld [tilespmem:s14+$0x1820];
	_ =	sdelay $0x7  }
0x23d: {  	[tilespmem:v2+s23+$0x0] =	vst.idx.add.f32.msk $0xffff, v1  }
0x23e: {  	v2 =	vld [tilespmem:s14+$0x1830];
	_ =	sdelay $0x7  }
0x23f: {  	[tilespmem:v2+s23+$0x0] =	vst.idx.add.f32.msk $0xffff, v1  }
0x240: {  	v2 =	vld [tilespmem:s14+$0x1840];
	_ =	sdelay $0x7  }
0x241: {  	[tilespmem:v2+s23+$0x0] =	vst.idx.add.f32.msk $0xffff, v1  }
0x242: {  	v2 =	vld [tilespmem:s14+$0x1850];
	_ =	sdelay $0x7  }
0x243: {  	p0 =	sne.s32 s1, $0x1680;
	s26 =	sadd.s32 $0x1810, s14;
	[tilespmem:v2+s23+$0x0] =	vst.idx.add.f32.msk $0xffff, v1  }
0x244: {  	[spmem:s3] =	stream.indirect.scatter.add.f32 [tilespmem:s22], [sflag:$0x5], $0x80, s26, s19, $0xb8;
	[tilespmem:$0x1FF90] =	vst v63  }
.Ltmp5:
0x245: {  	_ = 	snop;
	(pc) =	sbr.rel @p0 .LBB2_12-.Ltmp5, $4  }
0x246: {  	_ =	swait.ge [sflag:s18], $0x2800  }
0x247: {  	[sflag:s18] =	ssyncset.done $0x0  }
0x248: {  	s1 =	sadd.s32 $0x3C0, s1;
	s14 =	sadd.s32 $0x1130, s14;
	[sflag:s18] =	ssyncadd.s32 $0xFFFFD800  }
0x249: {  	[tilespmem:s22], [sflag:$0x3] =	stream.indirect.gather [hbm4b:s0+s19], $0x80, s14, s19, $0xb8;
	[tilespmem:$0x1FF90] =	vst v63  }
0x24a: {  	_ =	swait.ge [sflag:s15], $0x2800  }
0x24b: {  	[sflag:s15] =	ssyncset.done $0x0  }
0x24c: {  	[sflag:s15] =	ssyncadd.s32 $0xFFFFD800  }
0x24d: {  	v2 =	vld [tilespmem:$0x1E00];
	_ =	sdelay $0x7  }
0x24e: {  	[tilespmem:v2+s23+$0x0] =	vst.idx.add.f32.msk $0xffff, v1  }
0x24f: {  	v2 =	vld [tilespmem:$0x1E10];
	_ =	sdelay $0x7  }
0x250: {  	[tilespmem:v2+s23+$0x0] =	vst.idx.add.f32.msk $0xffff, v1  }
0x251: {  	v2 =	vld [tilespmem:$0x1E20];
	_ =	sdelay $0x7  }
0x252: {  	[tilespmem:v2+s23+$0x0] =	vst.idx.add.f32.msk $0xffff, v1  }
0x253: {  	v2 =	vld [tilespmem:$0x1E30];
	_ =	sdelay $0x7  }
0x254: {  	[tilespmem:v2+s23+$0x0] =	vst.idx.add.f32.msk $0xffff, v1  }
0x255: {  	v2 =	vld [tilespmem:$0x1E40];
	_ =	sdelay $0x7  }
0x256: {  	s1 =	simm.s32 $0x1E00;
	[tilespmem:v2+s23+$0x0] =	vst.idx.add.f32.msk $0xffff, v1  }
0x257: {  	[spmem:s3] =	stream.indirect.scatter.add.f32 [tilespmem:s13], [sflag:$0x5], $0x80, s1, s19, $0xb8;
	[tilespmem:$0x1FF90] =	vst v63  }
0x258: {  	_ =	swait.ge [sflag:s18], $0x2800  }
0x259: {  	[sflag:s18] =	ssyncset.done $0x0  }
0x25a: {  	s26 =	simm.s32 $0x1720;
	[sflag:s18] =	ssyncadd.s32 $0xFFFFD800  }
0x25b: {  	[tilespmem:s13], [sflag:$0x1] =	stream.indirect.gather [hbm4b:s0+s19], $0x80, s26, s19, $0xb8;
	[tilespmem:$0x1FF90] =	vst v63  }
0x25c: {  	_ =	swait.ge [sflag:s24], $0x2800  }
0x25d: {  	[sflag:s24] =	ssyncset.done $0x0  }
0x25e: {  	[sflag:s24] =	ssyncadd.s32 $0xFFFFD800  }
0x25f: {  	v2 =	vld [tilespmem:$0x1E50];
	_ =	sdelay $0x7  }
0x260: {  	[tilespmem:v2+s23+$0x0] =	vst.idx.add.f32.msk $0xffff, v1  }
0x261: {  	v2 =	vld [tilespmem:$0x1E60];
	_ =	sdelay $0x7  }
0x262: {  	[tilespmem:v2+s23+$0x0] =	vst.idx.add.f32.msk $0xffff, v1  }
0x263: {  	v2 =	vld [tilespmem:$0x1E70];
	_ =	sdelay $0x7  }
0x264: {  	[tilespmem:v2+s23+$0x0] =	vst.idx.add.f32.msk $0xffff, v1  }
0x265: {  	v2 =	vld [tilespmem:$0x1E80];
	_ =	sdelay $0x7  }
0x266: {  	[tilespmem:v2+s23+$0x0] =	vst.idx.add.f32.msk $0xffff, v1  }
0x267: {  	v2 =	vld [tilespmem:$0x1E90];
	_ =	sdelay $0x7  }
0x268: {  	s14 =	simm.s32 $0x1E50;
	[tilespmem:v2+s23+$0x0] =	vst.idx.add.f32.msk $0xffff, v1  }
0x269: {  	[spmem:s3] =	stream.indirect.scatter.add.f32 [tilespmem:s20], [sflag:$0x5], $0x80, s14, s19, $0xb8;
	[tilespmem:$0x1FF90] =	vst v63  }
0x26a: {  	_ =	swait.ge [sflag:s18], $0x2800  }
0x26b: {  	[sflag:s18] =	ssyncset.done $0x0  }
0x26c: {  	[sflag:s18] =	ssyncadd.s32 $0xFFFFD800  }
0x26d: {  	_ =	swait.ge [sflag:s25], $0x2800  }
0x26e: {  	[sflag:s25] =	ssyncset.done $0x0  }
0x26f: {  	[sflag:s25] =	ssyncadd.s32 $0xFFFFD800  }
0x270: {  	v2 =	vld [tilespmem:$0x1EA0];
	_ =	sdelay $0x7  }
0x271: {  	[tilespmem:v2+s23+$0x0] =	vst.idx.add.f32.msk $0xffff, v1  }
0x272: {  	v2 =	vld [tilespmem:$0x1EB0];
	_ =	sdelay $0x7  }
0x273: {  	[tilespmem:v2+s23+$0x0] =	vst.idx.add.f32.msk $0xffff, v1  }
0x274: {  	v2 =	vld [tilespmem:$0x1EC0];
	_ =	sdelay $0x7  }
0x275: {  	[tilespmem:v2+s23+$0x0] =	vst.idx.add.f32.msk $0xffff, v1  }
0x276: {  	v2 =	vld [tilespmem:$0x1ED0];
	_ =	sdelay $0x7  }
0x277: {  	[tilespmem:v2+s23+$0x0] =	vst.idx.add.f32.msk $0xffff, v1  }
0x278: {  	v2 =	vld [tilespmem:$0x1EE0];
	_ =	sdelay $0x7  }
0x279: {  	s21 =	simm.s32 $0x1EA0;
	[tilespmem:v2+s23+$0x0] =	vst.idx.add.f32.msk $0xffff, v1  }
0x27a: {  	[spmem:s3] =	stream.indirect.scatter.add.f32 [tilespmem:s22], [sflag:$0x5], $0x80, s21, s19, $0xb8;
	[tilespmem:$0x1FF90] =	vst v63  }
0x27b: {  	_ =	swait.ge [sflag:s18], $0x2800  }
0x27c: {  	[sflag:s18] =	ssyncset.done $0x0  }
0x27d: {  	[sflag:s18] =	ssyncadd.s32 $0xFFFFD800  }
0x27e: {  	_ =	swait.ge [sflag:s15], $0x2800  }
0x27f: {  	[sflag:s15] =	ssyncset.done $0x0  }
0x280: {  	[sflag:s15] =	ssyncadd.s32 $0xFFFFD800  }
0x281: {  	v2 =	vld [tilespmem:$0x1EF0];
	_ =	sdelay $0x7  }
0x282: {  	[tilespmem:v2+s23+$0x0] =	vst.idx.add.f32.msk $0xffff, v1  }
0x283: {  	v2 =	vld [tilespmem:$0x1F00];
	_ =	sdelay $0x7  }
0x284: {  	[tilespmem:v2+s23+$0x0] =	vst.idx.add.f32.msk $0xffff, v1  }
0x285: {  	v2 =	vld [tilespmem:$0x1F10];
	_ =	sdelay $0x7  }
0x286: {  	[tilespmem:v2+s23+$0x0] =	vst.idx.add.f32.msk $0xffff, v1  }
0x287: {  	v2 =	vld [tilespmem:$0x1F20];
	_ =	sdelay $0x7  }
0x288: {  	[tilespmem:v2+s23+$0x0] =	vst.idx.add.f32.msk $0xffff, v1  }
0x289: {  	v2 =	vld [tilespmem:$0x1F30];
	_ =	sdelay $0x7  }
0x28a: {  	s26 =	simm.s32 $0x1EF0;
	[tilespmem:v2+s23+$0x0] =	vst.idx.add.f32.msk $0xffff, v1  }
0x28b: {  	[spmem:s3] =	stream.indirect.scatter.add.f32 [tilespmem:s13], [sflag:$0x5], $0x80, s26, s19, $0xb8;
	[tilespmem:$0x1FF90] =	vst v63  }
0x28c: {  	_ =	swait.ge [sflag:s18], $0x2800  }
0x28d: {  	[sflag:s18] =	ssyncset.done $0x0  }
0x28e: {  	[sflag:s18] =	ssyncadd.s32 $0xFFFFD800  }
0x28f: {  	_ =	swait.ge [sflag:s16], $0x7D0  }
0x290: {  	[sflag:s16] =	ssyncset.done $0x0  }
0x291: {  	[sflag:s16] =	ssyncadd.s32 $0xFFFFF830  }
0x292: {  	_ =	swait.ge [sflag:s16], $0x7D0  }
0x293: {  	[sflag:s16] =	ssyncset.done $0x0  }
0x294: {  	s1 =	simm.s32 $0x0;
	[sflag:s16] =	ssyncadd.s32 $0xFFFFF830  }
0x295: {  	[tilespmem:s13], [sflag:$0x1] =	stream.indirect.gather [hbm4b:s0+s19], $0x80, s1, s19, $0xb8;
	[tilespmem:$0x1FF90] =	vst v63  }
0x296: {  	_ = 	snop  }
0x297: {  	[tilespmem:s20], [sflag:$0x2] =	stream.indirect.gather [hbm4b:s0+s19], $0x80, s19, s19, $0xb8;
	[tilespmem:$0x1FF90] =	vst v63  }
0x298: {  	s14 =	simm.s32 $0xA0  }
0x299: {  	[tilespmem:s22], [sflag:$0x3] =	stream.indirect.gather [hbm4b:s0+s19], $0x80, s14, s19, $0xb8;
	[tilespmem:$0x1FF90] =	vst v63  }
.LBB2_14:
0x29a: {  	_ =	swait.ge [sflag:s15], $0x2800  }
0x29b: {  	[sflag:s15] =	ssyncset.done $0x0  }
0x29c: {  	s14 =	sshra.s32 s1, $0x2;
	[sflag:s15] =	ssyncadd.s32 $0xFFFFD800  }
0x29d: {  	v2 =	vld [tilespmem:s14+$0x7D0];
	_ =	sdelay $0x7  }
0x29e: {  	[tilespmem:v2+s23+$0x0] =	vst.idx.add.f32.msk $0xffff, v1  }
0x29f: {  	v2 =	vld [tilespmem:s14+$0x7E0];
	_ =	sdelay $0x7  }
0x2a0: {  	[tilespmem:v2+s23+$0x0] =	vst.idx.add.f32.msk $0xffff, v1  }
0x2a1: {  	v2 =	vld [tilespmem:s14+$0x7F0];
	_ =	sdelay $0x7  }
0x2a2: {  	[tilespmem:v2+s23+$0x0] =	vst.idx.add.f32.msk $0xffff, v1  }
0x2a3: {  	v2 =	vld [tilespmem:s14+$0x800];
	_ =	sdelay $0x7  }
0x2a4: {  	[tilespmem:v2+s23+$0x0] =	vst.idx.add.f32.msk $0xffff, v1  }
0x2a5: {  	v2 =	vld [tilespmem:s14+$0x810];
	_ =	sdelay $0x7  }
0x2a6: {  	s21 =	sadd.s32 $0x7D0, s14;
	[tilespmem:v2+s23+$0x0] =	vst.idx.add.f32.msk $0xffff, v1  }
0x2a7: {  	[spmem:s3] =	stream.indirect.scatter.add.f32 [tilespmem:s13], [sflag:$0x5], $0x80, s21, s19, $0xb8;
	[tilespmem:$0x1FF90] =	vst v63  }
0x2a8: {  	_ =	swait.ge [sflag:s18], $0x2800  }
0x2a9: {  	[sflag:s18] =	ssyncset.done $0x0  }
0x2aa: {  	s26 =	sadd.s32 $0xF0, s14;
	[sflag:s18] =	ssyncadd.s32 $0xFFFFD800  }
0x2ab: {  	[tilespmem:s13], [sflag:$0x1] =	stream.indirect.gather [hbm4b:s0+s19], $0x80, s26, s19, $0xb8;
	[tilespmem:$0x1FF90] =	vst v63  }
0x2ac: {  	_ =	swait.ge [sflag:s24], $0x2800  }
0x2ad: {  	[sflag:s24] =	ssyncset.done $0x0  }
0x2ae: {  	[sflag:s24] =	ssyncadd.s32 $0xFFFFD800  }
0x2af: {  	v2 =	vld [tilespmem:s14+$0x820];
	_ =	sdelay $0x7  }
0x2b0: {  	[tilespmem:v2+s23+$0x0] =	vst.idx.add.f32.msk $0xffff, v1  }
0x2b1: {  	v2 =	vld [tilespmem:s14+$0x830];
	_ =	sdelay $0x7  }
0x2b2: {  	[tilespmem:v2+s23+$0x0] =	vst.idx.add.f32.msk $0xffff, v1  }
0x2b3: {  	v2 =	vld [tilespmem:s14+$0x840];
	_ =	sdelay $0x7  }
0x2b4: {  	[tilespmem:v2+s23+$0x0] =	vst.idx.add.f32.msk $0xffff, v1  }
0x2b5: {  	v2 =	vld [tilespmem:s14+$0x850];
	_ =	sdelay $0x7  }
0x2b6: {  	[tilespmem:v2+s23+$0x0] =	vst.idx.add.f32.msk $0xffff, v1  }
0x2b7: {  	v2 =	vld [tilespmem:s14+$0x860];
	_ =	sdelay $0x7  }
0x2b8: {  	s26 =	sadd.s32 $0x820, s14;
	[tilespmem:v2+s23+$0x0] =	vst.idx.add.f32.msk $0xffff, v1  }
0x2b9: {  	[spmem:s3] =	stream.indirect.scatter.add.f32 [tilespmem:s20], [sflag:$0x5], $0x80, s26, s19, $0xb8;
	[tilespmem:$0x1FF90] =	vst v63  }
0x2ba: {  	_ =	swait.ge [sflag:s18], $0x2800  }
0x2bb: {  	[sflag:s18] =	ssyncset.done $0x0  }
0x2bc: {  	s26 =	sadd.s32 $0x140, s14;
	[sflag:s18] =	ssyncadd.s32 $0xFFFFD800  }
0x2bd: {  	[tilespmem:s20], [sflag:$0x2] =	stream.indirect.gather [hbm4b:s0+s19], $0x80, s26, s19, $0xb8;
	[tilespmem:$0x1FF90] =	vst v63  }
0x2be: {  	_ =	swait.ge [sflag:s25], $0x2800  }
0x2bf: {  	[sflag:s25] =	ssyncset.done $0x0  }
0x2c0: {  	[sflag:s25] =	ssyncadd.s32 $0xFFFFD800  }
0x2c1: {  	v2 =	vld [tilespmem:s14+$0x870];
	_ =	sdelay $0x7  }
0x2c2: {  	[tilespmem:v2+s23+$0x0] =	vst.idx.add.f32.msk $0xffff, v1  }
0x2c3: {  	v2 =	vld [tilespmem:s14+$0x880];
	_ =	sdelay $0x7  }
0x2c4: {  	[tilespmem:v2+s23+$0x0] =	vst.idx.add.f32.msk $0xffff, v1  }
0x2c5: {  	v2 =	vld [tilespmem:s14+$0x890];
	_ =	sdelay $0x7  }
0x2c6: {  	[tilespmem:v2+s23+$0x0] =	vst.idx.add.f32.msk $0xffff, v1  }
0x2c7: {  	v2 =	vld [tilespmem:s14+$0x8A0];
	_ =	sdelay $0x7  }
0x2c8: {  	[tilespmem:v2+s23+$0x0] =	vst.idx.add.f32.msk $0xffff, v1  }
0x2c9: {  	v2 =	vld [tilespmem:s14+$0x8B0];
	_ =	sdelay $0x7  }
0x2ca: {  	p0 =	sne.s32 s1, $0x1680;
	s26 =	sadd.s32 $0x870, s14;
	[tilespmem:v2+s23+$0x0] =	vst.idx.add.f32.msk $0xffff, v1  }
0x2cb: {  	[spmem:s3] =	stream.indirect.scatter.add.f32 [tilespmem:s22], [sflag:$0x5], $0x80, s26, s19, $0xb8;
	[tilespmem:$0x1FF90] =	vst v63  }
.Ltmp6:
0x2cc: {  	_ = 	snop;
	(pc) =	sbr.rel @p0 .LBB2_14-.Ltmp6, $4  }
0x2cd: {  	_ =	swait.ge [sflag:s18], $0x2800  }
0x2ce: {  	[sflag:s18] =	ssyncset.done $0x0  }
0x2cf: {  	s1 =	sadd.s32 $0x3C0, s1;
	s14 =	sadd.s32 $0x190, s14;
	[sflag:s18] =	ssyncadd.s32 $0xFFFFD800  }
0x2d0: {  	[tilespmem:s22], [sflag:$0x3] =	stream.indirect.gather [hbm4b:s0+s19], $0x80, s14, s19, $0xb8;
	[tilespmem:$0x1FF90] =	vst v63  }
0x2d1: {  	_ =	swait.ge [sflag:s15], $0x2800  }
0x2d2: {  	[sflag:s15] =	ssyncset.done $0x0  }
0x2d3: {  	[sflag:s15] =	ssyncadd.s32 $0xFFFFD800  }
0x2d4: {  	v2 =	vld [tilespmem:$0xE60];
	_ =	sdelay $0x7  }
0x2d5: {  	[tilespmem:v2+s23+$0x0] =	vst.idx.add.f32.msk $0xffff, v1  }
0x2d6: {  	v2 =	vld [tilespmem:$0xE70];
	_ =	sdelay $0x7  }
0x2d7: {  	[tilespmem:v2+s23+$0x0] =	vst.idx.add.f32.msk $0xffff, v1  }
0x2d8: {  	v2 =	vld [tilespmem:$0xE80];
	_ =	sdelay $0x7  }
0x2d9: {  	[tilespmem:v2+s23+$0x0] =	vst.idx.add.f32.msk $0xffff, v1  }
0x2da: {  	v2 =	vld [tilespmem:$0xE90];
	_ =	sdelay $0x7  }
0x2db: {  	[tilespmem:v2+s23+$0x0] =	vst.idx.add.f32.msk $0xffff, v1  }
0x2dc: {  	v2 =	vld [tilespmem:$0xEA0];
	_ =	sdelay $0x7  }
0x2dd: {  	s1 =	simm.s32 $0xE60;
	[tilespmem:v2+s23+$0x0] =	vst.idx.add.f32.msk $0xffff, v1  }
0x2de: {  	[spmem:s3] =	stream.indirect.scatter.add.f32 [tilespmem:s13], [sflag:$0x5], $0x80, s1, s19, $0xb8;
	[tilespmem:$0x1FF90] =	vst v63  }
0x2df: {  	_ =	swait.ge [sflag:s18], $0x2800  }
0x2e0: {  	[sflag:s18] =	ssyncset.done $0x0  }
0x2e1: {  	[sflag:s18] =	ssyncadd.s32 $0xFFFFD800  }
0x2e2: {  	[tilespmem:s13], [sflag:$0x1] =	stream.indirect.gather [hbm4b:s0+s19], $0x80, s28, s19, $0xb8;
	[tilespmem:$0x1FF90] =	vst v63  }
0x2e3: {  	_ =	swait.ge [sflag:s24], $0x2800  }
0x2e4: {  	[sflag:s24] =	ssyncset.done $0x0  }
0x2e5: {  	[sflag:s24] =	ssyncadd.s32 $0xFFFFD800  }
0x2e6: {  	v2 =	vld [tilespmem:$0xEB0];
	_ =	sdelay $0x7  }
0x2e7: {  	[tilespmem:v2+s23+$0x0] =	vst.idx.add.f32.msk $0xffff, v1  }
0x2e8: {  	v2 =	vld [tilespmem:$0xEC0];
	_ =	sdelay $0x7  }
0x2e9: {  	[tilespmem:v2+s23+$0x0] =	vst.idx.add.f32.msk $0xffff, v1  }
0x2ea: {  	v2 =	vld [tilespmem:$0xED0];
	_ =	sdelay $0x7  }
0x2eb: {  	[tilespmem:v2+s23+$0x0] =	vst.idx.add.f32.msk $0xffff, v1  }
0x2ec: {  	v2 =	vld [tilespmem:$0xEE0];
	_ =	sdelay $0x7  }
0x2ed: {  	[tilespmem:v2+s23+$0x0] =	vst.idx.add.f32.msk $0xffff, v1  }
0x2ee: {  	v2 =	vld [tilespmem:$0xEF0];
	_ =	sdelay $0x7  }
0x2ef: {  	[tilespmem:v2+s23+$0x0] =	vst.idx.add.f32.msk $0xffff, v1  }
0x2f0: {  	[spmem:s3] =	stream.indirect.scatter.add.f32 [tilespmem:s20], [sflag:$0x5], $0x80, s29, s19, $0xb8;
	[tilespmem:$0x1FF90] =	vst v63  }
0x2f1: {  	_ =	swait.ge [sflag:s18], $0x2800  }
0x2f2: {  	[sflag:s18] =	ssyncset.done $0x0  }
0x2f3: {  	[sflag:s18] =	ssyncadd.s32 $0xFFFFD800  }
0x2f4: {  	_ =	swait.ge [sflag:s25], $0x2800  }
0x2f5: {  	[sflag:s25] =	ssyncset.done $0x0  }
0x2f6: {  	[sflag:s25] =	ssyncadd.s32 $0xFFFFD800  }
0x2f7: {  	v2 =	vld [tilespmem:$0xF00];
	_ =	sdelay $0x7  }
0x2f8: {  	[tilespmem:v2+s23+$0x0] =	vst.idx.add.f32.msk $0xffff, v1  }
0x2f9: {  	v2 =	vld [tilespmem:$0xF10];
	_ =	sdelay $0x7  }
0x2fa: {  	[tilespmem:v2+s23+$0x0] =	vst.idx.add.f32.msk $0xffff, v1  }
0x2fb: {  	v2 =	vld [tilespmem:$0xF20];
	_ =	sdelay $0x7  }
0x2fc: {  	[tilespmem:v2+s23+$0x0] =	vst.idx.add.f32.msk $0xffff, v1  }
0x2fd: {  	v2 =	vld [tilespmem:$0xF30];
	_ =	sdelay $0x7  }
0x2fe: {  	[tilespmem:v2+s23+$0x0] =	vst.idx.add.f32.msk $0xffff, v1  }
0x2ff: {  	v2 =	vld [tilespmem:$0xF40];
	_ =	sdelay $0x7  }
0x300: {  	[tilespmem:v2+s23+$0x0] =	vst.idx.add.f32.msk $0xffff, v1  }
0x301: {  	[spmem:s3] =	stream.indirect.scatter.add.f32 [tilespmem:s22], [sflag:$0x5], $0x80, s30, s19, $0xb8;
	[tilespmem:$0x1FF90] =	vst v63  }
0x302: {  	_ =	swait.ge [sflag:s18], $0x2800  }
0x303: {  	[sflag:s18] =	ssyncset.done $0x0  }
0x304: {  	[sflag:s18] =	ssyncadd.s32 $0xFFFFD800  }
0x305: {  	_ =	swait.ge [sflag:s15], $0x2800  }
0x306: {  	[sflag:s15] =	ssyncset.done $0x0  }
0x307: {  	[sflag:s15] =	ssyncadd.s32 $0xFFFFD800  }
0x308: {  	v2 =	vld [tilespmem:$0xF50];
	_ =	sdelay $0x7  }
0x309: {  	[tilespmem:v2+s23+$0x0] =	vst.idx.add.f32.msk $0xffff, v1  }
0x30a: {  	v2 =	vld [tilespmem:$0xF60];
	_ =	sdelay $0x7  }
0x30b: {  	[tilespmem:v2+s23+$0x0] =	vst.idx.add.f32.msk $0xffff, v1  }
0x30c: {  	v2 =	vld [tilespmem:$0xF70];
	_ =	sdelay $0x7  }
0x30d: {  	[tilespmem:v2+s23+$0x0] =	vst.idx.add.f32.msk $0xffff, v1  }
0x30e: {  	v2 =	vld [tilespmem:$0xF80];
	_ =	sdelay $0x7  }
0x30f: {  	[tilespmem:v2+s23+$0x0] =	vst.idx.add.f32.msk $0xffff, v1  }
0x310: {  	v2 =	vld [tilespmem:$0xF90];
	_ =	sdelay $0x7  }
0x311: {  	[tilespmem:v2+s23+$0x0] =	vst.idx.add.f32.msk $0xffff, v1  }
0x312: {  	[spmem:s3] =	stream.indirect.scatter.add.f32 [tilespmem:s13], [sflag:$0x5], $0x80, s31, s19, $0xb8;
	[tilespmem:$0x1FF90] =	vst v63  }
0x313: {  	_ =	swait.ge [sflag:s18], $0x2800  }
0x314: {  	[sflag:s18] =	ssyncset.done $0x0  }
0x315: {  	[sflag:s18] =	ssyncadd.s32 $0xFFFFD800  }
0x316: {  	[bflag:$0x0] =	sbarrier.arrive $0xFFFF  }
0x317: {  	[tilespmem:s13], [sflag:$0x1] =	stream.linear.gather [spmem:s5], $0x2800, $0x38;
	[tilespmem:$0x1FF90] =	vst v63  }
0x318: {  	_ =	swait.ge [sflag:s15], $0x2800  }
0x319: {  	[sflag:s15] =	ssyncset.done $0x0  }
0x31a: {  	[sflag:s15] =	ssyncadd.s32 $0xFFFFD800  }
0x31b: {  	[tilespmem:s20], [sflag:$0x2] =	stream.linear.gather [spmem:s6], $0x2800, $0x38;
	[tilespmem:$0x1FF90] =	vst v63  }
0x31c: {  	s26 =	rddreg [dreg:$0x5]  }
0x31d: {  	[hbm4b:s26+s4] =	stream.linear.scatter [tilespmem:s13], [sflag:$0x5], $0x2800, $0x38;
	[tilespmem:$0x1FF90] =	vst v63  }
0x31e: {  	_ =	swait.ge [sflag:s18], $0x2800  }
0x31f: {  	[sflag:s18] =	ssyncset.done $0x0  }
0x320: {  	[sflag:s18] =	ssyncadd.s32 $0xFFFFD800  }
0x321: {  	_ =	swait.ge [sflag:s24], $0x2800  }
0x322: {  	[sflag:s24] =	ssyncset.done $0x0  }
0x323: {  	[sflag:s24] =	ssyncadd.s32 $0xFFFFD800  }
0x324: {  	[tilespmem:s13], [sflag:$0x1] =	stream.linear.gather [spmem:s7], $0x2800, $0x38;
	[tilespmem:$0x1FF90] =	vst v63  }
0x325: {  	s14 =	rddreg [dreg:$0x6]  }
0x326: {  	[hbm4b:s14+s4] =	stream.linear.scatter [tilespmem:s20], [sflag:$0x5], $0x2800, $0x38;
	[tilespmem:$0x1FF90] =	vst v63  }
0x327: {  	_ =	swait.ge [sflag:s18], $0x2800  }
0x328: {  	[sflag:s18] =	ssyncset.done $0x0  }
0x329: {  	[sflag:s18] =	ssyncadd.s32 $0xFFFFD800  }
0x32a: {  	_ =	swait.ge [sflag:s15], $0x2800  }
0x32b: {  	[sflag:s15] =	ssyncset.done $0x0  }
0x32c: {  	[sflag:s15] =	ssyncadd.s32 $0xFFFFD800  }
0x32d: {  	[tilespmem:s20], [sflag:$0x2] =	stream.linear.gather [spmem:s8], $0x2800, $0x38;
	[tilespmem:$0x1FF90] =	vst v63  }
0x32e: {  	s21 =	rddreg [dreg:$0x7]  }
0x32f: {  	[hbm4b:s21+s4] =	stream.linear.scatter [tilespmem:s13], [sflag:$0x5], $0x2800, $0x38;
	[tilespmem:$0x1FF90] =	vst v63  }
0x330: {  	_ =	swait.ge [sflag:s18], $0x2800  }
0x331: {  	[sflag:s18] =	ssyncset.done $0x0  }
0x332: {  	[sflag:s18] =	ssyncadd.s32 $0xFFFFD800  }
0x333: {  	_ =	swait.ge [sflag:s24], $0x2800  }
0x334: {  	[sflag:s24] =	ssyncset.done $0x0  }
0x335: {  	[sflag:s24] =	ssyncadd.s32 $0xFFFFD800  }
0x336: {  	[tilespmem:s13], [sflag:$0x1] =	stream.linear.gather [spmem:s9], $0x2800, $0x38;
	[tilespmem:$0x1FF90] =	vst v63  }
0x337: {  	s26 =	rddreg [dreg:$0x8]  }
0x338: {  	[hbm4b:s26+s4] =	stream.linear.scatter [tilespmem:s20], [sflag:$0x5], $0x2800, $0x38;
	[tilespmem:$0x1FF90] =	vst v63  }
0x339: {  	_ =	swait.ge [sflag:s18], $0x2800  }
0x33a: {  	[sflag:s18] =	ssyncset.done $0x0  }
0x33b: {  	[sflag:s18] =	ssyncadd.s32 $0xFFFFD800  }
0x33c: {  	_ =	swait.ge [sflag:s15], $0x2800  }
0x33d: {  	[sflag:s15] =	ssyncset.done $0x0  }
0x33e: {  	[sflag:s15] =	ssyncadd.s32 $0xFFFFD800  }
0x33f: {  	[tilespmem:s20], [sflag:$0x2] =	stream.linear.gather [spmem:s10], $0x2800, $0x38;
	[tilespmem:$0x1FF90] =	vst v63  }
0x340: {  	s14 =	rddreg [dreg:$0x9]  }
0x341: {  	[hbm4b:s14+s4] =	stream.linear.scatter [tilespmem:s13], [sflag:$0x5], $0x2800, $0x38;
	[tilespmem:$0x1FF90] =	vst v63  }
0x342: {  	_ =	swait.ge [sflag:s18], $0x2800  }
0x343: {  	[sflag:s18] =	ssyncset.done $0x0  }
0x344: {  	[sflag:s18] =	ssyncadd.s32 $0xFFFFD800  }
0x345: {  	_ =	swait.ge [sflag:s24], $0x2800  }
0x346: {  	[sflag:s24] =	ssyncset.done $0x0  }
0x347: {  	[sflag:s24] =	ssyncadd.s32 $0xFFFFD800  }
0x348: {  	[tilespmem:s13], [sflag:$0x1] =	stream.linear.gather [spmem:s11], $0x2800, $0x38;
	[tilespmem:$0x1FF90] =	vst v63  }
0x349: {  	s21 =	rddreg [dreg:$0xa]  }
0x34a: {  	[hbm4b:s21+s4] =	stream.linear.scatter [tilespmem:s20], [sflag:$0x5], $0x2800, $0x38;
	[tilespmem:$0x1FF90] =	vst v63  }
0x34b: {  	_ =	swait.ge [sflag:s18], $0x2800  }
0x34c: {  	[sflag:s18] =	ssyncset.done $0x0  }
0x34d: {  	[sflag:s18] =	ssyncadd.s32 $0xFFFFD800  }
0x34e: {  	_ =	swait.ge [sflag:s15], $0x2800  }
0x34f: {  	[sflag:s15] =	ssyncset.done $0x0  }
0x350: {  	[sflag:s15] =	ssyncadd.s32 $0xFFFFD800  }
0x351: {  	[tilespmem:s20], [sflag:$0x2] =	stream.linear.gather [spmem:s12], $0x2800, $0x38;
	[tilespmem:$0x1FF90] =	vst v63  }
0x352: {  	s26 =	rddreg [dreg:$0xb]  }
0x353: {  	[hbm4b:s26+s4] =	stream.linear.scatter [tilespmem:s13], [sflag:$0x5], $0x2800, $0x38;
	[tilespmem:$0x1FF90] =	vst v63  }
0x354: {  	_ =	swait.ge [sflag:s18], $0x2800  }
0x355: {  	[sflag:s18] =	ssyncset.done $0x0  }
0x356: {  	[sflag:s18] =	ssyncadd.s32 $0xFFFFD800  }
0x357: {  	_ =	swait.ge [sflag:s24], $0x2800  }
0x358: {  	[sflag:s24] =	ssyncset.done $0x0  }
0x359: {  	s14 =	rddreg [dreg:$0xc];
	[sflag:s24] =	ssyncadd.s32 $0xFFFFD800  }
0x35a: {  	[hbm4b:s14+s4] =	stream.linear.scatter [tilespmem:s20], [sflag:$0x5], $0x2800, $0x38;
	[tilespmem:$0x1FF90] =	vst v63  }
0x35b: {  	_ =	swait.ge [sflag:s18], $0x2800  }
0x35c: {  	[sflag:s18] =	ssyncset.done $0x0  }
0x35d: {  	s21 =	rddreg [dreg:$0x16];
	[sflag:s18] =	ssyncadd.s32 $0xFFFFD800  }
0x35e: {  	[hbm4b:s21+s4] =	stream.linear.scatter [tilespmem:s23], [sflag:$0x5], $0x2800, $0x38;
	[tilespmem:$0x1FF90] =	vst v63  }
0x35f: {  	_ =	swait.ge [sflag:s18], $0x2800  }
0x360: {  	s2 =	sadd.s32 $0x1, s2;
	s26 =	rddreg [dreg:$0x17]  }
0x361: {  	p0 =	sne.s32 s2, s26  }
.Ltmp7:
0x362: {  	_ = 	snop;
	(pc) =	sbr.rel @p0 .LBB2_1-.Ltmp7, $3  }
0x363: {  	_ =	sdelay $0x1  }
0x364: {  	[sflag:s18] =	ssyncset.done $0x0  }
0x365: {  	[sflag:s18] =	ssyncadd.s32 $0xFFFFD800  }
0x366: {  	_ =	sfence.sel $0x180000  }
0x367: {  	[bflag:$0x0] =	sbarrier.arrive $0xFFFF  }
0x368: {  	_ =	strace $0x90000047  }
0x369: {  	s0 =	stileid.u32;
	[bflag:$0x2] =	sbarrier.arrive $0xFFFF  }
0x36a: {  	p0 =	sne.s32 s0, $0x0;
	s0 =	rddreg [dreg:$0x3]  }
0x36b: {  	s0 =	sadd.s32 @!p0 $0x100000, s0  }
0x36c: {  	[sflag:s0] =	ssyncadd.tile.s32 @!p0 $0x1;
	_ =	shalt  }
.Lfunc_end2:
_tile_overlayer_lowered:
.L_overlay_start_2:
0x36d: {  	(tag) =	ssettag $0x2  }
0x36e: {  	s0 =	rddreg [dreg:$0x0];
	s2 =	stileid.u32  }
0x36f: {  	s1 =	rddreg [dreg:$0x1];
	p0 =	sne.s32 s2, $0x0  }
0x370: {  	s3 =	rddreg [dreg:$0x2];
	[bflag:$0x3] =	sbarrier.arrive $0xFFFF;
	s2 =	simm.s32 @!p0 $0x1C05  }
0x371: {  	[timem:s3], [sflag:s2] =	dma.local @!p0 [hbm:s0], s1  }
0x372: {  	s0 =	simm.s32 @!p0 $0x5  }
0x373: {  	_ =	swait.ge @!p0 [sflag:s0], s1  }
0x374: {  	s1 =	ssub.s32 @!p0 $0x0, s1;
	[sflag:s0] =	ssyncset.done @!p0 $0x0  }
0x375: {  	[sflag:s0] =	ssyncadd.s32 @!p0 s1  }
0x376: {  	[bflag:$0x3] =	sbarrier.arrive $0xFFFF  }
0x377: {  	_ =	shalt  }

</sc_bundles>
